<compile_context>
chip_gen: v7x
topology: tpu7x:2x2x1
jax: 0.10.2.dev20260603
libtpu: 0.0.44.dev20260713+nightly
codegen_flags: <defaults>
</compile_context>

<pallas_src>
import functools

import jax
import jax.numpy as jnp
from jax import lax
from jax.experimental import pallas as pl
from jax.experimental.pallas import tpu as pltpu
from jax.experimental.pallas import tpu_sc as plsc

N = 10000
E = 320000
D = 128
T = 4
STEPS = 8
B = 10
NPG = 1000

NC = 2
NS = 16
NW = NC * NS
EPW = E // NW
K = 128
NCH = (EPW + K - 1) // K
EPP = NCH * K
NP_ = 10240
RPS = NP_ // NS


@functools.lru_cache(maxsize=None)
def _get_sc_aggregate():
    mesh = plsc.VectorSubcoreMesh(core_axis_name="c", subcore_axis_name="s")

    @functools.partial(
        pl.kernel,
        mesh=mesh,
        out_type=jax.ShapeDtypeStruct((NC, NP_, D), jnp.float32),
        scratch_types=[
            pltpu.VMEM((NCH, K), jnp.int32),
            pltpu.VMEM((NCH, K), jnp.int32),
            pltpu.VMEM((K, D), jnp.float32),
            pltpu.VMEM_SHARED((NP_, D), jnp.float32),
            pltpu.SemaphoreType.DMA,
        ],
    )
    def _sc_aggregate(table, gidxr, dstr, out, gidx_v, dst_v, rows, accum, sem):
        s = lax.axis_index("s")
        c = lax.axis_index("c")
        wid = s * NC + c

        pltpu.sync_copy(gidxr.at[wid], gidx_v)
        pltpu.sync_copy(dstr.at[wid], dst_v)

        z16 = jnp.zeros((16,), jnp.float32)

        def zstore(i, carry):
            rows[i // 8, pl.ds(lax.rem(i, 8) * 16, 16)] = z16
            return carry

        lax.fori_loop(0, K * 8, zstore, 0)

        def zcopy(q, carry):
            pltpu.sync_copy(rows, accum.at[pl.ds(s * RPS + q * K, K)])
            return carry

        lax.fori_loop(0, RPS // K, zcopy, 0)
        plsc.subcore_barrier()

        def body(j, carry):
            pltpu.async_copy(table.at[gidx_v.at[j]], rows, sem).wait()
            pltpu.sync_copy(rows, accum.at[dst_v.at[j]], add=True)
            return carry

        lax.fori_loop(0, NCH, body, 0)

        plsc.subcore_barrier()
        pltpu.sync_copy(accum.at[pl.ds(s * RPS, RPS)],
                        out.at[c, pl.ds(s * RPS, RPS)])

    return _sc_aggregate


_BN = 2000
_NB = N // _BN


def _transform_body(h_ref, w_ref, b_ref, out_ref):
    h = h_ref[...]
    w = w_ref[0]
    out_ref[0] = lax.dot_general(h, w, (((1,), (1,)), ((), ())),
                                 preferred_element_type=jnp.float32) + b_ref[0]


def _tc_transform(h, W_et, b_et):
    return pl.pallas_call(
        _transform_body,
        grid=(_NB, T),
        in_specs=[
            pl.BlockSpec((_BN, D), lambda i, t: (i, 0)),
            pl.BlockSpec((1, D, D), lambda i, t: (t, 0, 0)),
            pl.BlockSpec((1, 1, D), lambda i, t: (t, 0, 0)),
        ],
        out_specs=pl.BlockSpec((1, _BN, D), lambda i, t: (t, i, 0)),
        out_shape=jax.ShapeDtypeStruct((T, N, D), jnp.float32),
    )(h, W_et, b_et)


def _gru(p0_ref, p1_ref, h_ref, wih_ref, whh_ref, bih_ref, bhh_ref):
    a = p0_ref[0] + p1_ref[0]
    h = h_ref[...]
    gi = lax.dot_general(a, wih_ref[...], (((1,), (1,)), ((), ())),
                         preferred_element_type=jnp.float32) + bih_ref[...]
    gh = lax.dot_general(h, whh_ref[...], (((1,), (1,)), ((), ())),
                         preferred_element_type=jnp.float32) + bhh_ref[...]
    r = jax.nn.sigmoid(gi[:, :D] + gh[:, :D])
    z = jax.nn.sigmoid(gi[:, D:2 * D] + gh[:, D:2 * D])
    n = jnp.tanh(gi[:, 2 * D:] + r * gh[:, 2 * D:])
    return (1.0 - z) * n + z * h


def _gru_transform_body(p0_ref, p1_ref, h_ref, wih_ref, whh_ref, bih_ref,
                        bhh_ref, wet_ref, bet_ref, hout_ref, tout_ref):
    hn = _gru(p0_ref, p1_ref, h_ref, wih_ref, whh_ref, bih_ref, bhh_ref)
    hout_ref[...] = hn
    for t in range(T):
        tout_ref[t] = lax.dot_general(hn, wet_ref[t], (((1,), (1,)), ((), ())),
                                      preferred_element_type=jnp.float32) \
            + bet_ref[t]


def _tc_gru_transform(parts, h, W_ih, W_hh, b_ih, b_hh, W_et, b_et):
    return pl.pallas_call(
        _gru_transform_body,
        grid=(_NB,),
        in_specs=[
            pl.BlockSpec((1, _BN, D), lambda i: (0, i, 0)),
            pl.BlockSpec((1, _BN, D), lambda i: (1, i, 0)),
            pl.BlockSpec((_BN, D), lambda i: (i, 0)),
            pl.BlockSpec((3 * D, D), lambda i: (0, 0)),
            pl.BlockSpec((3 * D, D), lambda i: (0, 0)),
            pl.BlockSpec((1, 3 * D), lambda i: (0, 0)),
            pl.BlockSpec((1, 3 * D), lambda i: (0, 0)),
            pl.BlockSpec((T, D, D), lambda i: (0, 0, 0)),
            pl.BlockSpec((T, 1, D), lambda i: (0, 0, 0)),
        ],
        out_specs=[
            pl.BlockSpec((_BN, D), lambda i: (i, 0)),
            pl.BlockSpec((T, _BN, D), lambda i: (0, i, 0)),
        ],
        out_shape=[
            jax.ShapeDtypeStruct((N, D), jnp.float32),
            jax.ShapeDtypeStruct((T, N, D), jnp.float32),
        ],
    )(parts, parts, h, W_ih, W_hh, b_ih, b_hh, W_et, b_et)


def _gru_pool_body(p0_ref, p1_ref, h_ref, wih_ref, whh_ref, bih_ref, bhh_ref,
                   wcls_ref, bcls_ref, out_ref):
    hn = _gru(p0_ref, p1_ref, h_ref, wih_ref, whh_ref, bih_ref, bhh_ref)
    w = wcls_ref[...]
    b = bcls_ref[...]
    g0 = jnp.sum(hn[:NPG], axis=0, keepdims=True)
    g1 = jnp.sum(hn[NPG:], axis=0, keepdims=True)
    out_ref[0] = jax.nn.sigmoid(jnp.sum(g0 * w, axis=1, keepdims=True) + b)
    out_ref[1] = jax.nn.sigmoid(jnp.sum(g1 * w, axis=1, keepdims=True) + b)


def _tc_gru_pool(parts, h, W_ih, W_hh, b_ih, b_hh, W_cls, b_cls):
    return pl.pallas_call(
        _gru_pool_body,
        grid=(_NB,),
        in_specs=[
            pl.BlockSpec((1, _BN, D), lambda i: (0, i, 0)),
            pl.BlockSpec((1, _BN, D), lambda i: (1, i, 0)),
            pl.BlockSpec((_BN, D), lambda i: (i, 0)),
            pl.BlockSpec((3 * D, D), lambda i: (0, 0)),
            pl.BlockSpec((3 * D, D), lambda i: (0, 0)),
            pl.BlockSpec((1, 3 * D), lambda i: (0, 0)),
            pl.BlockSpec((1, 3 * D), lambda i: (0, 0)),
            pl.BlockSpec((1, D), lambda i: (0, 0)),
            pl.BlockSpec((1, D), lambda i: (0, 0)),
        ],
        out_specs=pl.BlockSpec((2, 1, D), lambda i: (i, 0, 0)),
        out_shape=jax.ShapeDtypeStruct((B, 1, D), jnp.float32),
    )(parts, parts, h, W_ih, W_hh, b_ih, b_hh, W_cls, b_cls)


def kernel(features, edge_index, edge_types, W_et, b_et, W_ih, W_hh, b_ih, b_hh, W_cls, b_cls):
    src = edge_index[0]
    dst = edge_index[1]
    pad = EPP - EPW
    padg = jnp.arange(pad, dtype=jnp.int32)
    gidx = jnp.concatenate(
        [(edge_types * N + src).reshape(NW, EPW),
         jnp.broadcast_to(padg, (NW, pad))], axis=1).reshape(NW, NCH, K)
    dst3 = jnp.concatenate(
        [dst.reshape(NW, EPW),
         jnp.broadcast_to(N + padg, (NW, pad))], axis=1).reshape(NW, NCH, K)
    b_et3 = b_et.reshape(T, 1, D)
    b_ih2 = b_ih.reshape(1, 3 * D)
    b_hh2 = b_hh.reshape(1, 3 * D)
    b_cls2 = jnp.broadcast_to(b_cls.reshape(1, 1), (1, D))

    agg = _get_sc_aggregate()
    h = features
    table = _tc_transform(h, W_et, b_et3).reshape(T * N, D)
    parts = agg(table, gidx, dst3)
    for _ in range(STEPS - 1):
        h, table = _tc_gru_transform(parts, h, W_ih, W_hh, b_ih2, b_hh2,
                                     W_et, b_et3)
        parts = agg(table.reshape(T * N, D), gidx, dst3)
    out = _tc_gru_pool(parts, h, W_ih, W_hh, b_ih2, b_hh2, W_cls, b_cls2)
    return out[:, 0, 0]

# --- scband reference (transcript-rebuilt; emitter-appended) ---
"""Pipeline reference for scband-ggnnsum-5214090297912 (READ-ONLY COPY).

The authoritative reference and input builder live on the scoring server;
editing this copy changes nothing except your own understanding.
"""

import jax, jax.numpy as jnp
import numpy as np

N = 10000
E = 320000
D = 128
T = 4
STEPS = 8
B = 10
NPG = 1000


def setup_inputs(seed: int = 0) -> dict:
    key = jax.random.key(seed)
    ks = jax.random.split(key, 12)
    features = jax.random.normal(ks[0], (N, D), dtype=jnp.float32)
    edge_index = jax.random.randint(ks[1], (2, E), 0, N, dtype=jnp.int32)
    edge_types = jax.random.randint(ks[2], (E,), 0, T, dtype=jnp.int32)
    s = 1.0 / np.sqrt(D)
    W_et = jax.random.uniform(ks[3], (T, D, D), minval=-s, maxval=s, dtype=jnp.float32)
    b_et = jax.random.uniform(ks[4], (T, D), minval=-s, maxval=s, dtype=jnp.float32)
    W_ih = jax.random.uniform(ks[5], (3 * D, D), minval=-s, maxval=s, dtype=jnp.float32)
    W_hh = jax.random.uniform(ks[6], (3 * D, D), minval=-s, maxval=s, dtype=jnp.float32)
    b_ih = jax.random.uniform(ks[7], (3 * D,), minval=-s, maxval=s, dtype=jnp.float32)
    b_hh = jax.random.uniform(ks[8], (3 * D,), minval=-s, maxval=s, dtype=jnp.float32)
    W_cls = jax.random.uniform(ks[9], (1, D), minval=-s, maxval=s, dtype=jnp.float32)
    b_cls = jax.random.uniform(ks[10], (1,), minval=-s, maxval=s, dtype=jnp.float32)
    return {"features": features, "edge_index": edge_index, "edge_types": edge_types,
            "W_et": W_et, "b_et": b_et, "W_ih": W_ih, "W_hh": W_hh,
            "b_ih": b_ih, "b_hh": b_hh, "W_cls": W_cls, "b_cls": b_cls}


def _gru_cell(x, h, W_ih, W_hh, b_ih, b_hh):
    gi = x @ W_ih.T + b_ih
    gh = h @ W_hh.T + b_hh
    i_r, i_z, i_n = jnp.split(gi, 3, axis=-1)
    h_r, h_z, h_n = jnp.split(gh, 3, axis=-1)
    r = jax.nn.sigmoid(i_r + h_r)
    z = jax.nn.sigmoid(i_z + h_z)
    n = jnp.tanh(i_n + r * h_n)
    return (1.0 - z) * n + z * h


def reference(features, edge_index, edge_types, W_et, b_et, W_ih, W_hh, b_ih, b_hh, W_cls, b_cls):
    src = edge_index[0]
    dst = edge_index[1]
    # in_feats == out_feats so no zero-padding of the initial state is needed
    h = features
    for _ in range(STEPS):
        # per-edge-type linear transform of all node states: [T, N, D]
        transformed = jnp.einsum('nd,tod->tno', h, W_et) + b_et[:, None, :]
        # gather per-edge message according to its edge type and source node
        msgs = transformed[edge_types, src]
        # sum aggregation at destination nodes
        a = jax.ops.segment_sum(msgs, dst, num_segments=N)
        h = _gru_cell(a, h, W_ih, W_hh, b_ih, b_hh)
    # de_batchify: 10 equal graphs of 1000 nodes
    h_i = h.reshape(B, NPG, D)
    pooled = h_i.sum(axis=1)
    logits = pooled @ W_cls.T + b_cls
    return jax.nn.sigmoid(logits).squeeze(-1)

if __name__ == "__main__":
    import jax
    _d = setup_inputs()
    print(jax.jit(kernel)(*tuple(_d.values())))

</pallas_src>

<mosaic_0001>
#map = affine_map<(d0, d1) -> (0, 0)>
#map1 = affine_map<(d0, d1) -> (0, 0, 0)>
module attributes {stable_mosaic.version = 14 : i64} {
  func.func @_sc_aggregate(%arg0: i32, %arg1: i32, %arg2: memref<40000x128xf32, #tpu.memory_space<hbm>>, %arg3: memref<32x79x128xi32, #tpu.memory_space<hbm>>, %arg4: memref<32x79x128xi32, #tpu.memory_space<hbm>>, %arg5: memref<2x10240x128xf32, #tpu.memory_space<hbm>>, %arg6: memref<79x128xi32, #tpu.memory_space<vmem>>, %arg7: memref<79x128xi32, #tpu.memory_space<vmem>>, %arg8: memref<128x128xf32, #tpu.memory_space<vmem>>, %arg9: memref<10240x128xf32, #tpu.memory_space<vmem_shared>>, %arg10: memref<!tpu.dma_semaphore, #tpu.memory_space<semaphore_mem>>) attributes {dimension_semantics = [#tpu.dimension_semantics<core_parallel>, #tpu.dimension_semantics<subcore_parallel>], iteration_bounds = array<i64: 2, 16>, scalar_prefetch = 0 : i64, scratch_operands = 5 : i64, tpu.core_type = #tpu.core_type<sc_vector_subcore>, window_params = [{transform_indices = #map}, {transform_indices = #map1}, {transform_indices = #map1}, {transform_indices = #map1}]} {
    %mul3A = arith.constant 2 : i32
    %mul3A_0 = arith.muli %arg1, %mul3A : i32
    %add3A = arith.addi %mul3A_0, %arg0 : i32
    "tpu.region"() ({
      %run_scoped3A = tpu.sem_alloc : memref<!tpu.dma_semaphore, #tpu.memory_space<semaphore_mem>>
      %dma_start3A = arith.constant 0 : i32
      %dma_start3A_24 = arith.constant 0 : i32
      %dma_start3A_25 = tpu.memref_slice %arg3[%add3A, %dma_start3A, %dma_start3A_24] : memref<32x79x128xi32, #tpu.memory_space<hbm>> -> memref<1x79x128xi32, #tpu.memory_space<hbm>>
      %dma_start3A_26 = tpu.memref_squeeze %dma_start3A_25 : memref<1x79x128xi32, #tpu.memory_space<hbm>> -> memref<79x128xi32, #tpu.memory_space<hbm>>
      %dma_start3A_27 = arith.constant 0 : i32
      %dma_start3A_28 = arith.constant 0 : i32
      %dma_start3A_29 = tpu.memref_slice %arg3[%add3A, %dma_start3A_27, %dma_start3A_28] : memref<32x79x128xi32, #tpu.memory_space<hbm>> -> memref<1x79x128xi32, #tpu.memory_space<hbm>>
      %dma_start3A_30 = tpu.memref_squeeze %dma_start3A_29 : memref<1x79x128xi32, #tpu.memory_space<hbm>> -> memref<79x128xi32, #tpu.memory_space<hbm>>
      tpu.enqueue_dma source(%dma_start3A_30 : memref<79x128xi32, #tpu.memory_space<hbm>>) target(%arg6 : memref<79x128xi32, #tpu.memory_space<vmem>>) target_semaphore(%run_scoped3A : memref<!tpu.dma_semaphore, #tpu.memory_space<semaphore_mem>>)
      %dma_wait3A = arith.constant 0 : i32
      %dma_wait3A_31 = arith.constant 0 : i32
      %dma_wait3A_32 = tpu.memref_slice %arg3[%add3A, %dma_wait3A, %dma_wait3A_31] : memref<32x79x128xi32, #tpu.memory_space<hbm>> -> memref<1x79x128xi32, #tpu.memory_space<hbm>>
      %dma_wait3A_33 = tpu.memref_squeeze %dma_wait3A_32 : memref<1x79x128xi32, #tpu.memory_space<hbm>> -> memref<79x128xi32, #tpu.memory_space<hbm>>
      %dma_wait3A_34 = arith.constant 0 : i32
      %dma_wait3A_35 = arith.constant 0 : i32
      %dma_wait3A_36 = tpu.memref_slice %arg3[%add3A, %dma_wait3A_34, %dma_wait3A_35] : memref<32x79x128xi32, #tpu.memory_space<hbm>> -> memref<1x79x128xi32, #tpu.memory_space<hbm>>
      %dma_wait3A_37 = tpu.memref_squeeze %dma_wait3A_36 : memref<1x79x128xi32, #tpu.memory_space<hbm>> -> memref<79x128xi32, #tpu.memory_space<hbm>>
      tpu.wait_dma2 semaphore(%run_scoped3A : memref<!tpu.dma_semaphore, #tpu.memory_space<semaphore_mem>>) src(%dma_wait3A_37 : memref<79x128xi32, #tpu.memory_space<hbm>>) dst(%arg6 : memref<79x128xi32, #tpu.memory_space<vmem>>)
      tpu.yield
    }) : () -> ()
    "tpu.region"() ({
      %run_scoped3A = tpu.sem_alloc : memref<!tpu.dma_semaphore, #tpu.memory_space<semaphore_mem>>
      %dma_start3A = arith.constant 0 : i32
      %dma_start3A_24 = arith.constant 0 : i32
      %dma_start3A_25 = tpu.memref_slice %arg4[%add3A, %dma_start3A, %dma_start3A_24] : memref<32x79x128xi32, #tpu.memory_space<hbm>> -> memref<1x79x128xi32, #tpu.memory_space<hbm>>
      %dma_start3A_26 = tpu.memref_squeeze %dma_start3A_25 : memref<1x79x128xi32, #tpu.memory_space<hbm>> -> memref<79x128xi32, #tpu.memory_space<hbm>>
      %dma_start3A_27 = arith.constant 0 : i32
      %dma_start3A_28 = arith.constant 0 : i32
      %dma_start3A_29 = tpu.memref_slice %arg4[%add3A, %dma_start3A_27, %dma_start3A_28] : memref<32x79x128xi32, #tpu.memory_space<hbm>> -> memref<1x79x128xi32, #tpu.memory_space<hbm>>
      %dma_start3A_30 = tpu.memref_squeeze %dma_start3A_29 : memref<1x79x128xi32, #tpu.memory_space<hbm>> -> memref<79x128xi32, #tpu.memory_space<hbm>>
      tpu.enqueue_dma source(%dma_start3A_30 : memref<79x128xi32, #tpu.memory_space<hbm>>) target(%arg7 : memref<79x128xi32, #tpu.memory_space<vmem>>) target_semaphore(%run_scoped3A : memref<!tpu.dma_semaphore, #tpu.memory_space<semaphore_mem>>)
      %dma_wait3A = arith.constant 0 : i32
      %dma_wait3A_31 = arith.constant 0 : i32
      %dma_wait3A_32 = tpu.memref_slice %arg4[%add3A, %dma_wait3A, %dma_wait3A_31] : memref<32x79x128xi32, #tpu.memory_space<hbm>> -> memref<1x79x128xi32, #tpu.memory_space<hbm>>
      %dma_wait3A_33 = tpu.memref_squeeze %dma_wait3A_32 : memref<1x79x128xi32, #tpu.memory_space<hbm>> -> memref<79x128xi32, #tpu.memory_space<hbm>>
      %dma_wait3A_34 = arith.constant 0 : i32
      %dma_wait3A_35 = arith.constant 0 : i32
      %dma_wait3A_36 = tpu.memref_slice %arg4[%add3A, %dma_wait3A_34, %dma_wait3A_35] : memref<32x79x128xi32, #tpu.memory_space<hbm>> -> memref<1x79x128xi32, #tpu.memory_space<hbm>>
      %dma_wait3A_37 = tpu.memref_squeeze %dma_wait3A_36 : memref<1x79x128xi32, #tpu.memory_space<hbm>> -> memref<79x128xi32, #tpu.memory_space<hbm>>
      tpu.wait_dma2 semaphore(%run_scoped3A : memref<!tpu.dma_semaphore, #tpu.memory_space<semaphore_mem>>) src(%dma_wait3A_37 : memref<79x128xi32, #tpu.memory_space<hbm>>) dst(%arg7 : memref<79x128xi32, #tpu.memory_space<vmem>>)
      tpu.yield
    }) : () -> ()
    %broadcast_in_dim3A = arith.constant 0.000000e+00 : f32
    %broadcast_in_dim3A_1 = vector.broadcast %broadcast_in_dim3A : f32 to vector<16xf32>
    %scan3A = arith.constant 0 : i32
    %scan3A_2 = arith.constant 0 : i32
    %scan3A_3 = arith.constant 1024 : i32
    %scan3A_4 = arith.addi %scan3A_2, %scan3A_3 : i32
    %scan3A_5 = arith.constant 1 : i32
    scf.for %scan3A_24 = %scan3A_2 to %scan3A_4 step %scan3A_5  : i32 {
      %jit3A = arith.constant 8 : i32
      %div3A = arith.divsi %scan3A_24, %jit3A : i32
      %sign3A = arith.constant 0 : i32
      %sign3A_25 = arith.cmpi sgt, %scan3A_24, %sign3A : i32
      %sign3A_26 = arith.extui %sign3A_25 : i1 to i32
      %sign3A_27 = arith.constant 0 : i32
      %sign3A_28 = arith.cmpi slt, %scan3A_24, %sign3A_27 : i32
      %sign3A_29 = arith.extui %sign3A_28 : i1 to i32
      %sign3A_30 = arith.subi %sign3A_26, %sign3A_29 : i32
      %sign3A_31 = arith.constant 0 : i32
      %sign3A_32 = arith.cmpi sgt, %jit3A, %sign3A_31 : i32
      %sign3A_33 = arith.extui %sign3A_32 : i1 to i32
      %sign3A_34 = arith.constant 0 : i32
      %sign3A_35 = arith.cmpi slt, %jit3A, %sign3A_34 : i32
      %sign3A_36 = arith.extui %sign3A_35 : i1 to i32
      %sign3A_37 = arith.subi %sign3A_33, %sign3A_36 : i32
      %ne3A = arith.cmpi ne, %sign3A_30, %sign3A_37 : i32
      %rem3A = arith.remsi %scan3A_24, %jit3A : i32
      %ne3A_38 = arith.constant 0 : i32
      %ne3A_39 = arith.cmpi ne, %rem3A, %ne3A_38 : i32
      %and3A = arith.andi %ne3A, %ne3A_39 : i1
      %sub3A = arith.constant 1 : i32
      %sub3A_40 = arith.subi %div3A, %sub3A : i32
      %select_n3A = arith.select %and3A, %sub3A_40, %div3A : i32
      %rem3A_41 = arith.constant 8 : i32
      %rem3A_42 = arith.remsi %scan3A_24, %rem3A_41 : i32
      %mul3A_43 = arith.constant 16 : i32
      %mul3A_44 = arith.muli %rem3A_42, %mul3A_43 : i32
      %swap3A = arith.index_cast %select_n3A : i32 to index
      %swap3A_45 = arith.index_cast %mul3A_44 : i32 to index
      %swap3A_46 = tpu.vector_load %arg8[%swap3A, %swap3A_45] {strides = array<i32>} : memref<128x128xf32, #tpu.memory_space<vmem>>, vector<1x16xf32>,
      %swap3A_47 = vector.shape_cast %swap3A_46 : vector<1x16xf32> to vector<16xf32>
      %swap3A_48 = vector.shape_cast %broadcast_in_dim3A_1 : vector<16xf32> to vector<1x16xf32>
      tpu.vector_store %arg8[%swap3A, %swap3A_45], %swap3A_48 {strides = array<i32>} : memref<128x128xf32, #tpu.memory_space<vmem>>, vector<1x16xf32>,
    }
    %scan3A_6 = arith.constant 1024 : i32
    %scan3A_7 = arith.constant 0 : i32
    %scan3A_8 = arith.constant 0 : i32
    %scan3A_9 = arith.constant 5 : i32
    %scan3A_10 = arith.addi %scan3A_8, %scan3A_9 : i32
    %scan3A_11 = arith.constant 1 : i32
    scf.for %scan3A_24 = %scan3A_8 to %scan3A_10 step %scan3A_11  : i32 {
      %mul3A_25 = arith.constant 640 : i32
      %mul3A_26 = arith.muli %arg1, %mul3A_25 : i32
      %mul3A_27 = arith.constant 128 : i32
      %mul3A_28 = arith.muli %scan3A_24, %mul3A_27 : i32
      %add3A_29 = arith.addi %mul3A_26, %mul3A_28 : i32
      "tpu.region"() ({
        %run_scoped3A = tpu.sem_alloc : memref<!tpu.dma_semaphore, #tpu.memory_space<semaphore_mem>>
        %dma_start3A = arith.constant 0 : i32
        %dma_start3A_30 = tpu.memref_slice %arg9[%add3A_29, %dma_start3A] : memref<10240x128xf32, #tpu.memory_space<vmem_shared>> -> memref<128x128xf32, #tpu.memory_space<vmem_shared>>
        %dma_start3A_31 = arith.constant 0 : i32
        %dma_start3A_32 = tpu.memref_slice %arg9[%add3A_29, %dma_start3A_31] : memref<10240x128xf32, #tpu.memory_space<vmem_shared>> -> memref<128x128xf32, #tpu.memory_space<vmem_shared>>
        tpu.enqueue_dma source(%arg8 : memref<128x128xf32, #tpu.memory_space<vmem>>) target(%dma_start3A_32 : memref<128x128xf32, #tpu.memory_space<vmem_shared>>) target_semaphore(%run_scoped3A : memref<!tpu.dma_semaphore, #tpu.memory_space<semaphore_mem>>)
        %dma_wait3A = arith.constant 0 : i32
        %dma_wait3A_33 = tpu.memref_slice %arg9[%add3A_29, %dma_wait3A] : memref<10240x128xf32, #tpu.memory_space<vmem_shared>> -> memref<128x128xf32, #tpu.memory_space<vmem_shared>>
        %dma_wait3A_34 = arith.constant 0 : i32
        %dma_wait3A_35 = tpu.memref_slice %arg9[%add3A_29, %dma_wait3A_34] : memref<10240x128xf32, #tpu.memory_space<vmem_shared>> -> memref<128x128xf32, #tpu.memory_space<vmem_shared>>
        tpu.wait_dma2 semaphore(%run_scoped3A : memref<!tpu.dma_semaphore, #tpu.memory_space<semaphore_mem>>) src(%arg8 : memref<128x128xf32, #tpu.memory_space<vmem>>) dst(%dma_wait3A_35 : memref<128x128xf32, #tpu.memory_space<vmem_shared>>)
        tpu.yield
      }) : () -> ()
    }
    %scan3A_12 = arith.constant 5 : i32
    %barrier3A = arith.constant 0 : index
    tpu.barrier barrier_id(%barrier3A)
    %scan3A_13 = arith.constant 0 : i32
    %scan3A_14 = arith.constant 0 : i32
    %scan3A_15 = arith.constant 79 : i32
    %scan3A_16 = arith.addi %scan3A_14, %scan3A_15 : i32
    %scan3A_17 = arith.constant 1 : i32
    scf.for %scan3A_24 = %scan3A_14 to %scan3A_16 step %scan3A_17  : i32 {
      %dma_start3A = arith.constant 0 : i32
      %dma_start3A_25 = tpu.memref_slice %arg6[%scan3A_24, %dma_start3A] : memref<79x128xi32, #tpu.memory_space<vmem>> -> memref<1x128xi32, #tpu.memory_space<vmem>>
      %dma_start3A_26 = tpu.memref_squeeze %dma_start3A_25 : memref<1x128xi32, #tpu.memory_space<vmem>> -> memref<128xi32, #tpu.memory_space<vmem>>
      %dma_start3A_27 = arith.constant 0 : i32
      %dma_start3A_28 = arith.constant 0 : i32
      %dma_start3A_29 = tpu.memref_slice %arg2[%dma_start3A_27, %dma_start3A_28] : memref<40000x128xf32, #tpu.memory_space<hbm>> -> memref<40000x128xf32, #tpu.memory_space<hbm>>
      tpu.enqueue_indirect_dma source(%dma_start3A_29 : memref<40000x128xf32, #tpu.memory_space<hbm>>) target(%arg8 : memref<128x128xf32, #tpu.memory_space<vmem>>) offsets(%dma_start3A_26 : memref<128xi32, #tpu.memory_space<vmem>>) semaphore(%arg10 : memref<!tpu.dma_semaphore, #tpu.memory_space<semaphore_mem>>)
      %dma_wait3A = arith.constant 0 : i32
      %dma_wait3A_30 = tpu.memref_slice %arg6[%scan3A_24, %dma_wait3A] : memref<79x128xi32, #tpu.memory_space<vmem>> -> memref<1x128xi32, #tpu.memory_space<vmem>>
      %dma_wait3A_31 = tpu.memref_squeeze %dma_wait3A_30 : memref<1x128xi32, #tpu.memory_space<vmem>> -> memref<128xi32, #tpu.memory_space<vmem>>
      %dma_wait3A_32 = arith.constant 0 : i32
      %dma_wait3A_33 = arith.constant 0 : i32
      %dma_wait3A_34 = tpu.memref_slice %arg2[%dma_wait3A_32, %dma_wait3A_33] : memref<40000x128xf32, #tpu.memory_space<hbm>> -> memref<40000x128xf32, #tpu.memory_space<hbm>>
      tpu.wait_indirect_dma semaphore(%arg10 : memref<!tpu.dma_semaphore, #tpu.memory_space<semaphore_mem>>) src(%dma_wait3A_34 : memref<40000x128xf32, #tpu.memory_space<hbm>>) dst(%arg8 : memref<128x128xf32, #tpu.memory_space<vmem>>)
      "tpu.region"() ({
        %run_scoped3A = tpu.sem_alloc : memref<!tpu.dma_semaphore, #tpu.memory_space<semaphore_mem>>
        %dma_start3A_35 = arith.constant 0 : i32
        %dma_start3A_36 = tpu.memref_slice %arg7[%scan3A_24, %dma_start3A_35] : memref<79x128xi32, #tpu.memory_space<vmem>> -> memref<1x128xi32, #tpu.memory_space<vmem>>
        %dma_start3A_37 = tpu.memref_squeeze %dma_start3A_36 : memref<1x128xi32, #tpu.memory_space<vmem>> -> memref<128xi32, #tpu.memory_space<vmem>>
        %dma_start3A_38 = arith.constant 0 : i32
        %dma_start3A_39 = arith.constant 0 : i32
        %dma_start3A_40 = tpu.memref_slice %arg9[%dma_start3A_38, %dma_start3A_39] : memref<10240x128xf32, #tpu.memory_space<vmem_shared>> -> memref<10240x128xf32, #tpu.memory_space<vmem_shared>>
        tpu.enqueue_indirect_dma source(%arg8 : memref<128x128xf32, #tpu.memory_space<vmem>>) target(%dma_start3A_40 : memref<10240x128xf32, #tpu.memory_space<vmem_shared>>) offsets(%dma_start3A_37 : memref<128xi32, #tpu.memory_space<vmem>>) semaphore(%run_scoped3A : memref<!tpu.dma_semaphore, #tpu.memory_space<semaphore_mem>>) {add = true}
        %dma_wait3A_41 = arith.constant 0 : i32
        %dma_wait3A_42 = tpu.memref_slice %arg7[%scan3A_24, %dma_wait3A_41] : memref<79x128xi32, #tpu.memory_space<vmem>> -> memref<1x128xi32, #tpu.memory_space<vmem>>
        %dma_wait3A_43 = tpu.memref_squeeze %dma_wait3A_42 : memref<1x128xi32, #tpu.memory_space<vmem>> -> memref<128xi32, #tpu.memory_space<vmem>>
        %dma_wait3A_44 = arith.constant 0 : i32
        %dma_wait3A_45 = arith.constant 0 : i32
        %dma_wait3A_46 = tpu.memref_slice %arg9[%dma_wait3A_44, %dma_wait3A_45] : memref<10240x128xf32, #tpu.memory_space<vmem_shared>> -> memref<10240x128xf32, #tpu.memory_space<vmem_shared>>
        tpu.wait_indirect_dma semaphore(%run_scoped3A : memref<!tpu.dma_semaphore, #tpu.memory_space<semaphore_mem>>) src(%arg8 : memref<128x128xf32, #tpu.memory_space<vmem>>) dst(%dma_wait3A_46 : memref<10240x128xf32, #tpu.memory_space<vmem_shared>>)
        tpu.yield
      }) : () -> ()
    }
    %scan3A_18 = arith.constant 79 : i32
    %barrier3A_19 = arith.constant 0 : index
    tpu.barrier barrier_id(%barrier3A_19)
    %mul3A_20 = arith.constant 640 : i32
    %mul3A_21 = arith.muli %arg1, %mul3A_20 : i32
    %mul3A_22 = arith.constant 640 : i32
    %mul3A_23 = arith.muli %arg1, %mul3A_22 : i32
    "tpu.region"() ({
      %run_scoped3A = tpu.sem_alloc : memref<!tpu.dma_semaphore, #tpu.memory_space<semaphore_mem>>
      %dma_start3A = arith.constant 0 : i32
      %dma_start3A_24 = tpu.memref_slice %arg5[%arg0, %mul3A_23, %dma_start3A] : memref<2x10240x128xf32, #tpu.memory_space<hbm>> -> memref<1x640x128xf32, #tpu.memory_space<hbm>>
      %dma_start3A_25 = tpu.memref_squeeze %dma_start3A_24 : memref<1x640x128xf32, #tpu.memory_space<hbm>> -> memref<640x128xf32, #tpu.memory_space<hbm>>
      %dma_start3A_26 = arith.constant 0 : i32
      %dma_start3A_27 = tpu.memref_slice %arg9[%mul3A_21, %dma_start3A_26] : memref<10240x128xf32, #tpu.memory_space<vmem_shared>> -> memref<640x128xf32, #tpu.memory_space<vmem_shared>>
      tpu.enqueue_dma source(%dma_start3A_27 : memref<640x128xf32, #tpu.memory_space<vmem_shared>>) target(%dma_start3A_25 : memref<640x128xf32, #tpu.memory_space<hbm>>) target_semaphore(%run_scoped3A : memref<!tpu.dma_semaphore, #tpu.memory_space<semaphore_mem>>)
      %dma_wait3A = arith.constant 0 : i32
      %dma_wait3A_28 = tpu.memref_slice %arg5[%arg0, %mul3A_23, %dma_wait3A] : memref<2x10240x128xf32, #tpu.memory_space<hbm>> -> memref<1x640x128xf32, #tpu.memory_space<hbm>>
      %dma_wait3A_29 = tpu.memref_squeeze %dma_wait3A_28 : memref<1x640x128xf32, #tpu.memory_space<hbm>> -> memref<640x128xf32, #tpu.memory_space<hbm>>
      %dma_wait3A_30 = arith.constant 0 : i32
      %dma_wait3A_31 = tpu.memref_slice %arg9[%mul3A_21, %dma_wait3A_30] : memref<10240x128xf32, #tpu.memory_space<vmem_shared>> -> memref<640x128xf32, #tpu.memory_space<vmem_shared>>
      tpu.wait_dma2 semaphore(%run_scoped3A : memref<!tpu.dma_semaphore, #tpu.memory_space<semaphore_mem>>) src(%dma_wait3A_31 : memref<640x128xf32, #tpu.memory_space<vmem_shared>>) dst(%dma_wait3A_29 : memref<640x128xf32, #tpu.memory_space<hbm>>)
      tpu.yield
    }) : () -> ()
    return
  }
}

#map = affine_map<(d0, d1) -> (0, 0)>
#map1 = affine_map<(d0, d1) -> (0, 0, 0)>
module attributes {stable_mosaic.version = 14 : i64} {
  func.func @_sc_aggregate(%arg0: i32, %arg1: i32, %arg2: memref<40000x128xf32, #tpu.memory_space<hbm>>, %arg3: memref<32x79x128xi32, #tpu.memory_space<hbm>>, %arg4: memref<32x79x128xi32, #tpu.memory_space<hbm>>, %arg5: memref<2x10240x128xf32, #tpu.memory_space<hbm>>, %arg6: memref<79x128xi32, #tpu.memory_space<vmem>>, %arg7: memref<79x128xi32, #tpu.memory_space<vmem>>, %arg8: memref<128x128xf32, #tpu.memory_space<vmem>>, %arg9: memref<10240x128xf32, #tpu.memory_space<vmem_shared>>, %arg10: memref<!tpu.dma_semaphore, #tpu.memory_space<semaphore_mem>>) attributes {dimension_semantics = [#tpu.dimension_semantics<core_parallel>, #tpu.dimension_semantics<subcore_parallel>], iteration_bounds = array<i64: 2, 16>, scalar_prefetch = 0 : i64, scratch_operands = 5 : i64, tpu.core_type = #tpu.core_type<sc_vector_subcore>, window_params = [{transform_indices = #map}, {transform_indices = #map1}, {transform_indices = #map1}, {transform_indices = #map1}]} {
    %mul3A = arith.constant 2 : i32
    %mul3A_0 = arith.muli %arg1, %mul3A : i32
    %add3A = arith.addi %mul3A_0, %arg0 : i32
    "tpu.region"() ({
      %run_scoped3A = tpu.sem_alloc : memref<!tpu.dma_semaphore, #tpu.memory_space<semaphore_mem>>
      %dma_start3A = arith.constant 0 : i32
      %dma_start3A_24 = arith.constant 0 : i32
      %dma_start3A_25 = tpu.memref_slice %arg3[%add3A, %dma_start3A, %dma_start3A_24] : memref<32x79x128xi32, #tpu.memory_space<hbm>> -> memref<1x79x128xi32, #tpu.memory_space<hbm>>
      %dma_start3A_26 = tpu.memref_squeeze %dma_start3A_25 : memref<1x79x128xi32, #tpu.memory_space<hbm>> -> memref<79x128xi32, #tpu.memory_space<hbm>>
      %dma_start3A_27 = arith.constant 0 : i32
      %dma_start3A_28 = arith.constant 0 : i32
      %dma_start3A_29 = tpu.memref_slice %arg3[%add3A, %dma_start3A_27, %dma_start3A_28] : memref<32x79x128xi32, #tpu.memory_space<hbm>> -> memref<1x79x128xi32, #tpu.memory_space<hbm>>
      %dma_start3A_30 = tpu.memref_squeeze %dma_start3A_29 : memref<1x79x128xi32, #tpu.memory_space<hbm>> -> memref<79x128xi32, #tpu.memory_space<hbm>>
      tpu.enqueue_dma source(%dma_start3A_30 : memref<79x128xi32, #tpu.memory_space<hbm>>) target(%arg6 : memref<79x128xi32, #tpu.memory_space<vmem>>) target_semaphore(%run_scoped3A : memref<!tpu.dma_semaphore, #tpu.memory_space<semaphore_mem>>)
      %dma_wait3A = arith.constant 0 : i32
      %dma_wait3A_31 = arith.constant 0 : i32
      %dma_wait3A_32 = tpu.memref_slice %arg3[%add3A, %dma_wait3A, %dma_wait3A_31] : memref<32x79x128xi32, #tpu.memory_space<hbm>> -> memref<1x79x128xi32, #tpu.memory_space<hbm>>
      %dma_wait3A_33 = tpu.memref_squeeze %dma_wait3A_32 : memref<1x79x128xi32, #tpu.memory_space<hbm>> -> memref<79x128xi32, #tpu.memory_space<hbm>>
      %dma_wait3A_34 = arith.constant 0 : i32
      %dma_wait3A_35 = arith.constant 0 : i32
      %dma_wait3A_36 = tpu.memref_slice %arg3[%add3A, %dma_wait3A_34, %dma_wait3A_35] : memref<32x79x128xi32, #tpu.memory_space<hbm>> -> memref<1x79x128xi32, #tpu.memory_space<hbm>>
      %dma_wait3A_37 = tpu.memref_squeeze %dma_wait3A_36 : memref<1x79x128xi32, #tpu.memory_space<hbm>> -> memref<79x128xi32, #tpu.memory_space<hbm>>
      tpu.wait_dma2 semaphore(%run_scoped3A : memref<!tpu.dma_semaphore, #tpu.memory_space<semaphore_mem>>) src(%dma_wait3A_37 : memref<79x128xi32, #tpu.memory_space<hbm>>) dst(%arg6 : memref<79x128xi32, #tpu.memory_space<vmem>>)
      tpu.yield
    }) : () -> ()
    "tpu.region"() ({
      %run_scoped3A = tpu.sem_alloc : memref<!tpu.dma_semaphore, #tpu.memory_space<semaphore_mem>>
      %dma_start3A = arith.constant 0 : i32
      %dma_start3A_24 = arith.constant 0 : i32
      %dma_start3A_25 = tpu.memref_slice %arg4[%add3A, %dma_start3A, %dma_start3A_24] : memref<32x79x128xi32, #tpu.memory_space<hbm>> -> memref<1x79x128xi32, #tpu.memory_space<hbm>>
      %dma_start3A_26 = tpu.memref_squeeze %dma_start3A_25 : memref<1x79x128xi32, #tpu.memory_space<hbm>> -> memref<79x128xi32, #tpu.memory_space<hbm>>
      %dma_start3A_27 = arith.constant 0 : i32
      %dma_start3A_28 = arith.constant 0 : i32
      %dma_start3A_29 = tpu.memref_slice %arg4[%add3A, %dma_start3A_27, %dma_start3A_28] : memref<32x79x128xi32, #tpu.memory_space<hbm>> -> memref<1x79x128xi32, #tpu.memory_space<hbm>>
      %dma_start3A_30 = tpu.memref_squeeze %dma_start3A_29 : memref<1x79x128xi32, #tpu.memory_space<hbm>> -> memref<79x128xi32, #tpu.memory_space<hbm>>
      tpu.enqueue_dma source(%dma_start3A_30 : memref<79x128xi32, #tpu.memory_space<hbm>>) target(%arg7 : memref<79x128xi32, #tpu.memory_space<vmem>>) target_semaphore(%run_scoped3A : memref<!tpu.dma_semaphore, #tpu.memory_space<semaphore_mem>>)
      %dma_wait3A = arith.constant 0 : i32
      %dma_wait3A_31 = arith.constant 0 : i32
      %dma_wait3A_32 = tpu.memref_slice %arg4[%add3A, %dma_wait3A, %dma_wait3A_31] : memref<32x79x128xi32, #tpu.memory_space<hbm>> -> memref<1x79x128xi32, #tpu.memory_space<hbm>>
      %dma_wait3A_33 = tpu.memref_squeeze %dma_wait3A_32 : memref<1x79x128xi32, #tpu.memory_space<hbm>> -> memref<79x128xi32, #tpu.memory_space<hbm>>
      %dma_wait3A_34 = arith.constant 0 : i32
      %dma_wait3A_35 = arith.constant 0 : i32
      %dma_wait3A_36 = tpu.memref_slice %arg4[%add3A, %dma_wait3A_34, %dma_wait3A_35] : memref<32x79x128xi32, #tpu.memory_space<hbm>> -> memref<1x79x128xi32, #tpu.memory_space<hbm>>
      %dma_wait3A_37 = tpu.memref_squeeze %dma_wait3A_36 : memref<1x79x128xi32, #tpu.memory_space<hbm>> -> memref<79x128xi32, #tpu.memory_space<hbm>>
      tpu.wait_dma2 semaphore(%run_scoped3A : memref<!tpu.dma_semaphore, #tpu.memory_space<semaphore_mem>>) src(%dma_wait3A_37 : memref<79x128xi32, #tpu.memory_space<hbm>>) dst(%arg7 : memref<79x128xi32, #tpu.memory_space<vmem>>)
      tpu.yield
    }) : () -> ()
    %broadcast_in_dim3A = arith.constant 0.000000e+00 : f32
    %broadcast_in_dim3A_1 = vector.broadcast %broadcast_in_dim3A : f32 to vector<16xf32>
    %scan3A = arith.constant 0 : i32
    %scan3A_2 = arith.constant 0 : i32
    %scan3A_3 = arith.constant 1024 : i32
    %scan3A_4 = arith.addi %scan3A_2, %scan3A_3 : i32
    %scan3A_5 = arith.constant 1 : i32
    scf.for %scan3A_24 = %scan3A_2 to %scan3A_4 step %scan3A_5  : i32 {
      %jit3A = arith.constant 8 : i32
      %div3A = arith.divsi %scan3A_24, %jit3A : i32
      %sign3A = arith.constant 0 : i32
      %sign3A_25 = arith.cmpi sgt, %scan3A_24, %sign3A : i32
      %sign3A_26 = arith.extui %sign3A_25 : i1 to i32
      %sign3A_27 = arith.constant 0 : i32
      %sign3A_28 = arith.cmpi slt, %scan3A_24, %sign3A_27 : i32
      %sign3A_29 = arith.extui %sign3A_28 : i1 to i32
      %sign3A_30 = arith.subi %sign3A_26, %sign3A_29 : i32
      %sign3A_31 = arith.constant 0 : i32
      %sign3A_32 = arith.cmpi sgt, %jit3A, %sign3A_31 : i32
      %sign3A_33 = arith.extui %sign3A_32 : i1 to i32
      %sign3A_34 = arith.constant 0 : i32
      %sign3A_35 = arith.cmpi slt, %jit3A, %sign3A_34 : i32
      %sign3A_36 = arith.extui %sign3A_35 : i1 to i32
      %sign3A_37 = arith.subi %sign3A_33, %sign3A_36 : i32
      %ne3A = arith.cmpi ne, %sign3A_30, %sign3A_37 : i32
      %rem3A = arith.remsi %scan3A_24, %jit3A : i32
      %ne3A_38 = arith.constant 0 : i32
      %ne3A_39 = arith.cmpi ne, %rem3A, %ne3A_38 : i32
      %and3A = arith.andi %ne3A, %ne3A_39 : i1
      %sub3A = arith.constant 1 : i32
      %sub3A_40 = arith.subi %div3A, %sub3A : i32
      %select_n3A = arith.select %and3A, %sub3A_40, %div3A : i32
      %rem3A_41 = arith.constant 8 : i32
      %rem3A_42 = arith.remsi %scan3A_24, %rem3A_41 : i32
      %mul3A_43 = arith.constant 16 : i32
      %mul3A_44 = arith.muli %rem3A_42, %mul3A_43 : i32
      %swap3A = arith.index_cast %select_n3A : i32 to index
      %swap3A_45 = arith.index_cast %mul3A_44 : i32 to index
      %swap3A_46 = tpu.vector_load %arg8[%swap3A, %swap3A_45] {strides = array<i32>} : memref<128x128xf32, #tpu.memory_space<vmem>>, vector<1x16xf32>,
      %swap3A_47 = vector.shape_cast %swap3A_46 : vector<1x16xf32> to vector<16xf32>
      %swap3A_48 = vector.shape_cast %broadcast_in_dim3A_1 : vector<16xf32> to vector<1x16xf32>
      tpu.vector_store %arg8[%swap3A, %swap3A_45], %swap3A_48 {strides = array<i32>} : memref<128x128xf32, #tpu.memory_space<vmem>>, vector<1x16xf32>,
    }
    %scan3A_6 = arith.constant 1024 : i32
    %scan3A_7 = arith.constant 0 : i32
    %scan3A_8 = arith.constant 0 : i32
    %scan3A_9 = arith.constant 5 : i32
    %scan3A_10 = arith.addi %scan3A_8, %scan3A_9 : i32
    %scan3A_11 = arith.constant 1 : i32
    scf.for %scan3A_24 = %scan3A_8 to %scan3A_10 step %scan3A_11  : i32 {
      %mul3A_25 = arith.constant 640 : i32
      %mul3A_26 = arith.muli %arg1, %mul3A_25 : i32
      %mul3A_27 = arith.constant 128 : i32
      %mul3A_28 = arith.muli %scan3A_24, %mul3A_27 : i32
      %add3A_29 = arith.addi %mul3A_26, %mul3A_28 : i32
      "tpu.region"() ({
        %run_scoped3A = tpu.sem_alloc : memref<!tpu.dma_semaphore, #tpu.memory_space<semaphore_mem>>
        %dma_start3A = arith.constant 0 : i32
        %dma_start3A_30 = tpu.memref_slice %arg9[%add3A_29, %dma_start3A] : memref<10240x128xf32, #tpu.memory_space<vmem_shared>> -> memref<128x128xf32, #tpu.memory_space<vmem_shared>>
        %dma_start3A_31 = arith.constant 0 : i32
        %dma_start3A_32 = tpu.memref_slice %arg9[%add3A_29, %dma_start3A_31] : memref<10240x128xf32, #tpu.memory_space<vmem_shared>> -> memref<128x128xf32, #tpu.memory_space<vmem_shared>>
        tpu.enqueue_dma source(%arg8 : memref<128x128xf32, #tpu.memory_space<vmem>>) target(%dma_start3A_32 : memref<128x128xf32, #tpu.memory_space<vmem_shared>>) target_semaphore(%run_scoped3A : memref<!tpu.dma_semaphore, #tpu.memory_space<semaphore_mem>>)
        %dma_wait3A = arith.constant 0 : i32
        %dma_wait3A_33 = tpu.memref_slice %arg9[%add3A_29, %dma_wait3A] : memref<10240x128xf32, #tpu.memory_space<vmem_shared>> -> memref<128x128xf32, #tpu.memory_space<vmem_shared>>
        %dma_wait3A_34 = arith.constant 0 : i32
        %dma_wait3A_35 = tpu.memref_slice %arg9[%add3A_29, %dma_wait3A_34] : memref<10240x128xf32, #tpu.memory_space<vmem_shared>> -> memref<128x128xf32, #tpu.memory_space<vmem_shared>>
        tpu.wait_dma2 semaphore(%run_scoped3A : memref<!tpu.dma_semaphore, #tpu.memory_space<semaphore_mem>>) src(%arg8 : memref<128x128xf32, #tpu.memory_space<vmem>>) dst(%dma_wait3A_35 : memref<128x128xf32, #tpu.memory_space<vmem_shared>>)
        tpu.yield
      }) : () -> ()
    }
    %scan3A_12 = arith.constant 5 : i32
    %barrier3A = arith.constant 0 : index
    tpu.barrier barrier_id(%barrier3A)
    %scan3A_13 = arith.constant 0 : i32
    %scan3A_14 = arith.constant 0 : i32
    %scan3A_15 = arith.constant 79 : i32
    %scan3A_16 = arith.addi %scan3A_14, %scan3A_15 : i32
    %scan3A_17 = arith.constant 1 : i32
    scf.for %scan3A_24 = %scan3A_14 to %scan3A_16 step %scan3A_17  : i32 {
      %dma_start3A = arith.constant 0 : i32
      %dma_start3A_25 = tpu.memref_slice %arg6[%scan3A_24, %dma_start3A] : memref<79x128xi32, #tpu.memory_space<vmem>> -> memref<1x128xi32, #tpu.memory_space<vmem>>
      %dma_start3A_26 = tpu.memref_squeeze %dma_start3A_25 : memref<1x128xi32, #tpu.memory_space<vmem>> -> memref<128xi32, #tpu.memory_space<vmem>>
      %dma_start3A_27 = arith.constant 0 : i32
      %dma_start3A_28 = arith.constant 0 : i32
      %dma_start3A_29 = tpu.memref_slice %arg2[%dma_start3A_27, %dma_start3A_28] : memref<40000x128xf32, #tpu.memory_space<hbm>> -> memref<40000x128xf32, #tpu.memory_space<hbm>>
      tpu.enqueue_indirect_dma source(%dma_start3A_29 : memref<40000x128xf32, #tpu.memory_space<hbm>>) target(%arg8 : memref<128x128xf32, #tpu.memory_space<vmem>>) offsets(%dma_start3A_26 : memref<128xi32, #tpu.memory_space<vmem>>) semaphore(%arg10 : memref<!tpu.dma_semaphore, #tpu.memory_space<semaphore_mem>>)
      %dma_wait3A = arith.constant 0 : i32
      %dma_wait3A_30 = tpu.memref_slice %arg6[%scan3A_24, %dma_wait3A] : memref<79x128xi32, #tpu.memory_space<vmem>> -> memref<1x128xi32, #tpu.memory_space<vmem>>
      %dma_wait3A_31 = tpu.memref_squeeze %dma_wait3A_30 : memref<1x128xi32, #tpu.memory_space<vmem>> -> memref<128xi32, #tpu.memory_space<vmem>>
      %dma_wait3A_32 = arith.constant 0 : i32
      %dma_wait3A_33 = arith.constant 0 : i32
      %dma_wait3A_34 = tpu.memref_slice %arg2[%dma_wait3A_32, %dma_wait3A_33] : memref<40000x128xf32, #tpu.memory_space<hbm>> -> memref<40000x128xf32, #tpu.memory_space<hbm>>
      tpu.wait_indirect_dma semaphore(%arg10 : memref<!tpu.dma_semaphore, #tpu.memory_space<semaphore_mem>>) src(%dma_wait3A_34 : memref<40000x128xf32, #tpu.memory_space<hbm>>) dst(%arg8 : memref<128x128xf32, #tpu.memory_space<vmem>>)
      "tpu.region"() ({
        %run_scoped3A = tpu.sem_alloc : memref<!tpu.dma_semaphore, #tpu.memory_space<semaphore_mem>>
        %dma_start3A_35 = arith.constant 0 : i32
        %dma_start3A_36 = tpu.memref_slice %arg7[%scan3A_24, %dma_start3A_35] : memref<79x128xi32, #tpu.memory_space<vmem>> -> memref<1x128xi32, #tpu.memory_space<vmem>>
        %dma_start3A_37 = tpu.memref_squeeze %dma_start3A_36 : memref<1x128xi32, #tpu.memory_space<vmem>> -> memref<128xi32, #tpu.memory_space<vmem>>
        %dma_start3A_38 = arith.constant 0 : i32
        %dma_start3A_39 = arith.constant 0 : i32
        %dma_start3A_40 = tpu.memref_slice %arg9[%dma_start3A_38, %dma_start3A_39] : memref<10240x128xf32, #tpu.memory_space<vmem_shared>> -> memref<10240x128xf32, #tpu.memory_space<vmem_shared>>
        tpu.enqueue_indirect_dma source(%arg8 : memref<128x128xf32, #tpu.memory_space<vmem>>) target(%dma_start3A_40 : memref<10240x128xf32, #tpu.memory_space<vmem_shared>>) offsets(%dma_start3A_37 : memref<128xi32, #tpu.memory_space<vmem>>) semaphore(%run_scoped3A : memref<!tpu.dma_semaphore, #tpu.memory_space<semaphore_mem>>) {add = true}
        %dma_wait3A_41 = arith.constant 0 : i32
        %dma_wait3A_42 = tpu.memref_slice %arg7[%scan3A_24, %dma_wait3A_41] : memref<79x128xi32, #tpu.memory_space<vmem>> -> memref<1x128xi32, #tpu.memory_space<vmem>>
        %dma_wait3A_43 = tpu.memref_squeeze %dma_wait3A_42 : memref<1x128xi32, #tpu.memory_space<vmem>> -> memref<128xi32, #tpu.memory_space<vmem>>
        %dma_wait3A_44 = arith.constant 0 : i32
        %dma_wait3A_45 = arith.constant 0 : i32
        %dma_wait3A_46 = tpu.memref_slice %arg9[%dma_wait3A_44, %dma_wait3A_45] : memref<10240x128xf32, #tpu.memory_space<vmem_shared>> -> memref<10240x128xf32, #tpu.memory_space<vmem_shared>>
        tpu.wait_indirect_dma semaphore(%run_scoped3A : memref<!tpu.dma_semaphore, #tpu.memory_space<semaphore_mem>>) src(%arg8 : memref<128x128xf32, #tpu.memory_space<vmem>>) dst(%dma_wait3A_46 : memref<10240x128xf32, #tpu.memory_space<vmem_shared>>)
        tpu.yield
      }) : () -> ()
    }
    %scan3A_18 = arith.constant 79 : i32
    %barrier3A_19 = arith.constant 0 : index
    tpu.barrier barrier_id(%barrier3A_19)
    %mul3A_20 = arith.constant 640 : i32
    %mul3A_21 = arith.muli %arg1, %mul3A_20 : i32
    %mul3A_22 = arith.constant 640 : i32
    %mul3A_23 = arith.muli %arg1, %mul3A_22 : i32
    "tpu.region"() ({
      %run_scoped3A = tpu.sem_alloc : memref<!tpu.dma_semaphore, #tpu.memory_space<semaphore_mem>>
      %dma_start3A = arith.constant 0 : i32
      %dma_start3A_24 = tpu.memref_slice %arg5[%arg0, %mul3A_23, %dma_start3A] : memref<2x10240x128xf32, #tpu.memory_space<hbm>> -> memref<1x640x128xf32, #tpu.memory_space<hbm>>
      %dma_start3A_25 = tpu.memref_squeeze %dma_start3A_24 : memref<1x640x128xf32, #tpu.memory_space<hbm>> -> memref<640x128xf32, #tpu.memory_space<hbm>>
      %dma_start3A_26 = arith.constant 0 : i32
      %dma_start3A_27 = tpu.memref_slice %arg9[%mul3A_21, %dma_start3A_26] : memref<10240x128xf32, #tpu.memory_space<vmem_shared>> -> memref<640x128xf32, #tpu.memory_space<vmem_shared>>
      tpu.enqueue_dma source(%dma_start3A_27 : memref<640x128xf32, #tpu.memory_space<vmem_shared>>) target(%dma_start3A_25 : memref<640x128xf32, #tpu.memory_space<hbm>>) target_semaphore(%run_scoped3A : memref<!tpu.dma_semaphore, #tpu.memory_space<semaphore_mem>>)
      %dma_wait3A = arith.constant 0 : i32
      %dma_wait3A_28 = tpu.memref_slice %arg5[%arg0, %mul3A_23, %dma_wait3A] : memref<2x10240x128xf32, #tpu.memory_space<hbm>> -> memref<1x640x128xf32, #tpu.memory_space<hbm>>
      %dma_wait3A_29 = tpu.memref_squeeze %dma_wait3A_28 : memref<1x640x128xf32, #tpu.memory_space<hbm>> -> memref<640x128xf32, #tpu.memory_space<hbm>>
      %dma_wait3A_30 = arith.constant 0 : i32
      %dma_wait3A_31 = tpu.memref_slice %arg9[%mul3A_21, %dma_wait3A_30] : memref<10240x128xf32, #tpu.memory_space<vmem_shared>> -> memref<640x128xf32, #tpu.memory_space<vmem_shared>>
      tpu.wait_dma2 semaphore(%run_scoped3A : memref<!tpu.dma_semaphore, #tpu.memory_space<semaphore_mem>>) src(%dma_wait3A_31 : memref<640x128xf32, #tpu.memory_space<vmem_shared>>) dst(%dma_wait3A_29 : memref<640x128xf32, #tpu.memory_space<hbm>>)
      tpu.yield
    }) : () -> ()
    return
  }
}

#map = affine_map<(d0, d1) -> (0, 0)>
#map1 = affine_map<(d0, d1) -> (0, 0, 0)>
module attributes {stable_mosaic.version = 14 : i64} {
  func.func @_sc_aggregate(%arg0: i32, %arg1: i32, %arg2: memref<40000x128xf32, #tpu.memory_space<hbm>>, %arg3: memref<32x79x128xi32, #tpu.memory_space<hbm>>, %arg4: memref<32x79x128xi32, #tpu.memory_space<hbm>>, %arg5: memref<2x10240x128xf32, #tpu.memory_space<hbm>>, %arg6: memref<79x128xi32, #tpu.memory_space<vmem>>, %arg7: memref<79x128xi32, #tpu.memory_space<vmem>>, %arg8: memref<128x128xf32, #tpu.memory_space<vmem>>, %arg9: memref<10240x128xf32, #tpu.memory_space<vmem_shared>>, %arg10: memref<!tpu.dma_semaphore, #tpu.memory_space<semaphore_mem>>) attributes {dimension_semantics = [#tpu.dimension_semantics<core_parallel>, #tpu.dimension_semantics<subcore_parallel>], iteration_bounds = array<i64: 2, 16>, scalar_prefetch = 0 : i64, scratch_operands = 5 : i64, tpu.core_type = #tpu.core_type<sc_vector_subcore>, window_params = [{transform_indices = #map}, {transform_indices = #map1}, {transform_indices = #map1}, {transform_indices = #map1}]} {
    %mul3A = arith.constant 2 : i32
    %mul3A_0 = arith.muli %arg1, %mul3A : i32
    %add3A = arith.addi %mul3A_0, %arg0 : i32
    "tpu.region"() ({
      %run_scoped3A = tpu.sem_alloc : memref<!tpu.dma_semaphore, #tpu.memory_space<semaphore_mem>>
      %dma_start3A = arith.constant 0 : i32
      %dma_start3A_24 = arith.constant 0 : i32
      %dma_start3A_25 = tpu.memref_slice %arg3[%add3A, %dma_start3A, %dma_start3A_24] : memref<32x79x128xi32, #tpu.memory_space<hbm>> -> memref<1x79x128xi32, #tpu.memory_space<hbm>>
      %dma_start3A_26 = tpu.memref_squeeze %dma_start3A_25 : memref<1x79x128xi32, #tpu.memory_space<hbm>> -> memref<79x128xi32, #tpu.memory_space<hbm>>
      %dma_start3A_27 = arith.constant 0 : i32
      %dma_start3A_28 = arith.constant 0 : i32
      %dma_start3A_29 = tpu.memref_slice %arg3[%add3A, %dma_start3A_27, %dma_start3A_28] : memref<32x79x128xi32, #tpu.memory_space<hbm>> -> memref<1x79x128xi32, #tpu.memory_space<hbm>>
      %dma_start3A_30 = tpu.memref_squeeze %dma_start3A_29 : memref<1x79x128xi32, #tpu.memory_space<hbm>> -> memref<79x128xi32, #tpu.memory_space<hbm>>
      tpu.enqueue_dma source(%dma_start3A_30 : memref<79x128xi32, #tpu.memory_space<hbm>>) target(%arg6 : memref<79x128xi32, #tpu.memory_space<vmem>>) target_semaphore(%run_scoped3A : memref<!tpu.dma_semaphore, #tpu.memory_space<semaphore_mem>>)
      %dma_wait3A = arith.constant 0 : i32
      %dma_wait3A_31 = arith.constant 0 : i32
      %dma_wait3A_32 = tpu.memref_slice %arg3[%add3A, %dma_wait3A, %dma_wait3A_31] : memref<32x79x128xi32, #tpu.memory_space<hbm>> -> memref<1x79x128xi32, #tpu.memory_space<hbm>>
      %dma_wait3A_33 = tpu.memref_squeeze %dma_wait3A_32 : memref<1x79x128xi32, #tpu.memory_space<hbm>> -> memref<79x128xi32, #tpu.memory_space<hbm>>
      %dma_wait3A_34 = arith.constant 0 : i32
      %dma_wait3A_35 = arith.constant 0 : i32
      %dma_wait3A_36 = tpu.memref_slice %arg3[%add3A, %dma_wait3A_34, %dma_wait3A_35] : memref<32x79x128xi32, #tpu.memory_space<hbm>> -> memref<1x79x128xi32, #tpu.memory_space<hbm>>
      %dma_wait3A_37 = tpu.memref_squeeze %dma_wait3A_36 : memref<1x79x128xi32, #tpu.memory_space<hbm>> -> memref<79x128xi32, #tpu.memory_space<hbm>>
      tpu.wait_dma2 semaphore(%run_scoped3A : memref<!tpu.dma_semaphore, #tpu.memory_space<semaphore_mem>>) src(%dma_wait3A_37 : memref<79x128xi32, #tpu.memory_space<hbm>>) dst(%arg6 : memref<79x128xi32, #tpu.memory_space<vmem>>)
      tpu.yield
    }) : () -> ()
    "tpu.region"() ({
      %run_scoped3A = tpu.sem_alloc : memref<!tpu.dma_semaphore, #tpu.memory_space<semaphore_mem>>
      %dma_start3A = arith.constant 0 : i32
      %dma_start3A_24 = arith.constant 0 : i32
      %dma_start3A_25 = tpu.memref_slice %arg4[%add3A, %dma_start3A, %dma_start3A_24] : memref<32x79x128xi32, #tpu.memory_space<hbm>> -> memref<1x79x128xi32, #tpu.memory_space<hbm>>
      %dma_start3A_26 = tpu.memref_squeeze %dma_start3A_25 : memref<1x79x128xi32, #tpu.memory_space<hbm>> -> memref<79x128xi32, #tpu.memory_space<hbm>>
      %dma_start3A_27 = arith.constant 0 : i32
      %dma_start3A_28 = arith.constant 0 : i32
      %dma_start3A_29 = tpu.memref_slice %arg4[%add3A, %dma_start3A_27, %dma_start3A_28] : memref<32x79x128xi32, #tpu.memory_space<hbm>> -> memref<1x79x128xi32, #tpu.memory_space<hbm>>
      %dma_start3A_30 = tpu.memref_squeeze %dma_start3A_29 : memref<1x79x128xi32, #tpu.memory_space<hbm>> -> memref<79x128xi32, #tpu.memory_space<hbm>>
      tpu.enqueue_dma source(%dma_start3A_30 : memref<79x128xi32, #tpu.memory_space<hbm>>) target(%arg7 : memref<79x128xi32, #tpu.memory_space<vmem>>) target_semaphore(%run_scoped3A : memref<!tpu.dma_semaphore, #tpu.memory_space<semaphore_mem>>)
      %dma_wait3A = arith.constant 0 : i32
      %dma_wait3A_31 = arith.constant 0 : i32
      %dma_wait3A_32 = tpu.memref_slice %arg4[%add3A, %dma_wait3A, %dma_wait3A_31] : memref<32x79x128xi32, #tpu.memory_space<hbm>> -> memref<1x79x128xi32, #tpu.memory_space<hbm>>
      %dma_wait3A_33 = tpu.memref_squeeze %dma_wait3A_32 : memref<1x79x128xi32, #tpu.memory_space<hbm>> -> memref<79x128xi32, #tpu.memory_space<hbm>>
      %dma_wait3A_34 = arith.constant 0 : i32
      %dma_wait3A_35 = arith.constant 0 : i32
      %dma_wait3A_36 = tpu.memref_slice %arg4[%add3A, %dma_wait3A_34, %dma_wait3A_35] : memref<32x79x128xi32, #tpu.memory_space<hbm>> -> memref<1x79x128xi32, #tpu.memory_space<hbm>>
      %dma_wait3A_37 = tpu.memref_squeeze %dma_wait3A_36 : memref<1x79x128xi32, #tpu.memory_space<hbm>> -> memref<79x128xi32, #tpu.memory_space<hbm>>
      tpu.wait_dma2 semaphore(%run_scoped3A : memref<!tpu.dma_semaphore, #tpu.memory_space<semaphore_mem>>) src(%dma_wait3A_37 : memref<79x128xi32, #tpu.memory_space<hbm>>) dst(%arg7 : memref<79x128xi32, #tpu.memory_space<vmem>>)
      tpu.yield
    }) : () -> ()
    %broadcast_in_dim3A = arith.constant 0.000000e+00 : f32
    %broadcast_in_dim3A_1 = vector.broadcast %broadcast_in_dim3A : f32 to vector<16xf32>
    %scan3A = arith.constant 0 : i32
    %scan3A_2 = arith.constant 0 : i32
    %scan3A_3 = arith.constant 1024 : i32
    %scan3A_4 = arith.addi %scan3A_2, %scan3A_3 : i32
    %scan3A_5 = arith.constant 1 : i32
    scf.for %scan3A_24 = %scan3A_2 to %scan3A_4 step %scan3A_5  : i32 {
      %jit3A = arith.constant 8 : i32
      %div3A = arith.divsi %scan3A_24, %jit3A : i32
      %sign3A = arith.constant 0 : i32
      %sign3A_25 = arith.cmpi sgt, %scan3A_24, %sign3A : i32
      %sign3A_26 = arith.extui %sign3A_25 : i1 to i32
      %sign3A_27 = arith.constant 0 : i32
      %sign3A_28 = arith.cmpi slt, %scan3A_24, %sign3A_27 : i32
      %sign3A_29 = arith.extui %sign3A_28 : i1 to i32
      %sign3A_30 = arith.subi %sign3A_26, %sign3A_29 : i32
      %sign3A_31 = arith.constant 0 : i32
      %sign3A_32 = arith.cmpi sgt, %jit3A, %sign3A_31 : i32
      %sign3A_33 = arith.extui %sign3A_32 : i1 to i32
      %sign3A_34 = arith.constant 0 : i32
      %sign3A_35 = arith.cmpi slt, %jit3A, %sign3A_34 : i32
      %sign3A_36 = arith.extui %sign3A_35 : i1 to i32
      %sign3A_37 = arith.subi %sign3A_33, %sign3A_36 : i32
      %ne3A = arith.cmpi ne, %sign3A_30, %sign3A_37 : i32
      %rem3A = arith.remsi %scan3A_24, %jit3A : i32
      %ne3A_38 = arith.constant 0 : i32
      %ne3A_39 = arith.cmpi ne, %rem3A, %ne3A_38 : i32
      %and3A = arith.andi %ne3A, %ne3A_39 : i1
      %sub3A = arith.constant 1 : i32
      %sub3A_40 = arith.subi %div3A, %sub3A : i32
      %select_n3A = arith.select %and3A, %sub3A_40, %div3A : i32
      %rem3A_41 = arith.constant 8 : i32
      %rem3A_42 = arith.remsi %scan3A_24, %rem3A_41 : i32
      %mul3A_43 = arith.constant 16 : i32
      %mul3A_44 = arith.muli %rem3A_42, %mul3A_43 : i32
      %swap3A = arith.index_cast %select_n3A : i32 to index
      %swap3A_45 = arith.index_cast %mul3A_44 : i32 to index
      %swap3A_46 = tpu.vector_load %arg8[%swap3A, %swap3A_45] {strides = array<i32>} : memref<128x128xf32, #tpu.memory_space<vmem>>, vector<1x16xf32>,
      %swap3A_47 = vector.shape_cast %swap3A_46 : vector<1x16xf32> to vector<16xf32>
      %swap3A_48 = vector.shape_cast %broadcast_in_dim3A_1 : vector<16xf32> to vector<1x16xf32>
      tpu.vector_store %arg8[%swap3A, %swap3A_45], %swap3A_48 {strides = array<i32>} : memref<128x128xf32, #tpu.memory_space<vmem>>, vector<1x16xf32>,
    }
    %scan3A_6 = arith.constant 1024 : i32
    %scan3A_7 = arith.constant 0 : i32
    %scan3A_8 = arith.constant 0 : i32
    %scan3A_9 = arith.constant 5 : i32
    %scan3A_10 = arith.addi %scan3A_8, %scan3A_9 : i32
    %scan3A_11 = arith.constant 1 : i32
    scf.for %scan3A_24 = %scan3A_8 to %scan3A_10 step %scan3A_11  : i32 {
      %mul3A_25 = arith.constant 640 : i32
      %mul3A_26 = arith.muli %arg1, %mul3A_25 : i32
      %mul3A_27 = arith.constant 128 : i32
      %mul3A_28 = arith.muli %scan3A_24, %mul3A_27 : i32
      %add3A_29 = arith.addi %mul3A_26, %mul3A_28 : i32
      "tpu.region"() ({
        %run_scoped3A = tpu.sem_alloc : memref<!tpu.dma_semaphore, #tpu.memory_space<semaphore_mem>>
        %dma_start3A = arith.constant 0 : i32
        %dma_start3A_30 = tpu.memref_slice %arg9[%add3A_29, %dma_start3A] : memref<10240x128xf32, #tpu.memory_space<vmem_shared>> -> memref<128x128xf32, #tpu.memory_space<vmem_shared>>
        %dma_start3A_31 = arith.constant 0 : i32
        %dma_start3A_32 = tpu.memref_slice %arg9[%add3A_29, %dma_start3A_31] : memref<10240x128xf32, #tpu.memory_space<vmem_shared>> -> memref<128x128xf32, #tpu.memory_space<vmem_shared>>
        tpu.enqueue_dma source(%arg8 : memref<128x128xf32, #tpu.memory_space<vmem>>) target(%dma_start3A_32 : memref<128x128xf32, #tpu.memory_space<vmem_shared>>) target_semaphore(%run_scoped3A : memref<!tpu.dma_semaphore, #tpu.memory_space<semaphore_mem>>)
        %dma_wait3A = arith.constant 0 : i32
        %dma_wait3A_33 = tpu.memref_slice %arg9[%add3A_29, %dma_wait3A] : memref<10240x128xf32, #tpu.memory_space<vmem_shared>> -> memref<128x128xf32, #tpu.memory_space<vmem_shared>>
        %dma_wait3A_34 = arith.constant 0 : i32
        %dma_wait3A_35 = tpu.memref_slice %arg9[%add3A_29, %dma_wait3A_34] : memref<10240x128xf32, #tpu.memory_space<vmem_shared>> -> memref<128x128xf32, #tpu.memory_space<vmem_shared>>
        tpu.wait_dma2 semaphore(%run_scoped3A : memref<!tpu.dma_semaphore, #tpu.memory_space<semaphore_mem>>) src(%arg8 : memref<128x128xf32, #tpu.memory_space<vmem>>) dst(%dma_wait3A_35 : memref<128x128xf32, #tpu.memory_space<vmem_shared>>)
        tpu.yield
      }) : () -> ()
    }
    %scan3A_12 = arith.constant 5 : i32
    %barrier3A = arith.constant 0 : index
    tpu.barrier barrier_id(%barrier3A)
    %scan3A_13 = arith.constant 0 : i32
    %scan3A_14 = arith.constant 0 : i32
    %scan3A_15 = arith.constant 79 : i32
    %scan3A_16 = arith.addi %scan3A_14, %scan3A_15 : i32
    %scan3A_17 = arith.constant 1 : i32
    scf.for %scan3A_24 = %scan3A_14 to %scan3A_16 step %scan3A_17  : i32 {
      %dma_start3A = arith.constant 0 : i32
      %dma_start3A_25 = tpu.memref_slice %arg6[%scan3A_24, %dma_start3A] : memref<79x128xi32, #tpu.memory_space<vmem>> -> memref<1x128xi32, #tpu.memory_space<vmem>>
      %dma_start3A_26 = tpu.memref_squeeze %dma_start3A_25 : memref<1x128xi32, #tpu.memory_space<vmem>> -> memref<128xi32, #tpu.memory_space<vmem>>
      %dma_start3A_27 = arith.constant 0 : i32
      %dma_start3A_28 = arith.constant 0 : i32
      %dma_start3A_29 = tpu.memref_slice %arg2[%dma_start3A_27, %dma_start3A_28] : memref<40000x128xf32, #tpu.memory_space<hbm>> -> memref<40000x128xf32, #tpu.memory_space<hbm>>
      tpu.enqueue_indirect_dma source(%dma_start3A_29 : memref<40000x128xf32, #tpu.memory_space<hbm>>) target(%arg8 : memref<128x128xf32, #tpu.memory_space<vmem>>) offsets(%dma_start3A_26 : memref<128xi32, #tpu.memory_space<vmem>>) semaphore(%arg10 : memref<!tpu.dma_semaphore, #tpu.memory_space<semaphore_mem>>)
      %dma_wait3A = arith.constant 0 : i32
      %dma_wait3A_30 = tpu.memref_slice %arg6[%scan3A_24, %dma_wait3A] : memref<79x128xi32, #tpu.memory_space<vmem>> -> memref<1x128xi32, #tpu.memory_space<vmem>>
      %dma_wait3A_31 = tpu.memref_squeeze %dma_wait3A_30 : memref<1x128xi32, #tpu.memory_space<vmem>> -> memref<128xi32, #tpu.memory_space<vmem>>
      %dma_wait3A_32 = arith.constant 0 : i32
      %dma_wait3A_33 = arith.constant 0 : i32
      %dma_wait3A_34 = tpu.memref_slice %arg2[%dma_wait3A_32, %dma_wait3A_33] : memref<40000x128xf32, #tpu.memory_space<hbm>> -> memref<40000x128xf32, #tpu.memory_space<hbm>>
      tpu.wait_indirect_dma semaphore(%arg10 : memref<!tpu.dma_semaphore, #tpu.memory_space<semaphore_mem>>) src(%dma_wait3A_34 : memref<40000x128xf32, #tpu.memory_space<hbm>>) dst(%arg8 : memref<128x128xf32, #tpu.memory_space<vmem>>)
      "tpu.region"() ({
        %run_scoped3A = tpu.sem_alloc : memref<!tpu.dma_semaphore, #tpu.memory_space<semaphore_mem>>
        %dma_start3A_35 = arith.constant 0 : i32
        %dma_start3A_36 = tpu.memref_slice %arg7[%scan3A_24, %dma_start3A_35] : memref<79x128xi32, #tpu.memory_space<vmem>> -> memref<1x128xi32, #tpu.memory_space<vmem>>
        %dma_start3A_37 = tpu.memref_squeeze %dma_start3A_36 : memref<1x128xi32, #tpu.memory_space<vmem>> -> memref<128xi32, #tpu.memory_space<vmem>>
        %dma_start3A_38 = arith.constant 0 : i32
        %dma_start3A_39 = arith.constant 0 : i32
        %dma_start3A_40 = tpu.memref_slice %arg9[%dma_start3A_38, %dma_start3A_39] : memref<10240x128xf32, #tpu.memory_space<vmem_shared>> -> memref<10240x128xf32, #tpu.memory_space<vmem_shared>>
        tpu.enqueue_indirect_dma source(%arg8 : memref<128x128xf32, #tpu.memory_space<vmem>>) target(%dma_start3A_40 : memref<10240x128xf32, #tpu.memory_space<vmem_shared>>) offsets(%dma_start3A_37 : memref<128xi32, #tpu.memory_space<vmem>>) semaphore(%run_scoped3A : memref<!tpu.dma_semaphore, #tpu.memory_space<semaphore_mem>>) {add = true}
        %dma_wait3A_41 = arith.constant 0 : i32
        %dma_wait3A_42 = tpu.memref_slice %arg7[%scan3A_24, %dma_wait3A_41] : memref<79x128xi32, #tpu.memory_space<vmem>> -> memref<1x128xi32, #tpu.memory_space<vmem>>
        %dma_wait3A_43 = tpu.memref_squeeze %dma_wait3A_42 : memref<1x128xi32, #tpu.memory_space<vmem>> -> memref<128xi32, #tpu.memory_space<vmem>>
        %dma_wait3A_44 = arith.constant 0 : i32
        %dma_wait3A_45 = arith.constant 0 : i32
        %dma_wait3A_46 = tpu.memref_slice %arg9[%dma_wait3A_44, %dma_wait3A_45] : memref<10240x128xf32, #tpu.memory_space<vmem_shared>> -> memref<10240x128xf32, #tpu.memory_space<vmem_shared>>
        tpu.wait_indirect_dma semaphore(%run_scoped3A : memref<!tpu.dma_semaphore, #tpu.memory_space<semaphore_mem>>) src(%arg8 : memref<128x128xf32, #tpu.memory_space<vmem>>) dst(%dma_wait3A_46 : memref<10240x128xf32, #tpu.memory_space<vmem_shared>>)
        tpu.yield
      }) : () -> ()
    }
    %scan3A_18 = arith.constant 79 : i32
    %barrier3A_19 = arith.constant 0 : index
    tpu.barrier barrier_id(%barrier3A_19)
    %mul3A_20 = arith.constant 640 : i32
    %mul3A_21 = arith.muli %arg1, %mul3A_20 : i32
    %mul3A_22 = arith.constant 640 : i32
    %mul3A_23 = arith.muli %arg1, %mul3A_22 : i32
    "tpu.region"() ({
      %run_scoped3A = tpu.sem_alloc : memref<!tpu.dma_semaphore, #tpu.memory_space<semaphore_mem>>
      %dma_start3A = arith.constant 0 : i32
      %dma_start3A_24 = tpu.memref_slice %arg5[%arg0, %mul3A_23, %dma_start3A] : memref<2x10240x128xf32, #tpu.memory_space<hbm>> -> memref<1x640x128xf32, #tpu.memory_space<hbm>>
      %dma_start3A_25 = tpu.memref_squeeze %dma_start3A_24 : memref<1x640x128xf32, #tpu.memory_space<hbm>> -> memref<640x128xf32, #tpu.memory_space<hbm>>
      %dma_start3A_26 = arith.constant 0 : i32
      %dma_start3A_27 = tpu.memref_slice %arg9[%mul3A_21, %dma_start3A_26] : memref<10240x128xf32, #tpu.memory_space<vmem_shared>> -> memref<640x128xf32, #tpu.memory_space<vmem_shared>>
      tpu.enqueue_dma source(%dma_start3A_27 : memref<640x128xf32, #tpu.memory_space<vmem_shared>>) target(%dma_start3A_25 : memref<640x128xf32, #tpu.memory_space<hbm>>) target_semaphore(%run_scoped3A : memref<!tpu.dma_semaphore, #tpu.memory_space<semaphore_mem>>)
      %dma_wait3A = arith.constant 0 : i32
      %dma_wait3A_28 = tpu.memref_slice %arg5[%arg0, %mul3A_23, %dma_wait3A] : memref<2x10240x128xf32, #tpu.memory_space<hbm>> -> memref<1x640x128xf32, #tpu.memory_space<hbm>>
      %dma_wait3A_29 = tpu.memref_squeeze %dma_wait3A_28 : memref<1x640x128xf32, #tpu.memory_space<hbm>> -> memref<640x128xf32, #tpu.memory_space<hbm>>
      %dma_wait3A_30 = arith.constant 0 : i32
      %dma_wait3A_31 = tpu.memref_slice %arg9[%mul3A_21, %dma_wait3A_30] : memref<10240x128xf32, #tpu.memory_space<vmem_shared>> -> memref<640x128xf32, #tpu.memory_space<vmem_shared>>
      tpu.wait_dma2 semaphore(%run_scoped3A : memref<!tpu.dma_semaphore, #tpu.memory_space<semaphore_mem>>) src(%dma_wait3A_31 : memref<640x128xf32, #tpu.memory_space<vmem_shared>>) dst(%dma_wait3A_29 : memref<640x128xf32, #tpu.memory_space<hbm>>)
      tpu.yield
    }) : () -> ()
    return
  }
}

#map = affine_map<(d0, d1) -> (0, 0)>
#map1 = affine_map<(d0, d1) -> (0, 0, 0)>
module attributes {stable_mosaic.version = 14 : i64} {
  func.func @_sc_aggregate(%arg0: i32, %arg1: i32, %arg2: memref<40000x128xf32, #tpu.memory_space<hbm>>, %arg3: memref<32x79x128xi32, #tpu.memory_space<hbm>>, %arg4: memref<32x79x128xi32, #tpu.memory_space<hbm>>, %arg5: memref<2x10240x128xf32, #tpu.memory_space<hbm>>, %arg6: memref<79x128xi32, #tpu.memory_space<vmem>>, %arg7: memref<79x128xi32, #tpu.memory_space<vmem>>, %arg8: memref<128x128xf32, #tpu.memory_space<vmem>>, %arg9: memref<10240x128xf32, #tpu.memory_space<vmem_shared>>, %arg10: memref<!tpu.dma_semaphore, #tpu.memory_space<semaphore_mem>>) attributes {dimension_semantics = [#tpu.dimension_semantics<core_parallel>, #tpu.dimension_semantics<subcore_parallel>], iteration_bounds = array<i64: 2, 16>, scalar_prefetch = 0 : i64, scratch_operands = 5 : i64, tpu.core_type = #tpu.core_type<sc_vector_subcore>, window_params = [{transform_indices = #map}, {transform_indices = #map1}, {transform_indices = #map1}, {transform_indices = #map1}]} {
    %mul3A = arith.constant 2 : i32
    %mul3A_0 = arith.muli %arg1, %mul3A : i32
    %add3A = arith.addi %mul3A_0, %arg0 : i32
    "tpu.region"() ({
      %run_scoped3A = tpu.sem_alloc : memref<!tpu.dma_semaphore, #tpu.memory_space<semaphore_mem>>
      %dma_start3A = arith.constant 0 : i32
      %dma_start3A_24 = arith.constant 0 : i32
      %dma_start3A_25 = tpu.memref_slice %arg3[%add3A, %dma_start3A, %dma_start3A_24] : memref<32x79x128xi32, #tpu.memory_space<hbm>> -> memref<1x79x128xi32, #tpu.memory_space<hbm>>
      %dma_start3A_26 = tpu.memref_squeeze %dma_start3A_25 : memref<1x79x128xi32, #tpu.memory_space<hbm>> -> memref<79x128xi32, #tpu.memory_space<hbm>>
      %dma_start3A_27 = arith.constant 0 : i32
      %dma_start3A_28 = arith.constant 0 : i32
      %dma_start3A_29 = tpu.memref_slice %arg3[%add3A, %dma_start3A_27, %dma_start3A_28] : memref<32x79x128xi32, #tpu.memory_space<hbm>> -> memref<1x79x128xi32, #tpu.memory_space<hbm>>
      %dma_start3A_30 = tpu.memref_squeeze %dma_start3A_29 : memref<1x79x128xi32, #tpu.memory_space<hbm>> -> memref<79x128xi32, #tpu.memory_space<hbm>>
      tpu.enqueue_dma source(%dma_start3A_30 : memref<79x128xi32, #tpu.memory_space<hbm>>) target(%arg6 : memref<79x128xi32, #tpu.memory_space<vmem>>) target_semaphore(%run_scoped3A : memref<!tpu.dma_semaphore, #tpu.memory_space<semaphore_mem>>)
      %dma_wait3A = arith.constant 0 : i32
      %dma_wait3A_31 = arith.constant 0 : i32
      %dma_wait3A_32 = tpu.memref_slice %arg3[%add3A, %dma_wait3A, %dma_wait3A_31] : memref<32x79x128xi32, #tpu.memory_space<hbm>> -> memref<1x79x128xi32, #tpu.memory_space<hbm>>
      %dma_wait3A_33 = tpu.memref_squeeze %dma_wait3A_32 : memref<1x79x128xi32, #tpu.memory_space<hbm>> -> memref<79x128xi32, #tpu.memory_space<hbm>>
      %dma_wait3A_34 = arith.constant 0 : i32
      %dma_wait3A_35 = arith.constant 0 : i32
      %dma_wait3A_36 = tpu.memref_slice %arg3[%add3A, %dma_wait3A_34, %dma_wait3A_35] : memref<32x79x128xi32, #tpu.memory_space<hbm>> -> memref<1x79x128xi32, #tpu.memory_space<hbm>>
      %dma_wait3A_37 = tpu.memref_squeeze %dma_wait3A_36 : memref<1x79x128xi32, #tpu.memory_space<hbm>> -> memref<79x128xi32, #tpu.memory_space<hbm>>
      tpu.wait_dma2 semaphore(%run_scoped3A : memref<!tpu.dma_semaphore, #tpu.memory_space<semaphore_mem>>) src(%dma_wait3A_37 : memref<79x128xi32, #tpu.memory_space<hbm>>) dst(%arg6 : memref<79x128xi32, #tpu.memory_space<vmem>>)
      tpu.yield
    }) : () -> ()
    "tpu.region"() ({
      %run_scoped3A = tpu.sem_alloc : memref<!tpu.dma_semaphore, #tpu.memory_space<semaphore_mem>>
      %dma_start3A = arith.constant 0 : i32
      %dma_start3A_24 = arith.constant 0 : i32
      %dma_start3A_25 = tpu.memref_slice %arg4[%add3A, %dma_start3A, %dma_start3A_24] : memref<32x79x128xi32, #tpu.memory_space<hbm>> -> memref<1x79x128xi32, #tpu.memory_space<hbm>>
      %dma_start3A_26 = tpu.memref_squeeze %dma_start3A_25 : memref<1x79x128xi32, #tpu.memory_space<hbm>> -> memref<79x128xi32, #tpu.memory_space<hbm>>
      %dma_start3A_27 = arith.constant 0 : i32
      %dma_start3A_28 = arith.constant 0 : i32
      %dma_start3A_29 = tpu.memref_slice %arg4[%add3A, %dma_start3A_27, %dma_start3A_28] : memref<32x79x128xi32, #tpu.memory_space<hbm>> -> memref<1x79x128xi32, #tpu.memory_space<hbm>>
      %dma_start3A_30 = tpu.memref_squeeze %dma_start3A_29 : memref<1x79x128xi32, #tpu.memory_space<hbm>> -> memref<79x128xi32, #tpu.memory_space<hbm>>
      tpu.enqueue_dma source(%dma_start3A_30 : memref<79x128xi32, #tpu.memory_space<hbm>>) target(%arg7 : memref<79x128xi32, #tpu.memory_space<vmem>>) target_semaphore(%run_scoped3A : memref<!tpu.dma_semaphore, #tpu.memory_space<semaphore_mem>>)
      %dma_wait3A = arith.constant 0 : i32
      %dma_wait3A_31 = arith.constant 0 : i32
      %dma_wait3A_32 = tpu.memref_slice %arg4[%add3A, %dma_wait3A, %dma_wait3A_31] : memref<32x79x128xi32, #tpu.memory_space<hbm>> -> memref<1x79x128xi32, #tpu.memory_space<hbm>>
      %dma_wait3A_33 = tpu.memref_squeeze %dma_wait3A_32 : memref<1x79x128xi32, #tpu.memory_space<hbm>> -> memref<79x128xi32, #tpu.memory_space<hbm>>
      %dma_wait3A_34 = arith.constant 0 : i32
      %dma_wait3A_35 = arith.constant 0 : i32
      %dma_wait3A_36 = tpu.memref_slice %arg4[%add3A, %dma_wait3A_34, %dma_wait3A_35] : memref<32x79x128xi32, #tpu.memory_space<hbm>> -> memref<1x79x128xi32, #tpu.memory_space<hbm>>
      %dma_wait3A_37 = tpu.memref_squeeze %dma_wait3A_36 : memref<1x79x128xi32, #tpu.memory_space<hbm>> -> memref<79x128xi32, #tpu.memory_space<hbm>>
      tpu.wait_dma2 semaphore(%run_scoped3A : memref<!tpu.dma_semaphore, #tpu.memory_space<semaphore_mem>>) src(%dma_wait3A_37 : memref<79x128xi32, #tpu.memory_space<hbm>>) dst(%arg7 : memref<79x128xi32, #tpu.memory_space<vmem>>)
      tpu.yield
    }) : () -> ()
    %broadcast_in_dim3A = arith.constant 0.000000e+00 : f32
    %broadcast_in_dim3A_1 = vector.broadcast %broadcast_in_dim3A : f32 to vector<16xf32>
    %scan3A = arith.constant 0 : i32
    %scan3A_2 = arith.constant 0 : i32
    %scan3A_3 = arith.constant 1024 : i32
    %scan3A_4 = arith.addi %scan3A_2, %scan3A_3 : i32
    %scan3A_5 = arith.constant 1 : i32
    scf.for %scan3A_24 = %scan3A_2 to %scan3A_4 step %scan3A_5  : i32 {
      %jit3A = arith.constant 8 : i32
      %div3A = arith.divsi %scan3A_24, %jit3A : i32
      %sign3A = arith.constant 0 : i32
      %sign3A_25 = arith.cmpi sgt, %scan3A_24, %sign3A : i32
      %sign3A_26 = arith.extui %sign3A_25 : i1 to i32
      %sign3A_27 = arith.constant 0 : i32
      %sign3A_28 = arith.cmpi slt, %scan3A_24, %sign3A_27 : i32
      %sign3A_29 = arith.extui %sign3A_28 : i1 to i32
      %sign3A_30 = arith.subi %sign3A_26, %sign3A_29 : i32
      %sign3A_31 = arith.constant 0 : i32
      %sign3A_32 = arith.cmpi sgt, %jit3A, %sign3A_31 : i32
      %sign3A_33 = arith.extui %sign3A_32 : i1 to i32
      %sign3A_34 = arith.constant 0 : i32
      %sign3A_35 = arith.cmpi slt, %jit3A, %sign3A_34 : i32
      %sign3A_36 = arith.extui %sign3A_35 : i1 to i32
      %sign3A_37 = arith.subi %sign3A_33, %sign3A_36 : i32
      %ne3A = arith.cmpi ne, %sign3A_30, %sign3A_37 : i32
      %rem3A = arith.remsi %scan3A_24, %jit3A : i32
      %ne3A_38 = arith.constant 0 : i32
      %ne3A_39 = arith.cmpi ne, %rem3A, %ne3A_38 : i32
      %and3A = arith.andi %ne3A, %ne3A_39 : i1
      %sub3A = arith.constant 1 : i32
      %sub3A_40 = arith.subi %div3A, %sub3A : i32
      %select_n3A = arith.select %and3A, %sub3A_40, %div3A : i32
      %rem3A_41 = arith.constant 8 : i32
      %rem3A_42 = arith.remsi %scan3A_24, %rem3A_41 : i32
      %mul3A_43 = arith.constant 16 : i32
      %mul3A_44 = arith.muli %rem3A_42, %mul3A_43 : i32
      %swap3A = arith.index_cast %select_n3A : i32 to index
      %swap3A_45 = arith.index_cast %mul3A_44 : i32 to index
      %swap3A_46 = tpu.vector_load %arg8[%swap3A, %swap3A_45] {strides = array<i32>} : memref<128x128xf32, #tpu.memory_space<vmem>>, vector<1x16xf32>,
      %swap3A_47 = vector.shape_cast %swap3A_46 : vector<1x16xf32> to vector<16xf32>
      %swap3A_48 = vector.shape_cast %broadcast_in_dim3A_1 : vector<16xf32> to vector<1x16xf32>
      tpu.vector_store %arg8[%swap3A, %swap3A_45], %swap3A_48 {strides = array<i32>} : memref<128x128xf32, #tpu.memory_space<vmem>>, vector<1x16xf32>,
    }
    %scan3A_6 = arith.constant 1024 : i32
    %scan3A_7 = arith.constant 0 : i32
    %scan3A_8 = arith.constant 0 : i32
    %scan3A_9 = arith.constant 5 : i32
    %scan3A_10 = arith.addi %scan3A_8, %scan3A_9 : i32
    %scan3A_11 = arith.constant 1 : i32
    scf.for %scan3A_24 = %scan3A_8 to %scan3A_10 step %scan3A_11  : i32 {
      %mul3A_25 = arith.constant 640 : i32
      %mul3A_26 = arith.muli %arg1, %mul3A_25 : i32
      %mul3A_27 = arith.constant 128 : i32
      %mul3A_28 = arith.muli %scan3A_24, %mul3A_27 : i32
      %add3A_29 = arith.addi %mul3A_26, %mul3A_28 : i32
      "tpu.region"() ({
        %run_scoped3A = tpu.sem_alloc : memref<!tpu.dma_semaphore, #tpu.memory_space<semaphore_mem>>
        %dma_start3A = arith.constant 0 : i32
        %dma_start3A_30 = tpu.memref_slice %arg9[%add3A_29, %dma_start3A] : memref<10240x128xf32, #tpu.memory_space<vmem_shared>> -> memref<128x128xf32, #tpu.memory_space<vmem_shared>>
        %dma_start3A_31 = arith.constant 0 : i32
        %dma_start3A_32 = tpu.memref_slice %arg9[%add3A_29, %dma_start3A_31] : memref<10240x128xf32, #tpu.memory_space<vmem_shared>> -> memref<128x128xf32, #tpu.memory_space<vmem_shared>>
        tpu.enqueue_dma source(%arg8 : memref<128x128xf32, #tpu.memory_space<vmem>>) target(%dma_start3A_32 : memref<128x128xf32, #tpu.memory_space<vmem_shared>>) target_semaphore(%run_scoped3A : memref<!tpu.dma_semaphore, #tpu.memory_space<semaphore_mem>>)
        %dma_wait3A = arith.constant 0 : i32
        %dma_wait3A_33 = tpu.memref_slice %arg9[%add3A_29, %dma_wait3A] : memref<10240x128xf32, #tpu.memory_space<vmem_shared>> -> memref<128x128xf32, #tpu.memory_space<vmem_shared>>
        %dma_wait3A_34 = arith.constant 0 : i32
        %dma_wait3A_35 = tpu.memref_slice %arg9[%add3A_29, %dma_wait3A_34] : memref<10240x128xf32, #tpu.memory_space<vmem_shared>> -> memref<128x128xf32, #tpu.memory_space<vmem_shared>>
        tpu.wait_dma2 semaphore(%run_scoped3A : memref<!tpu.dma_semaphore, #tpu.memory_space<semaphore_mem>>) src(%arg8 : memref<128x128xf32, #tpu.memory_space<vmem>>) dst(%dma_wait3A_35 : memref<128x128xf32, #tpu.memory_space<vmem_shared>>)
        tpu.yield
      }) : () -> ()
    }
    %scan3A_12 = arith.constant 5 : i32
    %barrier3A = arith.constant 0 : index
    tpu.barrier barrier_id(%barrier3A)
    %scan3A_13 = arith.constant 0 : i32
    %scan3A_14 = arith.constant 0 : i32
    %scan3A_15 = arith.constant 79 : i32
    %scan3A_16 = arith.addi %scan3A_14, %scan3A_15 : i32
    %scan3A_17 = arith.constant 1 : i32
    scf.for %scan3A_24 = %scan3A_14 to %scan3A_16 step %scan3A_17  : i32 {
      %dma_start3A = arith.constant 0 : i32
      %dma_start3A_25 = tpu.memref_slice %arg6[%scan3A_24, %dma_start3A] : memref<79x128xi32, #tpu.memory_space<vmem>> -> memref<1x128xi32, #tpu.memory_space<vmem>>
      %dma_start3A_26 = tpu.memref_squeeze %dma_start3A_25 : memref<1x128xi32, #tpu.memory_space<vmem>> -> memref<128xi32, #tpu.memory_space<vmem>>
      %dma_start3A_27 = arith.constant 0 : i32
      %dma_start3A_28 = arith.constant 0 : i32
      %dma_start3A_29 = tpu.memref_slice %arg2[%dma_start3A_27, %dma_start3A_28] : memref<40000x128xf32, #tpu.memory_space<hbm>> -> memref<40000x128xf32, #tpu.memory_space<hbm>>
      tpu.enqueue_indirect_dma source(%dma_start3A_29 : memref<40000x128xf32, #tpu.memory_space<hbm>>) target(%arg8 : memref<128x128xf32, #tpu.memory_space<vmem>>) offsets(%dma_start3A_26 : memref<128xi32, #tpu.memory_space<vmem>>) semaphore(%arg10 : memref<!tpu.dma_semaphore, #tpu.memory_space<semaphore_mem>>)
      %dma_wait3A = arith.constant 0 : i32
      %dma_wait3A_30 = tpu.memref_slice %arg6[%scan3A_24, %dma_wait3A] : memref<79x128xi32, #tpu.memory_space<vmem>> -> memref<1x128xi32, #tpu.memory_space<vmem>>
      %dma_wait3A_31 = tpu.memref_squeeze %dma_wait3A_30 : memref<1x128xi32, #tpu.memory_space<vmem>> -> memref<128xi32, #tpu.memory_space<vmem>>
      %dma_wait3A_32 = arith.constant 0 : i32
      %dma_wait3A_33 = arith.constant 0 : i32
      %dma_wait3A_34 = tpu.memref_slice %arg2[%dma_wait3A_32, %dma_wait3A_33] : memref<40000x128xf32, #tpu.memory_space<hbm>> -> memref<40000x128xf32, #tpu.memory_space<hbm>>
      tpu.wait_indirect_dma semaphore(%arg10 : memref<!tpu.dma_semaphore, #tpu.memory_space<semaphore_mem>>) src(%dma_wait3A_34 : memref<40000x128xf32, #tpu.memory_space<hbm>>) dst(%arg8 : memref<128x128xf32, #tpu.memory_space<vmem>>)
      "tpu.region"() ({
        %run_scoped3A = tpu.sem_alloc : memref<!tpu.dma_semaphore, #tpu.memory_space<semaphore_mem>>
        %dma_start3A_35 = arith.constant 0 : i32
        %dma_start3A_36 = tpu.memref_slice %arg7[%scan3A_24, %dma_start3A_35] : memref<79x128xi32, #tpu.memory_space<vmem>> -> memref<1x128xi32, #tpu.memory_space<vmem>>
        %dma_start3A_37 = tpu.memref_squeeze %dma_start3A_36 : memref<1x128xi32, #tpu.memory_space<vmem>> -> memref<128xi32, #tpu.memory_space<vmem>>
        %dma_start3A_38 = arith.constant 0 : i32
        %dma_start3A_39 = arith.constant 0 : i32
        %dma_start3A_40 = tpu.memref_slice %arg9[%dma_start3A_38, %dma_start3A_39] : memref<10240x128xf32, #tpu.memory_space<vmem_shared>> -> memref<10240x128xf32, #tpu.memory_space<vmem_shared>>
        tpu.enqueue_indirect_dma source(%arg8 : memref<128x128xf32, #tpu.memory_space<vmem>>) target(%dma_start3A_40 : memref<10240x128xf32, #tpu.memory_space<vmem_shared>>) offsets(%dma_start3A_37 : memref<128xi32, #tpu.memory_space<vmem>>) semaphore(%run_scoped3A : memref<!tpu.dma_semaphore, #tpu.memory_space<semaphore_mem>>) {add = true}
        %dma_wait3A_41 = arith.constant 0 : i32
        %dma_wait3A_42 = tpu.memref_slice %arg7[%scan3A_24, %dma_wait3A_41] : memref<79x128xi32, #tpu.memory_space<vmem>> -> memref<1x128xi32, #tpu.memory_space<vmem>>
        %dma_wait3A_43 = tpu.memref_squeeze %dma_wait3A_42 : memref<1x128xi32, #tpu.memory_space<vmem>> -> memref<128xi32, #tpu.memory_space<vmem>>
        %dma_wait3A_44 = arith.constant 0 : i32
        %dma_wait3A_45 = arith.constant 0 : i32
        %dma_wait3A_46 = tpu.memref_slice %arg9[%dma_wait3A_44, %dma_wait3A_45] : memref<10240x128xf32, #tpu.memory_space<vmem_shared>> -> memref<10240x128xf32, #tpu.memory_space<vmem_shared>>
        tpu.wait_indirect_dma semaphore(%run_scoped3A : memref<!tpu.dma_semaphore, #tpu.memory_space<semaphore_mem>>) src(%arg8 : memref<128x128xf32, #tpu.memory_space<vmem>>) dst(%dma_wait3A_46 : memref<10240x128xf32, #tpu.memory_space<vmem_shared>>)
        tpu.yield
      }) : () -> ()
    }
    %scan3A_18 = arith.constant 79 : i32
    %barrier3A_19 = arith.constant 0 : index
    tpu.barrier barrier_id(%barrier3A_19)
    %mul3A_20 = arith.constant 640 : i32
    %mul3A_21 = arith.muli %arg1, %mul3A_20 : i32
    %mul3A_22 = arith.constant 640 : i32
    %mul3A_23 = arith.muli %arg1, %mul3A_22 : i32
    "tpu.region"() ({
      %run_scoped3A = tpu.sem_alloc : memref<!tpu.dma_semaphore, #tpu.memory_space<semaphore_mem>>
      %dma_start3A = arith.constant 0 : i32
      %dma_start3A_24 = tpu.memref_slice %arg5[%arg0, %mul3A_23, %dma_start3A] : memref<2x10240x128xf32, #tpu.memory_space<hbm>> -> memref<1x640x128xf32, #tpu.memory_space<hbm>>
      %dma_start3A_25 = tpu.memref_squeeze %dma_start3A_24 : memref<1x640x128xf32, #tpu.memory_space<hbm>> -> memref<640x128xf32, #tpu.memory_space<hbm>>
      %dma_start3A_26 = arith.constant 0 : i32
      %dma_start3A_27 = tpu.memref_slice %arg9[%mul3A_21, %dma_start3A_26] : memref<10240x128xf32, #tpu.memory_space<vmem_shared>> -> memref<640x128xf32, #tpu.memory_space<vmem_shared>>
      tpu.enqueue_dma source(%dma_start3A_27 : memref<640x128xf32, #tpu.memory_space<vmem_shared>>) target(%dma_start3A_25 : memref<640x128xf32, #tpu.memory_space<hbm>>) target_semaphore(%run_scoped3A : memref<!tpu.dma_semaphore, #tpu.memory_space<semaphore_mem>>)
      %dma_wait3A = arith.constant 0 : i32
      %dma_wait3A_28 = tpu.memref_slice %arg5[%arg0, %mul3A_23, %dma_wait3A] : memref<2x10240x128xf32, #tpu.memory_space<hbm>> -> memref<1x640x128xf32, #tpu.memory_space<hbm>>
      %dma_wait3A_29 = tpu.memref_squeeze %dma_wait3A_28 : memref<1x640x128xf32, #tpu.memory_space<hbm>> -> memref<640x128xf32, #tpu.memory_space<hbm>>
      %dma_wait3A_30 = arith.constant 0 : i32
      %dma_wait3A_31 = tpu.memref_slice %arg9[%mul3A_21, %dma_wait3A_30] : memref<10240x128xf32, #tpu.memory_space<vmem_shared>> -> memref<640x128xf32, #tpu.memory_space<vmem_shared>>
      tpu.wait_dma2 semaphore(%run_scoped3A : memref<!tpu.dma_semaphore, #tpu.memory_space<semaphore_mem>>) src(%dma_wait3A_31 : memref<640x128xf32, #tpu.memory_space<vmem_shared>>) dst(%dma_wait3A_29 : memref<640x128xf32, #tpu.memory_space<hbm>>)
      tpu.yield
    }) : () -> ()
    return
  }
}

#map = affine_map<(d0, d1) -> (0, 0)>
#map1 = affine_map<(d0, d1) -> (0, 0, 0)>
module attributes {stable_mosaic.version = 14 : i64} {
  func.func @_sc_aggregate(%arg0: i32, %arg1: i32, %arg2: memref<40000x128xf32, #tpu.memory_space<hbm>>, %arg3: memref<32x79x128xi32, #tpu.memory_space<hbm>>, %arg4: memref<32x79x128xi32, #tpu.memory_space<hbm>>, %arg5: memref<2x10240x128xf32, #tpu.memory_space<hbm>>, %arg6: memref<79x128xi32, #tpu.memory_space<vmem>>, %arg7: memref<79x128xi32, #tpu.memory_space<vmem>>, %arg8: memref<128x128xf32, #tpu.memory_space<vmem>>, %arg9: memref<10240x128xf32, #tpu.memory_space<vmem_shared>>, %arg10: memref<!tpu.dma_semaphore, #tpu.memory_space<semaphore_mem>>) attributes {dimension_semantics = [#tpu.dimension_semantics<core_parallel>, #tpu.dimension_semantics<subcore_parallel>], iteration_bounds = array<i64: 2, 16>, scalar_prefetch = 0 : i64, scratch_operands = 5 : i64, tpu.core_type = #tpu.core_type<sc_vector_subcore>, window_params = [{transform_indices = #map}, {transform_indices = #map1}, {transform_indices = #map1}, {transform_indices = #map1}]} {
    %mul3A = arith.constant 2 : i32
    %mul3A_0 = arith.muli %arg1, %mul3A : i32
    %add3A = arith.addi %mul3A_0, %arg0 : i32
    "tpu.region"() ({
      %run_scoped3A = tpu.sem_alloc : memref<!tpu.dma_semaphore, #tpu.memory_space<semaphore_mem>>
      %dma_start3A = arith.constant 0 : i32
      %dma_start3A_24 = arith.constant 0 : i32
      %dma_start3A_25 = tpu.memref_slice %arg3[%add3A, %dma_start3A, %dma_start3A_24] : memref<32x79x128xi32, #tpu.memory_space<hbm>> -> memref<1x79x128xi32, #tpu.memory_space<hbm>>
      %dma_start3A_26 = tpu.memref_squeeze %dma_start3A_25 : memref<1x79x128xi32, #tpu.memory_space<hbm>> -> memref<79x128xi32, #tpu.memory_space<hbm>>
      %dma_start3A_27 = arith.constant 0 : i32
      %dma_start3A_28 = arith.constant 0 : i32
      %dma_start3A_29 = tpu.memref_slice %arg3[%add3A, %dma_start3A_27, %dma_start3A_28] : memref<32x79x128xi32, #tpu.memory_space<hbm>> -> memref<1x79x128xi32, #tpu.memory_space<hbm>>
      %dma_start3A_30 = tpu.memref_squeeze %dma_start3A_29 : memref<1x79x128xi32, #tpu.memory_space<hbm>> -> memref<79x128xi32, #tpu.memory_space<hbm>>
      tpu.enqueue_dma source(%dma_start3A_30 : memref<79x128xi32, #tpu.memory_space<hbm>>) target(%arg6 : memref<79x128xi32, #tpu.memory_space<vmem>>) target_semaphore(%run_scoped3A : memref<!tpu.dma_semaphore, #tpu.memory_space<semaphore_mem>>)
      %dma_wait3A = arith.constant 0 : i32
      %dma_wait3A_31 = arith.constant 0 : i32
      %dma_wait3A_32 = tpu.memref_slice %arg3[%add3A, %dma_wait3A, %dma_wait3A_31] : memref<32x79x128xi32, #tpu.memory_space<hbm>> -> memref<1x79x128xi32, #tpu.memory_space<hbm>>
      %dma_wait3A_33 = tpu.memref_squeeze %dma_wait3A_32 : memref<1x79x128xi32, #tpu.memory_space<hbm>> -> memref<79x128xi32, #tpu.memory_space<hbm>>
      %dma_wait3A_34 = arith.constant 0 : i32
      %dma_wait3A_35 = arith.constant 0 : i32
      %dma_wait3A_36 = tpu.memref_slice %arg3[%add3A, %dma_wait3A_34, %dma_wait3A_35] : memref<32x79x128xi32, #tpu.memory_space<hbm>> -> memref<1x79x128xi32, #tpu.memory_space<hbm>>
      %dma_wait3A_37 = tpu.memref_squeeze %dma_wait3A_36 : memref<1x79x128xi32, #tpu.memory_space<hbm>> -> memref<79x128xi32, #tpu.memory_space<hbm>>
      tpu.wait_dma2 semaphore(%run_scoped3A : memref<!tpu.dma_semaphore, #tpu.memory_space<semaphore_mem>>) src(%dma_wait3A_37 : memref<79x128xi32, #tpu.memory_space<hbm>>) dst(%arg6 : memref<79x128xi32, #tpu.memory_space<vmem>>)
      tpu.yield
    }) : () -> ()
    "tpu.region"() ({
      %run_scoped3A = tpu.sem_alloc : memref<!tpu.dma_semaphore, #tpu.memory_space<semaphore_mem>>
      %dma_start3A = arith.constant 0 : i32
      %dma_start3A_24 = arith.constant 0 : i32
      %dma_start3A_25 = tpu.memref_slice %arg4[%add3A, %dma_start3A, %dma_start3A_24] : memref<32x79x128xi32, #tpu.memory_space<hbm>> -> memref<1x79x128xi32, #tpu.memory_space<hbm>>
      %dma_start3A_26 = tpu.memref_squeeze %dma_start3A_25 : memref<1x79x128xi32, #tpu.memory_space<hbm>> -> memref<79x128xi32, #tpu.memory_space<hbm>>
      %dma_start3A_27 = arith.constant 0 : i32
      %dma_start3A_28 = arith.constant 0 : i32
      %dma_start3A_29 = tpu.memref_slice %arg4[%add3A, %dma_start3A_27, %dma_start3A_28] : memref<32x79x128xi32, #tpu.memory_space<hbm>> -> memref<1x79x128xi32, #tpu.memory_space<hbm>>
      %dma_start3A_30 = tpu.memref_squeeze %dma_start3A_29 : memref<1x79x128xi32, #tpu.memory_space<hbm>> -> memref<79x128xi32, #tpu.memory_space<hbm>>
      tpu.enqueue_dma source(%dma_start3A_30 : memref<79x128xi32, #tpu.memory_space<hbm>>) target(%arg7 : memref<79x128xi32, #tpu.memory_space<vmem>>) target_semaphore(%run_scoped3A : memref<!tpu.dma_semaphore, #tpu.memory_space<semaphore_mem>>)
      %dma_wait3A = arith.constant 0 : i32
      %dma_wait3A_31 = arith.constant 0 : i32
      %dma_wait3A_32 = tpu.memref_slice %arg4[%add3A, %dma_wait3A, %dma_wait3A_31] : memref<32x79x128xi32, #tpu.memory_space<hbm>> -> memref<1x79x128xi32, #tpu.memory_space<hbm>>
      %dma_wait3A_33 = tpu.memref_squeeze %dma_wait3A_32 : memref<1x79x128xi32, #tpu.memory_space<hbm>> -> memref<79x128xi32, #tpu.memory_space<hbm>>
      %dma_wait3A_34 = arith.constant 0 : i32
      %dma_wait3A_35 = arith.constant 0 : i32
      %dma_wait3A_36 = tpu.memref_slice %arg4[%add3A, %dma_wait3A_34, %dma_wait3A_35] : memref<32x79x128xi32, #tpu.memory_space<hbm>> -> memref<1x79x128xi32, #tpu.memory_space<hbm>>
      %dma_wait3A_37 = tpu.memref_squeeze %dma_wait3A_36 : memref<1x79x128xi32, #tpu.memory_space<hbm>> -> memref<79x128xi32, #tpu.memory_space<hbm>>
      tpu.wait_dma2 semaphore(%run_scoped3A : memref<!tpu.dma_semaphore, #tpu.memory_space<semaphore_mem>>) src(%dma_wait3A_37 : memref<79x128xi32, #tpu.memory_space<hbm>>) dst(%arg7 : memref<79x128xi32, #tpu.memory_space<vmem>>)
      tpu.yield
    }) : () -> ()
    %broadcast_in_dim3A = arith.constant 0.000000e+00 : f32
    %broadcast_in_dim3A_1 = vector.broadcast %broadcast_in_dim3A : f32 to vector<16xf32>
    %scan3A = arith.constant 0 : i32
    %scan3A_2 = arith.constant 0 : i32
    %scan3A_3 = arith.constant 1024 : i32
    %scan3A_4 = arith.addi %scan3A_2, %scan3A_3 : i32
    %scan3A_5 = arith.constant 1 : i32
    scf.for %scan3A_24 = %scan3A_2 to %scan3A_4 step %scan3A_5  : i32 {
      %jit3A = arith.constant 8 : i32
      %div3A = arith.divsi %scan3A_24, %jit3A : i32
      %sign3A = arith.constant 0 : i32
      %sign3A_25 = arith.cmpi sgt, %scan3A_24, %sign3A : i32
      %sign3A_26 = arith.extui %sign3A_25 : i1 to i32
      %sign3A_27 = arith.constant 0 : i32
      %sign3A_28 = arith.cmpi slt, %scan3A_24, %sign3A_27 : i32
      %sign3A_29 = arith.extui %sign3A_28 : i1 to i32
      %sign3A_30 = arith.subi %sign3A_26, %sign3A_29 : i32
      %sign3A_31 = arith.constant 0 : i32
      %sign3A_32 = arith.cmpi sgt, %jit3A, %sign3A_31 : i32
      %sign3A_33 = arith.extui %sign3A_32 : i1 to i32
      %sign3A_34 = arith.constant 0 : i32
      %sign3A_35 = arith.cmpi slt, %jit3A, %sign3A_34 : i32
      %sign3A_36 = arith.extui %sign3A_35 : i1 to i32
      %sign3A_37 = arith.subi %sign3A_33, %sign3A_36 : i32
      %ne3A = arith.cmpi ne, %sign3A_30, %sign3A_37 : i32
      %rem3A = arith.remsi %scan3A_24, %jit3A : i32
      %ne3A_38 = arith.constant 0 : i32
      %ne3A_39 = arith.cmpi ne, %rem3A, %ne3A_38 : i32
      %and3A = arith.andi %ne3A, %ne3A_39 : i1
      %sub3A = arith.constant 1 : i32
      %sub3A_40 = arith.subi %div3A, %sub3A : i32
      %select_n3A = arith.select %and3A, %sub3A_40, %div3A : i32
      %rem3A_41 = arith.constant 8 : i32
      %rem3A_42 = arith.remsi %scan3A_24, %rem3A_41 : i32
      %mul3A_43 = arith.constant 16 : i32
      %mul3A_44 = arith.muli %rem3A_42, %mul3A_43 : i32
      %swap3A = arith.index_cast %select_n3A : i32 to index
      %swap3A_45 = arith.index_cast %mul3A_44 : i32 to index
      %swap3A_46 = tpu.vector_load %arg8[%swap3A, %swap3A_45] {strides = array<i32>} : memref<128x128xf32, #tpu.memory_space<vmem>>, vector<1x16xf32>,
      %swap3A_47 = vector.shape_cast %swap3A_46 : vector<1x16xf32> to vector<16xf32>
      %swap3A_48 = vector.shape_cast %broadcast_in_dim3A_1 : vector<16xf32> to vector<1x16xf32>
      tpu.vector_store %arg8[%swap3A, %swap3A_45], %swap3A_48 {strides = array<i32>} : memref<128x128xf32, #tpu.memory_space<vmem>>, vector<1x16xf32>,
    }
    %scan3A_6 = arith.constant 1024 : i32
    %scan3A_7 = arith.constant 0 : i32
    %scan3A_8 = arith.constant 0 : i32
    %scan3A_9 = arith.constant 5 : i32
    %scan3A_10 = arith.addi %scan3A_8, %scan3A_9 : i32
    %scan3A_11 = arith.constant 1 : i32
    scf.for %scan3A_24 = %scan3A_8 to %scan3A_10 step %scan3A_11  : i32 {
      %mul3A_25 = arith.constant 640 : i32
      %mul3A_26 = arith.muli %arg1, %mul3A_25 : i32
      %mul3A_27 = arith.constant 128 : i32
      %mul3A_28 = arith.muli %scan3A_24, %mul3A_27 : i32
      %add3A_29 = arith.addi %mul3A_26, %mul3A_28 : i32
      "tpu.region"() ({
        %run_scoped3A = tpu.sem_alloc : memref<!tpu.dma_semaphore, #tpu.memory_space<semaphore_mem>>
        %dma_start3A = arith.constant 0 : i32
        %dma_start3A_30 = tpu.memref_slice %arg9[%add3A_29, %dma_start3A] : memref<10240x128xf32, #tpu.memory_space<vmem_shared>> -> memref<128x128xf32, #tpu.memory_space<vmem_shared>>
        %dma_start3A_31 = arith.constant 0 : i32
        %dma_start3A_32 = tpu.memref_slice %arg9[%add3A_29, %dma_start3A_31] : memref<10240x128xf32, #tpu.memory_space<vmem_shared>> -> memref<128x128xf32, #tpu.memory_space<vmem_shared>>
        tpu.enqueue_dma source(%arg8 : memref<128x128xf32, #tpu.memory_space<vmem>>) target(%dma_start3A_32 : memref<128x128xf32, #tpu.memory_space<vmem_shared>>) target_semaphore(%run_scoped3A : memref<!tpu.dma_semaphore, #tpu.memory_space<semaphore_mem>>)
        %dma_wait3A = arith.constant 0 : i32
        %dma_wait3A_33 = tpu.memref_slice %arg9[%add3A_29, %dma_wait3A] : memref<10240x128xf32, #tpu.memory_space<vmem_shared>> -> memref<128x128xf32, #tpu.memory_space<vmem_shared>>
        %dma_wait3A_34 = arith.constant 0 : i32
        %dma_wait3A_35 = tpu.memref_slice %arg9[%add3A_29, %dma_wait3A_34] : memref<10240x128xf32, #tpu.memory_space<vmem_shared>> -> memref<128x128xf32, #tpu.memory_space<vmem_shared>>
        tpu.wait_dma2 semaphore(%run_scoped3A : memref<!tpu.dma_semaphore, #tpu.memory_space<semaphore_mem>>) src(%arg8 : memref<128x128xf32, #tpu.memory_space<vmem>>) dst(%dma_wait3A_35 : memref<128x128xf32, #tpu.memory_space<vmem_shared>>)
        tpu.yield
      }) : () -> ()
    }
    %scan3A_12 = arith.constant 5 : i32
    %barrier3A = arith.constant 0 : index
    tpu.barrier barrier_id(%barrier3A)
    %scan3A_13 = arith.constant 0 : i32
    %scan3A_14 = arith.constant 0 : i32
    %scan3A_15 = arith.constant 79 : i32
    %scan3A_16 = arith.addi %scan3A_14, %scan3A_15 : i32
    %scan3A_17 = arith.constant 1 : i32
    scf.for %scan3A_24 = %scan3A_14 to %scan3A_16 step %scan3A_17  : i32 {
      %dma_start3A = arith.constant 0 : i32
      %dma_start3A_25 = tpu.memref_slice %arg6[%scan3A_24, %dma_start3A] : memref<79x128xi32, #tpu.memory_space<vmem>> -> memref<1x128xi32, #tpu.memory_space<vmem>>
      %dma_start3A_26 = tpu.memref_squeeze %dma_start3A_25 : memref<1x128xi32, #tpu.memory_space<vmem>> -> memref<128xi32, #tpu.memory_space<vmem>>
      %dma_start3A_27 = arith.constant 0 : i32
      %dma_start3A_28 = arith.constant 0 : i32
      %dma_start3A_29 = tpu.memref_slice %arg2[%dma_start3A_27, %dma_start3A_28] : memref<40000x128xf32, #tpu.memory_space<hbm>> -> memref<40000x128xf32, #tpu.memory_space<hbm>>
      tpu.enqueue_indirect_dma source(%dma_start3A_29 : memref<40000x128xf32, #tpu.memory_space<hbm>>) target(%arg8 : memref<128x128xf32, #tpu.memory_space<vmem>>) offsets(%dma_start3A_26 : memref<128xi32, #tpu.memory_space<vmem>>) semaphore(%arg10 : memref<!tpu.dma_semaphore, #tpu.memory_space<semaphore_mem>>)
      %dma_wait3A = arith.constant 0 : i32
      %dma_wait3A_30 = tpu.memref_slice %arg6[%scan3A_24, %dma_wait3A] : memref<79x128xi32, #tpu.memory_space<vmem>> -> memref<1x128xi32, #tpu.memory_space<vmem>>
      %dma_wait3A_31 = tpu.memref_squeeze %dma_wait3A_30 : memref<1x128xi32, #tpu.memory_space<vmem>> -> memref<128xi32, #tpu.memory_space<vmem>>
      %dma_wait3A_32 = arith.constant 0 : i32
      %dma_wait3A_33 = arith.constant 0 : i32
      %dma_wait3A_34 = tpu.memref_slice %arg2[%dma_wait3A_32, %dma_wait3A_33] : memref<40000x128xf32, #tpu.memory_space<hbm>> -> memref<40000x128xf32, #tpu.memory_space<hbm>>
      tpu.wait_indirect_dma semaphore(%arg10 : memref<!tpu.dma_semaphore, #tpu.memory_space<semaphore_mem>>) src(%dma_wait3A_34 : memref<40000x128xf32, #tpu.memory_space<hbm>>) dst(%arg8 : memref<128x128xf32, #tpu.memory_space<vmem>>)
      "tpu.region"() ({
        %run_scoped3A = tpu.sem_alloc : memref<!tpu.dma_semaphore, #tpu.memory_space<semaphore_mem>>
        %dma_start3A_35 = arith.constant 0 : i32
        %dma_start3A_36 = tpu.memref_slice %arg7[%scan3A_24, %dma_start3A_35] : memref<79x128xi32, #tpu.memory_space<vmem>> -> memref<1x128xi32, #tpu.memory_space<vmem>>
        %dma_start3A_37 = tpu.memref_squeeze %dma_start3A_36 : memref<1x128xi32, #tpu.memory_space<vmem>> -> memref<128xi32, #tpu.memory_space<vmem>>
        %dma_start3A_38 = arith.constant 0 : i32
        %dma_start3A_39 = arith.constant 0 : i32
        %dma_start3A_40 = tpu.memref_slice %arg9[%dma_start3A_38, %dma_start3A_39] : memref<10240x128xf32, #tpu.memory_space<vmem_shared>> -> memref<10240x128xf32, #tpu.memory_space<vmem_shared>>
        tpu.enqueue_indirect_dma source(%arg8 : memref<128x128xf32, #tpu.memory_space<vmem>>) target(%dma_start3A_40 : memref<10240x128xf32, #tpu.memory_space<vmem_shared>>) offsets(%dma_start3A_37 : memref<128xi32, #tpu.memory_space<vmem>>) semaphore(%run_scoped3A : memref<!tpu.dma_semaphore, #tpu.memory_space<semaphore_mem>>) {add = true}
        %dma_wait3A_41 = arith.constant 0 : i32
        %dma_wait3A_42 = tpu.memref_slice %arg7[%scan3A_24, %dma_wait3A_41] : memref<79x128xi32, #tpu.memory_space<vmem>> -> memref<1x128xi32, #tpu.memory_space<vmem>>
        %dma_wait3A_43 = tpu.memref_squeeze %dma_wait3A_42 : memref<1x128xi32, #tpu.memory_space<vmem>> -> memref<128xi32, #tpu.memory_space<vmem>>
        %dma_wait3A_44 = arith.constant 0 : i32
        %dma_wait3A_45 = arith.constant 0 : i32
        %dma_wait3A_46 = tpu.memref_slice %arg9[%dma_wait3A_44, %dma_wait3A_45] : memref<10240x128xf32, #tpu.memory_space<vmem_shared>> -> memref<10240x128xf32, #tpu.memory_space<vmem_shared>>
        tpu.wait_indirect_dma semaphore(%run_scoped3A : memref<!tpu.dma_semaphore, #tpu.memory_space<semaphore_mem>>) src(%arg8 : memref<128x128xf32, #tpu.memory_space<vmem>>) dst(%dma_wait3A_46 : memref<10240x128xf32, #tpu.memory_space<vmem_shared>>)
        tpu.yield
      }) : () -> ()
    }
    %scan3A_18 = arith.constant 79 : i32
    %barrier3A_19 = arith.constant 0 : index
    tpu.barrier barrier_id(%barrier3A_19)
    %mul3A_20 = arith.constant 640 : i32
    %mul3A_21 = arith.muli %arg1, %mul3A_20 : i32
    %mul3A_22 = arith.constant 640 : i32
    %mul3A_23 = arith.muli %arg1, %mul3A_22 : i32
    "tpu.region"() ({
      %run_scoped3A = tpu.sem_alloc : memref<!tpu.dma_semaphore, #tpu.memory_space<semaphore_mem>>
      %dma_start3A = arith.constant 0 : i32
      %dma_start3A_24 = tpu.memref_slice %arg5[%arg0, %mul3A_23, %dma_start3A] : memref<2x10240x128xf32, #tpu.memory_space<hbm>> -> memref<1x640x128xf32, #tpu.memory_space<hbm>>
      %dma_start3A_25 = tpu.memref_squeeze %dma_start3A_24 : memref<1x640x128xf32, #tpu.memory_space<hbm>> -> memref<640x128xf32, #tpu.memory_space<hbm>>
      %dma_start3A_26 = arith.constant 0 : i32
      %dma_start3A_27 = tpu.memref_slice %arg9[%mul3A_21, %dma_start3A_26] : memref<10240x128xf32, #tpu.memory_space<vmem_shared>> -> memref<640x128xf32, #tpu.memory_space<vmem_shared>>
      tpu.enqueue_dma source(%dma_start3A_27 : memref<640x128xf32, #tpu.memory_space<vmem_shared>>) target(%dma_start3A_25 : memref<640x128xf32, #tpu.memory_space<hbm>>) target_semaphore(%run_scoped3A : memref<!tpu.dma_semaphore, #tpu.memory_space<semaphore_mem>>)
      %dma_wait3A = arith.constant 0 : i32
      %dma_wait3A_28 = tpu.memref_slice %arg5[%arg0, %mul3A_23, %dma_wait3A] : memref<2x10240x128xf32, #tpu.memory_space<hbm>> -> memref<1x640x128xf32, #tpu.memory_space<hbm>>
      %dma_wait3A_29 = tpu.memref_squeeze %dma_wait3A_28 : memref<1x640x128xf32, #tpu.memory_space<hbm>> -> memref<640x128xf32, #tpu.memory_space<hbm>>
      %dma_wait3A_30 = arith.constant 0 : i32
      %dma_wait3A_31 = tpu.memref_slice %arg9[%mul3A_21, %dma_wait3A_30] : memref<10240x128xf32, #tpu.memory_space<vmem_shared>> -> memref<640x128xf32, #tpu.memory_space<vmem_shared>>
      tpu.wait_dma2 semaphore(%run_scoped3A : memref<!tpu.dma_semaphore, #tpu.memory_space<semaphore_mem>>) src(%dma_wait3A_31 : memref<640x128xf32, #tpu.memory_space<vmem_shared>>) dst(%dma_wait3A_29 : memref<640x128xf32, #tpu.memory_space<hbm>>)
      tpu.yield
    }) : () -> ()
    return
  }
}

#map = affine_map<(d0, d1) -> (0, 0)>
#map1 = affine_map<(d0, d1) -> (0, 0, 0)>
module attributes {stable_mosaic.version = 14 : i64} {
  func.func @_sc_aggregate(%arg0: i32, %arg1: i32, %arg2: memref<40000x128xf32, #tpu.memory_space<hbm>>, %arg3: memref<32x79x128xi32, #tpu.memory_space<hbm>>, %arg4: memref<32x79x128xi32, #tpu.memory_space<hbm>>, %arg5: memref<2x10240x128xf32, #tpu.memory_space<hbm>>, %arg6: memref<79x128xi32, #tpu.memory_space<vmem>>, %arg7: memref<79x128xi32, #tpu.memory_space<vmem>>, %arg8: memref<128x128xf32, #tpu.memory_space<vmem>>, %arg9: memref<10240x128xf32, #tpu.memory_space<vmem_shared>>, %arg10: memref<!tpu.dma_semaphore, #tpu.memory_space<semaphore_mem>>) attributes {dimension_semantics = [#tpu.dimension_semantics<core_parallel>, #tpu.dimension_semantics<subcore_parallel>], iteration_bounds = array<i64: 2, 16>, scalar_prefetch = 0 : i64, scratch_operands = 5 : i64, tpu.core_type = #tpu.core_type<sc_vector_subcore>, window_params = [{transform_indices = #map}, {transform_indices = #map1}, {transform_indices = #map1}, {transform_indices = #map1}]} {
    %mul3A = arith.constant 2 : i32
    %mul3A_0 = arith.muli %arg1, %mul3A : i32
    %add3A = arith.addi %mul3A_0, %arg0 : i32
    "tpu.region"() ({
      %run_scoped3A = tpu.sem_alloc : memref<!tpu.dma_semaphore, #tpu.memory_space<semaphore_mem>>
      %dma_start3A = arith.constant 0 : i32
      %dma_start3A_24 = arith.constant 0 : i32
      %dma_start3A_25 = tpu.memref_slice %arg3[%add3A, %dma_start3A, %dma_start3A_24] : memref<32x79x128xi32, #tpu.memory_space<hbm>> -> memref<1x79x128xi32, #tpu.memory_space<hbm>>
      %dma_start3A_26 = tpu.memref_squeeze %dma_start3A_25 : memref<1x79x128xi32, #tpu.memory_space<hbm>> -> memref<79x128xi32, #tpu.memory_space<hbm>>
      %dma_start3A_27 = arith.constant 0 : i32
      %dma_start3A_28 = arith.constant 0 : i32
      %dma_start3A_29 = tpu.memref_slice %arg3[%add3A, %dma_start3A_27, %dma_start3A_28] : memref<32x79x128xi32, #tpu.memory_space<hbm>> -> memref<1x79x128xi32, #tpu.memory_space<hbm>>
      %dma_start3A_30 = tpu.memref_squeeze %dma_start3A_29 : memref<1x79x128xi32, #tpu.memory_space<hbm>> -> memref<79x128xi32, #tpu.memory_space<hbm>>
      tpu.enqueue_dma source(%dma_start3A_30 : memref<79x128xi32, #tpu.memory_space<hbm>>) target(%arg6 : memref<79x128xi32, #tpu.memory_space<vmem>>) target_semaphore(%run_scoped3A : memref<!tpu.dma_semaphore, #tpu.memory_space<semaphore_mem>>)
      %dma_wait3A = arith.constant 0 : i32
      %dma_wait3A_31 = arith.constant 0 : i32
      %dma_wait3A_32 = tpu.memref_slice %arg3[%add3A, %dma_wait3A, %dma_wait3A_31] : memref<32x79x128xi32, #tpu.memory_space<hbm>> -> memref<1x79x128xi32, #tpu.memory_space<hbm>>
      %dma_wait3A_33 = tpu.memref_squeeze %dma_wait3A_32 : memref<1x79x128xi32, #tpu.memory_space<hbm>> -> memref<79x128xi32, #tpu.memory_space<hbm>>
      %dma_wait3A_34 = arith.constant 0 : i32
      %dma_wait3A_35 = arith.constant 0 : i32
      %dma_wait3A_36 = tpu.memref_slice %arg3[%add3A, %dma_wait3A_34, %dma_wait3A_35] : memref<32x79x128xi32, #tpu.memory_space<hbm>> -> memref<1x79x128xi32, #tpu.memory_space<hbm>>
      %dma_wait3A_37 = tpu.memref_squeeze %dma_wait3A_36 : memref<1x79x128xi32, #tpu.memory_space<hbm>> -> memref<79x128xi32, #tpu.memory_space<hbm>>
      tpu.wait_dma2 semaphore(%run_scoped3A : memref<!tpu.dma_semaphore, #tpu.memory_space<semaphore_mem>>) src(%dma_wait3A_37 : memref<79x128xi32, #tpu.memory_space<hbm>>) dst(%arg6 : memref<79x128xi32, #tpu.memory_space<vmem>>)
      tpu.yield
    }) : () -> ()
    "tpu.region"() ({
      %run_scoped3A = tpu.sem_alloc : memref<!tpu.dma_semaphore, #tpu.memory_space<semaphore_mem>>
      %dma_start3A = arith.constant 0 : i32
      %dma_start3A_24 = arith.constant 0 : i32
      %dma_start3A_25 = tpu.memref_slice %arg4[%add3A, %dma_start3A, %dma_start3A_24] : memref<32x79x128xi32, #tpu.memory_space<hbm>> -> memref<1x79x128xi32, #tpu.memory_space<hbm>>
      %dma_start3A_26 = tpu.memref_squeeze %dma_start3A_25 : memref<1x79x128xi32, #tpu.memory_space<hbm>> -> memref<79x128xi32, #tpu.memory_space<hbm>>
      %dma_start3A_27 = arith.constant 0 : i32
      %dma_start3A_28 = arith.constant 0 : i32
      %dma_start3A_29 = tpu.memref_slice %arg4[%add3A, %dma_start3A_27, %dma_start3A_28] : memref<32x79x128xi32, #tpu.memory_space<hbm>> -> memref<1x79x128xi32, #tpu.memory_space<hbm>>
      %dma_start3A_30 = tpu.memref_squeeze %dma_start3A_29 : memref<1x79x128xi32, #tpu.memory_space<hbm>> -> memref<79x128xi32, #tpu.memory_space<hbm>>
      tpu.enqueue_dma source(%dma_start3A_30 : memref<79x128xi32, #tpu.memory_space<hbm>>) target(%arg7 : memref<79x128xi32, #tpu.memory_space<vmem>>) target_semaphore(%run_scoped3A : memref<!tpu.dma_semaphore, #tpu.memory_space<semaphore_mem>>)
      %dma_wait3A = arith.constant 0 : i32
      %dma_wait3A_31 = arith.constant 0 : i32
      %dma_wait3A_32 = tpu.memref_slice %arg4[%add3A, %dma_wait3A, %dma_wait3A_31] : memref<32x79x128xi32, #tpu.memory_space<hbm>> -> memref<1x79x128xi32, #tpu.memory_space<hbm>>
      %dma_wait3A_33 = tpu.memref_squeeze %dma_wait3A_32 : memref<1x79x128xi32, #tpu.memory_space<hbm>> -> memref<79x128xi32, #tpu.memory_space<hbm>>
      %dma_wait3A_34 = arith.constant 0 : i32
      %dma_wait3A_35 = arith.constant 0 : i32
      %dma_wait3A_36 = tpu.memref_slice %arg4[%add3A, %dma_wait3A_34, %dma_wait3A_35] : memref<32x79x128xi32, #tpu.memory_space<hbm>> -> memref<1x79x128xi32, #tpu.memory_space<hbm>>
      %dma_wait3A_37 = tpu.memref_squeeze %dma_wait3A_36 : memref<1x79x128xi32, #tpu.memory_space<hbm>> -> memref<79x128xi32, #tpu.memory_space<hbm>>
      tpu.wait_dma2 semaphore(%run_scoped3A : memref<!tpu.dma_semaphore, #tpu.memory_space<semaphore_mem>>) src(%dma_wait3A_37 : memref<79x128xi32, #tpu.memory_space<hbm>>) dst(%arg7 : memref<79x128xi32, #tpu.memory_space<vmem>>)
      tpu.yield
    }) : () -> ()
    %broadcast_in_dim3A = arith.constant 0.000000e+00 : f32
    %broadcast_in_dim3A_1 = vector.broadcast %broadcast_in_dim3A : f32 to vector<16xf32>
    %scan3A = arith.constant 0 : i32
    %scan3A_2 = arith.constant 0 : i32
    %scan3A_3 = arith.constant 1024 : i32
    %scan3A_4 = arith.addi %scan3A_2, %scan3A_3 : i32
    %scan3A_5 = arith.constant 1 : i32
    scf.for %scan3A_24 = %scan3A_2 to %scan3A_4 step %scan3A_5  : i32 {
      %jit3A = arith.constant 8 : i32
      %div3A = arith.divsi %scan3A_24, %jit3A : i32
      %sign3A = arith.constant 0 : i32
      %sign3A_25 = arith.cmpi sgt, %scan3A_24, %sign3A : i32
      %sign3A_26 = arith.extui %sign3A_25 : i1 to i32
      %sign3A_27 = arith.constant 0 : i32
      %sign3A_28 = arith.cmpi slt, %scan3A_24, %sign3A_27 : i32
      %sign3A_29 = arith.extui %sign3A_28 : i1 to i32
      %sign3A_30 = arith.subi %sign3A_26, %sign3A_29 : i32
      %sign3A_31 = arith.constant 0 : i32
      %sign3A_32 = arith.cmpi sgt, %jit3A, %sign3A_31 : i32
      %sign3A_33 = arith.extui %sign3A_32 : i1 to i32
      %sign3A_34 = arith.constant 0 : i32
      %sign3A_35 = arith.cmpi slt, %jit3A, %sign3A_34 : i32
      %sign3A_36 = arith.extui %sign3A_35 : i1 to i32
      %sign3A_37 = arith.subi %sign3A_33, %sign3A_36 : i32
      %ne3A = arith.cmpi ne, %sign3A_30, %sign3A_37 : i32
      %rem3A = arith.remsi %scan3A_24, %jit3A : i32
      %ne3A_38 = arith.constant 0 : i32
      %ne3A_39 = arith.cmpi ne, %rem3A, %ne3A_38 : i32
      %and3A = arith.andi %ne3A, %ne3A_39 : i1
      %sub3A = arith.constant 1 : i32
      %sub3A_40 = arith.subi %div3A, %sub3A : i32
      %select_n3A = arith.select %and3A, %sub3A_40, %div3A : i32
      %rem3A_41 = arith.constant 8 : i32
      %rem3A_42 = arith.remsi %scan3A_24, %rem3A_41 : i32
      %mul3A_43 = arith.constant 16 : i32
      %mul3A_44 = arith.muli %rem3A_42, %mul3A_43 : i32
      %swap3A = arith.index_cast %select_n3A : i32 to index
      %swap3A_45 = arith.index_cast %mul3A_44 : i32 to index
      %swap3A_46 = tpu.vector_load %arg8[%swap3A, %swap3A_45] {strides = array<i32>} : memref<128x128xf32, #tpu.memory_space<vmem>>, vector<1x16xf32>,
      %swap3A_47 = vector.shape_cast %swap3A_46 : vector<1x16xf32> to vector<16xf32>
      %swap3A_48 = vector.shape_cast %broadcast_in_dim3A_1 : vector<16xf32> to vector<1x16xf32>
      tpu.vector_store %arg8[%swap3A, %swap3A_45], %swap3A_48 {strides = array<i32>} : memref<128x128xf32, #tpu.memory_space<vmem>>, vector<1x16xf32>,
    }
    %scan3A_6 = arith.constant 1024 : i32
    %scan3A_7 = arith.constant 0 : i32
    %scan3A_8 = arith.constant 0 : i32
    %scan3A_9 = arith.constant 5 : i32
    %scan3A_10 = arith.addi %scan3A_8, %scan3A_9 : i32
    %scan3A_11 = arith.constant 1 : i32
    scf.for %scan3A_24 = %scan3A_8 to %scan3A_10 step %scan3A_11  : i32 {
      %mul3A_25 = arith.constant 640 : i32
      %mul3A_26 = arith.muli %arg1, %mul3A_25 : i32
      %mul3A_27 = arith.constant 128 : i32
      %mul3A_28 = arith.muli %scan3A_24, %mul3A_27 : i32
      %add3A_29 = arith.addi %mul3A_26, %mul3A_28 : i32
      "tpu.region"() ({
        %run_scoped3A = tpu.sem_alloc : memref<!tpu.dma_semaphore, #tpu.memory_space<semaphore_mem>>
        %dma_start3A = arith.constant 0 : i32
        %dma_start3A_30 = tpu.memref_slice %arg9[%add3A_29, %dma_start3A] : memref<10240x128xf32, #tpu.memory_space<vmem_shared>> -> memref<128x128xf32, #tpu.memory_space<vmem_shared>>
        %dma_start3A_31 = arith.constant 0 : i32
        %dma_start3A_32 = tpu.memref_slice %arg9[%add3A_29, %dma_start3A_31] : memref<10240x128xf32, #tpu.memory_space<vmem_shared>> -> memref<128x128xf32, #tpu.memory_space<vmem_shared>>
        tpu.enqueue_dma source(%arg8 : memref<128x128xf32, #tpu.memory_space<vmem>>) target(%dma_start3A_32 : memref<128x128xf32, #tpu.memory_space<vmem_shared>>) target_semaphore(%run_scoped3A : memref<!tpu.dma_semaphore, #tpu.memory_space<semaphore_mem>>)
        %dma_wait3A = arith.constant 0 : i32
        %dma_wait3A_33 = tpu.memref_slice %arg9[%add3A_29, %dma_wait3A] : memref<10240x128xf32, #tpu.memory_space<vmem_shared>> -> memref<128x128xf32, #tpu.memory_space<vmem_shared>>
        %dma_wait3A_34 = arith.constant 0 : i32
        %dma_wait3A_35 = tpu.memref_slice %arg9[%add3A_29, %dma_wait3A_34] : memref<10240x128xf32, #tpu.memory_space<vmem_shared>> -> memref<128x128xf32, #tpu.memory_space<vmem_shared>>
        tpu.wait_dma2 semaphore(%run_scoped3A : memref<!tpu.dma_semaphore, #tpu.memory_space<semaphore_mem>>) src(%arg8 : memref<128x128xf32, #tpu.memory_space<vmem>>) dst(%dma_wait3A_35 : memref<128x128xf32, #tpu.memory_space<vmem_shared>>)
        tpu.yield
      }) : () -> ()
    }
    %scan3A_12 = arith.constant 5 : i32
    %barrier3A = arith.constant 0 : index
    tpu.barrier barrier_id(%barrier3A)
    %scan3A_13 = arith.constant 0 : i32
    %scan3A_14 = arith.constant 0 : i32
    %scan3A_15 = arith.constant 79 : i32
    %scan3A_16 = arith.addi %scan3A_14, %scan3A_15 : i32
    %scan3A_17 = arith.constant 1 : i32
    scf.for %scan3A_24 = %scan3A_14 to %scan3A_16 step %scan3A_17  : i32 {
      %dma_start3A = arith.constant 0 : i32
      %dma_start3A_25 = tpu.memref_slice %arg6[%scan3A_24, %dma_start3A] : memref<79x128xi32, #tpu.memory_space<vmem>> -> memref<1x128xi32, #tpu.memory_space<vmem>>
      %dma_start3A_26 = tpu.memref_squeeze %dma_start3A_25 : memref<1x128xi32, #tpu.memory_space<vmem>> -> memref<128xi32, #tpu.memory_space<vmem>>
      %dma_start3A_27 = arith.constant 0 : i32
      %dma_start3A_28 = arith.constant 0 : i32
      %dma_start3A_29 = tpu.memref_slice %arg2[%dma_start3A_27, %dma_start3A_28] : memref<40000x128xf32, #tpu.memory_space<hbm>> -> memref<40000x128xf32, #tpu.memory_space<hbm>>
      tpu.enqueue_indirect_dma source(%dma_start3A_29 : memref<40000x128xf32, #tpu.memory_space<hbm>>) target(%arg8 : memref<128x128xf32, #tpu.memory_space<vmem>>) offsets(%dma_start3A_26 : memref<128xi32, #tpu.memory_space<vmem>>) semaphore(%arg10 : memref<!tpu.dma_semaphore, #tpu.memory_space<semaphore_mem>>)
      %dma_wait3A = arith.constant 0 : i32
      %dma_wait3A_30 = tpu.memref_slice %arg6[%scan3A_24, %dma_wait3A] : memref<79x128xi32, #tpu.memory_space<vmem>> -> memref<1x128xi32, #tpu.memory_space<vmem>>
      %dma_wait3A_31 = tpu.memref_squeeze %dma_wait3A_30 : memref<1x128xi32, #tpu.memory_space<vmem>> -> memref<128xi32, #tpu.memory_space<vmem>>
      %dma_wait3A_32 = arith.constant 0 : i32
      %dma_wait3A_33 = arith.constant 0 : i32
      %dma_wait3A_34 = tpu.memref_slice %arg2[%dma_wait3A_32, %dma_wait3A_33] : memref<40000x128xf32, #tpu.memory_space<hbm>> -> memref<40000x128xf32, #tpu.memory_space<hbm>>
      tpu.wait_indirect_dma semaphore(%arg10 : memref<!tpu.dma_semaphore, #tpu.memory_space<semaphore_mem>>) src(%dma_wait3A_34 : memref<40000x128xf32, #tpu.memory_space<hbm>>) dst(%arg8 : memref<128x128xf32, #tpu.memory_space<vmem>>)
      "tpu.region"() ({
        %run_scoped3A = tpu.sem_alloc : memref<!tpu.dma_semaphore, #tpu.memory_space<semaphore_mem>>
        %dma_start3A_35 = arith.constant 0 : i32
        %dma_start3A_36 = tpu.memref_slice %arg7[%scan3A_24, %dma_start3A_35] : memref<79x128xi32, #tpu.memory_space<vmem>> -> memref<1x128xi32, #tpu.memory_space<vmem>>
        %dma_start3A_37 = tpu.memref_squeeze %dma_start3A_36 : memref<1x128xi32, #tpu.memory_space<vmem>> -> memref<128xi32, #tpu.memory_space<vmem>>
        %dma_start3A_38 = arith.constant 0 : i32
        %dma_start3A_39 = arith.constant 0 : i32
        %dma_start3A_40 = tpu.memref_slice %arg9[%dma_start3A_38, %dma_start3A_39] : memref<10240x128xf32, #tpu.memory_space<vmem_shared>> -> memref<10240x128xf32, #tpu.memory_space<vmem_shared>>
        tpu.enqueue_indirect_dma source(%arg8 : memref<128x128xf32, #tpu.memory_space<vmem>>) target(%dma_start3A_40 : memref<10240x128xf32, #tpu.memory_space<vmem_shared>>) offsets(%dma_start3A_37 : memref<128xi32, #tpu.memory_space<vmem>>) semaphore(%run_scoped3A : memref<!tpu.dma_semaphore, #tpu.memory_space<semaphore_mem>>) {add = true}
        %dma_wait3A_41 = arith.constant 0 : i32
        %dma_wait3A_42 = tpu.memref_slice %arg7[%scan3A_24, %dma_wait3A_41] : memref<79x128xi32, #tpu.memory_space<vmem>> -> memref<1x128xi32, #tpu.memory_space<vmem>>
        %dma_wait3A_43 = tpu.memref_squeeze %dma_wait3A_42 : memref<1x128xi32, #tpu.memory_space<vmem>> -> memref<128xi32, #tpu.memory_space<vmem>>
        %dma_wait3A_44 = arith.constant 0 : i32
        %dma_wait3A_45 = arith.constant 0 : i32
        %dma_wait3A_46 = tpu.memref_slice %arg9[%dma_wait3A_44, %dma_wait3A_45] : memref<10240x128xf32, #tpu.memory_space<vmem_shared>> -> memref<10240x128xf32, #tpu.memory_space<vmem_shared>>
        tpu.wait_indirect_dma semaphore(%run_scoped3A : memref<!tpu.dma_semaphore, #tpu.memory_space<semaphore_mem>>) src(%arg8 : memref<128x128xf32, #tpu.memory_space<vmem>>) dst(%dma_wait3A_46 : memref<10240x128xf32, #tpu.memory_space<vmem_shared>>)
        tpu.yield
      }) : () -> ()
    }
    %scan3A_18 = arith.constant 79 : i32
    %barrier3A_19 = arith.constant 0 : index
    tpu.barrier barrier_id(%barrier3A_19)
    %mul3A_20 = arith.constant 640 : i32
    %mul3A_21 = arith.muli %arg1, %mul3A_20 : i32
    %mul3A_22 = arith.constant 640 : i32
    %mul3A_23 = arith.muli %arg1, %mul3A_22 : i32
    "tpu.region"() ({
      %run_scoped3A = tpu.sem_alloc : memref<!tpu.dma_semaphore, #tpu.memory_space<semaphore_mem>>
      %dma_start3A = arith.constant 0 : i32
      %dma_start3A_24 = tpu.memref_slice %arg5[%arg0, %mul3A_23, %dma_start3A] : memref<2x10240x128xf32, #tpu.memory_space<hbm>> -> memref<1x640x128xf32, #tpu.memory_space<hbm>>
      %dma_start3A_25 = tpu.memref_squeeze %dma_start3A_24 : memref<1x640x128xf32, #tpu.memory_space<hbm>> -> memref<640x128xf32, #tpu.memory_space<hbm>>
      %dma_start3A_26 = arith.constant 0 : i32
      %dma_start3A_27 = tpu.memref_slice %arg9[%mul3A_21, %dma_start3A_26] : memref<10240x128xf32, #tpu.memory_space<vmem_shared>> -> memref<640x128xf32, #tpu.memory_space<vmem_shared>>
      tpu.enqueue_dma source(%dma_start3A_27 : memref<640x128xf32, #tpu.memory_space<vmem_shared>>) target(%dma_start3A_25 : memref<640x128xf32, #tpu.memory_space<hbm>>) target_semaphore(%run_scoped3A : memref<!tpu.dma_semaphore, #tpu.memory_space<semaphore_mem>>)
      %dma_wait3A = arith.constant 0 : i32
      %dma_wait3A_28 = tpu.memref_slice %arg5[%arg0, %mul3A_23, %dma_wait3A] : memref<2x10240x128xf32, #tpu.memory_space<hbm>> -> memref<1x640x128xf32, #tpu.memory_space<hbm>>
      %dma_wait3A_29 = tpu.memref_squeeze %dma_wait3A_28 : memref<1x640x128xf32, #tpu.memory_space<hbm>> -> memref<640x128xf32, #tpu.memory_space<hbm>>
      %dma_wait3A_30 = arith.constant 0 : i32
      %dma_wait3A_31 = tpu.memref_slice %arg9[%mul3A_21, %dma_wait3A_30] : memref<10240x128xf32, #tpu.memory_space<vmem_shared>> -> memref<640x128xf32, #tpu.memory_space<vmem_shared>>
      tpu.wait_dma2 semaphore(%run_scoped3A : memref<!tpu.dma_semaphore, #tpu.memory_space<semaphore_mem>>) src(%dma_wait3A_31 : memref<640x128xf32, #tpu.memory_space<vmem_shared>>) dst(%dma_wait3A_29 : memref<640x128xf32, #tpu.memory_space<hbm>>)
      tpu.yield
    }) : () -> ()
    return
  }
}

#map = affine_map<(d0, d1) -> (0, 0)>
#map1 = affine_map<(d0, d1) -> (0, 0, 0)>
module attributes {stable_mosaic.version = 14 : i64} {
  func.func @_sc_aggregate(%arg0: i32, %arg1: i32, %arg2: memref<40000x128xf32, #tpu.memory_space<hbm>>, %arg3: memref<32x79x128xi32, #tpu.memory_space<hbm>>, %arg4: memref<32x79x128xi32, #tpu.memory_space<hbm>>, %arg5: memref<2x10240x128xf32, #tpu.memory_space<hbm>>, %arg6: memref<79x128xi32, #tpu.memory_space<vmem>>, %arg7: memref<79x128xi32, #tpu.memory_space<vmem>>, %arg8: memref<128x128xf32, #tpu.memory_space<vmem>>, %arg9: memref<10240x128xf32, #tpu.memory_space<vmem_shared>>, %arg10: memref<!tpu.dma_semaphore, #tpu.memory_space<semaphore_mem>>) attributes {dimension_semantics = [#tpu.dimension_semantics<core_parallel>, #tpu.dimension_semantics<subcore_parallel>], iteration_bounds = array<i64: 2, 16>, scalar_prefetch = 0 : i64, scratch_operands = 5 : i64, tpu.core_type = #tpu.core_type<sc_vector_subcore>, window_params = [{transform_indices = #map}, {transform_indices = #map1}, {transform_indices = #map1}, {transform_indices = #map1}]} {
    %mul3A = arith.constant 2 : i32
    %mul3A_0 = arith.muli %arg1, %mul3A : i32
    %add3A = arith.addi %mul3A_0, %arg0 : i32
    "tpu.region"() ({
      %run_scoped3A = tpu.sem_alloc : memref<!tpu.dma_semaphore, #tpu.memory_space<semaphore_mem>>
      %dma_start3A = arith.constant 0 : i32
      %dma_start3A_24 = arith.constant 0 : i32
      %dma_start3A_25 = tpu.memref_slice %arg3[%add3A, %dma_start3A, %dma_start3A_24] : memref<32x79x128xi32, #tpu.memory_space<hbm>> -> memref<1x79x128xi32, #tpu.memory_space<hbm>>
      %dma_start3A_26 = tpu.memref_squeeze %dma_start3A_25 : memref<1x79x128xi32, #tpu.memory_space<hbm>> -> memref<79x128xi32, #tpu.memory_space<hbm>>
      %dma_start3A_27 = arith.constant 0 : i32
      %dma_start3A_28 = arith.constant 0 : i32
      %dma_start3A_29 = tpu.memref_slice %arg3[%add3A, %dma_start3A_27, %dma_start3A_28] : memref<32x79x128xi32, #tpu.memory_space<hbm>> -> memref<1x79x128xi32, #tpu.memory_space<hbm>>
      %dma_start3A_30 = tpu.memref_squeeze %dma_start3A_29 : memref<1x79x128xi32, #tpu.memory_space<hbm>> -> memref<79x128xi32, #tpu.memory_space<hbm>>
      tpu.enqueue_dma source(%dma_start3A_30 : memref<79x128xi32, #tpu.memory_space<hbm>>) target(%arg6 : memref<79x128xi32, #tpu.memory_space<vmem>>) target_semaphore(%run_scoped3A : memref<!tpu.dma_semaphore, #tpu.memory_space<semaphore_mem>>)
      %dma_wait3A = arith.constant 0 : i32
      %dma_wait3A_31 = arith.constant 0 : i32
      %dma_wait3A_32 = tpu.memref_slice %arg3[%add3A, %dma_wait3A, %dma_wait3A_31] : memref<32x79x128xi32, #tpu.memory_space<hbm>> -> memref<1x79x128xi32, #tpu.memory_space<hbm>>
      %dma_wait3A_33 = tpu.memref_squeeze %dma_wait3A_32 : memref<1x79x128xi32, #tpu.memory_space<hbm>> -> memref<79x128xi32, #tpu.memory_space<hbm>>
      %dma_wait3A_34 = arith.constant 0 : i32
      %dma_wait3A_35 = arith.constant 0 : i32
      %dma_wait3A_36 = tpu.memref_slice %arg3[%add3A, %dma_wait3A_34, %dma_wait3A_35] : memref<32x79x128xi32, #tpu.memory_space<hbm>> -> memref<1x79x128xi32, #tpu.memory_space<hbm>>
      %dma_wait3A_37 = tpu.memref_squeeze %dma_wait3A_36 : memref<1x79x128xi32, #tpu.memory_space<hbm>> -> memref<79x128xi32, #tpu.memory_space<hbm>>
      tpu.wait_dma2 semaphore(%run_scoped3A : memref<!tpu.dma_semaphore, #tpu.memory_space<semaphore_mem>>) src(%dma_wait3A_37 : memref<79x128xi32, #tpu.memory_space<hbm>>) dst(%arg6 : memref<79x128xi32, #tpu.memory_space<vmem>>)
      tpu.yield
    }) : () -> ()
    "tpu.region"() ({
      %run_scoped3A = tpu.sem_alloc : memref<!tpu.dma_semaphore, #tpu.memory_space<semaphore_mem>>
      %dma_start3A = arith.constant 0 : i32
      %dma_start3A_24 = arith.constant 0 : i32
      %dma_start3A_25 = tpu.memref_slice %arg4[%add3A, %dma_start3A, %dma_start3A_24] : memref<32x79x128xi32, #tpu.memory_space<hbm>> -> memref<1x79x128xi32, #tpu.memory_space<hbm>>
      %dma_start3A_26 = tpu.memref_squeeze %dma_start3A_25 : memref<1x79x128xi32, #tpu.memory_space<hbm>> -> memref<79x128xi32, #tpu.memory_space<hbm>>
      %dma_start3A_27 = arith.constant 0 : i32
      %dma_start3A_28 = arith.constant 0 : i32
      %dma_start3A_29 = tpu.memref_slice %arg4[%add3A, %dma_start3A_27, %dma_start3A_28] : memref<32x79x128xi32, #tpu.memory_space<hbm>> -> memref<1x79x128xi32, #tpu.memory_space<hbm>>
      %dma_start3A_30 = tpu.memref_squeeze %dma_start3A_29 : memref<1x79x128xi32, #tpu.memory_space<hbm>> -> memref<79x128xi32, #tpu.memory_space<hbm>>
      tpu.enqueue_dma source(%dma_start3A_30 : memref<79x128xi32, #tpu.memory_space<hbm>>) target(%arg7 : memref<79x128xi32, #tpu.memory_space<vmem>>) target_semaphore(%run_scoped3A : memref<!tpu.dma_semaphore, #tpu.memory_space<semaphore_mem>>)
      %dma_wait3A = arith.constant 0 : i32
      %dma_wait3A_31 = arith.constant 0 : i32
      %dma_wait3A_32 = tpu.memref_slice %arg4[%add3A, %dma_wait3A, %dma_wait3A_31] : memref<32x79x128xi32, #tpu.memory_space<hbm>> -> memref<1x79x128xi32, #tpu.memory_space<hbm>>
      %dma_wait3A_33 = tpu.memref_squeeze %dma_wait3A_32 : memref<1x79x128xi32, #tpu.memory_space<hbm>> -> memref<79x128xi32, #tpu.memory_space<hbm>>
      %dma_wait3A_34 = arith.constant 0 : i32
      %dma_wait3A_35 = arith.constant 0 : i32
      %dma_wait3A_36 = tpu.memref_slice %arg4[%add3A, %dma_wait3A_34, %dma_wait3A_35] : memref<32x79x128xi32, #tpu.memory_space<hbm>> -> memref<1x79x128xi32, #tpu.memory_space<hbm>>
      %dma_wait3A_37 = tpu.memref_squeeze %dma_wait3A_36 : memref<1x79x128xi32, #tpu.memory_space<hbm>> -> memref<79x128xi32, #tpu.memory_space<hbm>>
      tpu.wait_dma2 semaphore(%run_scoped3A : memref<!tpu.dma_semaphore, #tpu.memory_space<semaphore_mem>>) src(%dma_wait3A_37 : memref<79x128xi32, #tpu.memory_space<hbm>>) dst(%arg7 : memref<79x128xi32, #tpu.memory_space<vmem>>)
      tpu.yield
    }) : () -> ()
    %broadcast_in_dim3A = arith.constant 0.000000e+00 : f32
    %broadcast_in_dim3A_1 = vector.broadcast %broadcast_in_dim3A : f32 to vector<16xf32>
    %scan3A = arith.constant 0 : i32
    %scan3A_2 = arith.constant 0 : i32
    %scan3A_3 = arith.constant 1024 : i32
    %scan3A_4 = arith.addi %scan3A_2, %scan3A_3 : i32
    %scan3A_5 = arith.constant 1 : i32
    scf.for %scan3A_24 = %scan3A_2 to %scan3A_4 step %scan3A_5  : i32 {
      %jit3A = arith.constant 8 : i32
      %div3A = arith.divsi %scan3A_24, %jit3A : i32
      %sign3A = arith.constant 0 : i32
      %sign3A_25 = arith.cmpi sgt, %scan3A_24, %sign3A : i32
      %sign3A_26 = arith.extui %sign3A_25 : i1 to i32
      %sign3A_27 = arith.constant 0 : i32
      %sign3A_28 = arith.cmpi slt, %scan3A_24, %sign3A_27 : i32
      %sign3A_29 = arith.extui %sign3A_28 : i1 to i32
      %sign3A_30 = arith.subi %sign3A_26, %sign3A_29 : i32
      %sign3A_31 = arith.constant 0 : i32
      %sign3A_32 = arith.cmpi sgt, %jit3A, %sign3A_31 : i32
      %sign3A_33 = arith.extui %sign3A_32 : i1 to i32
      %sign3A_34 = arith.constant 0 : i32
      %sign3A_35 = arith.cmpi slt, %jit3A, %sign3A_34 : i32
      %sign3A_36 = arith.extui %sign3A_35 : i1 to i32
      %sign3A_37 = arith.subi %sign3A_33, %sign3A_36 : i32
      %ne3A = arith.cmpi ne, %sign3A_30, %sign3A_37 : i32
      %rem3A = arith.remsi %scan3A_24, %jit3A : i32
      %ne3A_38 = arith.constant 0 : i32
      %ne3A_39 = arith.cmpi ne, %rem3A, %ne3A_38 : i32
      %and3A = arith.andi %ne3A, %ne3A_39 : i1
      %sub3A = arith.constant 1 : i32
      %sub3A_40 = arith.subi %div3A, %sub3A : i32
      %select_n3A = arith.select %and3A, %sub3A_40, %div3A : i32
      %rem3A_41 = arith.constant 8 : i32
      %rem3A_42 = arith.remsi %scan3A_24, %rem3A_41 : i32
      %mul3A_43 = arith.constant 16 : i32
      %mul3A_44 = arith.muli %rem3A_42, %mul3A_43 : i32
      %swap3A = arith.index_cast %select_n3A : i32 to index
      %swap3A_45 = arith.index_cast %mul3A_44 : i32 to index
      %swap3A_46 = tpu.vector_load %arg8[%swap3A, %swap3A_45] {strides = array<i32>} : memref<128x128xf32, #tpu.memory_space<vmem>>, vector<1x16xf32>,
      %swap3A_47 = vector.shape_cast %swap3A_46 : vector<1x16xf32> to vector<16xf32>
      %swap3A_48 = vector.shape_cast %broadcast_in_dim3A_1 : vector<16xf32> to vector<1x16xf32>
      tpu.vector_store %arg8[%swap3A, %swap3A_45], %swap3A_48 {strides = array<i32>} : memref<128x128xf32, #tpu.memory_space<vmem>>, vector<1x16xf32>,
    }
    %scan3A_6 = arith.constant 1024 : i32
    %scan3A_7 = arith.constant 0 : i32
    %scan3A_8 = arith.constant 0 : i32
    %scan3A_9 = arith.constant 5 : i32
    %scan3A_10 = arith.addi %scan3A_8, %scan3A_9 : i32
    %scan3A_11 = arith.constant 1 : i32
    scf.for %scan3A_24 = %scan3A_8 to %scan3A_10 step %scan3A_11  : i32 {
      %mul3A_25 = arith.constant 640 : i32
      %mul3A_26 = arith.muli %arg1, %mul3A_25 : i32
      %mul3A_27 = arith.constant 128 : i32
      %mul3A_28 = arith.muli %scan3A_24, %mul3A_27 : i32
      %add3A_29 = arith.addi %mul3A_26, %mul3A_28 : i32
      "tpu.region"() ({
        %run_scoped3A = tpu.sem_alloc : memref<!tpu.dma_semaphore, #tpu.memory_space<semaphore_mem>>
        %dma_start3A = arith.constant 0 : i32
        %dma_start3A_30 = tpu.memref_slice %arg9[%add3A_29, %dma_start3A] : memref<10240x128xf32, #tpu.memory_space<vmem_shared>> -> memref<128x128xf32, #tpu.memory_space<vmem_shared>>
        %dma_start3A_31 = arith.constant 0 : i32
        %dma_start3A_32 = tpu.memref_slice %arg9[%add3A_29, %dma_start3A_31] : memref<10240x128xf32, #tpu.memory_space<vmem_shared>> -> memref<128x128xf32, #tpu.memory_space<vmem_shared>>
        tpu.enqueue_dma source(%arg8 : memref<128x128xf32, #tpu.memory_space<vmem>>) target(%dma_start3A_32 : memref<128x128xf32, #tpu.memory_space<vmem_shared>>) target_semaphore(%run_scoped3A : memref<!tpu.dma_semaphore, #tpu.memory_space<semaphore_mem>>)
        %dma_wait3A = arith.constant 0 : i32
        %dma_wait3A_33 = tpu.memref_slice %arg9[%add3A_29, %dma_wait3A] : memref<10240x128xf32, #tpu.memory_space<vmem_shared>> -> memref<128x128xf32, #tpu.memory_space<vmem_shared>>
        %dma_wait3A_34 = arith.constant 0 : i32
        %dma_wait3A_35 = tpu.memref_slice %arg9[%add3A_29, %dma_wait3A_34] : memref<10240x128xf32, #tpu.memory_space<vmem_shared>> -> memref<128x128xf32, #tpu.memory_space<vmem_shared>>
        tpu.wait_dma2 semaphore(%run_scoped3A : memref<!tpu.dma_semaphore, #tpu.memory_space<semaphore_mem>>) src(%arg8 : memref<128x128xf32, #tpu.memory_space<vmem>>) dst(%dma_wait3A_35 : memref<128x128xf32, #tpu.memory_space<vmem_shared>>)
        tpu.yield
      }) : () -> ()
    }
    %scan3A_12 = arith.constant 5 : i32
    %barrier3A = arith.constant 0 : index
    tpu.barrier barrier_id(%barrier3A)
    %scan3A_13 = arith.constant 0 : i32
    %scan3A_14 = arith.constant 0 : i32
    %scan3A_15 = arith.constant 79 : i32
    %scan3A_16 = arith.addi %scan3A_14, %scan3A_15 : i32
    %scan3A_17 = arith.constant 1 : i32
    scf.for %scan3A_24 = %scan3A_14 to %scan3A_16 step %scan3A_17  : i32 {
      %dma_start3A = arith.constant 0 : i32
      %dma_start3A_25 = tpu.memref_slice %arg6[%scan3A_24, %dma_start3A] : memref<79x128xi32, #tpu.memory_space<vmem>> -> memref<1x128xi32, #tpu.memory_space<vmem>>
      %dma_start3A_26 = tpu.memref_squeeze %dma_start3A_25 : memref<1x128xi32, #tpu.memory_space<vmem>> -> memref<128xi32, #tpu.memory_space<vmem>>
      %dma_start3A_27 = arith.constant 0 : i32
      %dma_start3A_28 = arith.constant 0 : i32
      %dma_start3A_29 = tpu.memref_slice %arg2[%dma_start3A_27, %dma_start3A_28] : memref<40000x128xf32, #tpu.memory_space<hbm>> -> memref<40000x128xf32, #tpu.memory_space<hbm>>
      tpu.enqueue_indirect_dma source(%dma_start3A_29 : memref<40000x128xf32, #tpu.memory_space<hbm>>) target(%arg8 : memref<128x128xf32, #tpu.memory_space<vmem>>) offsets(%dma_start3A_26 : memref<128xi32, #tpu.memory_space<vmem>>) semaphore(%arg10 : memref<!tpu.dma_semaphore, #tpu.memory_space<semaphore_mem>>)
      %dma_wait3A = arith.constant 0 : i32
      %dma_wait3A_30 = tpu.memref_slice %arg6[%scan3A_24, %dma_wait3A] : memref<79x128xi32, #tpu.memory_space<vmem>> -> memref<1x128xi32, #tpu.memory_space<vmem>>
      %dma_wait3A_31 = tpu.memref_squeeze %dma_wait3A_30 : memref<1x128xi32, #tpu.memory_space<vmem>> -> memref<128xi32, #tpu.memory_space<vmem>>
      %dma_wait3A_32 = arith.constant 0 : i32
      %dma_wait3A_33 = arith.constant 0 : i32
      %dma_wait3A_34 = tpu.memref_slice %arg2[%dma_wait3A_32, %dma_wait3A_33] : memref<40000x128xf32, #tpu.memory_space<hbm>> -> memref<40000x128xf32, #tpu.memory_space<hbm>>
      tpu.wait_indirect_dma semaphore(%arg10 : memref<!tpu.dma_semaphore, #tpu.memory_space<semaphore_mem>>) src(%dma_wait3A_34 : memref<40000x128xf32, #tpu.memory_space<hbm>>) dst(%arg8 : memref<128x128xf32, #tpu.memory_space<vmem>>)
      "tpu.region"() ({
        %run_scoped3A = tpu.sem_alloc : memref<!tpu.dma_semaphore, #tpu.memory_space<semaphore_mem>>
        %dma_start3A_35 = arith.constant 0 : i32
        %dma_start3A_36 = tpu.memref_slice %arg7[%scan3A_24, %dma_start3A_35] : memref<79x128xi32, #tpu.memory_space<vmem>> -> memref<1x128xi32, #tpu.memory_space<vmem>>
        %dma_start3A_37 = tpu.memref_squeeze %dma_start3A_36 : memref<1x128xi32, #tpu.memory_space<vmem>> -> memref<128xi32, #tpu.memory_space<vmem>>
        %dma_start3A_38 = arith.constant 0 : i32
        %dma_start3A_39 = arith.constant 0 : i32
        %dma_start3A_40 = tpu.memref_slice %arg9[%dma_start3A_38, %dma_start3A_39] : memref<10240x128xf32, #tpu.memory_space<vmem_shared>> -> memref<10240x128xf32, #tpu.memory_space<vmem_shared>>
        tpu.enqueue_indirect_dma source(%arg8 : memref<128x128xf32, #tpu.memory_space<vmem>>) target(%dma_start3A_40 : memref<10240x128xf32, #tpu.memory_space<vmem_shared>>) offsets(%dma_start3A_37 : memref<128xi32, #tpu.memory_space<vmem>>) semaphore(%run_scoped3A : memref<!tpu.dma_semaphore, #tpu.memory_space<semaphore_mem>>) {add = true}
        %dma_wait3A_41 = arith.constant 0 : i32
        %dma_wait3A_42 = tpu.memref_slice %arg7[%scan3A_24, %dma_wait3A_41] : memref<79x128xi32, #tpu.memory_space<vmem>> -> memref<1x128xi32, #tpu.memory_space<vmem>>
        %dma_wait3A_43 = tpu.memref_squeeze %dma_wait3A_42 : memref<1x128xi32, #tpu.memory_space<vmem>> -> memref<128xi32, #tpu.memory_space<vmem>>
        %dma_wait3A_44 = arith.constant 0 : i32
        %dma_wait3A_45 = arith.constant 0 : i32
        %dma_wait3A_46 = tpu.memref_slice %arg9[%dma_wait3A_44, %dma_wait3A_45] : memref<10240x128xf32, #tpu.memory_space<vmem_shared>> -> memref<10240x128xf32, #tpu.memory_space<vmem_shared>>
        tpu.wait_indirect_dma semaphore(%run_scoped3A : memref<!tpu.dma_semaphore, #tpu.memory_space<semaphore_mem>>) src(%arg8 : memref<128x128xf32, #tpu.memory_space<vmem>>) dst(%dma_wait3A_46 : memref<10240x128xf32, #tpu.memory_space<vmem_shared>>)
        tpu.yield
      }) : () -> ()
    }
    %scan3A_18 = arith.constant 79 : i32
    %barrier3A_19 = arith.constant 0 : index
    tpu.barrier barrier_id(%barrier3A_19)
    %mul3A_20 = arith.constant 640 : i32
    %mul3A_21 = arith.muli %arg1, %mul3A_20 : i32
    %mul3A_22 = arith.constant 640 : i32
    %mul3A_23 = arith.muli %arg1, %mul3A_22 : i32
    "tpu.region"() ({
      %run_scoped3A = tpu.sem_alloc : memref<!tpu.dma_semaphore, #tpu.memory_space<semaphore_mem>>
      %dma_start3A = arith.constant 0 : i32
      %dma_start3A_24 = tpu.memref_slice %arg5[%arg0, %mul3A_23, %dma_start3A] : memref<2x10240x128xf32, #tpu.memory_space<hbm>> -> memref<1x640x128xf32, #tpu.memory_space<hbm>>
      %dma_start3A_25 = tpu.memref_squeeze %dma_start3A_24 : memref<1x640x128xf32, #tpu.memory_space<hbm>> -> memref<640x128xf32, #tpu.memory_space<hbm>>
      %dma_start3A_26 = arith.constant 0 : i32
      %dma_start3A_27 = tpu.memref_slice %arg9[%mul3A_21, %dma_start3A_26] : memref<10240x128xf32, #tpu.memory_space<vmem_shared>> -> memref<640x128xf32, #tpu.memory_space<vmem_shared>>
      tpu.enqueue_dma source(%dma_start3A_27 : memref<640x128xf32, #tpu.memory_space<vmem_shared>>) target(%dma_start3A_25 : memref<640x128xf32, #tpu.memory_space<hbm>>) target_semaphore(%run_scoped3A : memref<!tpu.dma_semaphore, #tpu.memory_space<semaphore_mem>>)
      %dma_wait3A = arith.constant 0 : i32
      %dma_wait3A_28 = tpu.memref_slice %arg5[%arg0, %mul3A_23, %dma_wait3A] : memref<2x10240x128xf32, #tpu.memory_space<hbm>> -> memref<1x640x128xf32, #tpu.memory_space<hbm>>
      %dma_wait3A_29 = tpu.memref_squeeze %dma_wait3A_28 : memref<1x640x128xf32, #tpu.memory_space<hbm>> -> memref<640x128xf32, #tpu.memory_space<hbm>>
      %dma_wait3A_30 = arith.constant 0 : i32
      %dma_wait3A_31 = tpu.memref_slice %arg9[%mul3A_21, %dma_wait3A_30] : memref<10240x128xf32, #tpu.memory_space<vmem_shared>> -> memref<640x128xf32, #tpu.memory_space<vmem_shared>>
      tpu.wait_dma2 semaphore(%run_scoped3A : memref<!tpu.dma_semaphore, #tpu.memory_space<semaphore_mem>>) src(%dma_wait3A_31 : memref<640x128xf32, #tpu.memory_space<vmem_shared>>) dst(%dma_wait3A_29 : memref<640x128xf32, #tpu.memory_space<hbm>>)
      tpu.yield
    }) : () -> ()
    return
  }
}

#map = affine_map<(d0, d1) -> (0, 0)>
#map1 = affine_map<(d0, d1) -> (0, 0, 0)>
module attributes {stable_mosaic.version = 14 : i64} {
  func.func @_sc_aggregate(%arg0: i32, %arg1: i32, %arg2: memref<40000x128xf32, #tpu.memory_space<hbm>>, %arg3: memref<32x79x128xi32, #tpu.memory_space<hbm>>, %arg4: memref<32x79x128xi32, #tpu.memory_space<hbm>>, %arg5: memref<2x10240x128xf32, #tpu.memory_space<hbm>>, %arg6: memref<79x128xi32, #tpu.memory_space<vmem>>, %arg7: memref<79x128xi32, #tpu.memory_space<vmem>>, %arg8: memref<128x128xf32, #tpu.memory_space<vmem>>, %arg9: memref<10240x128xf32, #tpu.memory_space<vmem_shared>>, %arg10: memref<!tpu.dma_semaphore, #tpu.memory_space<semaphore_mem>>) attributes {dimension_semantics = [#tpu.dimension_semantics<core_parallel>, #tpu.dimension_semantics<subcore_parallel>], iteration_bounds = array<i64: 2, 16>, scalar_prefetch = 0 : i64, scratch_operands = 5 : i64, tpu.core_type = #tpu.core_type<sc_vector_subcore>, window_params = [{transform_indices = #map}, {transform_indices = #map1}, {transform_indices = #map1}, {transform_indices = #map1}]} {
    %mul3A = arith.constant 2 : i32
    %mul3A_0 = arith.muli %arg1, %mul3A : i32
    %add3A = arith.addi %mul3A_0, %arg0 : i32
    "tpu.region"() ({
      %run_scoped3A = tpu.sem_alloc : memref<!tpu.dma_semaphore, #tpu.memory_space<semaphore_mem>>
      %dma_start3A = arith.constant 0 : i32
      %dma_start3A_24 = arith.constant 0 : i32
      %dma_start3A_25 = tpu.memref_slice %arg3[%add3A, %dma_start3A, %dma_start3A_24] : memref<32x79x128xi32, #tpu.memory_space<hbm>> -> memref<1x79x128xi32, #tpu.memory_space<hbm>>
      %dma_start3A_26 = tpu.memref_squeeze %dma_start3A_25 : memref<1x79x128xi32, #tpu.memory_space<hbm>> -> memref<79x128xi32, #tpu.memory_space<hbm>>
      %dma_start3A_27 = arith.constant 0 : i32
      %dma_start3A_28 = arith.constant 0 : i32
      %dma_start3A_29 = tpu.memref_slice %arg3[%add3A, %dma_start3A_27, %dma_start3A_28] : memref<32x79x128xi32, #tpu.memory_space<hbm>> -> memref<1x79x128xi32, #tpu.memory_space<hbm>>
      %dma_start3A_30 = tpu.memref_squeeze %dma_start3A_29 : memref<1x79x128xi32, #tpu.memory_space<hbm>> -> memref<79x128xi32, #tpu.memory_space<hbm>>
      tpu.enqueue_dma source(%dma_start3A_30 : memref<79x128xi32, #tpu.memory_space<hbm>>) target(%arg6 : memref<79x128xi32, #tpu.memory_space<vmem>>) target_semaphore(%run_scoped3A : memref<!tpu.dma_semaphore, #tpu.memory_space<semaphore_mem>>)
      %dma_wait3A = arith.constant 0 : i32
      %dma_wait3A_31 = arith.constant 0 : i32
      %dma_wait3A_32 = tpu.memref_slice %arg3[%add3A, %dma_wait3A, %dma_wait3A_31] : memref<32x79x128xi32, #tpu.memory_space<hbm>> -> memref<1x79x128xi32, #tpu.memory_space<hbm>>
      %dma_wait3A_33 = tpu.memref_squeeze %dma_wait3A_32 : memref<1x79x128xi32, #tpu.memory_space<hbm>> -> memref<79x128xi32, #tpu.memory_space<hbm>>
      %dma_wait3A_34 = arith.constant 0 : i32
      %dma_wait3A_35 = arith.constant 0 : i32
      %dma_wait3A_36 = tpu.memref_slice %arg3[%add3A, %dma_wait3A_34, %dma_wait3A_35] : memref<32x79x128xi32, #tpu.memory_space<hbm>> -> memref<1x79x128xi32, #tpu.memory_space<hbm>>
      %dma_wait3A_37 = tpu.memref_squeeze %dma_wait3A_36 : memref<1x79x128xi32, #tpu.memory_space<hbm>> -> memref<79x128xi32, #tpu.memory_space<hbm>>
      tpu.wait_dma2 semaphore(%run_scoped3A : memref<!tpu.dma_semaphore, #tpu.memory_space<semaphore_mem>>) src(%dma_wait3A_37 : memref<79x128xi32, #tpu.memory_space<hbm>>) dst(%arg6 : memref<79x128xi32, #tpu.memory_space<vmem>>)
      tpu.yield
    }) : () -> ()
    "tpu.region"() ({
      %run_scoped3A = tpu.sem_alloc : memref<!tpu.dma_semaphore, #tpu.memory_space<semaphore_mem>>
      %dma_start3A = arith.constant 0 : i32
      %dma_start3A_24 = arith.constant 0 : i32
      %dma_start3A_25 = tpu.memref_slice %arg4[%add3A, %dma_start3A, %dma_start3A_24] : memref<32x79x128xi32, #tpu.memory_space<hbm>> -> memref<1x79x128xi32, #tpu.memory_space<hbm>>
      %dma_start3A_26 = tpu.memref_squeeze %dma_start3A_25 : memref<1x79x128xi32, #tpu.memory_space<hbm>> -> memref<79x128xi32, #tpu.memory_space<hbm>>
      %dma_start3A_27 = arith.constant 0 : i32
      %dma_start3A_28 = arith.constant 0 : i32
      %dma_start3A_29 = tpu.memref_slice %arg4[%add3A, %dma_start3A_27, %dma_start3A_28] : memref<32x79x128xi32, #tpu.memory_space<hbm>> -> memref<1x79x128xi32, #tpu.memory_space<hbm>>
      %dma_start3A_30 = tpu.memref_squeeze %dma_start3A_29 : memref<1x79x128xi32, #tpu.memory_space<hbm>> -> memref<79x128xi32, #tpu.memory_space<hbm>>
      tpu.enqueue_dma source(%dma_start3A_30 : memref<79x128xi32, #tpu.memory_space<hbm>>) target(%arg7 : memref<79x128xi32, #tpu.memory_space<vmem>>) target_semaphore(%run_scoped3A : memref<!tpu.dma_semaphore, #tpu.memory_space<semaphore_mem>>)
      %dma_wait3A = arith.constant 0 : i32
      %dma_wait3A_31 = arith.constant 0 : i32
      %dma_wait3A_32 = tpu.memref_slice %arg4[%add3A, %dma_wait3A, %dma_wait3A_31] : memref<32x79x128xi32, #tpu.memory_space<hbm>> -> memref<1x79x128xi32, #tpu.memory_space<hbm>>
      %dma_wait3A_33 = tpu.memref_squeeze %dma_wait3A_32 : memref<1x79x128xi32, #tpu.memory_space<hbm>> -> memref<79x128xi32, #tpu.memory_space<hbm>>
      %dma_wait3A_34 = arith.constant 0 : i32
      %dma_wait3A_35 = arith.constant 0 : i32
      %dma_wait3A_36 = tpu.memref_slice %arg4[%add3A, %dma_wait3A_34, %dma_wait3A_35] : memref<32x79x128xi32, #tpu.memory_space<hbm>> -> memref<1x79x128xi32, #tpu.memory_space<hbm>>
      %dma_wait3A_37 = tpu.memref_squeeze %dma_wait3A_36 : memref<1x79x128xi32, #tpu.memory_space<hbm>> -> memref<79x128xi32, #tpu.memory_space<hbm>>
      tpu.wait_dma2 semaphore(%run_scoped3A : memref<!tpu.dma_semaphore, #tpu.memory_space<semaphore_mem>>) src(%dma_wait3A_37 : memref<79x128xi32, #tpu.memory_space<hbm>>) dst(%arg7 : memref<79x128xi32, #tpu.memory_space<vmem>>)
      tpu.yield
    }) : () -> ()
    %broadcast_in_dim3A = arith.constant 0.000000e+00 : f32
    %broadcast_in_dim3A_1 = vector.broadcast %broadcast_in_dim3A : f32 to vector<16xf32>
    %scan3A = arith.constant 0 : i32
    %scan3A_2 = arith.constant 0 : i32
    %scan3A_3 = arith.constant 1024 : i32
    %scan3A_4 = arith.addi %scan3A_2, %scan3A_3 : i32
    %scan3A_5 = arith.constant 1 : i32
    scf.for %scan3A_24 = %scan3A_2 to %scan3A_4 step %scan3A_5  : i32 {
      %jit3A = arith.constant 8 : i32
      %div3A = arith.divsi %scan3A_24, %jit3A : i32
      %sign3A = arith.constant 0 : i32
      %sign3A_25 = arith.cmpi sgt, %scan3A_24, %sign3A : i32
      %sign3A_26 = arith.extui %sign3A_25 : i1 to i32
      %sign3A_27 = arith.constant 0 : i32
      %sign3A_28 = arith.cmpi slt, %scan3A_24, %sign3A_27 : i32
      %sign3A_29 = arith.extui %sign3A_28 : i1 to i32
      %sign3A_30 = arith.subi %sign3A_26, %sign3A_29 : i32
      %sign3A_31 = arith.constant 0 : i32
      %sign3A_32 = arith.cmpi sgt, %jit3A, %sign3A_31 : i32
      %sign3A_33 = arith.extui %sign3A_32 : i1 to i32
      %sign3A_34 = arith.constant 0 : i32
      %sign3A_35 = arith.cmpi slt, %jit3A, %sign3A_34 : i32
      %sign3A_36 = arith.extui %sign3A_35 : i1 to i32
      %sign3A_37 = arith.subi %sign3A_33, %sign3A_36 : i32
      %ne3A = arith.cmpi ne, %sign3A_30, %sign3A_37 : i32
      %rem3A = arith.remsi %scan3A_24, %jit3A : i32
      %ne3A_38 = arith.constant 0 : i32
      %ne3A_39 = arith.cmpi ne, %rem3A, %ne3A_38 : i32
      %and3A = arith.andi %ne3A, %ne3A_39 : i1
      %sub3A = arith.constant 1 : i32
      %sub3A_40 = arith.subi %div3A, %sub3A : i32
      %select_n3A = arith.select %and3A, %sub3A_40, %div3A : i32
      %rem3A_41 = arith.constant 8 : i32
      %rem3A_42 = arith.remsi %scan3A_24, %rem3A_41 : i32
      %mul3A_43 = arith.constant 16 : i32
      %mul3A_44 = arith.muli %rem3A_42, %mul3A_43 : i32
      %swap3A = arith.index_cast %select_n3A : i32 to index
      %swap3A_45 = arith.index_cast %mul3A_44 : i32 to index
      %swap3A_46 = tpu.vector_load %arg8[%swap3A, %swap3A_45] {strides = array<i32>} : memref<128x128xf32, #tpu.memory_space<vmem>>, vector<1x16xf32>,
      %swap3A_47 = vector.shape_cast %swap3A_46 : vector<1x16xf32> to vector<16xf32>
      %swap3A_48 = vector.shape_cast %broadcast_in_dim3A_1 : vector<16xf32> to vector<1x16xf32>
      tpu.vector_store %arg8[%swap3A, %swap3A_45], %swap3A_48 {strides = array<i32>} : memref<128x128xf32, #tpu.memory_space<vmem>>, vector<1x16xf32>,
    }
    %scan3A_6 = arith.constant 1024 : i32
    %scan3A_7 = arith.constant 0 : i32
    %scan3A_8 = arith.constant 0 : i32
    %scan3A_9 = arith.constant 5 : i32
    %scan3A_10 = arith.addi %scan3A_8, %scan3A_9 : i32
    %scan3A_11 = arith.constant 1 : i32
    scf.for %scan3A_24 = %scan3A_8 to %scan3A_10 step %scan3A_11  : i32 {
      %mul3A_25 = arith.constant 640 : i32
      %mul3A_26 = arith.muli %arg1, %mul3A_25 : i32
      %mul3A_27 = arith.constant 128 : i32
      %mul3A_28 = arith.muli %scan3A_24, %mul3A_27 : i32
      %add3A_29 = arith.addi %mul3A_26, %mul3A_28 : i32
      "tpu.region"() ({
        %run_scoped3A = tpu.sem_alloc : memref<!tpu.dma_semaphore, #tpu.memory_space<semaphore_mem>>
        %dma_start3A = arith.constant 0 : i32
        %dma_start3A_30 = tpu.memref_slice %arg9[%add3A_29, %dma_start3A] : memref<10240x128xf32, #tpu.memory_space<vmem_shared>> -> memref<128x128xf32, #tpu.memory_space<vmem_shared>>
        %dma_start3A_31 = arith.constant 0 : i32
        %dma_start3A_32 = tpu.memref_slice %arg9[%add3A_29, %dma_start3A_31] : memref<10240x128xf32, #tpu.memory_space<vmem_shared>> -> memref<128x128xf32, #tpu.memory_space<vmem_shared>>
        tpu.enqueue_dma source(%arg8 : memref<128x128xf32, #tpu.memory_space<vmem>>) target(%dma_start3A_32 : memref<128x128xf32, #tpu.memory_space<vmem_shared>>) target_semaphore(%run_scoped3A : memref<!tpu.dma_semaphore, #tpu.memory_space<semaphore_mem>>)
        %dma_wait3A = arith.constant 0 : i32
        %dma_wait3A_33 = tpu.memref_slice %arg9[%add3A_29, %dma_wait3A] : memref<10240x128xf32, #tpu.memory_space<vmem_shared>> -> memref<128x128xf32, #tpu.memory_space<vmem_shared>>
        %dma_wait3A_34 = arith.constant 0 : i32
        %dma_wait3A_35 = tpu.memref_slice %arg9[%add3A_29, %dma_wait3A_34] : memref<10240x128xf32, #tpu.memory_space<vmem_shared>> -> memref<128x128xf32, #tpu.memory_space<vmem_shared>>
        tpu.wait_dma2 semaphore(%run_scoped3A : memref<!tpu.dma_semaphore, #tpu.memory_space<semaphore_mem>>) src(%arg8 : memref<128x128xf32, #tpu.memory_space<vmem>>) dst(%dma_wait3A_35 : memref<128x128xf32, #tpu.memory_space<vmem_shared>>)
        tpu.yield
      }) : () -> ()
    }
    %scan3A_12 = arith.constant 5 : i32
    %barrier3A = arith.constant 0 : index
    tpu.barrier barrier_id(%barrier3A)
    %scan3A_13 = arith.constant 0 : i32
    %scan3A_14 = arith.constant 0 : i32
    %scan3A_15 = arith.constant 79 : i32
    %scan3A_16 = arith.addi %scan3A_14, %scan3A_15 : i32
    %scan3A_17 = arith.constant 1 : i32
    scf.for %scan3A_24 = %scan3A_14 to %scan3A_16 step %scan3A_17  : i32 {
      %dma_start3A = arith.constant 0 : i32
      %dma_start3A_25 = tpu.memref_slice %arg6[%scan3A_24, %dma_start3A] : memref<79x128xi32, #tpu.memory_space<vmem>> -> memref<1x128xi32, #tpu.memory_space<vmem>>
      %dma_start3A_26 = tpu.memref_squeeze %dma_start3A_25 : memref<1x128xi32, #tpu.memory_space<vmem>> -> memref<128xi32, #tpu.memory_space<vmem>>
      %dma_start3A_27 = arith.constant 0 : i32
      %dma_start3A_28 = arith.constant 0 : i32
      %dma_start3A_29 = tpu.memref_slice %arg2[%dma_start3A_27, %dma_start3A_28] : memref<40000x128xf32, #tpu.memory_space<hbm>> -> memref<40000x128xf32, #tpu.memory_space<hbm>>
      tpu.enqueue_indirect_dma source(%dma_start3A_29 : memref<40000x128xf32, #tpu.memory_space<hbm>>) target(%arg8 : memref<128x128xf32, #tpu.memory_space<vmem>>) offsets(%dma_start3A_26 : memref<128xi32, #tpu.memory_space<vmem>>) semaphore(%arg10 : memref<!tpu.dma_semaphore, #tpu.memory_space<semaphore_mem>>)
      %dma_wait3A = arith.constant 0 : i32
      %dma_wait3A_30 = tpu.memref_slice %arg6[%scan3A_24, %dma_wait3A] : memref<79x128xi32, #tpu.memory_space<vmem>> -> memref<1x128xi32, #tpu.memory_space<vmem>>
      %dma_wait3A_31 = tpu.memref_squeeze %dma_wait3A_30 : memref<1x128xi32, #tpu.memory_space<vmem>> -> memref<128xi32, #tpu.memory_space<vmem>>
      %dma_wait3A_32 = arith.constant 0 : i32
      %dma_wait3A_33 = arith.constant 0 : i32
      %dma_wait3A_34 = tpu.memref_slice %arg2[%dma_wait3A_32, %dma_wait3A_33] : memref<40000x128xf32, #tpu.memory_space<hbm>> -> memref<40000x128xf32, #tpu.memory_space<hbm>>
      tpu.wait_indirect_dma semaphore(%arg10 : memref<!tpu.dma_semaphore, #tpu.memory_space<semaphore_mem>>) src(%dma_wait3A_34 : memref<40000x128xf32, #tpu.memory_space<hbm>>) dst(%arg8 : memref<128x128xf32, #tpu.memory_space<vmem>>)
      "tpu.region"() ({
        %run_scoped3A = tpu.sem_alloc : memref<!tpu.dma_semaphore, #tpu.memory_space<semaphore_mem>>
        %dma_start3A_35 = arith.constant 0 : i32
        %dma_start3A_36 = tpu.memref_slice %arg7[%scan3A_24, %dma_start3A_35] : memref<79x128xi32, #tpu.memory_space<vmem>> -> memref<1x128xi32, #tpu.memory_space<vmem>>
        %dma_start3A_37 = tpu.memref_squeeze %dma_start3A_36 : memref<1x128xi32, #tpu.memory_space<vmem>> -> memref<128xi32, #tpu.memory_space<vmem>>
        %dma_start3A_38 = arith.constant 0 : i32
        %dma_start3A_39 = arith.constant 0 : i32
        %dma_start3A_40 = tpu.memref_slice %arg9[%dma_start3A_38, %dma_start3A_39] : memref<10240x128xf32, #tpu.memory_space<vmem_shared>> -> memref<10240x128xf32, #tpu.memory_space<vmem_shared>>
        tpu.enqueue_indirect_dma source(%arg8 : memref<128x128xf32, #tpu.memory_space<vmem>>) target(%dma_start3A_40 : memref<10240x128xf32, #tpu.memory_space<vmem_shared>>) offsets(%dma_start3A_37 : memref<128xi32, #tpu.memory_space<vmem>>) semaphore(%run_scoped3A : memref<!tpu.dma_semaphore, #tpu.memory_space<semaphore_mem>>) {add = true}
        %dma_wait3A_41 = arith.constant 0 : i32
        %dma_wait3A_42 = tpu.memref_slice %arg7[%scan3A_24, %dma_wait3A_41] : memref<79x128xi32, #tpu.memory_space<vmem>> -> memref<1x128xi32, #tpu.memory_space<vmem>>
        %dma_wait3A_43 = tpu.memref_squeeze %dma_wait3A_42 : memref<1x128xi32, #tpu.memory_space<vmem>> -> memref<128xi32, #tpu.memory_space<vmem>>
        %dma_wait3A_44 = arith.constant 0 : i32
        %dma_wait3A_45 = arith.constant 0 : i32
        %dma_wait3A_46 = tpu.memref_slice %arg9[%dma_wait3A_44, %dma_wait3A_45] : memref<10240x128xf32, #tpu.memory_space<vmem_shared>> -> memref<10240x128xf32, #tpu.memory_space<vmem_shared>>
        tpu.wait_indirect_dma semaphore(%run_scoped3A : memref<!tpu.dma_semaphore, #tpu.memory_space<semaphore_mem>>) src(%arg8 : memref<128x128xf32, #tpu.memory_space<vmem>>) dst(%dma_wait3A_46 : memref<10240x128xf32, #tpu.memory_space<vmem_shared>>)
        tpu.yield
      }) : () -> ()
    }
    %scan3A_18 = arith.constant 79 : i32
    %barrier3A_19 = arith.constant 0 : index
    tpu.barrier barrier_id(%barrier3A_19)
    %mul3A_20 = arith.constant 640 : i32
    %mul3A_21 = arith.muli %arg1, %mul3A_20 : i32
    %mul3A_22 = arith.constant 640 : i32
    %mul3A_23 = arith.muli %arg1, %mul3A_22 : i32
    "tpu.region"() ({
      %run_scoped3A = tpu.sem_alloc : memref<!tpu.dma_semaphore, #tpu.memory_space<semaphore_mem>>
      %dma_start3A = arith.constant 0 : i32
      %dma_start3A_24 = tpu.memref_slice %arg5[%arg0, %mul3A_23, %dma_start3A] : memref<2x10240x128xf32, #tpu.memory_space<hbm>> -> memref<1x640x128xf32, #tpu.memory_space<hbm>>
      %dma_start3A_25 = tpu.memref_squeeze %dma_start3A_24 : memref<1x640x128xf32, #tpu.memory_space<hbm>> -> memref<640x128xf32, #tpu.memory_space<hbm>>
      %dma_start3A_26 = arith.constant 0 : i32
      %dma_start3A_27 = tpu.memref_slice %arg9[%mul3A_21, %dma_start3A_26] : memref<10240x128xf32, #tpu.memory_space<vmem_shared>> -> memref<640x128xf32, #tpu.memory_space<vmem_shared>>
      tpu.enqueue_dma source(%dma_start3A_27 : memref<640x128xf32, #tpu.memory_space<vmem_shared>>) target(%dma_start3A_25 : memref<640x128xf32, #tpu.memory_space<hbm>>) target_semaphore(%run_scoped3A : memref<!tpu.dma_semaphore, #tpu.memory_space<semaphore_mem>>)
      %dma_wait3A = arith.constant 0 : i32
      %dma_wait3A_28 = tpu.memref_slice %arg5[%arg0, %mul3A_23, %dma_wait3A] : memref<2x10240x128xf32, #tpu.memory_space<hbm>> -> memref<1x640x128xf32, #tpu.memory_space<hbm>>
      %dma_wait3A_29 = tpu.memref_squeeze %dma_wait3A_28 : memref<1x640x128xf32, #tpu.memory_space<hbm>> -> memref<640x128xf32, #tpu.memory_space<hbm>>
      %dma_wait3A_30 = arith.constant 0 : i32
      %dma_wait3A_31 = tpu.memref_slice %arg9[%mul3A_21, %dma_wait3A_30] : memref<10240x128xf32, #tpu.memory_space<vmem_shared>> -> memref<640x128xf32, #tpu.memory_space<vmem_shared>>
      tpu.wait_dma2 semaphore(%run_scoped3A : memref<!tpu.dma_semaphore, #tpu.memory_space<semaphore_mem>>) src(%dma_wait3A_31 : memref<640x128xf32, #tpu.memory_space<vmem_shared>>) dst(%dma_wait3A_29 : memref<640x128xf32, #tpu.memory_space<hbm>>)
      tpu.yield
    }) : () -> ()
    return
  }
}

module attributes {stable_mosaic.version = 14 : i64} {
  func.func @_transform_body(%arg0: i32, %arg1: i32, %arg2: memref<2000x128xf32, #tpu.memory_space<vmem>>, %arg3: memref<1x128x128xf32, #tpu.memory_space<vmem>>, %arg4: memref<1x1x128xf32, #tpu.memory_space<vmem>>, %arg5: memref<1x2000x128xf32, #tpu.memory_space<vmem>>) attributes {dimension_semantics = [#tpu.dimension_semantics<arbitrary>, #tpu.dimension_semantics<arbitrary>], iteration_bounds = array<i64: 5, 4>, scalar_prefetch = 0 : i64, scratch_operands = 0 : i64, tpu.core_type = #tpu.core_type<tc>, window_params = [{transform_indices = @transform_0, window_bounds = array<i64: 2000, 128>}, {transform_indices = @transform_1, window_bounds = array<i64: 1, 128, 128>}, {transform_indices = @transform_2, window_bounds = array<i64: 1, 1, 128>}, {transform_indices = @transform_3, window_bounds = array<i64: 1, 2000, 128>}]} {
    %get3A = arith.constant 0 : index
    %get3A_0 = arith.constant 0 : index
    %get3A_1 = vector.load %arg2[%get3A, %get3A_0] : memref<2000x128xf32, #tpu.memory_space<vmem>>, vector<2000x128xf32>
    %get3A_2 = arith.constant 0 : index
    %get3A_3 = arith.constant 0 : index
    %get3A_4 = arith.constant 0 : index
    %get3A_5 = vector.load %arg3[%get3A_2, %get3A_3, %get3A_4] : memref<1x128x128xf32, #tpu.memory_space<vmem>>, vector<1x128x128xf32>
    %get3A_6 = vector.shape_cast %get3A_5 : vector<1x128x128xf32> to vector<128x128xf32>
    %dot_general3A = arith.constant dense<0.000000e+00> : vector<2000x128xf32>
    %dot_general3A_7 = tpu.matmul %get3A_1, %get3A_6, %dot_general3A {dimension_numbers = #tpu.dot_dimension_numbers<[1], [1], [0], [0], [0, 0, 1, 0], [], []>, transpose_lhs_hint = false} : vector<2000x128xf32>, vector<128x128xf32>, vector<2000x128xf32> -> vector<2000x128xf32>
    %get3A_8 = arith.constant 0 : index
    %get3A_9 = arith.constant 0 : index
    %get3A_10 = arith.constant 0 : index
    %get3A_11 = vector.load %arg4[%get3A_8, %get3A_9, %get3A_10] : memref<1x1x128xf32, #tpu.memory_space<vmem>>, vector<1x1x128xf32>
    %get3A_12 = vector.shape_cast %get3A_11 : vector<1x1x128xf32> to vector<1x128xf32>
    %add3A = vector.broadcast %get3A_12 : vector<1x128xf32> to vector<2000x128xf32>
    %add3A_13 = arith.addf %dot_general3A_7, %add3A : vector<2000x128xf32>
    %swap3A = arith.constant 0 : index
    %swap3A_14 = arith.constant 0 : index
    %swap3A_15 = arith.constant 0 : index
    %swap3A_16 = vector.load %arg5[%swap3A, %swap3A_14, %swap3A_15] : memref<1x2000x128xf32, #tpu.memory_space<vmem>>, vector<1x2000x128xf32>
    %swap3A_17 = vector.shape_cast %swap3A_16 : vector<1x2000x128xf32> to vector<2000x128xf32>
    %swap3A_18 = vector.shape_cast %add3A_13 : vector<2000x128xf32> to vector<1x2000x128xf32>
    tpu.vector_store %arg5[%swap3A, %swap3A_14, %swap3A_15], %swap3A_18 {strides = array<i32>} : memref<1x2000x128xf32, #tpu.memory_space<vmem>>, vector<1x2000x128xf32>,
    return
  }
  func.func @transform_0(%arg0: i32, %arg1: i32) -> (i32, i32) {
    %c0_i32 = arith.constant 0 : i32
    %c0_i32_0 = arith.constant 0 : i32
    return %arg0, %c0_i32 : i32, i32
  }
  func.func @transform_1(%arg0: i32, %arg1: i32) -> (i32, i32, i32) {
    %c0_i32 = arith.constant 0 : i32
    %c0_i32_0 = arith.constant 0 : i32
    %c0_i32_1 = arith.constant 0 : i32
    return %arg1, %c0_i32, %c0_i32_0 : i32, i32, i32
  }
  func.func @transform_2(%arg0: i32, %arg1: i32) -> (i32, i32, i32) {
    %c0_i32 = arith.constant 0 : i32
    %c0_i32_0 = arith.constant 0 : i32
    %c0_i32_1 = arith.constant 0 : i32
    return %arg1, %c0_i32, %c0_i32_0 : i32, i32, i32
  }
  func.func @transform_3(%arg0: i32, %arg1: i32) -> (i32, i32, i32) {
    %c0_i32 = arith.constant 0 : i32
    %c0_i32_0 = arith.constant 0 : i32
    return %arg1, %arg0, %c0_i32 : i32, i32, i32
  }
}

module attributes {stable_mosaic.version = 14 : i64} {
  func.func @_gru_transform_body(%arg0: i32, %arg1: memref<1x2000x128xf32, #tpu.memory_space<vmem>>, %arg2: memref<1x2000x128xf32, #tpu.memory_space<vmem>>, %arg3: memref<2000x128xf32, #tpu.memory_space<vmem>>, %arg4: memref<384x128xf32, #tpu.memory_space<vmem>>, %arg5: memref<384x128xf32, #tpu.memory_space<vmem>>, %arg6: memref<1x384xf32, #tpu.memory_space<vmem>>, %arg7: memref<1x384xf32, #tpu.memory_space<vmem>>, %arg8: memref<4x128x128xf32, #tpu.memory_space<vmem>>, %arg9: memref<4x1x128xf32, #tpu.memory_space<vmem>>, %arg10: memref<2000x128xf32, #tpu.memory_space<vmem>>, %arg11: memref<4x2000x128xf32, #tpu.memory_space<vmem>>) attributes {dimension_semantics = [#tpu.dimension_semantics<arbitrary>], iteration_bounds = array<i64: 5>, scalar_prefetch = 0 : i64, scratch_operands = 0 : i64, tpu.core_type = #tpu.core_type<tc>, window_params = [{transform_indices = @transform_0, window_bounds = array<i64: 1, 2000, 128>}, {transform_indices = @transform_1, window_bounds = array<i64: 1, 2000, 128>}, {transform_indices = @transform_2, window_bounds = array<i64: 2000, 128>}, {pipeline_mode = #tpu.pipeline_mode<synchronous>, transform_indices = @transform_3, window_bounds = array<i64: 384, 128>}, {pipeline_mode = #tpu.pipeline_mode<synchronous>, transform_indices = @transform_4, window_bounds = array<i64: 384, 128>}, {pipeline_mode = #tpu.pipeline_mode<synchronous>, transform_indices = @transform_5, window_bounds = array<i64: 1, 384>}, {pipeline_mode = #tpu.pipeline_mode<synchronous>, transform_indices = @transform_6, window_bounds = array<i64: 1, 384>}, {pipeline_mode = #tpu.pipeline_mode<synchronous>, transform_indices = @transform_7, window_bounds = array<i64: 4, 128, 128>}, {pipeline_mode = #tpu.pipeline_mode<synchronous>, transform_indices = @transform_8, window_bounds = array<i64: 4, 1, 128>}, {transform_indices = @transform_9, window_bounds = array<i64: 2000, 128>}, {transform_indices = @transform_10, window_bounds = array<i64: 4, 2000, 128>}]} {
    %get3A = arith.constant 0 : index
    %get3A_0 = arith.constant 0 : index
    %get3A_1 = arith.constant 0 : index
    %get3A_2 = vector.load %arg1[%get3A, %get3A_0, %get3A_1] : memref<1x2000x128xf32, #tpu.memory_space<vmem>>, vector<1x2000x128xf32>
    %get3A_3 = vector.shape_cast %get3A_2 : vector<1x2000x128xf32> to vector<2000x128xf32>
    %get3A_4 = arith.constant 0 : index
    %get3A_5 = arith.constant 0 : index
    %get3A_6 = arith.constant 0 : index
    %get3A_7 = vector.load %arg2[%get3A_4, %get3A_5, %get3A_6] : memref<1x2000x128xf32, #tpu.memory_space<vmem>>, vector<1x2000x128xf32>
    %get3A_8 = vector.shape_cast %get3A_7 : vector<1x2000x128xf32> to vector<2000x128xf32>
    %add3A = arith.addf %get3A_3, %get3A_8 : vector<2000x128xf32>
    %get3A_9 = arith.constant 0 : index
    %get3A_10 = arith.constant 0 : index
    %get3A_11 = vector.load %arg3[%get3A_9, %get3A_10] : memref<2000x128xf32, #tpu.memory_space<vmem>>, vector<2000x128xf32>
    %get3A_12 = arith.constant 0 : index
    %get3A_13 = arith.constant 0 : index
    %get3A_14 = vector.load %arg4[%get3A_12, %get3A_13] : memref<384x128xf32, #tpu.memory_space<vmem>>, vector<384x128xf32>
    %dot_general3A = arith.constant dense<0.000000e+00> : vector<2000x384xf32>
    %dot_general3A_15 = tpu.matmul %add3A, %get3A_14, %dot_general3A {dimension_numbers = #tpu.dot_dimension_numbers<[1], [1], [0], [0], [0, 0, 1, 0], [], []>, transpose_lhs_hint = false} : vector<2000x128xf32>, vector<384x128xf32>, vector<2000x384xf32> -> vector<2000x384xf32>
    %get3A_16 = arith.constant 0 : index
    %get3A_17 = arith.constant 0 : index
    %get3A_18 = vector.load %arg6[%get3A_16, %get3A_17] : memref<1x384xf32, #tpu.memory_space<vmem>>, vector<1x384xf32>
    %add3A_19 = vector.broadcast %get3A_18 : vector<1x384xf32> to vector<2000x384xf32>
    %add3A_20 = arith.addf %dot_general3A_15, %add3A_19 : vector<2000x384xf32>
    %get3A_21 = arith.constant 0 : index
    %get3A_22 = arith.constant 0 : index
    %get3A_23 = vector.load %arg5[%get3A_21, %get3A_22] : memref<384x128xf32, #tpu.memory_space<vmem>>, vector<384x128xf32>
    %dot_general3A_24 = arith.constant dense<0.000000e+00> : vector<2000x384xf32>
    %dot_general3A_25 = tpu.matmul %get3A_11, %get3A_23, %dot_general3A_24 {dimension_numbers = #tpu.dot_dimension_numbers<[1], [1], [0], [0], [0, 0, 1, 0], [], []>, transpose_lhs_hint = false} : vector<2000x128xf32>, vector<384x128xf32>, vector<2000x384xf32> -> vector<2000x384xf32>
    %get3A_26 = arith.constant 0 : index
    %get3A_27 = arith.constant 0 : index
    %get3A_28 = vector.load %arg7[%get3A_26, %get3A_27] : memref<1x384xf32, #tpu.memory_space<vmem>>, vector<1x384xf32>
    %add3A_29 = vector.broadcast %get3A_28 : vector<1x384xf32> to vector<2000x384xf32>
    %add3A_30 = arith.addf %dot_general3A_25, %add3A_29 : vector<2000x384xf32>
    %slice3A = vector.extract_strided_slice %add3A_20 {offsets = [0, 0], sizes = [2000, 128], strides = [1, 1]} : vector<2000x384xf32> to vector<2000x128xf32>
    %slice3A_31 = vector.extract_strided_slice %add3A_30 {offsets = [0, 0], sizes = [2000, 128], strides = [1, 1]} : vector<2000x384xf32> to vector<2000x128xf32>
    %add3A_32 = arith.addf %slice3A, %slice3A_31 : vector<2000x128xf32>
    %logistic3A = arith.negf %add3A_32 : vector<2000x128xf32>
    %logistic3A_33 = math.exp %logistic3A : vector<2000x128xf32>
    %logistic3A_34 = arith.constant 1.000000e+00 : f32
    %logistic3A_35 = vector.broadcast %logistic3A_34 : f32 to vector<2000x128xf32>
    %logistic3A_36 = arith.addf %logistic3A_35, %logistic3A_33 : vector<2000x128xf32>
    %logistic3A_37 = arith.divf %logistic3A_35, %logistic3A_36 : vector<2000x128xf32>
    %slice3A_38 = vector.extract_strided_slice %add3A_20 {offsets = [0, 128], sizes = [2000, 128], strides = [1, 1]} : vector<2000x384xf32> to vector<2000x128xf32>
    %slice3A_39 = vector.extract_strided_slice %add3A_30 {offsets = [0, 128], sizes = [2000, 128], strides = [1, 1]} : vector<2000x384xf32> to vector<2000x128xf32>
    %add3A_40 = arith.addf %slice3A_38, %slice3A_39 : vector<2000x128xf32>
    %logistic3A_41 = arith.negf %add3A_40 : vector<2000x128xf32>
    %logistic3A_42 = math.exp %logistic3A_41 : vector<2000x128xf32>
    %logistic3A_43 = arith.constant 1.000000e+00 : f32
    %logistic3A_44 = vector.broadcast %logistic3A_43 : f32 to vector<2000x128xf32>
    %logistic3A_45 = arith.addf %logistic3A_44, %logistic3A_42 : vector<2000x128xf32>
    %logistic3A_46 = arith.divf %logistic3A_44, %logistic3A_45 : vector<2000x128xf32>
    %slice3A_47 = vector.extract_strided_slice %add3A_20 {offsets = [0, 256], sizes = [2000, 128], strides = [1, 1]} : vector<2000x384xf32> to vector<2000x128xf32>
    %slice3A_48 = vector.extract_strided_slice %add3A_30 {offsets = [0, 256], sizes = [2000, 128], strides = [1, 1]} : vector<2000x384xf32> to vector<2000x128xf32>
    %mul3A = arith.mulf %logistic3A_37, %slice3A_48 : vector<2000x128xf32>
    %add3A_49 = arith.addf %slice3A_47, %mul3A : vector<2000x128xf32>
    %tanh3A = math.tanh %add3A_49 : vector<2000x128xf32>
    %sub3A = arith.constant 1.000000e+00 : f32
    %sub3A_50 = vector.broadcast %sub3A : f32 to vector<2000x128xf32>
    %sub3A_51 = arith.subf %sub3A_50, %logistic3A_46 : vector<2000x128xf32>
    %mul3A_52 = arith.mulf %sub3A_51, %tanh3A : vector<2000x128xf32>
    %mul3A_53 = arith.mulf %logistic3A_46, %get3A_11 : vector<2000x128xf32>
    %add3A_54 = arith.addf %mul3A_52, %mul3A_53 : vector<2000x128xf32>
    %swap3A = arith.constant 0 : index
    %swap3A_55 = arith.constant 0 : index
    %swap3A_56 = vector.load %arg10[%swap3A, %swap3A_55] : memref<2000x128xf32, #tpu.memory_space<vmem>>, vector<2000x128xf32>
    tpu.vector_store %arg10[%swap3A, %swap3A_55], %add3A_54 {strides = array<i32>} : memref<2000x128xf32, #tpu.memory_space<vmem>>, vector<2000x128xf32>,
    %get3A_57 = arith.constant 0 : index
    %get3A_58 = arith.constant 0 : index
    %get3A_59 = arith.constant 0 : index
    %get3A_60 = vector.load %arg8[%get3A_57, %get3A_58, %get3A_59] : memref<4x128x128xf32, #tpu.memory_space<vmem>>, vector<1x128x128xf32>
    %get3A_61 = vector.shape_cast %get3A_60 : vector<1x128x128xf32> to vector<128x128xf32>
    %dot_general3A_62 = arith.constant dense<0.000000e+00> : vector<2000x128xf32>
    %dot_general3A_63 = tpu.matmul %add3A_54, %get3A_61, %dot_general3A_62 {dimension_numbers = #tpu.dot_dimension_numbers<[1], [1], [0], [0], [0, 0, 1, 0], [], []>, transpose_lhs_hint = false} : vector<2000x128xf32>, vector<128x128xf32>, vector<2000x128xf32> -> vector<2000x128xf32>
    %get3A_64 = arith.constant 0 : index
    %get3A_65 = arith.constant 0 : index
    %get3A_66 = arith.constant 0 : index
    %get3A_67 = vector.load %arg9[%get3A_64, %get3A_65, %get3A_66] : memref<4x1x128xf32, #tpu.memory_space<vmem>>, vector<1x1x128xf32>
    %get3A_68 = vector.shape_cast %get3A_67 : vector<1x1x128xf32> to vector<1x128xf32>
    %add3A_69 = vector.broadcast %get3A_68 : vector<1x128xf32> to vector<2000x128xf32>
    %add3A_70 = arith.addf %dot_general3A_63, %add3A_69 : vector<2000x128xf32>
    %swap3A_71 = arith.constant 0 : index
    %swap3A_72 = arith.constant 0 : index
    %swap3A_73 = arith.constant 0 : index
    %swap3A_74 = vector.load %arg11[%swap3A_71, %swap3A_72, %swap3A_73] : memref<4x2000x128xf32, #tpu.memory_space<vmem>>, vector<1x2000x128xf32>
    %swap3A_75 = vector.shape_cast %swap3A_74 : vector<1x2000x128xf32> to vector<2000x128xf32>
    %swap3A_76 = vector.shape_cast %add3A_70 : vector<2000x128xf32> to vector<1x2000x128xf32>
    tpu.vector_store %arg11[%swap3A_71, %swap3A_72, %swap3A_73], %swap3A_76 {strides = array<i32>} : memref<4x2000x128xf32, #tpu.memory_space<vmem>>, vector<1x2000x128xf32>,
    %get3A_77 = arith.constant 1 : index
    %get3A_78 = arith.constant 0 : index
    %get3A_79 = arith.constant 0 : index
    %get3A_80 = vector.load %arg8[%get3A_77, %get3A_78, %get3A_79] : memref<4x128x128xf32, #tpu.memory_space<vmem>>, vector<1x128x128xf32>
    %get3A_81 = vector.shape_cast %get3A_80 : vector<1x128x128xf32> to vector<128x128xf32>
    %dot_general3A_82 = arith.constant dense<0.000000e+00> : vector<2000x128xf32>
    %dot_general3A_83 = tpu.matmul %add3A_54, %get3A_81, %dot_general3A_82 {dimension_numbers = #tpu.dot_dimension_numbers<[1], [1], [0], [0], [0, 0, 1, 0], [], []>, transpose_lhs_hint = false} : vector<2000x128xf32>, vector<128x128xf32>, vector<2000x128xf32> -> vector<2000x128xf32>
    %get3A_84 = arith.constant 1 : index
    %get3A_85 = arith.constant 0 : index
    %get3A_86 = arith.constant 0 : index
    %get3A_87 = vector.load %arg9[%get3A_84, %get3A_85, %get3A_86] : memref<4x1x128xf32, #tpu.memory_space<vmem>>, vector<1x1x128xf32>
    %get3A_88 = vector.shape_cast %get3A_87 : vector<1x1x128xf32> to vector<1x128xf32>
    %add3A_89 = vector.broadcast %get3A_88 : vector<1x128xf32> to vector<2000x128xf32>
    %add3A_90 = arith.addf %dot_general3A_83, %add3A_89 : vector<2000x128xf32>
    %swap3A_91 = arith.constant 1 : index
    %swap3A_92 = arith.constant 0 : index
    %swap3A_93 = arith.constant 0 : index
    %swap3A_94 = vector.load %arg11[%swap3A_91, %swap3A_92, %swap3A_93] : memref<4x2000x128xf32, #tpu.memory_space<vmem>>, vector<1x2000x128xf32>
    %swap3A_95 = vector.shape_cast %swap3A_94 : vector<1x2000x128xf32> to vector<2000x128xf32>
    %swap3A_96 = vector.shape_cast %add3A_90 : vector<2000x128xf32> to vector<1x2000x128xf32>
    tpu.vector_store %arg11[%swap3A_91, %swap3A_92, %swap3A_93], %swap3A_96 {strides = array<i32>} : memref<4x2000x128xf32, #tpu.memory_space<vmem>>, vector<1x2000x128xf32>,
    %get3A_97 = arith.constant 2 : index
    %get3A_98 = arith.constant 0 : index
    %get3A_99 = arith.constant 0 : index
    %get3A_100 = vector.load %arg8[%get3A_97, %get3A_98, %get3A_99] : memref<4x128x128xf32, #tpu.memory_space<vmem>>, vector<1x128x128xf32>
    %get3A_101 = vector.shape_cast %get3A_100 : vector<1x128x128xf32> to vector<128x128xf32>
    %dot_general3A_102 = arith.constant dense<0.000000e+00> : vector<2000x128xf32>
    %dot_general3A_103 = tpu.matmul %add3A_54, %get3A_101, %dot_general3A_102 {dimension_numbers = #tpu.dot_dimension_numbers<[1], [1], [0], [0], [0, 0, 1, 0], [], []>, transpose_lhs_hint = false} : vector<2000x128xf32>, vector<128x128xf32>, vector<2000x128xf32> -> vector<2000x128xf32>
    %get3A_104 = arith.constant 2 : index
    %get3A_105 = arith.constant 0 : index
    %get3A_106 = arith.constant 0 : index
    %get3A_107 = vector.load %arg9[%get3A_104, %get3A_105, %get3A_106] : memref<4x1x128xf32, #tpu.memory_space<vmem>>, vector<1x1x128xf32>
    %get3A_108 = vector.shape_cast %get3A_107 : vector<1x1x128xf32> to vector<1x128xf32>
    %add3A_109 = vector.broadcast %get3A_108 : vector<1x128xf32> to vector<2000x128xf32>
    %add3A_110 = arith.addf %dot_general3A_103, %add3A_109 : vector<2000x128xf32>
    %swap3A_111 = arith.constant 2 : index
    %swap3A_112 = arith.constant 0 : index
    %swap3A_113 = arith.constant 0 : index
    %swap3A_114 = vector.load %arg11[%swap3A_111, %swap3A_112, %swap3A_113] : memref<4x2000x128xf32, #tpu.memory_space<vmem>>, vector<1x2000x128xf32>
    %swap3A_115 = vector.shape_cast %swap3A_114 : vector<1x2000x128xf32> to vector<2000x128xf32>
    %swap3A_116 = vector.shape_cast %add3A_110 : vector<2000x128xf32> to vector<1x2000x128xf32>
    tpu.vector_store %arg11[%swap3A_111, %swap3A_112, %swap3A_113], %swap3A_116 {strides = array<i32>} : memref<4x2000x128xf32, #tpu.memory_space<vmem>>, vector<1x2000x128xf32>,
    %get3A_117 = arith.constant 3 : index
    %get3A_118 = arith.constant 0 : index
    %get3A_119 = arith.constant 0 : index
    %get3A_120 = vector.load %arg8[%get3A_117, %get3A_118, %get3A_119] : memref<4x128x128xf32, #tpu.memory_space<vmem>>, vector<1x128x128xf32>
    %get3A_121 = vector.shape_cast %get3A_120 : vector<1x128x128xf32> to vector<128x128xf32>
    %dot_general3A_122 = arith.constant dense<0.000000e+00> : vector<2000x128xf32>
    %dot_general3A_123 = tpu.matmul %add3A_54, %get3A_121, %dot_general3A_122 {dimension_numbers = #tpu.dot_dimension_numbers<[1], [1], [0], [0], [0, 0, 1, 0], [], []>, transpose_lhs_hint = false} : vector<2000x128xf32>, vector<128x128xf32>, vector<2000x128xf32> -> vector<2000x128xf32>
    %get3A_124 = arith.constant 3 : index
    %get3A_125 = arith.constant 0 : index
    %get3A_126 = arith.constant 0 : index
    %get3A_127 = vector.load %arg9[%get3A_124, %get3A_125, %get3A_126] : memref<4x1x128xf32, #tpu.memory_space<vmem>>, vector<1x1x128xf32>
    %get3A_128 = vector.shape_cast %get3A_127 : vector<1x1x128xf32> to vector<1x128xf32>
    %add3A_129 = vector.broadcast %get3A_128 : vector<1x128xf32> to vector<2000x128xf32>
    %add3A_130 = arith.addf %dot_general3A_123, %add3A_129 : vector<2000x128xf32>
    %swap3A_131 = arith.constant 3 : index
    %swap3A_132 = arith.constant 0 : index
    %swap3A_133 = arith.constant 0 : index
    %swap3A_134 = vector.load %arg11[%swap3A_131, %swap3A_132, %swap3A_133] : memref<4x2000x128xf32, #tpu.memory_space<vmem>>, vector<1x2000x128xf32>
    %swap3A_135 = vector.shape_cast %swap3A_134 : vector<1x2000x128xf32> to vector<2000x128xf32>
    %swap3A_136 = vector.shape_cast %add3A_130 : vector<2000x128xf32> to vector<1x2000x128xf32>
    tpu.vector_store %arg11[%swap3A_131, %swap3A_132, %swap3A_133], %swap3A_136 {strides = array<i32>} : memref<4x2000x128xf32, #tpu.memory_space<vmem>>, vector<1x2000x128xf32>,
    return
  }
  func.func @transform_0(%arg0: i32) -> (i32, i32, i32) {
    %c0_i32 = arith.constant 0 : i32
    %c0_i32_0 = arith.constant 0 : i32
    %c0_i32_1 = arith.constant 0 : i32
    return %c0_i32, %arg0, %c0_i32_0 : i32, i32, i32
  }
  func.func @transform_1(%arg0: i32) -> (i32, i32, i32) {
    %c1_i32 = arith.constant 1 : i32
    %c0_i32 = arith.constant 0 : i32
    %c0_i32_0 = arith.constant 0 : i32
    return %c1_i32, %arg0, %c0_i32 : i32, i32, i32
  }
  func.func @transform_2(%arg0: i32) -> (i32, i32) {
    %c0_i32 = arith.constant 0 : i32
    %c0_i32_0 = arith.constant 0 : i32
    return %arg0, %c0_i32 : i32, i32
  }
  func.func @transform_3(%arg0: i32) -> (i32, i32) {
    %c0_i32 = arith.constant 0 : i32
    %c0_i32_0 = arith.constant 0 : i32
    %c0_i32_1 = arith.constant 0 : i32
    return %c0_i32, %c0_i32_0 : i32, i32
  }
  func.func @transform_4(%arg0: i32) -> (i32, i32) {
    %c0_i32 = arith.constant 0 : i32
    %c0_i32_0 = arith.constant 0 : i32
    %c0_i32_1 = arith.constant 0 : i32
    return %c0_i32, %c0_i32_0 : i32, i32
  }
  func.func @transform_5(%arg0: i32) -> (i32, i32) {
    %c0_i32 = arith.constant 0 : i32
    %c0_i32_0 = arith.constant 0 : i32
    %c0_i32_1 = arith.constant 0 : i32
    return %c0_i32, %c0_i32_0 : i32, i32
  }
  func.func @transform_6(%arg0: i32) -> (i32, i32) {
    %c0_i32 = arith.constant 0 : i32
    %c0_i32_0 = arith.constant 0 : i32
    %c0_i32_1 = arith.constant 0 : i32
    return %c0_i32, %c0_i32_0 : i32, i32
  }
  func.func @transform_7(%arg0: i32) -> (i32, i32, i32) {
    %c0_i32 = arith.constant 0 : i32
    %c0_i32_0 = arith.constant 0 : i32
    %c0_i32_1 = arith.constant 0 : i32
    %c0_i32_2 = arith.constant 0 : i32
    return %c0_i32, %c0_i32_0, %c0_i32_1 : i32, i32, i32
  }
  func.func @transform_8(%arg0: i32) -> (i32, i32, i32) {
    %c0_i32 = arith.constant 0 : i32
    %c0_i32_0 = arith.constant 0 : i32
    %c0_i32_1 = arith.constant 0 : i32
    %c0_i32_2 = arith.constant 0 : i32
    return %c0_i32, %c0_i32_0, %c0_i32_1 : i32, i32, i32
  }
  func.func @transform_9(%arg0: i32) -> (i32, i32) {
    %c0_i32 = arith.constant 0 : i32
    %c0_i32_0 = arith.constant 0 : i32
    return %arg0, %c0_i32 : i32, i32
  }
  func.func @transform_10(%arg0: i32) -> (i32, i32, i32) {
    %c0_i32 = arith.constant 0 : i32
    %c0_i32_0 = arith.constant 0 : i32
    %c0_i32_1 = arith.constant 0 : i32
    return %c0_i32, %arg0, %c0_i32_0 : i32, i32, i32
  }
}

module attributes {stable_mosaic.version = 14 : i64} {
  func.func @_gru_pool_body(%arg0: i32, %arg1: memref<1x2000x128xf32, #tpu.memory_space<vmem>>, %arg2: memref<1x2000x128xf32, #tpu.memory_space<vmem>>, %arg3: memref<2000x128xf32, #tpu.memory_space<vmem>>, %arg4: memref<384x128xf32, #tpu.memory_space<vmem>>, %arg5: memref<384x128xf32, #tpu.memory_space<vmem>>, %arg6: memref<1x384xf32, #tpu.memory_space<vmem>>, %arg7: memref<1x384xf32, #tpu.memory_space<vmem>>, %arg8: memref<1x128xf32, #tpu.memory_space<vmem>>, %arg9: memref<1x128xf32, #tpu.memory_space<vmem>>, %arg10: memref<2x1x128xf32, #tpu.memory_space<vmem>>) attributes {dimension_semantics = [#tpu.dimension_semantics<arbitrary>], iteration_bounds = array<i64: 5>, scalar_prefetch = 0 : i64, scratch_operands = 0 : i64, tpu.core_type = #tpu.core_type<tc>, window_params = [{transform_indices = @transform_0, window_bounds = array<i64: 1, 2000, 128>}, {transform_indices = @transform_1, window_bounds = array<i64: 1, 2000, 128>}, {transform_indices = @transform_2, window_bounds = array<i64: 2000, 128>}, {pipeline_mode = #tpu.pipeline_mode<synchronous>, transform_indices = @transform_3, window_bounds = array<i64: 384, 128>}, {pipeline_mode = #tpu.pipeline_mode<synchronous>, transform_indices = @transform_4, window_bounds = array<i64: 384, 128>}, {pipeline_mode = #tpu.pipeline_mode<synchronous>, transform_indices = @transform_5, window_bounds = array<i64: 1, 384>}, {pipeline_mode = #tpu.pipeline_mode<synchronous>, transform_indices = @transform_6, window_bounds = array<i64: 1, 384>}, {pipeline_mode = #tpu.pipeline_mode<synchronous>, transform_indices = @transform_7, window_bounds = array<i64: 1, 128>}, {pipeline_mode = #tpu.pipeline_mode<synchronous>, transform_indices = @transform_8, window_bounds = array<i64: 1, 128>}, {transform_indices = @transform_9, window_bounds = array<i64: 2, 1, 128>}]} {
    %get3A = arith.constant 0 : index
    %get3A_0 = arith.constant 0 : index
    %get3A_1 = arith.constant 0 : index
    %get3A_2 = vector.load %arg1[%get3A, %get3A_0, %get3A_1] : memref<1x2000x128xf32, #tpu.memory_space<vmem>>, vector<1x2000x128xf32>
    %get3A_3 = vector.shape_cast %get3A_2 : vector<1x2000x128xf32> to vector<2000x128xf32>
    %get3A_4 = arith.constant 0 : index
    %get3A_5 = arith.constant 0 : index
    %get3A_6 = arith.constant 0 : index
    %get3A_7 = vector.load %arg2[%get3A_4, %get3A_5, %get3A_6] : memref<1x2000x128xf32, #tpu.memory_space<vmem>>, vector<1x2000x128xf32>
    %get3A_8 = vector.shape_cast %get3A_7 : vector<1x2000x128xf32> to vector<2000x128xf32>
    %add3A = arith.addf %get3A_3, %get3A_8 : vector<2000x128xf32>
    %get3A_9 = arith.constant 0 : index
    %get3A_10 = arith.constant 0 : index
    %get3A_11 = vector.load %arg3[%get3A_9, %get3A_10] : memref<2000x128xf32, #tpu.memory_space<vmem>>, vector<2000x128xf32>
    %get3A_12 = arith.constant 0 : index
    %get3A_13 = arith.constant 0 : index
    %get3A_14 = vector.load %arg4[%get3A_12, %get3A_13] : memref<384x128xf32, #tpu.memory_space<vmem>>, vector<384x128xf32>
    %dot_general3A = arith.constant dense<0.000000e+00> : vector<2000x384xf32>
    %dot_general3A_15 = tpu.matmul %add3A, %get3A_14, %dot_general3A {dimension_numbers = #tpu.dot_dimension_numbers<[1], [1], [0], [0], [0, 0, 1, 0], [], []>, transpose_lhs_hint = false} : vector<2000x128xf32>, vector<384x128xf32>, vector<2000x384xf32> -> vector<2000x384xf32>
    %get3A_16 = arith.constant 0 : index
    %get3A_17 = arith.constant 0 : index
    %get3A_18 = vector.load %arg6[%get3A_16, %get3A_17] : memref<1x384xf32, #tpu.memory_space<vmem>>, vector<1x384xf32>
    %add3A_19 = vector.broadcast %get3A_18 : vector<1x384xf32> to vector<2000x384xf32>
    %add3A_20 = arith.addf %dot_general3A_15, %add3A_19 : vector<2000x384xf32>
    %get3A_21 = arith.constant 0 : index
    %get3A_22 = arith.constant 0 : index
    %get3A_23 = vector.load %arg5[%get3A_21, %get3A_22] : memref<384x128xf32, #tpu.memory_space<vmem>>, vector<384x128xf32>
    %dot_general3A_24 = arith.constant dense<0.000000e+00> : vector<2000x384xf32>
    %dot_general3A_25 = tpu.matmul %get3A_11, %get3A_23, %dot_general3A_24 {dimension_numbers = #tpu.dot_dimension_numbers<[1], [1], [0], [0], [0, 0, 1, 0], [], []>, transpose_lhs_hint = false} : vector<2000x128xf32>, vector<384x128xf32>, vector<2000x384xf32> -> vector<2000x384xf32>
    %get3A_26 = arith.constant 0 : index
    %get3A_27 = arith.constant 0 : index
    %get3A_28 = vector.load %arg7[%get3A_26, %get3A_27] : memref<1x384xf32, #tpu.memory_space<vmem>>, vector<1x384xf32>
    %add3A_29 = vector.broadcast %get3A_28 : vector<1x384xf32> to vector<2000x384xf32>
    %add3A_30 = arith.addf %dot_general3A_25, %add3A_29 : vector<2000x384xf32>
    %slice3A = vector.extract_strided_slice %add3A_20 {offsets = [0, 0], sizes = [2000, 128], strides = [1, 1]} : vector<2000x384xf32> to vector<2000x128xf32>
    %slice3A_31 = vector.extract_strided_slice %add3A_30 {offsets = [0, 0], sizes = [2000, 128], strides = [1, 1]} : vector<2000x384xf32> to vector<2000x128xf32>
    %add3A_32 = arith.addf %slice3A, %slice3A_31 : vector<2000x128xf32>
    %logistic3A = arith.negf %add3A_32 : vector<2000x128xf32>
    %logistic3A_33 = math.exp %logistic3A : vector<2000x128xf32>
    %logistic3A_34 = arith.constant 1.000000e+00 : f32
    %logistic3A_35 = vector.broadcast %logistic3A_34 : f32 to vector<2000x128xf32>
    %logistic3A_36 = arith.addf %logistic3A_35, %logistic3A_33 : vector<2000x128xf32>
    %logistic3A_37 = arith.divf %logistic3A_35, %logistic3A_36 : vector<2000x128xf32>
    %slice3A_38 = vector.extract_strided_slice %add3A_20 {offsets = [0, 128], sizes = [2000, 128], strides = [1, 1]} : vector<2000x384xf32> to vector<2000x128xf32>
    %slice3A_39 = vector.extract_strided_slice %add3A_30 {offsets = [0, 128], sizes = [2000, 128], strides = [1, 1]} : vector<2000x384xf32> to vector<2000x128xf32>
    %add3A_40 = arith.addf %slice3A_38, %slice3A_39 : vector<2000x128xf32>
    %logistic3A_41 = arith.negf %add3A_40 : vector<2000x128xf32>
    %logistic3A_42 = math.exp %logistic3A_41 : vector<2000x128xf32>
    %logistic3A_43 = arith.constant 1.000000e+00 : f32
    %logistic3A_44 = vector.broadcast %logistic3A_43 : f32 to vector<2000x128xf32>
    %logistic3A_45 = arith.addf %logistic3A_44, %logistic3A_42 : vector<2000x128xf32>
    %logistic3A_46 = arith.divf %logistic3A_44, %logistic3A_45 : vector<2000x128xf32>
    %slice3A_47 = vector.extract_strided_slice %add3A_20 {offsets = [0, 256], sizes = [2000, 128], strides = [1, 1]} : vector<2000x384xf32> to vector<2000x128xf32>
    %slice3A_48 = vector.extract_strided_slice %add3A_30 {offsets = [0, 256], sizes = [2000, 128], strides = [1, 1]} : vector<2000x384xf32> to vector<2000x128xf32>
    %mul3A = arith.mulf %logistic3A_37, %slice3A_48 : vector<2000x128xf32>
    %add3A_49 = arith.addf %slice3A_47, %mul3A : vector<2000x128xf32>
    %tanh3A = math.tanh %add3A_49 : vector<2000x128xf32>
    %sub3A = arith.constant 1.000000e+00 : f32
    %sub3A_50 = vector.broadcast %sub3A : f32 to vector<2000x128xf32>
    %sub3A_51 = arith.subf %sub3A_50, %logistic3A_46 : vector<2000x128xf32>
    %mul3A_52 = arith.mulf %sub3A_51, %tanh3A : vector<2000x128xf32>
    %mul3A_53 = arith.mulf %logistic3A_46, %get3A_11 : vector<2000x128xf32>
    %add3A_54 = arith.addf %mul3A_52, %mul3A_53 : vector<2000x128xf32>
    %get3A_55 = arith.constant 0 : index
    %get3A_56 = arith.constant 0 : index
    %get3A_57 = vector.load %arg8[%get3A_55, %get3A_56] : memref<1x128xf32, #tpu.memory_space<vmem>>, vector<1x128xf32>
    %get3A_58 = arith.constant 0 : index
    %get3A_59 = arith.constant 0 : index
    %get3A_60 = vector.load %arg9[%get3A_58, %get3A_59] : memref<1x128xf32, #tpu.memory_space<vmem>>, vector<1x128xf32>
    %slice3A_61 = vector.extract_strided_slice %add3A_54 {offsets = [0, 0], sizes = [1000, 128], strides = [1, 1]} : vector<2000x128xf32> to vector<1000x128xf32>
    %reduce_sum3A = arith.constant dense<0.000000e+00> : vector<128xf32>
    %reduce_sum3A_62 = vector.multi_reduction <add>, %slice3A_61, %reduce_sum3A [0] : vector<1000x128xf32> to vector<128xf32>
    %broadcast_in_dim3A = vector.shape_cast %reduce_sum3A_62 : vector<128xf32> to vector<1x128xf32>
    %slice3A_63 = vector.extract_strided_slice %add3A_54 {offsets = [1000, 0], sizes = [1000, 128], strides = [1, 1]} : vector<2000x128xf32> to vector<1000x128xf32>
    %reduce_sum3A_64 = arith.constant dense<0.000000e+00> : vector<128xf32>
    %reduce_sum3A_65 = vector.multi_reduction <add>, %slice3A_63, %reduce_sum3A_64 [0] : vector<1000x128xf32> to vector<128xf32>
    %broadcast_in_dim3A_66 = vector.shape_cast %reduce_sum3A_65 : vector<128xf32> to vector<1x128xf32>
    %mul3A_67 = arith.mulf %broadcast_in_dim3A, %get3A_57 : vector<1x128xf32>
    %reduce_sum3A_68 = arith.constant dense<0.000000e+00> : vector<1xf32>
    %reduce_sum3A_69 = vector.multi_reduction <add>, %mul3A_67, %reduce_sum3A_68 [1] : vector<1x128xf32> to vector<1xf32>
    %broadcast_in_dim3A_70 = vector.shape_cast %reduce_sum3A_69 : vector<1xf32> to vector<1x1xf32>
    %add3A_71 = vector.broadcast %broadcast_in_dim3A_70 : vector<1x1xf32> to vector<1x128xf32>
    %add3A_72 = arith.addf %add3A_71, %get3A_60 : vector<1x128xf32>
    %logistic3A_73 = arith.negf %add3A_72 : vector<1x128xf32>
    %logistic3A_74 = math.exp %logistic3A_73 : vector<1x128xf32>
    %logistic3A_75 = arith.constant 1.000000e+00 : f32
    %logistic3A_76 = vector.broadcast %logistic3A_75 : f32 to vector<1x128xf32>
    %logistic3A_77 = arith.addf %logistic3A_76, %logistic3A_74 : vector<1x128xf32>
    %logistic3A_78 = arith.divf %logistic3A_76, %logistic3A_77 : vector<1x128xf32>
    %swap3A = arith.constant 0 : index
    %swap3A_79 = arith.constant 0 : index
    %swap3A_80 = arith.constant 0 : index
    %swap3A_81 = vector.load %arg10[%swap3A, %swap3A_79, %swap3A_80] : memref<2x1x128xf32, #tpu.memory_space<vmem>>, vector<1x1x128xf32>
    %swap3A_82 = vector.shape_cast %swap3A_81 : vector<1x1x128xf32> to vector<1x128xf32>
    %swap3A_83 = vector.shape_cast %logistic3A_78 : vector<1x128xf32> to vector<1x1x128xf32>
    tpu.vector_store %arg10[%swap3A, %swap3A_79, %swap3A_80], %swap3A_83 {strides = array<i32>} : memref<2x1x128xf32, #tpu.memory_space<vmem>>, vector<1x1x128xf32>,
    %mul3A_84 = arith.mulf %broadcast_in_dim3A_66, %get3A_57 : vector<1x128xf32>
    %reduce_sum3A_85 = arith.constant dense<0.000000e+00> : vector<1xf32>
    %reduce_sum3A_86 = vector.multi_reduction <add>, %mul3A_84, %reduce_sum3A_85 [1] : vector<1x128xf32> to vector<1xf32>
    %broadcast_in_dim3A_87 = vector.shape_cast %reduce_sum3A_86 : vector<1xf32> to vector<1x1xf32>
    %add3A_88 = vector.broadcast %broadcast_in_dim3A_87 : vector<1x1xf32> to vector<1x128xf32>
    %add3A_89 = arith.addf %add3A_88, %get3A_60 : vector<1x128xf32>
    %logistic3A_90 = arith.negf %add3A_89 : vector<1x128xf32>
    %logistic3A_91 = math.exp %logistic3A_90 : vector<1x128xf32>
    %logistic3A_92 = arith.constant 1.000000e+00 : f32
    %logistic3A_93 = vector.broadcast %logistic3A_92 : f32 to vector<1x128xf32>
    %logistic3A_94 = arith.addf %logistic3A_93, %logistic3A_91 : vector<1x128xf32>
    %logistic3A_95 = arith.divf %logistic3A_93, %logistic3A_94 : vector<1x128xf32>
    %swap3A_96 = arith.constant 1 : index
    %swap3A_97 = arith.constant 0 : index
    %swap3A_98 = arith.constant 0 : index
    %swap3A_99 = vector.load %arg10[%swap3A_96, %swap3A_97, %swap3A_98] : memref<2x1x128xf32, #tpu.memory_space<vmem>>, vector<1x1x128xf32>
    %swap3A_100 = vector.shape_cast %swap3A_99 : vector<1x1x128xf32> to vector<1x128xf32>
    %swap3A_101 = vector.shape_cast %logistic3A_95 : vector<1x128xf32> to vector<1x1x128xf32>
    tpu.vector_store %arg10[%swap3A_96, %swap3A_97, %swap3A_98], %swap3A_101 {strides = array<i32>} : memref<2x1x128xf32, #tpu.memory_space<vmem>>, vector<1x1x128xf32>,
    return
  }
  func.func @transform_0(%arg0: i32) -> (i32, i32, i32) {
    %c0_i32 = arith.constant 0 : i32
    %c0_i32_0 = arith.constant 0 : i32
    %c0_i32_1 = arith.constant 0 : i32
    return %c0_i32, %arg0, %c0_i32_0 : i32, i32, i32
  }
  func.func @transform_1(%arg0: i32) -> (i32, i32, i32) {
    %c1_i32 = arith.constant 1 : i32
    %c0_i32 = arith.constant 0 : i32
    %c0_i32_0 = arith.constant 0 : i32
    return %c1_i32, %arg0, %c0_i32 : i32, i32, i32
  }
  func.func @transform_2(%arg0: i32) -> (i32, i32) {
    %c0_i32 = arith.constant 0 : i32
    %c0_i32_0 = arith.constant 0 : i32
    return %arg0, %c0_i32 : i32, i32
  }
  func.func @transform_3(%arg0: i32) -> (i32, i32) {
    %c0_i32 = arith.constant 0 : i32
    %c0_i32_0 = arith.constant 0 : i32
    %c0_i32_1 = arith.constant 0 : i32
    return %c0_i32, %c0_i32_0 : i32, i32
  }
  func.func @transform_4(%arg0: i32) -> (i32, i32) {
    %c0_i32 = arith.constant 0 : i32
    %c0_i32_0 = arith.constant 0 : i32
    %c0_i32_1 = arith.constant 0 : i32
    return %c0_i32, %c0_i32_0 : i32, i32
  }
  func.func @transform_5(%arg0: i32) -> (i32, i32) {
    %c0_i32 = arith.constant 0 : i32
    %c0_i32_0 = arith.constant 0 : i32
    %c0_i32_1 = arith.constant 0 : i32
    return %c0_i32, %c0_i32_0 : i32, i32
  }
  func.func @transform_6(%arg0: i32) -> (i32, i32) {
    %c0_i32 = arith.constant 0 : i32
    %c0_i32_0 = arith.constant 0 : i32
    %c0_i32_1 = arith.constant 0 : i32
    return %c0_i32, %c0_i32_0 : i32, i32
  }
  func.func @transform_7(%arg0: i32) -> (i32, i32) {
    %c0_i32 = arith.constant 0 : i32
    %c0_i32_0 = arith.constant 0 : i32
    %c0_i32_1 = arith.constant 0 : i32
    return %c0_i32, %c0_i32_0 : i32, i32
  }
  func.func @transform_8(%arg0: i32) -> (i32, i32) {
    %c0_i32 = arith.constant 0 : i32
    %c0_i32_0 = arith.constant 0 : i32
    %c0_i32_1 = arith.constant 0 : i32
    return %c0_i32, %c0_i32_0 : i32, i32
  }
  func.func @transform_9(%arg0: i32) -> (i32, i32, i32) {
    %c0_i32 = arith.constant 0 : i32
    %c0_i32_0 = arith.constant 0 : i32
    %c0_i32_1 = arith.constant 0 : i32
    return %arg0, %c0_i32, %c0_i32_0 : i32, i32, i32
  }
}

</mosaic_0001>

<sc_bundles>
// kernel: kernel.19.cloned.1.call-start
scs
__scs_entry_jumppad:
0x0: {  	(pc) =	sbr.rel $0x88, $3  }
0x1: {  	(tag) =	ssettag $0x0;
	lr =	simm.s32 $0x1  }
0x2: {  	[smem:$0x3F96] =	sst lr;
	_ =	strace $0xD0000000  }
0x3: {  	_ = 	snop  }
0x4: {  	_ = 	snop  }
0x5: {  	_ = 	snop  }
0x6: {  	_ = 	snop  }
0x7: {  	_ = 	snop  }
__scs_overlays_trampoline_lowered:
0x8: {  	[smem:$0x3FA5] =	sst s0  }
0x9: {  	[smem:$0x3FA6] =	sst s1  }
0xa: {  	[smem:$0x3FA7] =	sst s2  }
0xb: {  	[smem:$0x3FA8] =	sst s3  }
0xc: {  	[smem:$0x3FA9] =	sst s4  }
0xd: {  	[smem:$0x3FAA] =	sst s5  }
0xe: {  	[smem:$0x3FAB] =	sst s6  }
0xf: {  	[smem:$0x3FAC] =	sst s7  }
0x10: {  	[smem:$0x3FAD] =	sst s8  }
0x11: {  	[smem:$0x3FAE] =	sst s9;
	s0 =	simm.s32 @!p0 $0x0  }
0x12: {  	s1 =	sld [smem:$0x3F94];
	s0 =	simm.s32 @p0 $0x1  }
0x13: {  	[smem:$0x3FAF] =	sst s0;
	s0 =	simm.s32 @!p1 $0x0  }
0x14: {  	s2 =	sld [smem:$0x3F93];
	s0 =	simm.s32 @p1 $0x1  }
0x15: {  	[smem:$0x3FB0] =	sst s0;
	s0 =	simm.s32 @!p2 $0x0  }
0x16: {  	s3 =	sld [smem:$0x3FDB];
	s0 =	simm.s32 @p2 $0x1  }
0x17: {  	s4 =	simm.s32 $0x1BF5;
	[smem:$0x3FB2] =	sst s0  }
0x18: {  	s0 =	sld [smem:$0x3F95];
	_ =	swait.ge [sflag:s4], $0x0  }
0x19: {  	s7 =	sld [smem:$0x3F96]  }
0x1a: {  	s8 =	sadd.s32 $0xFFFFE003, lr  }
0x1b: {  	s9 =	sadd.s32 $0xFFFFFEF7, lr;
	s5 =	simm.s32 $0xFFFFFFFF;
	p2 =	slt.u32 s8, $0xFFFFF086  }
0x1c: {  	p1 =	slt.u32 s9, $0xF7A;
	s5 =	simm.s32 @!p2 $0x0  }
0x1d: {  	s5 =	simm.s32 @p1 $0x1;
	p0 =	seq.s32 s7, s2  }
0x1e: {  	s7 =	smul.u32 @!p0 $0xF7A, s2;
	p2 =	seq.s32 @!p0 s5, $0x0  }
0x1f: {  	s9 =	smul.u32 $0xF7A, s1;
	s8 =	simm.s32 @!p0 $0x1BF5;
	p2 =	por !p2, p0  }
0x20: {  	[sflag:s8] =	ssyncset.s32 @!p0 $0xFFFFF086;
	s6 =	sadd.s32 @!p0 s3, s7;
	s7 =	simm.s32 @!p0 $0x108  }
0x21: {  	s3 =	sadd.s32 s3, s9;
	s6 =	sadd.s32 @!p0 $0x88, s6;
	s7 =	simm.s32 @p2 $0x1082  }
0x22: {  	[simem:s7], [sflag:s8] =	dma.local @!p0 [hbm:s6], $0xF7A  }
0x23: {  	s9 =	sor.u32 $0xD0000000, s2;
	s6 =	simm.s32 $0x108;
	_ =	swait.ge @!p0 [sflag:s8], $0x0  }
0x24: {  	s3 =	sadd.s32 $0x88, s3;
	s6 =	simm.s32 @!p1 $0x1082;
	[sflag:s4] =	ssyncset.s32 $0xFFFFF086  }
0x25: {  	[simem:s6], [sflag:s4] =	dma.local [hbm:s3], $0xF7A  }
0x26: {  	[smem:$0x3F96] =	sst s1;
	(tag) =	ssettag s2;
	_ =	strace s9  }
0x27: {  	s1 =	sld [smem:$0x3FA6]  }
0x28: {  	s2 =	sld [smem:$0x3FA7]  }
0x29: {  	s4 =	sld [smem:$0x3FA9]  }
0x2a: {  	p0 =	seq.s32 s5, $0x0;
	s5 =	sld [smem:$0x3FAA]  }
0x2b: {  	s6 =	sld [smem:$0x3FAB]  }
0x2c: {  	s7 =	sld [smem:$0x3FAC]  }
0x2d: {  	s3 =	simm.s32 $0x108;
	s8 =	sld [smem:$0x3FAD]  }
0x2e: {  	s3 =	simm.s32 @!p0 $0x1082;
	s9 =	sld [smem:$0x3FAE]  }
0x2f: {  	lr =	sadd.s32 s0, s3;
	s0 =	sld [smem:$0x3FA5]  }
0x30: {  	s3 =	sld [smem:$0x3FA8]  }
0x31: {  	[smem:$0x3FB1] =	sst s10  }
0x32: {  	s10 =	sld [smem:$0x3FAF];
	_ =	sdelay $0x3  }
0x33: {  	p0 =	seq.s32 s10, $0x1;
	s10 =	sld [smem:$0x3FB1];
	_ =	sdelay $0x3  }
0x34: {  	[smem:$0x3FB1] =	sst s10  }
0x35: {  	s10 =	sld [smem:$0x3FB0];
	_ =	sdelay $0x3  }
0x36: {  	p1 =	seq.s32 s10, $0x1;
	s10 =	sld [smem:$0x3FB1];
	_ =	sdelay $0x3  }
0x37: {  	[smem:$0x3FB1] =	sst s10  }
0x38: {  	s10 =	sld [smem:$0x3FB2]  }
0x39: {  	_ = 	snop;
	(pc) =	sbr.ind lr, $3  }
0x3a: {  	_ = 	snop  }
0x3b: {  	_ = 	snop  }
0x3c: {  	p2 =	seq.s32 s10, $0x1;
	s10 =	sld [smem:$0x3FB1]  }
0x3d: {  	_ =	shalt  }
0x3e: {  	_ =	shalt  }
0x3f: {  	_ =	shalt  }
0x40: {  	_ =	shalt  }
0x41: {  	_ =	shalt  }
0x42: {  	_ =	shalt  }
0x43: {  	_ =	shalt  }
0x44: {  	_ =	shalt  }
0x45: {  	_ =	shalt  }
0x46: {  	_ =	shalt  }
0x47: {  	_ =	shalt  }
0x48: {  	_ =	shalt  }
0x49: {  	_ =	shalt  }
0x4a: {  	_ =	shalt  }
0x4b: {  	_ =	shalt  }
0x4c: {  	_ =	shalt  }
0x4d: {  	_ =	shalt  }
0x4e: {  	_ =	shalt  }
0x4f: {  	_ =	shalt  }
0x50: {  	_ =	shalt  }
0x51: {  	_ =	shalt  }
0x52: {  	_ =	shalt  }
0x53: {  	_ =	shalt  }
0x54: {  	_ =	shalt  }
0x55: {  	_ =	shalt  }
0x56: {  	_ =	shalt  }
0x57: {  	_ =	shalt  }
0x58: {  	_ =	shalt  }
0x59: {  	_ =	shalt  }
0x5a: {  	_ =	shalt  }
0x5b: {  	_ =	shalt  }
0x5c: {  	_ =	shalt  }
0x5d: {  	_ =	shalt  }
0x5e: {  	_ =	shalt  }
0x5f: {  	_ =	shalt  }
0x60: {  	_ =	shalt  }
0x61: {  	_ =	shalt  }
0x62: {  	_ =	shalt  }
0x63: {  	_ =	shalt  }
0x64: {  	_ =	shalt  }
0x65: {  	_ =	shalt  }
0x66: {  	_ =	shalt  }
0x67: {  	_ =	shalt  }
0x68: {  	_ =	shalt  }
0x69: {  	_ =	shalt  }
0x6a: {  	_ =	shalt  }
0x6b: {  	_ =	shalt  }
0x6c: {  	_ =	shalt  }
0x6d: {  	_ =	shalt  }
0x6e: {  	_ =	shalt  }
0x6f: {  	_ =	shalt  }
0x70: {  	_ =	shalt  }
0x71: {  	_ =	shalt  }
0x72: {  	_ =	shalt  }
0x73: {  	_ =	shalt  }
0x74: {  	_ =	shalt  }
0x75: {  	_ =	shalt  }
0x76: {  	_ =	shalt  }
0x77: {  	_ =	shalt  }
0x78: {  	_ =	shalt  }
0x79: {  	_ =	shalt  }
0x7a: {  	_ =	shalt  }
0x7b: {  	_ =	shalt  }
0x7c: {  	_ =	shalt  }
0x7d: {  	_ =	shalt  }
0x7e: {  	_ =	shalt  }
0x7f: {  	_ =	shalt  }
0x80: {  	_ =	shalt  }
0x81: {  	_ =	shalt  }
0x82: {  	_ =	shalt  }
0x83: {  	_ =	shalt  }
0x84: {  	_ =	shalt  }
0x85: {  	_ =	shalt  }
0x86: {  	_ =	shalt  }
0x87: {  	_ =	shalt  }
.Lfunc_end0:
.L_simem_size_0:
called_computation_lowered:
.L_overlay_start_0:
0x88: {  	s2 =	sld [smem:$0x3FD9]  }
0x89: {  	s3 =	sld [smem:$0x3FFE];
	_ =	sdelay $0x1  }
0x8a: {  	s1 =	srdreg.scid  }
0x8b: {  	s0 =	sand.u32 $0x1, s1  }
0x8c: {  	s16 =	sshll.u32 s0, $0xA;
	s2 =	sadd.s32 s3, s2  }
0x8d: {  	s2 =	sadd.s32 s2, s16  }
0x8e: {  	[smem:$0x3FBD] =	sst s2  }
0x8f: {  	_ = 	snop  }
0x90: {  	(tm) =	ssettm $0x1  }
0x91: {  	s17 =	sld [smem:$0x3FFB];
	_ =	sdelay $0x3  }
0x92: {  	_ =	strace s17  }
0x93: {  	s2 =	sld [smem:$0x3FFC];
	_ =	sdelay $0x3  }
0x94: {  	_ =	strace s2  }
0x95: {  	s2 =	sld [smem:$0x3FFD];
	_ =	sdelay $0x3  }
0x96: {  	_ =	strace s2  }
0x97: {  	_ =	strace $0x8FFFFFFF  }
0x98: {  	s18 =	sld [smem:$0x3FDB];
	_ =	sdelay $0x1  }
0x99: {  	s19 =	simm.s32 $_scs_section_size  }
0x9a: {  	s4 =	simm.s32 $_size__tile_overlayer_lowered;
	s5 =	simm.s32 $_tile_overlayer_lowered  }
0x9b: {  	s22 =	simm.s32 $0x1BFF;
	s21 =	sshll.u32 s5, $0x1;
	s2 =	sadd.s32 s19, s18  }
0x9c: {  	s6 =	simm.s32 $0x0;
	s20 =	sshll.u32 s4, $0x1;
	s4 =	sadd.s32 s21, s2  }
0x9d: {  	[timem:s6], [sflag:s22] =	dma.local [hbm:s4], s20  }
0x9e: {  	_ =	swait.ge [sflag:s22], s20  }
0x9f: {  	s3 =	ssub.s32 $0x0, s20;
	[sflag:s22] =	ssyncset.done $0x0  }
0xa0: {  	[sflag:s22] =	ssyncadd.s32 s3;
	_ =	sdelay $0x1  }
0xa1: {  	s23 =	simm.s32 $0x1B8B  }
0xa2: {  	_ =	swait.ge [sflag:s23], $0x1  }
0xa3: {  	[sflag:s23] =	ssyncset.done $0x0  }
0xa4: {  	s25 =	simm.s32 $0x1B8E;
	s24 =	sld [smem:$0x3FFE];
	[sflag:s23] =	ssyncadd.s32 $0xFFFFFFFF  }
0xa5: {  	s26 =	simm.s32 $execute0_lowered;
	[smem:$0x3FD2] =	sst s25  }
0xa6: {  	s4 =	sshll.u32 s26, $0x1;
	_ =	strace $0x80000046;
	[dreg:$0x1] =	wrdreg $0xFFFFFFFF  }
0xa7: {  	s28 =	simm.s32 $_size_execute0_lowered;
	s2 =	sadd.s32 s2, s4;
	[dreg:$0x0] =	wrdreg $0x0  }
0xa8: {  	s4 =	sshll.u32 s28, $0x1;
	[dreg:$0x2] =	wrdreg s2  }
0xa9: {  	[dreg:$0x3] =	wrdreg s4  }
0xaa: {  	[dreg:$0x4] =	wrdreg $0xC0  }
0xab: {  	_ =	task [dreg:s6], $0x5FFFF  }
0xac: {  	[dreg:$0x1] =	wrdreg $0xFFFFFFFF  }
0xad: {  	[dreg:$0x0] =	wrdreg $0x60  }
0xae: {  	[dreg:$0x2] =	wrdreg s24  }
0xaf: {  	[dreg:$0x3] =	wrdreg $0x90000  }
0xb0: {  	[dreg:$0x4] =	wrdreg $0x9  }
0xb1: {  	_ =	task.clear_ibuf [dreg:s6], $0x5FFFF;
	_ =	strace $0x90000046  }
0xb2: {  	s29 =	simm.s32 $0x9;
	_ =	strace $0x80000048  }
0xb3: {  	_ =	swait.ge [sflag:s29], $0x1  }
0xb4: {  	[sflag:s29] =	ssyncadd.s32 $0xFFFFFFFF  }
0xb5: {  	_ =	strace $0x90000048  }
0xb6: {  	_ =	sfence  }
0xb7: {  	s30 =	sld [smem:$0x0];
	_ =	sdelay $0x2  }
0xb8: {  	s31 =	sshll.u32 s1, $0xD;
	s1 =	sshrl.u32 s1, $0x2  }
0xb9: {  	s3 =	sand.u32 $0x4000, s31;
	s1 =	sadd.s32 s1, s30  }
0xba: {  	s0 =	sor.u32 s3, s0;
	s1 =	sshll.u32 s1, $0x11  }
0xbb: {  	s0 =	sor.u32 s1, s0  }
0xbc: {  	s0 =	sadd.s32 $0x8F2B, s0  }
0xbd: {  	[sflag:s0] =	ssyncadd.remote.s32 $0x1  }
0xbe: {  	_ =	sfence.sel $0xFFFF  }
0xbf: {  	[dreg:$0x0] =	wrdreg $0xFFFFFFFF;
	(pc) =	sbr.abs _section_cstart, $3  }
0xc0: {  	[dreg:$0x1] =	wrdreg $0xFFFFFFFF  }
0xc1: {  	_ =	task.clear_ibuf [dreg:s6], $0x2FFFF;
	_ =	strace $0x9FFFFFFF  }
0xc2: {  	(tm) =	ssettm $0x7FFFFFFF  }
0xc3: {  	_ =	shalt  }
tec
execute0_lowered:
.L_overlay_start_1:
0x0: {  	(tag) =	ssettag $0x1  }
0x1: {  	s5 =	rddreg [dreg:$0x0]  }
0x2: {  	s2 =	rddreg [dreg:$0x1];
	s3 =	srdreg.scid  }
0x3: {  	s0 =	rddreg [dreg:$0x2];
	s1 =	stileid.u32;
	s14 =	simm.s32 $0x2  }
0x4: {  	s15 =	simm.s32 $0x2800;
	s16 =	simm.s32 $0x5000;
	s17 =	simm.s32 $0x80  }
0x5: {  	s18 =	simm.s32 $0x1;
	s21 =	simm.s32 $0x0;
	s9 =	smul.u32 $0x14000, s1  }
0x6: {  	s6 =	sand.u32 $0x1, s3;
	s3 =	simm.s32 $0x0;
	s30 =	smul.u32 $0x50000, s1  }
0x7: {  	s4 =	sshll.u32 s1, $0x1;
	s19 =	sshll.u32 s1, $0x6;
	s7 =	smul.u32 $0x140000, s6  }
0x8: {  	[smem:$0x7FF] =	sst s3;
	s8 =	sor.u32 s6, s4;
	s4 =	sadd.s32 $0x18800, s5  }
0x9: {  	s6 =	ssub.s32 $0x2, s6;
	s19 =	sor.u32 $0x1C02, s19;
	_ =	strace $0x80000047  }
0xa: {  	s8 =	smul.u32 $0x500, s8;
	s10 =	sshrl.u32 s6, $0x1;
	s7 =	sadd.s32 s9, s7  }
0xb: {  	s31 =	sshrl.u32 s30, $0x2;
	s10 =	ssub.s32 s6, s10;
	s7 =	sshrl.u32 s7, $0x3  }
0xc: {  	s8 =	sadd.s32 s8, s5;
	s9 =	smax.u32 s10, $0x1;
	s11 =	sadd.s32 s7, s5  }
0xd: {  	s5 =	sadd.s32 $0x4800, s8;
	s6 =	sadd.s32 $0xE800, s8;
	s7 =	sadd.s32 s31, s2  }
0xe: {  	s8 =	sadd.s32 $0xB4C00, s11;
	s10 =	sadd.s32 $0x4000, s7;
	s11 =	sadd.s32 $0x8000, s7  }
0xf: {  	v0 =	vimm.f32 $0.0e+00;
	s12 =	sadd.s32 $0xC000, s7;
	s13 =	sadd.s32 $0x10000, s7;
	s20 =	sshrl.u32 s7, $0x3  }
.LBB2_1:
0x10: {  	[tilespmem:s3], [sflag:$0x2] =	stream.linear.gather [hbm4b:s5+s3], $0x2780, $0x38;
	[tilespmem:$0x1D000] =	vst v63  }
0x11: {  	_ =	swait.ge [sflag:s14], $0x2780  }
0x12: {  	[sflag:s14] =	ssyncset.done $0x0  }
0x13: {  	[sflag:s14] =	ssyncadd.s32 $0xFFFFD880  }
0x14: {  	[tilespmem:s15], [sflag:$0x2] =	stream.linear.gather [hbm4b:s6+s3], $0x2780, $0x38;
	[tilespmem:$0x1D000] =	vst v63  }
0x15: {  	s22 =	sand.u32 $0xFE00, s3;
	s23 =	sand.u32 $0x70, s3;
	_ =	swait.ge [sflag:s14], $0x2780  }
0x16: {  	s24 =	sshrl.u32 s22, $0x2;
	s22 =	simm.s32 $0x40;
	[sflag:s14] =	ssyncset.done $0x0  }
0x17: {  	s24 =	sor.u32 s23, s24;
	s23 =	simm.s32 $0x0;
	[sflag:s14] =	ssyncadd.s32 $0xFFFFD880  }
.LBB2_2:
0x18: {  	p0 =	sne.s32 s22, $0xFFC0  }
0x19: {  	[tilespmem:s24+$0x5000] =	vst v0;
	s23 =	sadd.s32 $0x10, s23;
	s24 =	smov.u32 s22;
	s22 =	sadd.s32 $0x40, s22  }
.Ltmp0:
0x1a: {  	(pc) =	sbr.rel @p0 .LBB2_2-.Ltmp0, $4  }
0x1b: {  	_ = 	snop  }
0x1c: {  	s24 =	sand.u32 $0xFE00, s24  }
0x1d: {  	s25 =	sand.u32 $0x70, s23;
	s24 =	sshrl.u32 s24, $0x2  }
0x1e: {  	s24 =	sor.u32 s25, s24  }
0x1f: {  	[tilespmem:s24+$0x5000] =	vst v0  }
0x20: {  	[spmem:s7] =	stream.linear.scatter [tilespmem:s16], [sflag:$0x2], $0x4000, $0x38;
	[tilespmem:$0x1D000] =	vst v63  }
0x21: {  	_ =	swait.ge [sflag:s14], $0x4000  }
0x22: {  	[sflag:s14] =	ssyncset.done $0x0  }
0x23: {  	[sflag:s14] =	ssyncadd.s32 $0xFFFFC000  }
0x24: {  	[spmem:s10] =	stream.linear.scatter [tilespmem:s16], [sflag:$0x2], $0x4000, $0x38;
	[tilespmem:$0x1D000] =	vst v63  }
0x25: {  	_ =	swait.ge [sflag:s14], $0x4000  }
0x26: {  	[sflag:s14] =	ssyncset.done $0x0  }
0x27: {  	[sflag:s14] =	ssyncadd.s32 $0xFFFFC000  }
0x28: {  	[spmem:s11] =	stream.linear.scatter [tilespmem:s16], [sflag:$0x2], $0x4000, $0x38;
	[tilespmem:$0x1D000] =	vst v63  }
0x29: {  	_ =	swait.ge [sflag:s14], $0x4000  }
0x2a: {  	[sflag:s14] =	ssyncset.done $0x0  }
0x2b: {  	[sflag:s14] =	ssyncadd.s32 $0xFFFFC000  }
0x2c: {  	[spmem:s12] =	stream.linear.scatter [tilespmem:s16], [sflag:$0x2], $0x4000, $0x38;
	[tilespmem:$0x1D000] =	vst v63  }
0x2d: {  	_ =	swait.ge [sflag:s14], $0x4000  }
0x2e: {  	[sflag:s14] =	ssyncset.done $0x0  }
0x2f: {  	[sflag:s14] =	ssyncadd.s32 $0xFFFFC000  }
0x30: {  	[spmem:s13] =	stream.linear.scatter [tilespmem:s16], [sflag:$0x2], $0x4000, $0x38;
	[tilespmem:$0x1D000] =	vst v63  }
0x31: {  	_ =	swait.ge [sflag:s14], $0x4000  }
0x32: {  	[sflag:s14] =	ssyncset.done $0x0  }
0x33: {  	[sflag:s14] =	ssyncadd.s32 $0xFFFFC000  }
0x34: {  	s22 =	simm.s32 $0x0;
	[bflag:$0x0] =	sbarrier.arrive $0xFFFF  }
0x35: {  	[tilespmem:s16], [sflag:$0x1] =	stream.indirect.gather [hbm4b:s4+s17], $0x80, s22, s17, $0xb8;
	[tilespmem:$0x1D000] =	vst v63  }
0x36: {  	_ =	swait.ge [sflag:s18], $0x4000  }
0x37: {  	[sflag:s18] =	ssyncset.done $0x0  }
0x38: {  	s31 =	simm.s32 $0x2800;
	[sflag:s18] =	ssyncadd.s32 $0xFFFFC000  }
0x39: {  	[spmem:s2] =	stream.indirect.scatter.add.f32 [tilespmem:s16], [sflag:$0x2], $0x80, s31, s17, $0xb8;
	[tilespmem:$0x1D000] =	vst v63  }
0x3a: {  	_ =	swait.ge [sflag:s14], $0x4000  }
0x3b: {  	s23 =	simm.s32 $0x400;
	s22 =	simm.s32 $0x200;
	[sflag:s14] =	ssyncset.done $0x0  }
.LBB2_4:
0x3c: {  	s24 =	sshra.s32 s22, $0x2  }
0x3d: {  	[sflag:s14] =	ssyncadd.s32 $0xFFFFC000;
	s22 =	smov.u32 s23;
	s25 =	sadd.s32 $0x200, s23  }
0x3e: {  	[tilespmem:s16], [sflag:$0x1] =	stream.indirect.gather [hbm4b:s4+s17], $0x80, s24, s17, $0xb8;
	[tilespmem:$0x1D000] =	vst v63  }
0x3f: {  	p0 =	sne.s32 s23, $0x9C00;
	_ =	swait.ge [sflag:s18], $0x4000  }
.Ltmp1:
0x40: {  	[sflag:s18] =	ssyncset.done $0x0;
	(pc) =	sbr.rel @p0 .LBB2_4-.Ltmp1, $4  }
0x41: {  	s23 =	sadd.s32 $0x2800, s24;
	[sflag:s18] =	ssyncadd.s32 $0xFFFFC000  }
0x42: {  	[spmem:s2] =	stream.indirect.scatter.add.f32 [tilespmem:s16], [sflag:$0x2], $0x80, s23, s17, $0xb8;
	[tilespmem:$0x1D000] =	vst v63  }
0x43: {  	_ =	swait.ge [sflag:s14], $0x4000  }
0x44: {  	s23 =	smov.u32 s25;
	[sflag:s14] =	ssyncset.done $0x0  }
0x45: {  	s22 =	sshra.s32 s22, $0x2;
	[sflag:s14] =	ssyncadd.s32 $0xFFFFC000  }
0x46: {  	[tilespmem:s16], [sflag:$0x1] =	stream.indirect.gather [hbm4b:s4+s17], $0x80, s22, s17, $0xb8;
	[tilespmem:$0x1D000] =	vst v63  }
0x47: {  	_ =	swait.ge [sflag:s18], $0x4000  }
0x48: {  	[sflag:s18] =	ssyncset.done $0x0  }
0x49: {  	s22 =	sadd.s32 $0x2800, s22;
	[sflag:s18] =	ssyncadd.s32 $0xFFFFC000  }
0x4a: {  	[spmem:s2] =	stream.indirect.scatter.add.f32 [tilespmem:s16], [sflag:$0x2], $0x80, s22, s17, $0xb8;
	[tilespmem:$0x1D000] =	vst v63  }
0x4b: {  	_ =	swait.ge [sflag:s14], $0x4000  }
0x4c: {  	s21 =	sadd.s32 $0x1, s21;
	[sflag:s14] =	ssyncset.done $0x0  }
0x4d: {  	p0 =	sne.s32 s21, s9;
	[sflag:s14] =	ssyncadd.s32 $0xFFFFC000  }
.Ltmp2:
0x4e: {  	[bflag:$0x0] =	sbarrier.arrive $0xFFFF;
	(pc) =	sbr.rel @p0 .LBB2_1-.Ltmp2, $4  }
0x4f: {  	[hbm:s8], [sflag:s19] =	dma.local [spmem:s20], $0x2800  }
0x50: {  	_ =	swait.ge [sflag:s14], $0x2800  }
0x51: {  	[sflag:s14] =	ssyncset.done $0x0  }
0x52: {  	[sflag:s14] =	ssyncadd.s32 $0xFFFFD800  }
0x53: {  	_ =	sfence.sel $0x180000  }
0x54: {  	[bflag:$0x0] =	sbarrier.arrive $0xFFFF  }
0x55: {  	p0 =	sne.s32 s1, $0x0;
	_ =	strace $0x90000047  }
0x56: {  	s0 =	sadd.s32 @!p0 $0x100000, s0;
	[bflag:$0x2] =	sbarrier.arrive $0xFFFF  }
0x57: {  	[sflag:s0] =	ssyncadd.tile.s32 @!p0 $0x1;
	_ =	shalt  }
.Lfunc_end2:
_tile_overlayer_lowered:
.L_overlay_start_2:
0x58: {  	(tag) =	ssettag $0x2  }
0x59: {  	s0 =	rddreg [dreg:$0x0];
	s2 =	stileid.u32  }
0x5a: {  	s1 =	rddreg [dreg:$0x1];
	p0 =	sne.s32 s2, $0x0  }
0x5b: {  	s3 =	rddreg [dreg:$0x2];
	[bflag:$0x3] =	sbarrier.arrive $0xFFFF;
	s2 =	simm.s32 @!p0 $0x1C02  }
0x5c: {  	[timem:s3], [sflag:s2] =	dma.local @!p0 [hbm:s0], s1  }
0x5d: {  	s0 =	simm.s32 @!p0 $0x2  }
0x5e: {  	_ =	swait.ge @!p0 [sflag:s0], s1  }
0x5f: {  	s1 =	ssub.s32 @!p0 $0x0, s1;
	[sflag:s0] =	ssyncset.done @!p0 $0x0  }
0x60: {  	[sflag:s0] =	ssyncadd.s32 @!p0 s1  }
0x61: {  	[bflag:$0x3] =	sbarrier.arrive $0xFFFF  }
0x62: {  	_ =	shalt  }

// kernel: kernel.22.cloned.1.call-start
scs
__scs_entry_jumppad:
0x0: {  	(pc) =	sbr.rel $0x88, $3  }
0x1: {  	(tag) =	ssettag $0x0;
	lr =	simm.s32 $0x1  }
0x2: {  	[smem:$0x3F96] =	sst lr;
	_ =	strace $0xD0000000  }
0x3: {  	_ = 	snop  }
0x4: {  	_ = 	snop  }
0x5: {  	_ = 	snop  }
0x6: {  	_ = 	snop  }
0x7: {  	_ = 	snop  }
__scs_overlays_trampoline_lowered:
0x8: {  	[smem:$0x3FA5] =	sst s0  }
0x9: {  	[smem:$0x3FA6] =	sst s1  }
0xa: {  	[smem:$0x3FA7] =	sst s2  }
0xb: {  	[smem:$0x3FA8] =	sst s3  }
0xc: {  	[smem:$0x3FA9] =	sst s4  }
0xd: {  	[smem:$0x3FAA] =	sst s5  }
0xe: {  	[smem:$0x3FAB] =	sst s6  }
0xf: {  	[smem:$0x3FAC] =	sst s7  }
0x10: {  	[smem:$0x3FAD] =	sst s8  }
0x11: {  	[smem:$0x3FAE] =	sst s9;
	s0 =	simm.s32 @!p0 $0x0  }
0x12: {  	s1 =	sld [smem:$0x3F94];
	s0 =	simm.s32 @p0 $0x1  }
0x13: {  	[smem:$0x3FAF] =	sst s0;
	s0 =	simm.s32 @!p1 $0x0  }
0x14: {  	s2 =	sld [smem:$0x3F93];
	s0 =	simm.s32 @p1 $0x1  }
0x15: {  	[smem:$0x3FB0] =	sst s0;
	s0 =	simm.s32 @!p2 $0x0  }
0x16: {  	s3 =	sld [smem:$0x3FDB];
	s0 =	simm.s32 @p2 $0x1  }
0x17: {  	s4 =	simm.s32 $0x1BF5;
	[smem:$0x3FB2] =	sst s0  }
0x18: {  	s0 =	sld [smem:$0x3F95];
	_ =	swait.ge [sflag:s4], $0x0  }
0x19: {  	s7 =	sld [smem:$0x3F96]  }
0x1a: {  	s8 =	sadd.s32 $0xFFFFE003, lr  }
0x1b: {  	s9 =	sadd.s32 $0xFFFFFEF7, lr;
	s5 =	simm.s32 $0xFFFFFFFF;
	p2 =	slt.u32 s8, $0xFFFFF086  }
0x1c: {  	p1 =	slt.u32 s9, $0xF7A;
	s5 =	simm.s32 @!p2 $0x0  }
0x1d: {  	s5 =	simm.s32 @p1 $0x1;
	p0 =	seq.s32 s7, s2  }
0x1e: {  	s7 =	smul.u32 @!p0 $0xF7A, s2;
	p2 =	seq.s32 @!p0 s5, $0x0  }
0x1f: {  	s9 =	smul.u32 $0xF7A, s1;
	s8 =	simm.s32 @!p0 $0x1BF5;
	p2 =	por !p2, p0  }
0x20: {  	[sflag:s8] =	ssyncset.s32 @!p0 $0xFFFFF086;
	s6 =	sadd.s32 @!p0 s3, s7;
	s7 =	simm.s32 @!p0 $0x108  }
0x21: {  	s3 =	sadd.s32 s3, s9;
	s6 =	sadd.s32 @!p0 $0x88, s6;
	s7 =	simm.s32 @p2 $0x1082  }
0x22: {  	[simem:s7], [sflag:s8] =	dma.local @!p0 [hbm:s6], $0xF7A  }
0x23: {  	s9 =	sor.u32 $0xD0000000, s2;
	s6 =	simm.s32 $0x108;
	_ =	swait.ge @!p0 [sflag:s8], $0x0  }
0x24: {  	s3 =	sadd.s32 $0x88, s3;
	s6 =	simm.s32 @!p1 $0x1082;
	[sflag:s4] =	ssyncset.s32 $0xFFFFF086  }
0x25: {  	[simem:s6], [sflag:s4] =	dma.local [hbm:s3], $0xF7A  }
0x26: {  	[smem:$0x3F96] =	sst s1;
	(tag) =	ssettag s2;
	_ =	strace s9  }
0x27: {  	s1 =	sld [smem:$0x3FA6]  }
0x28: {  	s2 =	sld [smem:$0x3FA7]  }
0x29: {  	s4 =	sld [smem:$0x3FA9]  }
0x2a: {  	p0 =	seq.s32 s5, $0x0;
	s5 =	sld [smem:$0x3FAA]  }
0x2b: {  	s6 =	sld [smem:$0x3FAB]  }
0x2c: {  	s7 =	sld [smem:$0x3FAC]  }
0x2d: {  	s3 =	simm.s32 $0x108;
	s8 =	sld [smem:$0x3FAD]  }
0x2e: {  	s3 =	simm.s32 @!p0 $0x1082;
	s9 =	sld [smem:$0x3FAE]  }
0x2f: {  	lr =	sadd.s32 s0, s3;
	s0 =	sld [smem:$0x3FA5]  }
0x30: {  	s3 =	sld [smem:$0x3FA8]  }
0x31: {  	[smem:$0x3FB1] =	sst s10  }
0x32: {  	s10 =	sld [smem:$0x3FAF];
	_ =	sdelay $0x3  }
0x33: {  	p0 =	seq.s32 s10, $0x1;
	s10 =	sld [smem:$0x3FB1];
	_ =	sdelay $0x3  }
0x34: {  	[smem:$0x3FB1] =	sst s10  }
0x35: {  	s10 =	sld [smem:$0x3FB0];
	_ =	sdelay $0x3  }
0x36: {  	p1 =	seq.s32 s10, $0x1;
	s10 =	sld [smem:$0x3FB1];
	_ =	sdelay $0x3  }
0x37: {  	[smem:$0x3FB1] =	sst s10  }
0x38: {  	s10 =	sld [smem:$0x3FB2]  }
0x39: {  	_ = 	snop;
	(pc) =	sbr.ind lr, $3  }
0x3a: {  	_ = 	snop  }
0x3b: {  	_ = 	snop  }
0x3c: {  	p2 =	seq.s32 s10, $0x1;
	s10 =	sld [smem:$0x3FB1]  }
0x3d: {  	_ =	shalt  }
0x3e: {  	_ =	shalt  }
0x3f: {  	_ =	shalt  }
0x40: {  	_ =	shalt  }
0x41: {  	_ =	shalt  }
0x42: {  	_ =	shalt  }
0x43: {  	_ =	shalt  }
0x44: {  	_ =	shalt  }
0x45: {  	_ =	shalt  }
0x46: {  	_ =	shalt  }
0x47: {  	_ =	shalt  }
0x48: {  	_ =	shalt  }
0x49: {  	_ =	shalt  }
0x4a: {  	_ =	shalt  }
0x4b: {  	_ =	shalt  }
0x4c: {  	_ =	shalt  }
0x4d: {  	_ =	shalt  }
0x4e: {  	_ =	shalt  }
0x4f: {  	_ =	shalt  }
0x50: {  	_ =	shalt  }
0x51: {  	_ =	shalt  }
0x52: {  	_ =	shalt  }
0x53: {  	_ =	shalt  }
0x54: {  	_ =	shalt  }
0x55: {  	_ =	shalt  }
0x56: {  	_ =	shalt  }
0x57: {  	_ =	shalt  }
0x58: {  	_ =	shalt  }
0x59: {  	_ =	shalt  }
0x5a: {  	_ =	shalt  }
0x5b: {  	_ =	shalt  }
0x5c: {  	_ =	shalt  }
0x5d: {  	_ =	shalt  }
0x5e: {  	_ =	shalt  }
0x5f: {  	_ =	shalt  }
0x60: {  	_ =	shalt  }
0x61: {  	_ =	shalt  }
0x62: {  	_ =	shalt  }
0x63: {  	_ =	shalt  }
0x64: {  	_ =	shalt  }
0x65: {  	_ =	shalt  }
0x66: {  	_ =	shalt  }
0x67: {  	_ =	shalt  }
0x68: {  	_ =	shalt  }
0x69: {  	_ =	shalt  }
0x6a: {  	_ =	shalt  }
0x6b: {  	_ =	shalt  }
0x6c: {  	_ =	shalt  }
0x6d: {  	_ =	shalt  }
0x6e: {  	_ =	shalt  }
0x6f: {  	_ =	shalt  }
0x70: {  	_ =	shalt  }
0x71: {  	_ =	shalt  }
0x72: {  	_ =	shalt  }
0x73: {  	_ =	shalt  }
0x74: {  	_ =	shalt  }
0x75: {  	_ =	shalt  }
0x76: {  	_ =	shalt  }
0x77: {  	_ =	shalt  }
0x78: {  	_ =	shalt  }
0x79: {  	_ =	shalt  }
0x7a: {  	_ =	shalt  }
0x7b: {  	_ =	shalt  }
0x7c: {  	_ =	shalt  }
0x7d: {  	_ =	shalt  }
0x7e: {  	_ =	shalt  }
0x7f: {  	_ =	shalt  }
0x80: {  	_ =	shalt  }
0x81: {  	_ =	shalt  }
0x82: {  	_ =	shalt  }
0x83: {  	_ =	shalt  }
0x84: {  	_ =	shalt  }
0x85: {  	_ =	shalt  }
0x86: {  	_ =	shalt  }
0x87: {  	_ =	shalt  }
.Lfunc_end0:
.L_simem_size_0:
called_computation.1_lowered:
.L_overlay_start_0:
0x88: {  	s2 =	sld [smem:$0x3FD9]  }
0x89: {  	s3 =	sld [smem:$0x3FFE];
	_ =	sdelay $0x1  }
0x8a: {  	s1 =	srdreg.scid  }
0x8b: {  	s0 =	sand.u32 $0x1, s1  }
0x8c: {  	s16 =	sshll.u32 s0, $0xA;
	s2 =	sadd.s32 s3, s2  }
0x8d: {  	s2 =	sadd.s32 s2, s16  }
0x8e: {  	[smem:$0x3FBD] =	sst s2  }
0x8f: {  	_ = 	snop  }
0x90: {  	(tm) =	ssettm $0x1  }
0x91: {  	s17 =	sld [smem:$0x3FFB];
	_ =	sdelay $0x3  }
0x92: {  	_ =	strace s17  }
0x93: {  	s2 =	sld [smem:$0x3FFC];
	_ =	sdelay $0x3  }
0x94: {  	_ =	strace s2  }
0x95: {  	s2 =	sld [smem:$0x3FFD];
	_ =	sdelay $0x3  }
0x96: {  	_ =	strace s2  }
0x97: {  	_ =	strace $0x8FFFFFFF  }
0x98: {  	s18 =	sld [smem:$0x3FDB];
	_ =	sdelay $0x1  }
0x99: {  	s19 =	simm.s32 $_scs_section_size  }
0x9a: {  	s4 =	simm.s32 $_size__tile_overlayer_lowered;
	s5 =	simm.s32 $_tile_overlayer_lowered  }
0x9b: {  	s22 =	simm.s32 $0x1BFF;
	s21 =	sshll.u32 s5, $0x1;
	s2 =	sadd.s32 s19, s18  }
0x9c: {  	s6 =	simm.s32 $0x0;
	s20 =	sshll.u32 s4, $0x1;
	s4 =	sadd.s32 s21, s2  }
0x9d: {  	[timem:s6], [sflag:s22] =	dma.local [hbm:s4], s20  }
0x9e: {  	_ =	swait.ge [sflag:s22], s20  }
0x9f: {  	s3 =	ssub.s32 $0x0, s20;
	[sflag:s22] =	ssyncset.done $0x0  }
0xa0: {  	[sflag:s22] =	ssyncadd.s32 s3;
	_ =	sdelay $0x1  }
0xa1: {  	s23 =	simm.s32 $0x1B8B  }
0xa2: {  	_ =	swait.ge [sflag:s23], $0x1  }
0xa3: {  	[sflag:s23] =	ssyncset.done $0x0  }
0xa4: {  	s25 =	simm.s32 $0x1B8E;
	s24 =	sld [smem:$0x3FFE];
	[sflag:s23] =	ssyncadd.s32 $0xFFFFFFFF  }
0xa5: {  	s26 =	simm.s32 $execute0_lowered;
	[smem:$0x3FD2] =	sst s25  }
0xa6: {  	s4 =	sshll.u32 s26, $0x1;
	_ =	strace $0x80000049;
	[dreg:$0x1] =	wrdreg $0xFFFFFFFF  }
0xa7: {  	s28 =	simm.s32 $_size_execute0_lowered;
	s2 =	sadd.s32 s2, s4;
	[dreg:$0x0] =	wrdreg $0x0  }
0xa8: {  	s4 =	sshll.u32 s28, $0x1;
	[dreg:$0x2] =	wrdreg s2  }
0xa9: {  	[dreg:$0x3] =	wrdreg s4  }
0xaa: {  	[dreg:$0x4] =	wrdreg $0xC0  }
0xab: {  	_ =	task [dreg:s6], $0x5FFFF  }
0xac: {  	[dreg:$0x1] =	wrdreg $0xFFFFFFFF  }
0xad: {  	[dreg:$0x0] =	wrdreg $0x60  }
0xae: {  	[dreg:$0x2] =	wrdreg s24  }
0xaf: {  	[dreg:$0x3] =	wrdreg $0x90000  }
0xb0: {  	[dreg:$0x4] =	wrdreg $0x9  }
0xb1: {  	_ =	task.clear_ibuf [dreg:s6], $0x5FFFF;
	_ =	strace $0x90000049  }
0xb2: {  	s29 =	simm.s32 $0x9;
	_ =	strace $0x8000004B  }
0xb3: {  	_ =	swait.ge [sflag:s29], $0x1  }
0xb4: {  	[sflag:s29] =	ssyncadd.s32 $0xFFFFFFFF  }
0xb5: {  	_ =	strace $0x9000004B  }
0xb6: {  	_ =	sfence  }
0xb7: {  	s30 =	sld [smem:$0x0];
	_ =	sdelay $0x2  }
0xb8: {  	s31 =	sshll.u32 s1, $0xD;
	s1 =	sshrl.u32 s1, $0x2  }
0xb9: {  	s3 =	sand.u32 $0x4000, s31;
	s1 =	sadd.s32 s1, s30  }
0xba: {  	s0 =	sor.u32 s3, s0;
	s1 =	sshll.u32 s1, $0x11  }
0xbb: {  	s0 =	sor.u32 s1, s0  }
0xbc: {  	s0 =	sadd.s32 $0x8F2B, s0  }
0xbd: {  	[sflag:s0] =	ssyncadd.remote.s32 $0x1  }
0xbe: {  	_ =	sfence.sel $0xFFFF  }
0xbf: {  	[dreg:$0x0] =	wrdreg $0xFFFFFFFF;
	(pc) =	sbr.abs _section_cstart, $3  }
0xc0: {  	[dreg:$0x1] =	wrdreg $0xFFFFFFFF  }
0xc1: {  	_ =	task.clear_ibuf [dreg:s6], $0x2FFFF;
	_ =	strace $0x9FFFFFFF  }
0xc2: {  	(tm) =	ssettm $0x7FFFFFFF  }
0xc3: {  	_ =	shalt  }
tec
execute0_lowered:
.L_overlay_start_1:
0x0: {  	(tag) =	ssettag $0x1  }
0x1: {  	s5 =	rddreg [dreg:$0x0]  }
0x2: {  	s2 =	rddreg [dreg:$0x1];
	s3 =	srdreg.scid  }
0x3: {  	s0 =	rddreg [dreg:$0x2];
	s1 =	stileid.u32;
	s14 =	simm.s32 $0x2  }
0x4: {  	s15 =	simm.s32 $0x2800;
	s16 =	simm.s32 $0x5000;
	s17 =	simm.s32 $0x80  }
0x5: {  	s18 =	simm.s32 $0x1;
	s21 =	simm.s32 $0x0;
	s9 =	smul.u32 $0x14000, s1  }
0x6: {  	s6 =	sand.u32 $0x1, s3;
	s3 =	simm.s32 $0x0;
	s30 =	smul.u32 $0x50000, s1  }
0x7: {  	s4 =	sshll.u32 s1, $0x1;
	s19 =	sshll.u32 s1, $0x6;
	s7 =	smul.u32 $0x140000, s6  }
0x8: {  	[smem:$0x7FF] =	sst s3;
	s8 =	sor.u32 s6, s4;
	s4 =	sadd.s32 $0x18800, s5  }
0x9: {  	s6 =	ssub.s32 $0x2, s6;
	s19 =	sor.u32 $0x1C02, s19;
	_ =	strace $0x8000004A  }
0xa: {  	s8 =	smul.u32 $0x500, s8;
	s10 =	sshrl.u32 s6, $0x1;
	s7 =	sadd.s32 s9, s7  }
0xb: {  	s31 =	sshrl.u32 s30, $0x2;
	s10 =	ssub.s32 s6, s10;
	s7 =	sshrl.u32 s7, $0x3  }
0xc: {  	s8 =	sadd.s32 s8, s5;
	s9 =	smax.u32 s10, $0x1;
	s11 =	sadd.s32 s7, s5  }
0xd: {  	s5 =	sadd.s32 $0x4800, s8;
	s6 =	sadd.s32 $0xE800, s8;
	s7 =	sadd.s32 s31, s2  }
0xe: {  	s8 =	sadd.s32 $0xB4C00, s11;
	s10 =	sadd.s32 $0x4000, s7;
	s11 =	sadd.s32 $0x8000, s7  }
0xf: {  	v0 =	vimm.f32 $0.0e+00;
	s12 =	sadd.s32 $0xC000, s7;
	s13 =	sadd.s32 $0x10000, s7;
	s20 =	sshrl.u32 s7, $0x3  }
.LBB2_1:
0x10: {  	[tilespmem:s3], [sflag:$0x2] =	stream.linear.gather [hbm4b:s5+s3], $0x2780, $0x38;
	[tilespmem:$0x1D000] =	vst v63  }
0x11: {  	_ =	swait.ge [sflag:s14], $0x2780  }
0x12: {  	[sflag:s14] =	ssyncset.done $0x0  }
0x13: {  	[sflag:s14] =	ssyncadd.s32 $0xFFFFD880  }
0x14: {  	[tilespmem:s15], [sflag:$0x2] =	stream.linear.gather [hbm4b:s6+s3], $0x2780, $0x38;
	[tilespmem:$0x1D000] =	vst v63  }
0x15: {  	s22 =	sand.u32 $0xFE00, s3;
	s23 =	sand.u32 $0x70, s3;
	_ =	swait.ge [sflag:s14], $0x2780  }
0x16: {  	s24 =	sshrl.u32 s22, $0x2;
	s22 =	simm.s32 $0x40;
	[sflag:s14] =	ssyncset.done $0x0  }
0x17: {  	s24 =	sor.u32 s23, s24;
	s23 =	simm.s32 $0x0;
	[sflag:s14] =	ssyncadd.s32 $0xFFFFD880  }
.LBB2_2:
0x18: {  	p0 =	sne.s32 s22, $0xFFC0  }
0x19: {  	[tilespmem:s24+$0x5000] =	vst v0;
	s23 =	sadd.s32 $0x10, s23;
	s24 =	smov.u32 s22;
	s22 =	sadd.s32 $0x40, s22  }
.Ltmp0:
0x1a: {  	(pc) =	sbr.rel @p0 .LBB2_2-.Ltmp0, $4  }
0x1b: {  	_ = 	snop  }
0x1c: {  	s24 =	sand.u32 $0xFE00, s24  }
0x1d: {  	s25 =	sand.u32 $0x70, s23;
	s24 =	sshrl.u32 s24, $0x2  }
0x1e: {  	s24 =	sor.u32 s25, s24  }
0x1f: {  	[tilespmem:s24+$0x5000] =	vst v0  }
0x20: {  	[spmem:s7] =	stream.linear.scatter [tilespmem:s16], [sflag:$0x2], $0x4000, $0x38;
	[tilespmem:$0x1D000] =	vst v63  }
0x21: {  	_ =	swait.ge [sflag:s14], $0x4000  }
0x22: {  	[sflag:s14] =	ssyncset.done $0x0  }
0x23: {  	[sflag:s14] =	ssyncadd.s32 $0xFFFFC000  }
0x24: {  	[spmem:s10] =	stream.linear.scatter [tilespmem:s16], [sflag:$0x2], $0x4000, $0x38;
	[tilespmem:$0x1D000] =	vst v63  }
0x25: {  	_ =	swait.ge [sflag:s14], $0x4000  }
0x26: {  	[sflag:s14] =	ssyncset.done $0x0  }
0x27: {  	[sflag:s14] =	ssyncadd.s32 $0xFFFFC000  }
0x28: {  	[spmem:s11] =	stream.linear.scatter [tilespmem:s16], [sflag:$0x2], $0x4000, $0x38;
	[tilespmem:$0x1D000] =	vst v63  }
0x29: {  	_ =	swait.ge [sflag:s14], $0x4000  }
0x2a: {  	[sflag:s14] =	ssyncset.done $0x0  }
0x2b: {  	[sflag:s14] =	ssyncadd.s32 $0xFFFFC000  }
0x2c: {  	[spmem:s12] =	stream.linear.scatter [tilespmem:s16], [sflag:$0x2], $0x4000, $0x38;
	[tilespmem:$0x1D000] =	vst v63  }
0x2d: {  	_ =	swait.ge [sflag:s14], $0x4000  }
0x2e: {  	[sflag:s14] =	ssyncset.done $0x0  }
0x2f: {  	[sflag:s14] =	ssyncadd.s32 $0xFFFFC000  }
0x30: {  	[spmem:s13] =	stream.linear.scatter [tilespmem:s16], [sflag:$0x2], $0x4000, $0x38;
	[tilespmem:$0x1D000] =	vst v63  }
0x31: {  	_ =	swait.ge [sflag:s14], $0x4000  }
0x32: {  	[sflag:s14] =	ssyncset.done $0x0  }
0x33: {  	[sflag:s14] =	ssyncadd.s32 $0xFFFFC000  }
0x34: {  	s22 =	simm.s32 $0x0;
	[bflag:$0x0] =	sbarrier.arrive $0xFFFF  }
0x35: {  	[tilespmem:s16], [sflag:$0x1] =	stream.indirect.gather [hbm4b:s4+s17], $0x80, s22, s17, $0xb8;
	[tilespmem:$0x1D000] =	vst v63  }
0x36: {  	_ =	swait.ge [sflag:s18], $0x4000  }
0x37: {  	[sflag:s18] =	ssyncset.done $0x0  }
0x38: {  	s31 =	simm.s32 $0x2800;
	[sflag:s18] =	ssyncadd.s32 $0xFFFFC000  }
0x39: {  	[spmem:s2] =	stream.indirect.scatter.add.f32 [tilespmem:s16], [sflag:$0x2], $0x80, s31, s17, $0xb8;
	[tilespmem:$0x1D000] =	vst v63  }
0x3a: {  	_ =	swait.ge [sflag:s14], $0x4000  }
0x3b: {  	s23 =	simm.s32 $0x400;
	s22 =	simm.s32 $0x200;
	[sflag:s14] =	ssyncset.done $0x0  }
.LBB2_4:
0x3c: {  	s24 =	sshra.s32 s22, $0x2  }
0x3d: {  	[sflag:s14] =	ssyncadd.s32 $0xFFFFC000;
	s22 =	smov.u32 s23;
	s25 =	sadd.s32 $0x200, s23  }
0x3e: {  	[tilespmem:s16], [sflag:$0x1] =	stream.indirect.gather [hbm4b:s4+s17], $0x80, s24, s17, $0xb8;
	[tilespmem:$0x1D000] =	vst v63  }
0x3f: {  	p0 =	sne.s32 s23, $0x9C00;
	_ =	swait.ge [sflag:s18], $0x4000  }
.Ltmp1:
0x40: {  	[sflag:s18] =	ssyncset.done $0x0;
	(pc) =	sbr.rel @p0 .LBB2_4-.Ltmp1, $4  }
0x41: {  	s23 =	sadd.s32 $0x2800, s24;
	[sflag:s18] =	ssyncadd.s32 $0xFFFFC000  }
0x42: {  	[spmem:s2] =	stream.indirect.scatter.add.f32 [tilespmem:s16], [sflag:$0x2], $0x80, s23, s17, $0xb8;
	[tilespmem:$0x1D000] =	vst v63  }
0x43: {  	_ =	swait.ge [sflag:s14], $0x4000  }
0x44: {  	s23 =	smov.u32 s25;
	[sflag:s14] =	ssyncset.done $0x0  }
0x45: {  	s22 =	sshra.s32 s22, $0x2;
	[sflag:s14] =	ssyncadd.s32 $0xFFFFC000  }
0x46: {  	[tilespmem:s16], [sflag:$0x1] =	stream.indirect.gather [hbm4b:s4+s17], $0x80, s22, s17, $0xb8;
	[tilespmem:$0x1D000] =	vst v63  }
0x47: {  	_ =	swait.ge [sflag:s18], $0x4000  }
0x48: {  	[sflag:s18] =	ssyncset.done $0x0  }
0x49: {  	s22 =	sadd.s32 $0x2800, s22;
	[sflag:s18] =	ssyncadd.s32 $0xFFFFC000  }
0x4a: {  	[spmem:s2] =	stream.indirect.scatter.add.f32 [tilespmem:s16], [sflag:$0x2], $0x80, s22, s17, $0xb8;
	[tilespmem:$0x1D000] =	vst v63  }
0x4b: {  	_ =	swait.ge [sflag:s14], $0x4000  }
0x4c: {  	s21 =	sadd.s32 $0x1, s21;
	[sflag:s14] =	ssyncset.done $0x0  }
0x4d: {  	p0 =	sne.s32 s21, s9;
	[sflag:s14] =	ssyncadd.s32 $0xFFFFC000  }
.Ltmp2:
0x4e: {  	[bflag:$0x0] =	sbarrier.arrive $0xFFFF;
	(pc) =	sbr.rel @p0 .LBB2_1-.Ltmp2, $4  }
0x4f: {  	[hbm:s8], [sflag:s19] =	dma.local [spmem:s20], $0x2800  }
0x50: {  	_ =	swait.ge [sflag:s14], $0x2800  }
0x51: {  	[sflag:s14] =	ssyncset.done $0x0  }
0x52: {  	[sflag:s14] =	ssyncadd.s32 $0xFFFFD800  }
0x53: {  	_ =	sfence.sel $0x180000  }
0x54: {  	[bflag:$0x0] =	sbarrier.arrive $0xFFFF  }
0x55: {  	p0 =	sne.s32 s1, $0x0;
	_ =	strace $0x9000004A  }
0x56: {  	s0 =	sadd.s32 @!p0 $0x100000, s0;
	[bflag:$0x2] =	sbarrier.arrive $0xFFFF  }
0x57: {  	[sflag:s0] =	ssyncadd.tile.s32 @!p0 $0x1;
	_ =	shalt  }
.Lfunc_end2:
_tile_overlayer_lowered:
.L_overlay_start_2:
0x58: {  	(tag) =	ssettag $0x2  }
0x59: {  	s0 =	rddreg [dreg:$0x0];
	s2 =	stileid.u32  }
0x5a: {  	s1 =	rddreg [dreg:$0x1];
	p0 =	sne.s32 s2, $0x0  }
0x5b: {  	s3 =	rddreg [dreg:$0x2];
	[bflag:$0x3] =	sbarrier.arrive $0xFFFF;
	s2 =	simm.s32 @!p0 $0x1C02  }
0x5c: {  	[timem:s3], [sflag:s2] =	dma.local @!p0 [hbm:s0], s1  }
0x5d: {  	s0 =	simm.s32 @!p0 $0x2  }
0x5e: {  	_ =	swait.ge @!p0 [sflag:s0], s1  }
0x5f: {  	s1 =	ssub.s32 @!p0 $0x0, s1;
	[sflag:s0] =	ssyncset.done @!p0 $0x0  }
0x60: {  	[sflag:s0] =	ssyncadd.s32 @!p0 s1  }
0x61: {  	[bflag:$0x3] =	sbarrier.arrive $0xFFFF  }
0x62: {  	_ =	shalt  }

// kernel: kernel.25.cloned.1.call-start
scs
__scs_entry_jumppad:
0x0: {  	(pc) =	sbr.rel $0x88, $3  }
0x1: {  	(tag) =	ssettag $0x0;
	lr =	simm.s32 $0x1  }
0x2: {  	[smem:$0x3F96] =	sst lr;
	_ =	strace $0xD0000000  }
0x3: {  	_ = 	snop  }
0x4: {  	_ = 	snop  }
0x5: {  	_ = 	snop  }
0x6: {  	_ = 	snop  }
0x7: {  	_ = 	snop  }
__scs_overlays_trampoline_lowered:
0x8: {  	[smem:$0x3FA5] =	sst s0  }
0x9: {  	[smem:$0x3FA6] =	sst s1  }
0xa: {  	[smem:$0x3FA7] =	sst s2  }
0xb: {  	[smem:$0x3FA8] =	sst s3  }
0xc: {  	[smem:$0x3FA9] =	sst s4  }
0xd: {  	[smem:$0x3FAA] =	sst s5  }
0xe: {  	[smem:$0x3FAB] =	sst s6  }
0xf: {  	[smem:$0x3FAC] =	sst s7  }
0x10: {  	[smem:$0x3FAD] =	sst s8  }
0x11: {  	[smem:$0x3FAE] =	sst s9;
	s0 =	simm.s32 @!p0 $0x0  }
0x12: {  	s1 =	sld [smem:$0x3F94];
	s0 =	simm.s32 @p0 $0x1  }
0x13: {  	[smem:$0x3FAF] =	sst s0;
	s0 =	simm.s32 @!p1 $0x0  }
0x14: {  	s2 =	sld [smem:$0x3F93];
	s0 =	simm.s32 @p1 $0x1  }
0x15: {  	[smem:$0x3FB0] =	sst s0;
	s0 =	simm.s32 @!p2 $0x0  }
0x16: {  	s3 =	sld [smem:$0x3FDB];
	s0 =	simm.s32 @p2 $0x1  }
0x17: {  	s4 =	simm.s32 $0x1BF5;
	[smem:$0x3FB2] =	sst s0  }
0x18: {  	s0 =	sld [smem:$0x3F95];
	_ =	swait.ge [sflag:s4], $0x0  }
0x19: {  	s7 =	sld [smem:$0x3F96]  }
0x1a: {  	s8 =	sadd.s32 $0xFFFFE003, lr  }
0x1b: {  	s9 =	sadd.s32 $0xFFFFFEF7, lr;
	s5 =	simm.s32 $0xFFFFFFFF;
	p2 =	slt.u32 s8, $0xFFFFF086  }
0x1c: {  	p1 =	slt.u32 s9, $0xF7A;
	s5 =	simm.s32 @!p2 $0x0  }
0x1d: {  	s5 =	simm.s32 @p1 $0x1;
	p0 =	seq.s32 s7, s2  }
0x1e: {  	s7 =	smul.u32 @!p0 $0xF7A, s2;
	p2 =	seq.s32 @!p0 s5, $0x0  }
0x1f: {  	s9 =	smul.u32 $0xF7A, s1;
	s8 =	simm.s32 @!p0 $0x1BF5;
	p2 =	por !p2, p0  }
0x20: {  	[sflag:s8] =	ssyncset.s32 @!p0 $0xFFFFF086;
	s6 =	sadd.s32 @!p0 s3, s7;
	s7 =	simm.s32 @!p0 $0x108  }
0x21: {  	s3 =	sadd.s32 s3, s9;
	s6 =	sadd.s32 @!p0 $0x88, s6;
	s7 =	simm.s32 @p2 $0x1082  }
0x22: {  	[simem:s7], [sflag:s8] =	dma.local @!p0 [hbm:s6], $0xF7A  }
0x23: {  	s9 =	sor.u32 $0xD0000000, s2;
	s6 =	simm.s32 $0x108;
	_ =	swait.ge @!p0 [sflag:s8], $0x0  }
0x24: {  	s3 =	sadd.s32 $0x88, s3;
	s6 =	simm.s32 @!p1 $0x1082;
	[sflag:s4] =	ssyncset.s32 $0xFFFFF086  }
0x25: {  	[simem:s6], [sflag:s4] =	dma.local [hbm:s3], $0xF7A  }
0x26: {  	[smem:$0x3F96] =	sst s1;
	(tag) =	ssettag s2;
	_ =	strace s9  }
0x27: {  	s1 =	sld [smem:$0x3FA6]  }
0x28: {  	s2 =	sld [smem:$0x3FA7]  }
0x29: {  	s4 =	sld [smem:$0x3FA9]  }
0x2a: {  	p0 =	seq.s32 s5, $0x0;
	s5 =	sld [smem:$0x3FAA]  }
0x2b: {  	s6 =	sld [smem:$0x3FAB]  }
0x2c: {  	s7 =	sld [smem:$0x3FAC]  }
0x2d: {  	s3 =	simm.s32 $0x108;
	s8 =	sld [smem:$0x3FAD]  }
0x2e: {  	s3 =	simm.s32 @!p0 $0x1082;
	s9 =	sld [smem:$0x3FAE]  }
0x2f: {  	lr =	sadd.s32 s0, s3;
	s0 =	sld [smem:$0x3FA5]  }
0x30: {  	s3 =	sld [smem:$0x3FA8]  }
0x31: {  	[smem:$0x3FB1] =	sst s10  }
0x32: {  	s10 =	sld [smem:$0x3FAF];
	_ =	sdelay $0x3  }
0x33: {  	p0 =	seq.s32 s10, $0x1;
	s10 =	sld [smem:$0x3FB1];
	_ =	sdelay $0x3  }
0x34: {  	[smem:$0x3FB1] =	sst s10  }
0x35: {  	s10 =	sld [smem:$0x3FB0];
	_ =	sdelay $0x3  }
0x36: {  	p1 =	seq.s32 s10, $0x1;
	s10 =	sld [smem:$0x3FB1];
	_ =	sdelay $0x3  }
0x37: {  	[smem:$0x3FB1] =	sst s10  }
0x38: {  	s10 =	sld [smem:$0x3FB2]  }
0x39: {  	_ = 	snop;
	(pc) =	sbr.ind lr, $3  }
0x3a: {  	_ = 	snop  }
0x3b: {  	_ = 	snop  }
0x3c: {  	p2 =	seq.s32 s10, $0x1;
	s10 =	sld [smem:$0x3FB1]  }
0x3d: {  	_ =	shalt  }
0x3e: {  	_ =	shalt  }
0x3f: {  	_ =	shalt  }
0x40: {  	_ =	shalt  }
0x41: {  	_ =	shalt  }
0x42: {  	_ =	shalt  }
0x43: {  	_ =	shalt  }
0x44: {  	_ =	shalt  }
0x45: {  	_ =	shalt  }
0x46: {  	_ =	shalt  }
0x47: {  	_ =	shalt  }
0x48: {  	_ =	shalt  }
0x49: {  	_ =	shalt  }
0x4a: {  	_ =	shalt  }
0x4b: {  	_ =	shalt  }
0x4c: {  	_ =	shalt  }
0x4d: {  	_ =	shalt  }
0x4e: {  	_ =	shalt  }
0x4f: {  	_ =	shalt  }
0x50: {  	_ =	shalt  }
0x51: {  	_ =	shalt  }
0x52: {  	_ =	shalt  }
0x53: {  	_ =	shalt  }
0x54: {  	_ =	shalt  }
0x55: {  	_ =	shalt  }
0x56: {  	_ =	shalt  }
0x57: {  	_ =	shalt  }
0x58: {  	_ =	shalt  }
0x59: {  	_ =	shalt  }
0x5a: {  	_ =	shalt  }
0x5b: {  	_ =	shalt  }
0x5c: {  	_ =	shalt  }
0x5d: {  	_ =	shalt  }
0x5e: {  	_ =	shalt  }
0x5f: {  	_ =	shalt  }
0x60: {  	_ =	shalt  }
0x61: {  	_ =	shalt  }
0x62: {  	_ =	shalt  }
0x63: {  	_ =	shalt  }
0x64: {  	_ =	shalt  }
0x65: {  	_ =	shalt  }
0x66: {  	_ =	shalt  }
0x67: {  	_ =	shalt  }
0x68: {  	_ =	shalt  }
0x69: {  	_ =	shalt  }
0x6a: {  	_ =	shalt  }
0x6b: {  	_ =	shalt  }
0x6c: {  	_ =	shalt  }
0x6d: {  	_ =	shalt  }
0x6e: {  	_ =	shalt  }
0x6f: {  	_ =	shalt  }
0x70: {  	_ =	shalt  }
0x71: {  	_ =	shalt  }
0x72: {  	_ =	shalt  }
0x73: {  	_ =	shalt  }
0x74: {  	_ =	shalt  }
0x75: {  	_ =	shalt  }
0x76: {  	_ =	shalt  }
0x77: {  	_ =	shalt  }
0x78: {  	_ =	shalt  }
0x79: {  	_ =	shalt  }
0x7a: {  	_ =	shalt  }
0x7b: {  	_ =	shalt  }
0x7c: {  	_ =	shalt  }
0x7d: {  	_ =	shalt  }
0x7e: {  	_ =	shalt  }
0x7f: {  	_ =	shalt  }
0x80: {  	_ =	shalt  }
0x81: {  	_ =	shalt  }
0x82: {  	_ =	shalt  }
0x83: {  	_ =	shalt  }
0x84: {  	_ =	shalt  }
0x85: {  	_ =	shalt  }
0x86: {  	_ =	shalt  }
0x87: {  	_ =	shalt  }
.Lfunc_end0:
.L_simem_size_0:
called_computation.2_lowered:
.L_overlay_start_0:
0x88: {  	s2 =	sld [smem:$0x3FD9]  }
0x89: {  	s3 =	sld [smem:$0x3FFE];
	_ =	sdelay $0x1  }
0x8a: {  	s1 =	srdreg.scid  }
0x8b: {  	s0 =	sand.u32 $0x1, s1  }
0x8c: {  	s16 =	sshll.u32 s0, $0xA;
	s2 =	sadd.s32 s3, s2  }
0x8d: {  	s2 =	sadd.s32 s2, s16  }
0x8e: {  	[smem:$0x3FBD] =	sst s2  }
0x8f: {  	_ = 	snop  }
0x90: {  	(tm) =	ssettm $0x1  }
0x91: {  	s17 =	sld [smem:$0x3FFB];
	_ =	sdelay $0x3  }
0x92: {  	_ =	strace s17  }
0x93: {  	s2 =	sld [smem:$0x3FFC];
	_ =	sdelay $0x3  }
0x94: {  	_ =	strace s2  }
0x95: {  	s2 =	sld [smem:$0x3FFD];
	_ =	sdelay $0x3  }
0x96: {  	_ =	strace s2  }
0x97: {  	_ =	strace $0x8FFFFFFF  }
0x98: {  	s18 =	sld [smem:$0x3FDB];
	_ =	sdelay $0x1  }
0x99: {  	s19 =	simm.s32 $_scs_section_size  }
0x9a: {  	s4 =	simm.s32 $_size__tile_overlayer_lowered;
	s5 =	simm.s32 $_tile_overlayer_lowered  }
0x9b: {  	s22 =	simm.s32 $0x1BFF;
	s21 =	sshll.u32 s5, $0x1;
	s2 =	sadd.s32 s19, s18  }
0x9c: {  	s6 =	simm.s32 $0x0;
	s20 =	sshll.u32 s4, $0x1;
	s4 =	sadd.s32 s21, s2  }
0x9d: {  	[timem:s6], [sflag:s22] =	dma.local [hbm:s4], s20  }
0x9e: {  	_ =	swait.ge [sflag:s22], s20  }
0x9f: {  	s3 =	ssub.s32 $0x0, s20;
	[sflag:s22] =	ssyncset.done $0x0  }
0xa0: {  	[sflag:s22] =	ssyncadd.s32 s3;
	_ =	sdelay $0x1  }
0xa1: {  	s23 =	simm.s32 $0x1B8B  }
0xa2: {  	_ =	swait.ge [sflag:s23], $0x1  }
0xa3: {  	[sflag:s23] =	ssyncset.done $0x0  }
0xa4: {  	s25 =	simm.s32 $0x1B8E;
	s24 =	sld [smem:$0x3FFE];
	[sflag:s23] =	ssyncadd.s32 $0xFFFFFFFF  }
0xa5: {  	s26 =	simm.s32 $execute0_lowered;
	[smem:$0x3FD2] =	sst s25  }
0xa6: {  	s4 =	sshll.u32 s26, $0x1;
	_ =	strace $0x8000004C;
	[dreg:$0x1] =	wrdreg $0xFFFFFFFF  }
0xa7: {  	s28 =	simm.s32 $_size_execute0_lowered;
	s2 =	sadd.s32 s2, s4;
	[dreg:$0x0] =	wrdreg $0x0  }
0xa8: {  	s4 =	sshll.u32 s28, $0x1;
	[dreg:$0x2] =	wrdreg s2  }
0xa9: {  	[dreg:$0x3] =	wrdreg s4  }
0xaa: {  	[dreg:$0x4] =	wrdreg $0xC0  }
0xab: {  	_ =	task [dreg:s6], $0x5FFFF  }
0xac: {  	[dreg:$0x1] =	wrdreg $0xFFFFFFFF  }
0xad: {  	[dreg:$0x0] =	wrdreg $0x60  }
0xae: {  	[dreg:$0x2] =	wrdreg s24  }
0xaf: {  	[dreg:$0x3] =	wrdreg $0x90000  }
0xb0: {  	[dreg:$0x4] =	wrdreg $0x9  }
0xb1: {  	_ =	task.clear_ibuf [dreg:s6], $0x5FFFF;
	_ =	strace $0x9000004C  }
0xb2: {  	s29 =	simm.s32 $0x9;
	_ =	strace $0x8000004E  }
0xb3: {  	_ =	swait.ge [sflag:s29], $0x1  }
0xb4: {  	[sflag:s29] =	ssyncadd.s32 $0xFFFFFFFF  }
0xb5: {  	_ =	strace $0x9000004E  }
0xb6: {  	_ =	sfence  }
0xb7: {  	s30 =	sld [smem:$0x0];
	_ =	sdelay $0x2  }
0xb8: {  	s31 =	sshll.u32 s1, $0xD;
	s1 =	sshrl.u32 s1, $0x2  }
0xb9: {  	s3 =	sand.u32 $0x4000, s31;
	s1 =	sadd.s32 s1, s30  }
0xba: {  	s0 =	sor.u32 s3, s0;
	s1 =	sshll.u32 s1, $0x11  }
0xbb: {  	s0 =	sor.u32 s1, s0  }
0xbc: {  	s0 =	sadd.s32 $0x8F2B, s0  }
0xbd: {  	[sflag:s0] =	ssyncadd.remote.s32 $0x1  }
0xbe: {  	_ =	sfence.sel $0xFFFF  }
0xbf: {  	[dreg:$0x0] =	wrdreg $0xFFFFFFFF;
	(pc) =	sbr.abs _section_cstart, $3  }
0xc0: {  	[dreg:$0x1] =	wrdreg $0xFFFFFFFF  }
0xc1: {  	_ =	task.clear_ibuf [dreg:s6], $0x2FFFF;
	_ =	strace $0x9FFFFFFF  }
0xc2: {  	(tm) =	ssettm $0x7FFFFFFF  }
0xc3: {  	_ =	shalt  }
tec
execute0_lowered:
.L_overlay_start_1:
0x0: {  	(tag) =	ssettag $0x1  }
0x1: {  	s5 =	rddreg [dreg:$0x0]  }
0x2: {  	s2 =	rddreg [dreg:$0x1];
	s3 =	srdreg.scid  }
0x3: {  	s0 =	rddreg [dreg:$0x2];
	s1 =	stileid.u32;
	s14 =	simm.s32 $0x2  }
0x4: {  	s15 =	simm.s32 $0x2800;
	s16 =	simm.s32 $0x5000;
	s17 =	simm.s32 $0x80  }
0x5: {  	s18 =	simm.s32 $0x1;
	s21 =	simm.s32 $0x0;
	s9 =	smul.u32 $0x14000, s1  }
0x6: {  	s6 =	sand.u32 $0x1, s3;
	s3 =	simm.s32 $0x0;
	s30 =	smul.u32 $0x50000, s1  }
0x7: {  	s4 =	sshll.u32 s1, $0x1;
	s19 =	sshll.u32 s1, $0x6;
	s7 =	smul.u32 $0x140000, s6  }
0x8: {  	[smem:$0x7FF] =	sst s3;
	s8 =	sor.u32 s6, s4;
	s4 =	sadd.s32 $0x18800, s5  }
0x9: {  	s6 =	ssub.s32 $0x2, s6;
	s19 =	sor.u32 $0x1C02, s19;
	_ =	strace $0x8000004D  }
0xa: {  	s8 =	smul.u32 $0x500, s8;
	s10 =	sshrl.u32 s6, $0x1;
	s7 =	sadd.s32 s9, s7  }
0xb: {  	s31 =	sshrl.u32 s30, $0x2;
	s10 =	ssub.s32 s6, s10;
	s7 =	sshrl.u32 s7, $0x3  }
0xc: {  	s8 =	sadd.s32 s8, s5;
	s9 =	smax.u32 s10, $0x1;
	s11 =	sadd.s32 s7, s5  }
0xd: {  	s5 =	sadd.s32 $0x4800, s8;
	s6 =	sadd.s32 $0xE800, s8;
	s7 =	sadd.s32 s31, s2  }
0xe: {  	s8 =	sadd.s32 $0xB4C00, s11;
	s10 =	sadd.s32 $0x4000, s7;
	s11 =	sadd.s32 $0x8000, s7  }
0xf: {  	v0 =	vimm.f32 $0.0e+00;
	s12 =	sadd.s32 $0xC000, s7;
	s13 =	sadd.s32 $0x10000, s7;
	s20 =	sshrl.u32 s7, $0x3  }
.LBB2_1:
0x10: {  	[tilespmem:s3], [sflag:$0x2] =	stream.linear.gather [hbm4b:s5+s3], $0x2780, $0x38;
	[tilespmem:$0x1D000] =	vst v63  }
0x11: {  	_ =	swait.ge [sflag:s14], $0x2780  }
0x12: {  	[sflag:s14] =	ssyncset.done $0x0  }
0x13: {  	[sflag:s14] =	ssyncadd.s32 $0xFFFFD880  }
0x14: {  	[tilespmem:s15], [sflag:$0x2] =	stream.linear.gather [hbm4b:s6+s3], $0x2780, $0x38;
	[tilespmem:$0x1D000] =	vst v63  }
0x15: {  	s22 =	sand.u32 $0xFE00, s3;
	s23 =	sand.u32 $0x70, s3;
	_ =	swait.ge [sflag:s14], $0x2780  }
0x16: {  	s24 =	sshrl.u32 s22, $0x2;
	s22 =	simm.s32 $0x40;
	[sflag:s14] =	ssyncset.done $0x0  }
0x17: {  	s24 =	sor.u32 s23, s24;
	s23 =	simm.s32 $0x0;
	[sflag:s14] =	ssyncadd.s32 $0xFFFFD880  }
.LBB2_2:
0x18: {  	p0 =	sne.s32 s22, $0xFFC0  }
0x19: {  	[tilespmem:s24+$0x5000] =	vst v0;
	s23 =	sadd.s32 $0x10, s23;
	s24 =	smov.u32 s22;
	s22 =	sadd.s32 $0x40, s22  }
.Ltmp0:
0x1a: {  	(pc) =	sbr.rel @p0 .LBB2_2-.Ltmp0, $4  }
0x1b: {  	_ = 	snop  }
0x1c: {  	s24 =	sand.u32 $0xFE00, s24  }
0x1d: {  	s25 =	sand.u32 $0x70, s23;
	s24 =	sshrl.u32 s24, $0x2  }
0x1e: {  	s24 =	sor.u32 s25, s24  }
0x1f: {  	[tilespmem:s24+$0x5000] =	vst v0  }
0x20: {  	[spmem:s7] =	stream.linear.scatter [tilespmem:s16], [sflag:$0x2], $0x4000, $0x38;
	[tilespmem:$0x1D000] =	vst v63  }
0x21: {  	_ =	swait.ge [sflag:s14], $0x4000  }
0x22: {  	[sflag:s14] =	ssyncset.done $0x0  }
0x23: {  	[sflag:s14] =	ssyncadd.s32 $0xFFFFC000  }
0x24: {  	[spmem:s10] =	stream.linear.scatter [tilespmem:s16], [sflag:$0x2], $0x4000, $0x38;
	[tilespmem:$0x1D000] =	vst v63  }
0x25: {  	_ =	swait.ge [sflag:s14], $0x4000  }
0x26: {  	[sflag:s14] =	ssyncset.done $0x0  }
0x27: {  	[sflag:s14] =	ssyncadd.s32 $0xFFFFC000  }
0x28: {  	[spmem:s11] =	stream.linear.scatter [tilespmem:s16], [sflag:$0x2], $0x4000, $0x38;
	[tilespmem:$0x1D000] =	vst v63  }
0x29: {  	_ =	swait.ge [sflag:s14], $0x4000  }
0x2a: {  	[sflag:s14] =	ssyncset.done $0x0  }
0x2b: {  	[sflag:s14] =	ssyncadd.s32 $0xFFFFC000  }
0x2c: {  	[spmem:s12] =	stream.linear.scatter [tilespmem:s16], [sflag:$0x2], $0x4000, $0x38;
	[tilespmem:$0x1D000] =	vst v63  }
0x2d: {  	_ =	swait.ge [sflag:s14], $0x4000  }
0x2e: {  	[sflag:s14] =	ssyncset.done $0x0  }
0x2f: {  	[sflag:s14] =	ssyncadd.s32 $0xFFFFC000  }
0x30: {  	[spmem:s13] =	stream.linear.scatter [tilespmem:s16], [sflag:$0x2], $0x4000, $0x38;
	[tilespmem:$0x1D000] =	vst v63  }
0x31: {  	_ =	swait.ge [sflag:s14], $0x4000  }
0x32: {  	[sflag:s14] =	ssyncset.done $0x0  }
0x33: {  	[sflag:s14] =	ssyncadd.s32 $0xFFFFC000  }
0x34: {  	s22 =	simm.s32 $0x0;
	[bflag:$0x0] =	sbarrier.arrive $0xFFFF  }
0x35: {  	[tilespmem:s16], [sflag:$0x1] =	stream.indirect.gather [hbm4b:s4+s17], $0x80, s22, s17, $0xb8;
	[tilespmem:$0x1D000] =	vst v63  }
0x36: {  	_ =	swait.ge [sflag:s18], $0x4000  }
0x37: {  	[sflag:s18] =	ssyncset.done $0x0  }
0x38: {  	s31 =	simm.s32 $0x2800;
	[sflag:s18] =	ssyncadd.s32 $0xFFFFC000  }
0x39: {  	[spmem:s2] =	stream.indirect.scatter.add.f32 [tilespmem:s16], [sflag:$0x2], $0x80, s31, s17, $0xb8;
	[tilespmem:$0x1D000] =	vst v63  }
0x3a: {  	_ =	swait.ge [sflag:s14], $0x4000  }
0x3b: {  	s23 =	simm.s32 $0x400;
	s22 =	simm.s32 $0x200;
	[sflag:s14] =	ssyncset.done $0x0  }
.LBB2_4:
0x3c: {  	s24 =	sshra.s32 s22, $0x2  }
0x3d: {  	[sflag:s14] =	ssyncadd.s32 $0xFFFFC000;
	s22 =	smov.u32 s23;
	s25 =	sadd.s32 $0x200, s23  }
0x3e: {  	[tilespmem:s16], [sflag:$0x1] =	stream.indirect.gather [hbm4b:s4+s17], $0x80, s24, s17, $0xb8;
	[tilespmem:$0x1D000] =	vst v63  }
0x3f: {  	p0 =	sne.s32 s23, $0x9C00;
	_ =	swait.ge [sflag:s18], $0x4000  }
.Ltmp1:
0x40: {  	[sflag:s18] =	ssyncset.done $0x0;
	(pc) =	sbr.rel @p0 .LBB2_4-.Ltmp1, $4  }
0x41: {  	s23 =	sadd.s32 $0x2800, s24;
	[sflag:s18] =	ssyncadd.s32 $0xFFFFC000  }
0x42: {  	[spmem:s2] =	stream.indirect.scatter.add.f32 [tilespmem:s16], [sflag:$0x2], $0x80, s23, s17, $0xb8;
	[tilespmem:$0x1D000] =	vst v63  }
0x43: {  	_ =	swait.ge [sflag:s14], $0x4000  }
0x44: {  	s23 =	smov.u32 s25;
	[sflag:s14] =	ssyncset.done $0x0  }
0x45: {  	s22 =	sshra.s32 s22, $0x2;
	[sflag:s14] =	ssyncadd.s32 $0xFFFFC000  }
0x46: {  	[tilespmem:s16], [sflag:$0x1] =	stream.indirect.gather [hbm4b:s4+s17], $0x80, s22, s17, $0xb8;
	[tilespmem:$0x1D000] =	vst v63  }
0x47: {  	_ =	swait.ge [sflag:s18], $0x4000  }
0x48: {  	[sflag:s18] =	ssyncset.done $0x0  }
0x49: {  	s22 =	sadd.s32 $0x2800, s22;
	[sflag:s18] =	ssyncadd.s32 $0xFFFFC000  }
0x4a: {  	[spmem:s2] =	stream.indirect.scatter.add.f32 [tilespmem:s16], [sflag:$0x2], $0x80, s22, s17, $0xb8;
	[tilespmem:$0x1D000] =	vst v63  }
0x4b: {  	_ =	swait.ge [sflag:s14], $0x4000  }
0x4c: {  	s21 =	sadd.s32 $0x1, s21;
	[sflag:s14] =	ssyncset.done $0x0  }
0x4d: {  	p0 =	sne.s32 s21, s9;
	[sflag:s14] =	ssyncadd.s32 $0xFFFFC000  }
.Ltmp2:
0x4e: {  	[bflag:$0x0] =	sbarrier.arrive $0xFFFF;
	(pc) =	sbr.rel @p0 .LBB2_1-.Ltmp2, $4  }
0x4f: {  	[hbm:s8], [sflag:s19] =	dma.local [spmem:s20], $0x2800  }
0x50: {  	_ =	swait.ge [sflag:s14], $0x2800  }
0x51: {  	[sflag:s14] =	ssyncset.done $0x0  }
0x52: {  	[sflag:s14] =	ssyncadd.s32 $0xFFFFD800  }
0x53: {  	_ =	sfence.sel $0x180000  }
0x54: {  	[bflag:$0x0] =	sbarrier.arrive $0xFFFF  }
0x55: {  	p0 =	sne.s32 s1, $0x0;
	_ =	strace $0x9000004D  }
0x56: {  	s0 =	sadd.s32 @!p0 $0x100000, s0;
	[bflag:$0x2] =	sbarrier.arrive $0xFFFF  }
0x57: {  	[sflag:s0] =	ssyncadd.tile.s32 @!p0 $0x1;
	_ =	shalt  }
.Lfunc_end2:
_tile_overlayer_lowered:
.L_overlay_start_2:
0x58: {  	(tag) =	ssettag $0x2  }
0x59: {  	s0 =	rddreg [dreg:$0x0];
	s2 =	stileid.u32  }
0x5a: {  	s1 =	rddreg [dreg:$0x1];
	p0 =	sne.s32 s2, $0x0  }
0x5b: {  	s3 =	rddreg [dreg:$0x2];
	[bflag:$0x3] =	sbarrier.arrive $0xFFFF;
	s2 =	simm.s32 @!p0 $0x1C02  }
0x5c: {  	[timem:s3], [sflag:s2] =	dma.local @!p0 [hbm:s0], s1  }
0x5d: {  	s0 =	simm.s32 @!p0 $0x2  }
0x5e: {  	_ =	swait.ge @!p0 [sflag:s0], s1  }
0x5f: {  	s1 =	ssub.s32 @!p0 $0x0, s1;
	[sflag:s0] =	ssyncset.done @!p0 $0x0  }
0x60: {  	[sflag:s0] =	ssyncadd.s32 @!p0 s1  }
0x61: {  	[bflag:$0x3] =	sbarrier.arrive $0xFFFF  }
0x62: {  	_ =	shalt  }

// kernel: kernel.28.cloned.1.call-start
scs
__scs_entry_jumppad:
0x0: {  	(pc) =	sbr.rel $0x88, $3  }
0x1: {  	(tag) =	ssettag $0x0;
	lr =	simm.s32 $0x1  }
0x2: {  	[smem:$0x3F96] =	sst lr;
	_ =	strace $0xD0000000  }
0x3: {  	_ = 	snop  }
0x4: {  	_ = 	snop  }
0x5: {  	_ = 	snop  }
0x6: {  	_ = 	snop  }
0x7: {  	_ = 	snop  }
__scs_overlays_trampoline_lowered:
0x8: {  	[smem:$0x3FA5] =	sst s0  }
0x9: {  	[smem:$0x3FA6] =	sst s1  }
0xa: {  	[smem:$0x3FA7] =	sst s2  }
0xb: {  	[smem:$0x3FA8] =	sst s3  }
0xc: {  	[smem:$0x3FA9] =	sst s4  }
0xd: {  	[smem:$0x3FAA] =	sst s5  }
0xe: {  	[smem:$0x3FAB] =	sst s6  }
0xf: {  	[smem:$0x3FAC] =	sst s7  }
0x10: {  	[smem:$0x3FAD] =	sst s8  }
0x11: {  	[smem:$0x3FAE] =	sst s9;
	s0 =	simm.s32 @!p0 $0x0  }
0x12: {  	s1 =	sld [smem:$0x3F94];
	s0 =	simm.s32 @p0 $0x1  }
0x13: {  	[smem:$0x3FAF] =	sst s0;
	s0 =	simm.s32 @!p1 $0x0  }
0x14: {  	s2 =	sld [smem:$0x3F93];
	s0 =	simm.s32 @p1 $0x1  }
0x15: {  	[smem:$0x3FB0] =	sst s0;
	s0 =	simm.s32 @!p2 $0x0  }
0x16: {  	s3 =	sld [smem:$0x3FDB];
	s0 =	simm.s32 @p2 $0x1  }
0x17: {  	s4 =	simm.s32 $0x1BF5;
	[smem:$0x3FB2] =	sst s0  }
0x18: {  	s0 =	sld [smem:$0x3F95];
	_ =	swait.ge [sflag:s4], $0x0  }
0x19: {  	s7 =	sld [smem:$0x3F96]  }
0x1a: {  	s8 =	sadd.s32 $0xFFFFE003, lr  }
0x1b: {  	s9 =	sadd.s32 $0xFFFFFEF7, lr;
	s5 =	simm.s32 $0xFFFFFFFF;
	p2 =	slt.u32 s8, $0xFFFFF086  }
0x1c: {  	p1 =	slt.u32 s9, $0xF7A;
	s5 =	simm.s32 @!p2 $0x0  }
0x1d: {  	s5 =	simm.s32 @p1 $0x1;
	p0 =	seq.s32 s7, s2  }
0x1e: {  	s7 =	smul.u32 @!p0 $0xF7A, s2;
	p2 =	seq.s32 @!p0 s5, $0x0  }
0x1f: {  	s9 =	smul.u32 $0xF7A, s1;
	s8 =	simm.s32 @!p0 $0x1BF5;
	p2 =	por !p2, p0  }
0x20: {  	[sflag:s8] =	ssyncset.s32 @!p0 $0xFFFFF086;
	s6 =	sadd.s32 @!p0 s3, s7;
	s7 =	simm.s32 @!p0 $0x108  }
0x21: {  	s3 =	sadd.s32 s3, s9;
	s6 =	sadd.s32 @!p0 $0x88, s6;
	s7 =	simm.s32 @p2 $0x1082  }
0x22: {  	[simem:s7], [sflag:s8] =	dma.local @!p0 [hbm:s6], $0xF7A  }
0x23: {  	s9 =	sor.u32 $0xD0000000, s2;
	s6 =	simm.s32 $0x108;
	_ =	swait.ge @!p0 [sflag:s8], $0x0  }
0x24: {  	s3 =	sadd.s32 $0x88, s3;
	s6 =	simm.s32 @!p1 $0x1082;
	[sflag:s4] =	ssyncset.s32 $0xFFFFF086  }
0x25: {  	[simem:s6], [sflag:s4] =	dma.local [hbm:s3], $0xF7A  }
0x26: {  	[smem:$0x3F96] =	sst s1;
	(tag) =	ssettag s2;
	_ =	strace s9  }
0x27: {  	s1 =	sld [smem:$0x3FA6]  }
0x28: {  	s2 =	sld [smem:$0x3FA7]  }
0x29: {  	s4 =	sld [smem:$0x3FA9]  }
0x2a: {  	p0 =	seq.s32 s5, $0x0;
	s5 =	sld [smem:$0x3FAA]  }
0x2b: {  	s6 =	sld [smem:$0x3FAB]  }
0x2c: {  	s7 =	sld [smem:$0x3FAC]  }
0x2d: {  	s3 =	simm.s32 $0x108;
	s8 =	sld [smem:$0x3FAD]  }
0x2e: {  	s3 =	simm.s32 @!p0 $0x1082;
	s9 =	sld [smem:$0x3FAE]  }
0x2f: {  	lr =	sadd.s32 s0, s3;
	s0 =	sld [smem:$0x3FA5]  }
0x30: {  	s3 =	sld [smem:$0x3FA8]  }
0x31: {  	[smem:$0x3FB1] =	sst s10  }
0x32: {  	s10 =	sld [smem:$0x3FAF];
	_ =	sdelay $0x3  }
0x33: {  	p0 =	seq.s32 s10, $0x1;
	s10 =	sld [smem:$0x3FB1];
	_ =	sdelay $0x3  }
0x34: {  	[smem:$0x3FB1] =	sst s10  }
0x35: {  	s10 =	sld [smem:$0x3FB0];
	_ =	sdelay $0x3  }
0x36: {  	p1 =	seq.s32 s10, $0x1;
	s10 =	sld [smem:$0x3FB1];
	_ =	sdelay $0x3  }
0x37: {  	[smem:$0x3FB1] =	sst s10  }
0x38: {  	s10 =	sld [smem:$0x3FB2]  }
0x39: {  	_ = 	snop;
	(pc) =	sbr.ind lr, $3  }
0x3a: {  	_ = 	snop  }
0x3b: {  	_ = 	snop  }
0x3c: {  	p2 =	seq.s32 s10, $0x1;
	s10 =	sld [smem:$0x3FB1]  }
0x3d: {  	_ =	shalt  }
0x3e: {  	_ =	shalt  }
0x3f: {  	_ =	shalt  }
0x40: {  	_ =	shalt  }
0x41: {  	_ =	shalt  }
0x42: {  	_ =	shalt  }
0x43: {  	_ =	shalt  }
0x44: {  	_ =	shalt  }
0x45: {  	_ =	shalt  }
0x46: {  	_ =	shalt  }
0x47: {  	_ =	shalt  }
0x48: {  	_ =	shalt  }
0x49: {  	_ =	shalt  }
0x4a: {  	_ =	shalt  }
0x4b: {  	_ =	shalt  }
0x4c: {  	_ =	shalt  }
0x4d: {  	_ =	shalt  }
0x4e: {  	_ =	shalt  }
0x4f: {  	_ =	shalt  }
0x50: {  	_ =	shalt  }
0x51: {  	_ =	shalt  }
0x52: {  	_ =	shalt  }
0x53: {  	_ =	shalt  }
0x54: {  	_ =	shalt  }
0x55: {  	_ =	shalt  }
0x56: {  	_ =	shalt  }
0x57: {  	_ =	shalt  }
0x58: {  	_ =	shalt  }
0x59: {  	_ =	shalt  }
0x5a: {  	_ =	shalt  }
0x5b: {  	_ =	shalt  }
0x5c: {  	_ =	shalt  }
0x5d: {  	_ =	shalt  }
0x5e: {  	_ =	shalt  }
0x5f: {  	_ =	shalt  }
0x60: {  	_ =	shalt  }
0x61: {  	_ =	shalt  }
0x62: {  	_ =	shalt  }
0x63: {  	_ =	shalt  }
0x64: {  	_ =	shalt  }
0x65: {  	_ =	shalt  }
0x66: {  	_ =	shalt  }
0x67: {  	_ =	shalt  }
0x68: {  	_ =	shalt  }
0x69: {  	_ =	shalt  }
0x6a: {  	_ =	shalt  }
0x6b: {  	_ =	shalt  }
0x6c: {  	_ =	shalt  }
0x6d: {  	_ =	shalt  }
0x6e: {  	_ =	shalt  }
0x6f: {  	_ =	shalt  }
0x70: {  	_ =	shalt  }
0x71: {  	_ =	shalt  }
0x72: {  	_ =	shalt  }
0x73: {  	_ =	shalt  }
0x74: {  	_ =	shalt  }
0x75: {  	_ =	shalt  }
0x76: {  	_ =	shalt  }
0x77: {  	_ =	shalt  }
0x78: {  	_ =	shalt  }
0x79: {  	_ =	shalt  }
0x7a: {  	_ =	shalt  }
0x7b: {  	_ =	shalt  }
0x7c: {  	_ =	shalt  }
0x7d: {  	_ =	shalt  }
0x7e: {  	_ =	shalt  }
0x7f: {  	_ =	shalt  }
0x80: {  	_ =	shalt  }
0x81: {  	_ =	shalt  }
0x82: {  	_ =	shalt  }
0x83: {  	_ =	shalt  }
0x84: {  	_ =	shalt  }
0x85: {  	_ =	shalt  }
0x86: {  	_ =	shalt  }
0x87: {  	_ =	shalt  }
.Lfunc_end0:
.L_simem_size_0:
called_computation.3_lowered:
.L_overlay_start_0:
0x88: {  	s2 =	sld [smem:$0x3FD9]  }
0x89: {  	s3 =	sld [smem:$0x3FFE];
	_ =	sdelay $0x1  }
0x8a: {  	s1 =	srdreg.scid  }
0x8b: {  	s0 =	sand.u32 $0x1, s1  }
0x8c: {  	s16 =	sshll.u32 s0, $0xA;
	s2 =	sadd.s32 s3, s2  }
0x8d: {  	s2 =	sadd.s32 s2, s16  }
0x8e: {  	[smem:$0x3FBD] =	sst s2  }
0x8f: {  	_ = 	snop  }
0x90: {  	(tm) =	ssettm $0x1  }
0x91: {  	s17 =	sld [smem:$0x3FFB];
	_ =	sdelay $0x3  }
0x92: {  	_ =	strace s17  }
0x93: {  	s2 =	sld [smem:$0x3FFC];
	_ =	sdelay $0x3  }
0x94: {  	_ =	strace s2  }
0x95: {  	s2 =	sld [smem:$0x3FFD];
	_ =	sdelay $0x3  }
0x96: {  	_ =	strace s2  }
0x97: {  	_ =	strace $0x8FFFFFFF  }
0x98: {  	s18 =	sld [smem:$0x3FDB];
	_ =	sdelay $0x1  }
0x99: {  	s19 =	simm.s32 $_scs_section_size  }
0x9a: {  	s4 =	simm.s32 $_size__tile_overlayer_lowered;
	s5 =	simm.s32 $_tile_overlayer_lowered  }
0x9b: {  	s22 =	simm.s32 $0x1BFF;
	s21 =	sshll.u32 s5, $0x1;
	s2 =	sadd.s32 s19, s18  }
0x9c: {  	s6 =	simm.s32 $0x0;
	s20 =	sshll.u32 s4, $0x1;
	s4 =	sadd.s32 s21, s2  }
0x9d: {  	[timem:s6], [sflag:s22] =	dma.local [hbm:s4], s20  }
0x9e: {  	_ =	swait.ge [sflag:s22], s20  }
0x9f: {  	s3 =	ssub.s32 $0x0, s20;
	[sflag:s22] =	ssyncset.done $0x0  }
0xa0: {  	[sflag:s22] =	ssyncadd.s32 s3;
	_ =	sdelay $0x1  }
0xa1: {  	s23 =	simm.s32 $0x1B8B  }
0xa2: {  	_ =	swait.ge [sflag:s23], $0x1  }
0xa3: {  	[sflag:s23] =	ssyncset.done $0x0  }
0xa4: {  	s25 =	simm.s32 $0x1B8E;
	s24 =	sld [smem:$0x3FFE];
	[sflag:s23] =	ssyncadd.s32 $0xFFFFFFFF  }
0xa5: {  	s26 =	simm.s32 $execute0_lowered;
	[smem:$0x3FD2] =	sst s25  }
0xa6: {  	s4 =	sshll.u32 s26, $0x1;
	_ =	strace $0x8000004F;
	[dreg:$0x1] =	wrdreg $0xFFFFFFFF  }
0xa7: {  	s28 =	simm.s32 $_size_execute0_lowered;
	s2 =	sadd.s32 s2, s4;
	[dreg:$0x0] =	wrdreg $0x0  }
0xa8: {  	s4 =	sshll.u32 s28, $0x1;
	[dreg:$0x2] =	wrdreg s2  }
0xa9: {  	[dreg:$0x3] =	wrdreg s4  }
0xaa: {  	[dreg:$0x4] =	wrdreg $0xC0  }
0xab: {  	_ =	task [dreg:s6], $0x5FFFF  }
0xac: {  	[dreg:$0x1] =	wrdreg $0xFFFFFFFF  }
0xad: {  	[dreg:$0x0] =	wrdreg $0x60  }
0xae: {  	[dreg:$0x2] =	wrdreg s24  }
0xaf: {  	[dreg:$0x3] =	wrdreg $0x90000  }
0xb0: {  	[dreg:$0x4] =	wrdreg $0x9  }
0xb1: {  	_ =	task.clear_ibuf [dreg:s6], $0x5FFFF;
	_ =	strace $0x9000004F  }
0xb2: {  	s29 =	simm.s32 $0x9;
	_ =	strace $0x80000051  }
0xb3: {  	_ =	swait.ge [sflag:s29], $0x1  }
0xb4: {  	[sflag:s29] =	ssyncadd.s32 $0xFFFFFFFF  }
0xb5: {  	_ =	strace $0x90000051  }
0xb6: {  	_ =	sfence  }
0xb7: {  	s30 =	sld [smem:$0x0];
	_ =	sdelay $0x2  }
0xb8: {  	s31 =	sshll.u32 s1, $0xD;
	s1 =	sshrl.u32 s1, $0x2  }
0xb9: {  	s3 =	sand.u32 $0x4000, s31;
	s1 =	sadd.s32 s1, s30  }
0xba: {  	s0 =	sor.u32 s3, s0;
	s1 =	sshll.u32 s1, $0x11  }
0xbb: {  	s0 =	sor.u32 s1, s0  }
0xbc: {  	s0 =	sadd.s32 $0x8F2B, s0  }
0xbd: {  	[sflag:s0] =	ssyncadd.remote.s32 $0x1  }
0xbe: {  	_ =	sfence.sel $0xFFFF  }
0xbf: {  	[dreg:$0x0] =	wrdreg $0xFFFFFFFF;
	(pc) =	sbr.abs _section_cstart, $3  }
0xc0: {  	[dreg:$0x1] =	wrdreg $0xFFFFFFFF  }
0xc1: {  	_ =	task.clear_ibuf [dreg:s6], $0x2FFFF;
	_ =	strace $0x9FFFFFFF  }
0xc2: {  	(tm) =	ssettm $0x7FFFFFFF  }
0xc3: {  	_ =	shalt  }
tec
execute0_lowered:
.L_overlay_start_1:
0x0: {  	(tag) =	ssettag $0x1  }
0x1: {  	s5 =	rddreg [dreg:$0x0]  }
0x2: {  	s2 =	rddreg [dreg:$0x1];
	s3 =	srdreg.scid  }
0x3: {  	s0 =	rddreg [dreg:$0x2];
	s1 =	stileid.u32;
	s14 =	simm.s32 $0x2  }
0x4: {  	s15 =	simm.s32 $0x2800;
	s16 =	simm.s32 $0x5000;
	s17 =	simm.s32 $0x80  }
0x5: {  	s18 =	simm.s32 $0x1;
	s21 =	simm.s32 $0x0;
	s9 =	smul.u32 $0x14000, s1  }
0x6: {  	s6 =	sand.u32 $0x1, s3;
	s3 =	simm.s32 $0x0;
	s30 =	smul.u32 $0x50000, s1  }
0x7: {  	s4 =	sshll.u32 s1, $0x1;
	s19 =	sshll.u32 s1, $0x6;
	s7 =	smul.u32 $0x140000, s6  }
0x8: {  	[smem:$0x7FF] =	sst s3;
	s8 =	sor.u32 s6, s4;
	s4 =	sadd.s32 $0x18800, s5  }
0x9: {  	s6 =	ssub.s32 $0x2, s6;
	s19 =	sor.u32 $0x1C02, s19;
	_ =	strace $0x80000050  }
0xa: {  	s8 =	smul.u32 $0x500, s8;
	s10 =	sshrl.u32 s6, $0x1;
	s7 =	sadd.s32 s9, s7  }
0xb: {  	s31 =	sshrl.u32 s30, $0x2;
	s10 =	ssub.s32 s6, s10;
	s7 =	sshrl.u32 s7, $0x3  }
0xc: {  	s8 =	sadd.s32 s8, s5;
	s9 =	smax.u32 s10, $0x1;
	s11 =	sadd.s32 s7, s5  }
0xd: {  	s5 =	sadd.s32 $0x4800, s8;
	s6 =	sadd.s32 $0xE800, s8;
	s7 =	sadd.s32 s31, s2  }
0xe: {  	s8 =	sadd.s32 $0xB4C00, s11;
	s10 =	sadd.s32 $0x4000, s7;
	s11 =	sadd.s32 $0x8000, s7  }
0xf: {  	v0 =	vimm.f32 $0.0e+00;
	s12 =	sadd.s32 $0xC000, s7;
	s13 =	sadd.s32 $0x10000, s7;
	s20 =	sshrl.u32 s7, $0x3  }
.LBB2_1:
0x10: {  	[tilespmem:s3], [sflag:$0x2] =	stream.linear.gather [hbm4b:s5+s3], $0x2780, $0x38;
	[tilespmem:$0x1D000] =	vst v63  }
0x11: {  	_ =	swait.ge [sflag:s14], $0x2780  }
0x12: {  	[sflag:s14] =	ssyncset.done $0x0  }
0x13: {  	[sflag:s14] =	ssyncadd.s32 $0xFFFFD880  }
0x14: {  	[tilespmem:s15], [sflag:$0x2] =	stream.linear.gather [hbm4b:s6+s3], $0x2780, $0x38;
	[tilespmem:$0x1D000] =	vst v63  }
0x15: {  	s22 =	sand.u32 $0xFE00, s3;
	s23 =	sand.u32 $0x70, s3;
	_ =	swait.ge [sflag:s14], $0x2780  }
0x16: {  	s24 =	sshrl.u32 s22, $0x2;
	s22 =	simm.s32 $0x40;
	[sflag:s14] =	ssyncset.done $0x0  }
0x17: {  	s24 =	sor.u32 s23, s24;
	s23 =	simm.s32 $0x0;
	[sflag:s14] =	ssyncadd.s32 $0xFFFFD880  }
.LBB2_2:
0x18: {  	p0 =	sne.s32 s22, $0xFFC0  }
0x19: {  	[tilespmem:s24+$0x5000] =	vst v0;
	s23 =	sadd.s32 $0x10, s23;
	s24 =	smov.u32 s22;
	s22 =	sadd.s32 $0x40, s22  }
.Ltmp0:
0x1a: {  	(pc) =	sbr.rel @p0 .LBB2_2-.Ltmp0, $4  }
0x1b: {  	_ = 	snop  }
0x1c: {  	s24 =	sand.u32 $0xFE00, s24  }
0x1d: {  	s25 =	sand.u32 $0x70, s23;
	s24 =	sshrl.u32 s24, $0x2  }
0x1e: {  	s24 =	sor.u32 s25, s24  }
0x1f: {  	[tilespmem:s24+$0x5000] =	vst v0  }
0x20: {  	[spmem:s7] =	stream.linear.scatter [tilespmem:s16], [sflag:$0x2], $0x4000, $0x38;
	[tilespmem:$0x1D000] =	vst v63  }
0x21: {  	_ =	swait.ge [sflag:s14], $0x4000  }
0x22: {  	[sflag:s14] =	ssyncset.done $0x0  }
0x23: {  	[sflag:s14] =	ssyncadd.s32 $0xFFFFC000  }
0x24: {  	[spmem:s10] =	stream.linear.scatter [tilespmem:s16], [sflag:$0x2], $0x4000, $0x38;
	[tilespmem:$0x1D000] =	vst v63  }
0x25: {  	_ =	swait.ge [sflag:s14], $0x4000  }
0x26: {  	[sflag:s14] =	ssyncset.done $0x0  }
0x27: {  	[sflag:s14] =	ssyncadd.s32 $0xFFFFC000  }
0x28: {  	[spmem:s11] =	stream.linear.scatter [tilespmem:s16], [sflag:$0x2], $0x4000, $0x38;
	[tilespmem:$0x1D000] =	vst v63  }
0x29: {  	_ =	swait.ge [sflag:s14], $0x4000  }
0x2a: {  	[sflag:s14] =	ssyncset.done $0x0  }
0x2b: {  	[sflag:s14] =	ssyncadd.s32 $0xFFFFC000  }
0x2c: {  	[spmem:s12] =	stream.linear.scatter [tilespmem:s16], [sflag:$0x2], $0x4000, $0x38;
	[tilespmem:$0x1D000] =	vst v63  }
0x2d: {  	_ =	swait.ge [sflag:s14], $0x4000  }
0x2e: {  	[sflag:s14] =	ssyncset.done $0x0  }
0x2f: {  	[sflag:s14] =	ssyncadd.s32 $0xFFFFC000  }
0x30: {  	[spmem:s13] =	stream.linear.scatter [tilespmem:s16], [sflag:$0x2], $0x4000, $0x38;
	[tilespmem:$0x1D000] =	vst v63  }
0x31: {  	_ =	swait.ge [sflag:s14], $0x4000  }
0x32: {  	[sflag:s14] =	ssyncset.done $0x0  }
0x33: {  	[sflag:s14] =	ssyncadd.s32 $0xFFFFC000  }
0x34: {  	s22 =	simm.s32 $0x0;
	[bflag:$0x0] =	sbarrier.arrive $0xFFFF  }
0x35: {  	[tilespmem:s16], [sflag:$0x1] =	stream.indirect.gather [hbm4b:s4+s17], $0x80, s22, s17, $0xb8;
	[tilespmem:$0x1D000] =	vst v63  }
0x36: {  	_ =	swait.ge [sflag:s18], $0x4000  }
0x37: {  	[sflag:s18] =	ssyncset.done $0x0  }
0x38: {  	s31 =	simm.s32 $0x2800;
	[sflag:s18] =	ssyncadd.s32 $0xFFFFC000  }
0x39: {  	[spmem:s2] =	stream.indirect.scatter.add.f32 [tilespmem:s16], [sflag:$0x2], $0x80, s31, s17, $0xb8;
	[tilespmem:$0x1D000] =	vst v63  }
0x3a: {  	_ =	swait.ge [sflag:s14], $0x4000  }
0x3b: {  	s23 =	simm.s32 $0x400;
	s22 =	simm.s32 $0x200;
	[sflag:s14] =	ssyncset.done $0x0  }
.LBB2_4:
0x3c: {  	s24 =	sshra.s32 s22, $0x2  }
0x3d: {  	[sflag:s14] =	ssyncadd.s32 $0xFFFFC000;
	s22 =	smov.u32 s23;
	s25 =	sadd.s32 $0x200, s23  }
0x3e: {  	[tilespmem:s16], [sflag:$0x1] =	stream.indirect.gather [hbm4b:s4+s17], $0x80, s24, s17, $0xb8;
	[tilespmem:$0x1D000] =	vst v63  }
0x3f: {  	p0 =	sne.s32 s23, $0x9C00;
	_ =	swait.ge [sflag:s18], $0x4000  }
.Ltmp1:
0x40: {  	[sflag:s18] =	ssyncset.done $0x0;
	(pc) =	sbr.rel @p0 .LBB2_4-.Ltmp1, $4  }
0x41: {  	s23 =	sadd.s32 $0x2800, s24;
	[sflag:s18] =	ssyncadd.s32 $0xFFFFC000  }
0x42: {  	[spmem:s2] =	stream.indirect.scatter.add.f32 [tilespmem:s16], [sflag:$0x2], $0x80, s23, s17, $0xb8;
	[tilespmem:$0x1D000] =	vst v63  }
0x43: {  	_ =	swait.ge [sflag:s14], $0x4000  }
0x44: {  	s23 =	smov.u32 s25;
	[sflag:s14] =	ssyncset.done $0x0  }
0x45: {  	s22 =	sshra.s32 s22, $0x2;
	[sflag:s14] =	ssyncadd.s32 $0xFFFFC000  }
0x46: {  	[tilespmem:s16], [sflag:$0x1] =	stream.indirect.gather [hbm4b:s4+s17], $0x80, s22, s17, $0xb8;
	[tilespmem:$0x1D000] =	vst v63  }
0x47: {  	_ =	swait.ge [sflag:s18], $0x4000  }
0x48: {  	[sflag:s18] =	ssyncset.done $0x0  }
0x49: {  	s22 =	sadd.s32 $0x2800, s22;
	[sflag:s18] =	ssyncadd.s32 $0xFFFFC000  }
0x4a: {  	[spmem:s2] =	stream.indirect.scatter.add.f32 [tilespmem:s16], [sflag:$0x2], $0x80, s22, s17, $0xb8;
	[tilespmem:$0x1D000] =	vst v63  }
0x4b: {  	_ =	swait.ge [sflag:s14], $0x4000  }
0x4c: {  	s21 =	sadd.s32 $0x1, s21;
	[sflag:s14] =	ssyncset.done $0x0  }
0x4d: {  	p0 =	sne.s32 s21, s9;
	[sflag:s14] =	ssyncadd.s32 $0xFFFFC000  }
.Ltmp2:
0x4e: {  	[bflag:$0x0] =	sbarrier.arrive $0xFFFF;
	(pc) =	sbr.rel @p0 .LBB2_1-.Ltmp2, $4  }
0x4f: {  	[hbm:s8], [sflag:s19] =	dma.local [spmem:s20], $0x2800  }
0x50: {  	_ =	swait.ge [sflag:s14], $0x2800  }
0x51: {  	[sflag:s14] =	ssyncset.done $0x0  }
0x52: {  	[sflag:s14] =	ssyncadd.s32 $0xFFFFD800  }
0x53: {  	_ =	sfence.sel $0x180000  }
0x54: {  	[bflag:$0x0] =	sbarrier.arrive $0xFFFF  }
0x55: {  	p0 =	sne.s32 s1, $0x0;
	_ =	strace $0x90000050  }
0x56: {  	s0 =	sadd.s32 @!p0 $0x100000, s0;
	[bflag:$0x2] =	sbarrier.arrive $0xFFFF  }
0x57: {  	[sflag:s0] =	ssyncadd.tile.s32 @!p0 $0x1;
	_ =	shalt  }
.Lfunc_end2:
_tile_overlayer_lowered:
.L_overlay_start_2:
0x58: {  	(tag) =	ssettag $0x2  }
0x59: {  	s0 =	rddreg [dreg:$0x0];
	s2 =	stileid.u32  }
0x5a: {  	s1 =	rddreg [dreg:$0x1];
	p0 =	sne.s32 s2, $0x0  }
0x5b: {  	s3 =	rddreg [dreg:$0x2];
	[bflag:$0x3] =	sbarrier.arrive $0xFFFF;
	s2 =	simm.s32 @!p0 $0x1C02  }
0x5c: {  	[timem:s3], [sflag:s2] =	dma.local @!p0 [hbm:s0], s1  }
0x5d: {  	s0 =	simm.s32 @!p0 $0x2  }
0x5e: {  	_ =	swait.ge @!p0 [sflag:s0], s1  }
0x5f: {  	s1 =	ssub.s32 @!p0 $0x0, s1;
	[sflag:s0] =	ssyncset.done @!p0 $0x0  }
0x60: {  	[sflag:s0] =	ssyncadd.s32 @!p0 s1  }
0x61: {  	[bflag:$0x3] =	sbarrier.arrive $0xFFFF  }
0x62: {  	_ =	shalt  }

// kernel: kernel.31.cloned.1.call-start
scs
__scs_entry_jumppad:
0x0: {  	(pc) =	sbr.rel $0x88, $3  }
0x1: {  	(tag) =	ssettag $0x0;
	lr =	simm.s32 $0x1  }
0x2: {  	[smem:$0x3F96] =	sst lr;
	_ =	strace $0xD0000000  }
0x3: {  	_ = 	snop  }
0x4: {  	_ = 	snop  }
0x5: {  	_ = 	snop  }
0x6: {  	_ = 	snop  }
0x7: {  	_ = 	snop  }
__scs_overlays_trampoline_lowered:
0x8: {  	[smem:$0x3FA5] =	sst s0  }
0x9: {  	[smem:$0x3FA6] =	sst s1  }
0xa: {  	[smem:$0x3FA7] =	sst s2  }
0xb: {  	[smem:$0x3FA8] =	sst s3  }
0xc: {  	[smem:$0x3FA9] =	sst s4  }
0xd: {  	[smem:$0x3FAA] =	sst s5  }
0xe: {  	[smem:$0x3FAB] =	sst s6  }
0xf: {  	[smem:$0x3FAC] =	sst s7  }
0x10: {  	[smem:$0x3FAD] =	sst s8  }
0x11: {  	[smem:$0x3FAE] =	sst s9;
	s0 =	simm.s32 @!p0 $0x0  }
0x12: {  	s1 =	sld [smem:$0x3F94];
	s0 =	simm.s32 @p0 $0x1  }
0x13: {  	[smem:$0x3FAF] =	sst s0;
	s0 =	simm.s32 @!p1 $0x0  }
0x14: {  	s2 =	sld [smem:$0x3F93];
	s0 =	simm.s32 @p1 $0x1  }
0x15: {  	[smem:$0x3FB0] =	sst s0;
	s0 =	simm.s32 @!p2 $0x0  }
0x16: {  	s3 =	sld [smem:$0x3FDB];
	s0 =	simm.s32 @p2 $0x1  }
0x17: {  	s4 =	simm.s32 $0x1BF5;
	[smem:$0x3FB2] =	sst s0  }
0x18: {  	s0 =	sld [smem:$0x3F95];
	_ =	swait.ge [sflag:s4], $0x0  }
0x19: {  	s7 =	sld [smem:$0x3F96]  }
0x1a: {  	s8 =	sadd.s32 $0xFFFFE003, lr  }
0x1b: {  	s9 =	sadd.s32 $0xFFFFFEF7, lr;
	s5 =	simm.s32 $0xFFFFFFFF;
	p2 =	slt.u32 s8, $0xFFFFF086  }
0x1c: {  	p1 =	slt.u32 s9, $0xF7A;
	s5 =	simm.s32 @!p2 $0x0  }
0x1d: {  	s5 =	simm.s32 @p1 $0x1;
	p0 =	seq.s32 s7, s2  }
0x1e: {  	s7 =	smul.u32 @!p0 $0xF7A, s2;
	p2 =	seq.s32 @!p0 s5, $0x0  }
0x1f: {  	s9 =	smul.u32 $0xF7A, s1;
	s8 =	simm.s32 @!p0 $0x1BF5;
	p2 =	por !p2, p0  }
0x20: {  	[sflag:s8] =	ssyncset.s32 @!p0 $0xFFFFF086;
	s6 =	sadd.s32 @!p0 s3, s7;
	s7 =	simm.s32 @!p0 $0x108  }
0x21: {  	s3 =	sadd.s32 s3, s9;
	s6 =	sadd.s32 @!p0 $0x88, s6;
	s7 =	simm.s32 @p2 $0x1082  }
0x22: {  	[simem:s7], [sflag:s8] =	dma.local @!p0 [hbm:s6], $0xF7A  }
0x23: {  	s9 =	sor.u32 $0xD0000000, s2;
	s6 =	simm.s32 $0x108;
	_ =	swait.ge @!p0 [sflag:s8], $0x0  }
0x24: {  	s3 =	sadd.s32 $0x88, s3;
	s6 =	simm.s32 @!p1 $0x1082;
	[sflag:s4] =	ssyncset.s32 $0xFFFFF086  }
0x25: {  	[simem:s6], [sflag:s4] =	dma.local [hbm:s3], $0xF7A  }
0x26: {  	[smem:$0x3F96] =	sst s1;
	(tag) =	ssettag s2;
	_ =	strace s9  }
0x27: {  	s1 =	sld [smem:$0x3FA6]  }
0x28: {  	s2 =	sld [smem:$0x3FA7]  }
0x29: {  	s4 =	sld [smem:$0x3FA9]  }
0x2a: {  	p0 =	seq.s32 s5, $0x0;
	s5 =	sld [smem:$0x3FAA]  }
0x2b: {  	s6 =	sld [smem:$0x3FAB]  }
0x2c: {  	s7 =	sld [smem:$0x3FAC]  }
0x2d: {  	s3 =	simm.s32 $0x108;
	s8 =	sld [smem:$0x3FAD]  }
0x2e: {  	s3 =	simm.s32 @!p0 $0x1082;
	s9 =	sld [smem:$0x3FAE]  }
0x2f: {  	lr =	sadd.s32 s0, s3;
	s0 =	sld [smem:$0x3FA5]  }
0x30: {  	s3 =	sld [smem:$0x3FA8]  }
0x31: {  	[smem:$0x3FB1] =	sst s10  }
0x32: {  	s10 =	sld [smem:$0x3FAF];
	_ =	sdelay $0x3  }
0x33: {  	p0 =	seq.s32 s10, $0x1;
	s10 =	sld [smem:$0x3FB1];
	_ =	sdelay $0x3  }
0x34: {  	[smem:$0x3FB1] =	sst s10  }
0x35: {  	s10 =	sld [smem:$0x3FB0];
	_ =	sdelay $0x3  }
0x36: {  	p1 =	seq.s32 s10, $0x1;
	s10 =	sld [smem:$0x3FB1];
	_ =	sdelay $0x3  }
0x37: {  	[smem:$0x3FB1] =	sst s10  }
0x38: {  	s10 =	sld [smem:$0x3FB2]  }
0x39: {  	_ = 	snop;
	(pc) =	sbr.ind lr, $3  }
0x3a: {  	_ = 	snop  }
0x3b: {  	_ = 	snop  }
0x3c: {  	p2 =	seq.s32 s10, $0x1;
	s10 =	sld [smem:$0x3FB1]  }
0x3d: {  	_ =	shalt  }
0x3e: {  	_ =	shalt  }
0x3f: {  	_ =	shalt  }
0x40: {  	_ =	shalt  }
0x41: {  	_ =	shalt  }
0x42: {  	_ =	shalt  }
0x43: {  	_ =	shalt  }
0x44: {  	_ =	shalt  }
0x45: {  	_ =	shalt  }
0x46: {  	_ =	shalt  }
0x47: {  	_ =	shalt  }
0x48: {  	_ =	shalt  }
0x49: {  	_ =	shalt  }
0x4a: {  	_ =	shalt  }
0x4b: {  	_ =	shalt  }
0x4c: {  	_ =	shalt  }
0x4d: {  	_ =	shalt  }
0x4e: {  	_ =	shalt  }
0x4f: {  	_ =	shalt  }
0x50: {  	_ =	shalt  }
0x51: {  	_ =	shalt  }
0x52: {  	_ =	shalt  }
0x53: {  	_ =	shalt  }
0x54: {  	_ =	shalt  }
0x55: {  	_ =	shalt  }
0x56: {  	_ =	shalt  }
0x57: {  	_ =	shalt  }
0x58: {  	_ =	shalt  }
0x59: {  	_ =	shalt  }
0x5a: {  	_ =	shalt  }
0x5b: {  	_ =	shalt  }
0x5c: {  	_ =	shalt  }
0x5d: {  	_ =	shalt  }
0x5e: {  	_ =	shalt  }
0x5f: {  	_ =	shalt  }
0x60: {  	_ =	shalt  }
0x61: {  	_ =	shalt  }
0x62: {  	_ =	shalt  }
0x63: {  	_ =	shalt  }
0x64: {  	_ =	shalt  }
0x65: {  	_ =	shalt  }
0x66: {  	_ =	shalt  }
0x67: {  	_ =	shalt  }
0x68: {  	_ =	shalt  }
0x69: {  	_ =	shalt  }
0x6a: {  	_ =	shalt  }
0x6b: {  	_ =	shalt  }
0x6c: {  	_ =	shalt  }
0x6d: {  	_ =	shalt  }
0x6e: {  	_ =	shalt  }
0x6f: {  	_ =	shalt  }
0x70: {  	_ =	shalt  }
0x71: {  	_ =	shalt  }
0x72: {  	_ =	shalt  }
0x73: {  	_ =	shalt  }
0x74: {  	_ =	shalt  }
0x75: {  	_ =	shalt  }
0x76: {  	_ =	shalt  }
0x77: {  	_ =	shalt  }
0x78: {  	_ =	shalt  }
0x79: {  	_ =	shalt  }
0x7a: {  	_ =	shalt  }
0x7b: {  	_ =	shalt  }
0x7c: {  	_ =	shalt  }
0x7d: {  	_ =	shalt  }
0x7e: {  	_ =	shalt  }
0x7f: {  	_ =	shalt  }
0x80: {  	_ =	shalt  }
0x81: {  	_ =	shalt  }
0x82: {  	_ =	shalt  }
0x83: {  	_ =	shalt  }
0x84: {  	_ =	shalt  }
0x85: {  	_ =	shalt  }
0x86: {  	_ =	shalt  }
0x87: {  	_ =	shalt  }
.Lfunc_end0:
.L_simem_size_0:
called_computation.4_lowered:
.L_overlay_start_0:
0x88: {  	s2 =	sld [smem:$0x3FD9]  }
0x89: {  	s3 =	sld [smem:$0x3FFE];
	_ =	sdelay $0x1  }
0x8a: {  	s1 =	srdreg.scid  }
0x8b: {  	s0 =	sand.u32 $0x1, s1  }
0x8c: {  	s16 =	sshll.u32 s0, $0xA;
	s2 =	sadd.s32 s3, s2  }
0x8d: {  	s2 =	sadd.s32 s2, s16  }
0x8e: {  	[smem:$0x3FBD] =	sst s2  }
0x8f: {  	_ = 	snop  }
0x90: {  	(tm) =	ssettm $0x1  }
0x91: {  	s17 =	sld [smem:$0x3FFB];
	_ =	sdelay $0x3  }
0x92: {  	_ =	strace s17  }
0x93: {  	s2 =	sld [smem:$0x3FFC];
	_ =	sdelay $0x3  }
0x94: {  	_ =	strace s2  }
0x95: {  	s2 =	sld [smem:$0x3FFD];
	_ =	sdelay $0x3  }
0x96: {  	_ =	strace s2  }
0x97: {  	_ =	strace $0x8FFFFFFF  }
0x98: {  	s18 =	sld [smem:$0x3FDB];
	_ =	sdelay $0x1  }
0x99: {  	s19 =	simm.s32 $_scs_section_size  }
0x9a: {  	s4 =	simm.s32 $_size__tile_overlayer_lowered;
	s5 =	simm.s32 $_tile_overlayer_lowered  }
0x9b: {  	s22 =	simm.s32 $0x1BFF;
	s21 =	sshll.u32 s5, $0x1;
	s2 =	sadd.s32 s19, s18  }
0x9c: {  	s6 =	simm.s32 $0x0;
	s20 =	sshll.u32 s4, $0x1;
	s4 =	sadd.s32 s21, s2  }
0x9d: {  	[timem:s6], [sflag:s22] =	dma.local [hbm:s4], s20  }
0x9e: {  	_ =	swait.ge [sflag:s22], s20  }
0x9f: {  	s3 =	ssub.s32 $0x0, s20;
	[sflag:s22] =	ssyncset.done $0x0  }
0xa0: {  	[sflag:s22] =	ssyncadd.s32 s3;
	_ =	sdelay $0x1  }
0xa1: {  	s23 =	simm.s32 $0x1B8B  }
0xa2: {  	_ =	swait.ge [sflag:s23], $0x1  }
0xa3: {  	[sflag:s23] =	ssyncset.done $0x0  }
0xa4: {  	s25 =	simm.s32 $0x1B8E;
	s24 =	sld [smem:$0x3FFE];
	[sflag:s23] =	ssyncadd.s32 $0xFFFFFFFF  }
0xa5: {  	s26 =	simm.s32 $execute0_lowered;
	[smem:$0x3FD2] =	sst s25  }
0xa6: {  	s4 =	sshll.u32 s26, $0x1;
	_ =	strace $0x80000052;
	[dreg:$0x1] =	wrdreg $0xFFFFFFFF  }
0xa7: {  	s28 =	simm.s32 $_size_execute0_lowered;
	s2 =	sadd.s32 s2, s4;
	[dreg:$0x0] =	wrdreg $0x0  }
0xa8: {  	s4 =	sshll.u32 s28, $0x1;
	[dreg:$0x2] =	wrdreg s2  }
0xa9: {  	[dreg:$0x3] =	wrdreg s4  }
0xaa: {  	[dreg:$0x4] =	wrdreg $0xC0  }
0xab: {  	_ =	task [dreg:s6], $0x5FFFF  }
0xac: {  	[dreg:$0x1] =	wrdreg $0xFFFFFFFF  }
0xad: {  	[dreg:$0x0] =	wrdreg $0x60  }
0xae: {  	[dreg:$0x2] =	wrdreg s24  }
0xaf: {  	[dreg:$0x3] =	wrdreg $0x90000  }
0xb0: {  	[dreg:$0x4] =	wrdreg $0x9  }
0xb1: {  	_ =	task.clear_ibuf [dreg:s6], $0x5FFFF;
	_ =	strace $0x90000052  }
0xb2: {  	s29 =	simm.s32 $0x9;
	_ =	strace $0x80000054  }
0xb3: {  	_ =	swait.ge [sflag:s29], $0x1  }
0xb4: {  	[sflag:s29] =	ssyncadd.s32 $0xFFFFFFFF  }
0xb5: {  	_ =	strace $0x90000054  }
0xb6: {  	_ =	sfence  }
0xb7: {  	s30 =	sld [smem:$0x0];
	_ =	sdelay $0x2  }
0xb8: {  	s31 =	sshll.u32 s1, $0xD;
	s1 =	sshrl.u32 s1, $0x2  }
0xb9: {  	s3 =	sand.u32 $0x4000, s31;
	s1 =	sadd.s32 s1, s30  }
0xba: {  	s0 =	sor.u32 s3, s0;
	s1 =	sshll.u32 s1, $0x11  }
0xbb: {  	s0 =	sor.u32 s1, s0  }
0xbc: {  	s0 =	sadd.s32 $0x8F2B, s0  }
0xbd: {  	[sflag:s0] =	ssyncadd.remote.s32 $0x1  }
0xbe: {  	_ =	sfence.sel $0xFFFF  }
0xbf: {  	[dreg:$0x0] =	wrdreg $0xFFFFFFFF;
	(pc) =	sbr.abs _section_cstart, $3  }
0xc0: {  	[dreg:$0x1] =	wrdreg $0xFFFFFFFF  }
0xc1: {  	_ =	task.clear_ibuf [dreg:s6], $0x2FFFF;
	_ =	strace $0x9FFFFFFF  }
0xc2: {  	(tm) =	ssettm $0x7FFFFFFF  }
0xc3: {  	_ =	shalt  }
tec
execute0_lowered:
.L_overlay_start_1:
0x0: {  	(tag) =	ssettag $0x1  }
0x1: {  	s5 =	rddreg [dreg:$0x0]  }
0x2: {  	s2 =	rddreg [dreg:$0x1];
	s3 =	srdreg.scid  }
0x3: {  	s0 =	rddreg [dreg:$0x2];
	s1 =	stileid.u32;
	s14 =	simm.s32 $0x2  }
0x4: {  	s15 =	simm.s32 $0x2800;
	s16 =	simm.s32 $0x5000;
	s17 =	simm.s32 $0x80  }
0x5: {  	s18 =	simm.s32 $0x1;
	s21 =	simm.s32 $0x0;
	s9 =	smul.u32 $0x14000, s1  }
0x6: {  	s6 =	sand.u32 $0x1, s3;
	s3 =	simm.s32 $0x0;
	s30 =	smul.u32 $0x50000, s1  }
0x7: {  	s4 =	sshll.u32 s1, $0x1;
	s19 =	sshll.u32 s1, $0x6;
	s7 =	smul.u32 $0x140000, s6  }
0x8: {  	[smem:$0x7FF] =	sst s3;
	s8 =	sor.u32 s6, s4;
	s4 =	sadd.s32 $0x18800, s5  }
0x9: {  	s6 =	ssub.s32 $0x2, s6;
	s19 =	sor.u32 $0x1C02, s19;
	_ =	strace $0x80000053  }
0xa: {  	s8 =	smul.u32 $0x500, s8;
	s10 =	sshrl.u32 s6, $0x1;
	s7 =	sadd.s32 s9, s7  }
0xb: {  	s31 =	sshrl.u32 s30, $0x2;
	s10 =	ssub.s32 s6, s10;
	s7 =	sshrl.u32 s7, $0x3  }
0xc: {  	s8 =	sadd.s32 s8, s5;
	s9 =	smax.u32 s10, $0x1;
	s11 =	sadd.s32 s7, s5  }
0xd: {  	s5 =	sadd.s32 $0x4800, s8;
	s6 =	sadd.s32 $0xE800, s8;
	s7 =	sadd.s32 s31, s2  }
0xe: {  	s8 =	sadd.s32 $0xB4C00, s11;
	s10 =	sadd.s32 $0x4000, s7;
	s11 =	sadd.s32 $0x8000, s7  }
0xf: {  	v0 =	vimm.f32 $0.0e+00;
	s12 =	sadd.s32 $0xC000, s7;
	s13 =	sadd.s32 $0x10000, s7;
	s20 =	sshrl.u32 s7, $0x3  }
.LBB2_1:
0x10: {  	[tilespmem:s3], [sflag:$0x2] =	stream.linear.gather [hbm4b:s5+s3], $0x2780, $0x38;
	[tilespmem:$0x1D000] =	vst v63  }
0x11: {  	_ =	swait.ge [sflag:s14], $0x2780  }
0x12: {  	[sflag:s14] =	ssyncset.done $0x0  }
0x13: {  	[sflag:s14] =	ssyncadd.s32 $0xFFFFD880  }
0x14: {  	[tilespmem:s15], [sflag:$0x2] =	stream.linear.gather [hbm4b:s6+s3], $0x2780, $0x38;
	[tilespmem:$0x1D000] =	vst v63  }
0x15: {  	s22 =	sand.u32 $0xFE00, s3;
	s23 =	sand.u32 $0x70, s3;
	_ =	swait.ge [sflag:s14], $0x2780  }
0x16: {  	s24 =	sshrl.u32 s22, $0x2;
	s22 =	simm.s32 $0x40;
	[sflag:s14] =	ssyncset.done $0x0  }
0x17: {  	s24 =	sor.u32 s23, s24;
	s23 =	simm.s32 $0x0;
	[sflag:s14] =	ssyncadd.s32 $0xFFFFD880  }
.LBB2_2:
0x18: {  	p0 =	sne.s32 s22, $0xFFC0  }
0x19: {  	[tilespmem:s24+$0x5000] =	vst v0;
	s23 =	sadd.s32 $0x10, s23;
	s24 =	smov.u32 s22;
	s22 =	sadd.s32 $0x40, s22  }
.Ltmp0:
0x1a: {  	(pc) =	sbr.rel @p0 .LBB2_2-.Ltmp0, $4  }
0x1b: {  	_ = 	snop  }
0x1c: {  	s24 =	sand.u32 $0xFE00, s24  }
0x1d: {  	s25 =	sand.u32 $0x70, s23;
	s24 =	sshrl.u32 s24, $0x2  }
0x1e: {  	s24 =	sor.u32 s25, s24  }
0x1f: {  	[tilespmem:s24+$0x5000] =	vst v0  }
0x20: {  	[spmem:s7] =	stream.linear.scatter [tilespmem:s16], [sflag:$0x2], $0x4000, $0x38;
	[tilespmem:$0x1D000] =	vst v63  }
0x21: {  	_ =	swait.ge [sflag:s14], $0x4000  }
0x22: {  	[sflag:s14] =	ssyncset.done $0x0  }
0x23: {  	[sflag:s14] =	ssyncadd.s32 $0xFFFFC000  }
0x24: {  	[spmem:s10] =	stream.linear.scatter [tilespmem:s16], [sflag:$0x2], $0x4000, $0x38;
	[tilespmem:$0x1D000] =	vst v63  }
0x25: {  	_ =	swait.ge [sflag:s14], $0x4000  }
0x26: {  	[sflag:s14] =	ssyncset.done $0x0  }
0x27: {  	[sflag:s14] =	ssyncadd.s32 $0xFFFFC000  }
0x28: {  	[spmem:s11] =	stream.linear.scatter [tilespmem:s16], [sflag:$0x2], $0x4000, $0x38;
	[tilespmem:$0x1D000] =	vst v63  }
0x29: {  	_ =	swait.ge [sflag:s14], $0x4000  }
0x2a: {  	[sflag:s14] =	ssyncset.done $0x0  }
0x2b: {  	[sflag:s14] =	ssyncadd.s32 $0xFFFFC000  }
0x2c: {  	[spmem:s12] =	stream.linear.scatter [tilespmem:s16], [sflag:$0x2], $0x4000, $0x38;
	[tilespmem:$0x1D000] =	vst v63  }
0x2d: {  	_ =	swait.ge [sflag:s14], $0x4000  }
0x2e: {  	[sflag:s14] =	ssyncset.done $0x0  }
0x2f: {  	[sflag:s14] =	ssyncadd.s32 $0xFFFFC000  }
0x30: {  	[spmem:s13] =	stream.linear.scatter [tilespmem:s16], [sflag:$0x2], $0x4000, $0x38;
	[tilespmem:$0x1D000] =	vst v63  }
0x31: {  	_ =	swait.ge [sflag:s14], $0x4000  }
0x32: {  	[sflag:s14] =	ssyncset.done $0x0  }
0x33: {  	[sflag:s14] =	ssyncadd.s32 $0xFFFFC000  }
0x34: {  	s22 =	simm.s32 $0x0;
	[bflag:$0x0] =	sbarrier.arrive $0xFFFF  }
0x35: {  	[tilespmem:s16], [sflag:$0x1] =	stream.indirect.gather [hbm4b:s4+s17], $0x80, s22, s17, $0xb8;
	[tilespmem:$0x1D000] =	vst v63  }
0x36: {  	_ =	swait.ge [sflag:s18], $0x4000  }
0x37: {  	[sflag:s18] =	ssyncset.done $0x0  }
0x38: {  	s31 =	simm.s32 $0x2800;
	[sflag:s18] =	ssyncadd.s32 $0xFFFFC000  }
0x39: {  	[spmem:s2] =	stream.indirect.scatter.add.f32 [tilespmem:s16], [sflag:$0x2], $0x80, s31, s17, $0xb8;
	[tilespmem:$0x1D000] =	vst v63  }
0x3a: {  	_ =	swait.ge [sflag:s14], $0x4000  }
0x3b: {  	s23 =	simm.s32 $0x400;
	s22 =	simm.s32 $0x200;
	[sflag:s14] =	ssyncset.done $0x0  }
.LBB2_4:
0x3c: {  	s24 =	sshra.s32 s22, $0x2  }
0x3d: {  	[sflag:s14] =	ssyncadd.s32 $0xFFFFC000;
	s22 =	smov.u32 s23;
	s25 =	sadd.s32 $0x200, s23  }
0x3e: {  	[tilespmem:s16], [sflag:$0x1] =	stream.indirect.gather [hbm4b:s4+s17], $0x80, s24, s17, $0xb8;
	[tilespmem:$0x1D000] =	vst v63  }
0x3f: {  	p0 =	sne.s32 s23, $0x9C00;
	_ =	swait.ge [sflag:s18], $0x4000  }
.Ltmp1:
0x40: {  	[sflag:s18] =	ssyncset.done $0x0;
	(pc) =	sbr.rel @p0 .LBB2_4-.Ltmp1, $4  }
0x41: {  	s23 =	sadd.s32 $0x2800, s24;
	[sflag:s18] =	ssyncadd.s32 $0xFFFFC000  }
0x42: {  	[spmem:s2] =	stream.indirect.scatter.add.f32 [tilespmem:s16], [sflag:$0x2], $0x80, s23, s17, $0xb8;
	[tilespmem:$0x1D000] =	vst v63  }
0x43: {  	_ =	swait.ge [sflag:s14], $0x4000  }
0x44: {  	s23 =	smov.u32 s25;
	[sflag:s14] =	ssyncset.done $0x0  }
0x45: {  	s22 =	sshra.s32 s22, $0x2;
	[sflag:s14] =	ssyncadd.s32 $0xFFFFC000  }
0x46: {  	[tilespmem:s16], [sflag:$0x1] =	stream.indirect.gather [hbm4b:s4+s17], $0x80, s22, s17, $0xb8;
	[tilespmem:$0x1D000] =	vst v63  }
0x47: {  	_ =	swait.ge [sflag:s18], $0x4000  }
0x48: {  	[sflag:s18] =	ssyncset.done $0x0  }
0x49: {  	s22 =	sadd.s32 $0x2800, s22;
	[sflag:s18] =	ssyncadd.s32 $0xFFFFC000  }
0x4a: {  	[spmem:s2] =	stream.indirect.scatter.add.f32 [tilespmem:s16], [sflag:$0x2], $0x80, s22, s17, $0xb8;
	[tilespmem:$0x1D000] =	vst v63  }
0x4b: {  	_ =	swait.ge [sflag:s14], $0x4000  }
0x4c: {  	s21 =	sadd.s32 $0x1, s21;
	[sflag:s14] =	ssyncset.done $0x0  }
0x4d: {  	p0 =	sne.s32 s21, s9;
	[sflag:s14] =	ssyncadd.s32 $0xFFFFC000  }
.Ltmp2:
0x4e: {  	[bflag:$0x0] =	sbarrier.arrive $0xFFFF;
	(pc) =	sbr.rel @p0 .LBB2_1-.Ltmp2, $4  }
0x4f: {  	[hbm:s8], [sflag:s19] =	dma.local [spmem:s20], $0x2800  }
0x50: {  	_ =	swait.ge [sflag:s14], $0x2800  }
0x51: {  	[sflag:s14] =	ssyncset.done $0x0  }
0x52: {  	[sflag:s14] =	ssyncadd.s32 $0xFFFFD800  }
0x53: {  	_ =	sfence.sel $0x180000  }
0x54: {  	[bflag:$0x0] =	sbarrier.arrive $0xFFFF  }
0x55: {  	p0 =	sne.s32 s1, $0x0;
	_ =	strace $0x90000053  }
0x56: {  	s0 =	sadd.s32 @!p0 $0x100000, s0;
	[bflag:$0x2] =	sbarrier.arrive $0xFFFF  }
0x57: {  	[sflag:s0] =	ssyncadd.tile.s32 @!p0 $0x1;
	_ =	shalt  }
.Lfunc_end2:
_tile_overlayer_lowered:
.L_overlay_start_2:
0x58: {  	(tag) =	ssettag $0x2  }
0x59: {  	s0 =	rddreg [dreg:$0x0];
	s2 =	stileid.u32  }
0x5a: {  	s1 =	rddreg [dreg:$0x1];
	p0 =	sne.s32 s2, $0x0  }
0x5b: {  	s3 =	rddreg [dreg:$0x2];
	[bflag:$0x3] =	sbarrier.arrive $0xFFFF;
	s2 =	simm.s32 @!p0 $0x1C02  }
0x5c: {  	[timem:s3], [sflag:s2] =	dma.local @!p0 [hbm:s0], s1  }
0x5d: {  	s0 =	simm.s32 @!p0 $0x2  }
0x5e: {  	_ =	swait.ge @!p0 [sflag:s0], s1  }
0x5f: {  	s1 =	ssub.s32 @!p0 $0x0, s1;
	[sflag:s0] =	ssyncset.done @!p0 $0x0  }
0x60: {  	[sflag:s0] =	ssyncadd.s32 @!p0 s1  }
0x61: {  	[bflag:$0x3] =	sbarrier.arrive $0xFFFF  }
0x62: {  	_ =	shalt  }

// kernel: kernel.34.cloned.1.call-start
scs
__scs_entry_jumppad:
0x0: {  	(pc) =	sbr.rel $0x88, $3  }
0x1: {  	(tag) =	ssettag $0x0;
	lr =	simm.s32 $0x1  }
0x2: {  	[smem:$0x3F96] =	sst lr;
	_ =	strace $0xD0000000  }
0x3: {  	_ = 	snop  }
0x4: {  	_ = 	snop  }
0x5: {  	_ = 	snop  }
0x6: {  	_ = 	snop  }
0x7: {  	_ = 	snop  }
__scs_overlays_trampoline_lowered:
0x8: {  	[smem:$0x3FA5] =	sst s0  }
0x9: {  	[smem:$0x3FA6] =	sst s1  }
0xa: {  	[smem:$0x3FA7] =	sst s2  }
0xb: {  	[smem:$0x3FA8] =	sst s3  }
0xc: {  	[smem:$0x3FA9] =	sst s4  }
0xd: {  	[smem:$0x3FAA] =	sst s5  }
0xe: {  	[smem:$0x3FAB] =	sst s6  }
0xf: {  	[smem:$0x3FAC] =	sst s7  }
0x10: {  	[smem:$0x3FAD] =	sst s8  }
0x11: {  	[smem:$0x3FAE] =	sst s9;
	s0 =	simm.s32 @!p0 $0x0  }
0x12: {  	s1 =	sld [smem:$0x3F94];
	s0 =	simm.s32 @p0 $0x1  }
0x13: {  	[smem:$0x3FAF] =	sst s0;
	s0 =	simm.s32 @!p1 $0x0  }
0x14: {  	s2 =	sld [smem:$0x3F93];
	s0 =	simm.s32 @p1 $0x1  }
0x15: {  	[smem:$0x3FB0] =	sst s0;
	s0 =	simm.s32 @!p2 $0x0  }
0x16: {  	s3 =	sld [smem:$0x3FDB];
	s0 =	simm.s32 @p2 $0x1  }
0x17: {  	s4 =	simm.s32 $0x1BF5;
	[smem:$0x3FB2] =	sst s0  }
0x18: {  	s0 =	sld [smem:$0x3F95];
	_ =	swait.ge [sflag:s4], $0x0  }
0x19: {  	s7 =	sld [smem:$0x3F96]  }
0x1a: {  	s8 =	sadd.s32 $0xFFFFE003, lr  }
0x1b: {  	s9 =	sadd.s32 $0xFFFFFEF7, lr;
	s5 =	simm.s32 $0xFFFFFFFF;
	p2 =	slt.u32 s8, $0xFFFFF086  }
0x1c: {  	p1 =	slt.u32 s9, $0xF7A;
	s5 =	simm.s32 @!p2 $0x0  }
0x1d: {  	s5 =	simm.s32 @p1 $0x1;
	p0 =	seq.s32 s7, s2  }
0x1e: {  	s7 =	smul.u32 @!p0 $0xF7A, s2;
	p2 =	seq.s32 @!p0 s5, $0x0  }
0x1f: {  	s9 =	smul.u32 $0xF7A, s1;
	s8 =	simm.s32 @!p0 $0x1BF5;
	p2 =	por !p2, p0  }
0x20: {  	[sflag:s8] =	ssyncset.s32 @!p0 $0xFFFFF086;
	s6 =	sadd.s32 @!p0 s3, s7;
	s7 =	simm.s32 @!p0 $0x108  }
0x21: {  	s3 =	sadd.s32 s3, s9;
	s6 =	sadd.s32 @!p0 $0x88, s6;
	s7 =	simm.s32 @p2 $0x1082  }
0x22: {  	[simem:s7], [sflag:s8] =	dma.local @!p0 [hbm:s6], $0xF7A  }
0x23: {  	s9 =	sor.u32 $0xD0000000, s2;
	s6 =	simm.s32 $0x108;
	_ =	swait.ge @!p0 [sflag:s8], $0x0  }
0x24: {  	s3 =	sadd.s32 $0x88, s3;
	s6 =	simm.s32 @!p1 $0x1082;
	[sflag:s4] =	ssyncset.s32 $0xFFFFF086  }
0x25: {  	[simem:s6], [sflag:s4] =	dma.local [hbm:s3], $0xF7A  }
0x26: {  	[smem:$0x3F96] =	sst s1;
	(tag) =	ssettag s2;
	_ =	strace s9  }
0x27: {  	s1 =	sld [smem:$0x3FA6]  }
0x28: {  	s2 =	sld [smem:$0x3FA7]  }
0x29: {  	s4 =	sld [smem:$0x3FA9]  }
0x2a: {  	p0 =	seq.s32 s5, $0x0;
	s5 =	sld [smem:$0x3FAA]  }
0x2b: {  	s6 =	sld [smem:$0x3FAB]  }
0x2c: {  	s7 =	sld [smem:$0x3FAC]  }
0x2d: {  	s3 =	simm.s32 $0x108;
	s8 =	sld [smem:$0x3FAD]  }
0x2e: {  	s3 =	simm.s32 @!p0 $0x1082;
	s9 =	sld [smem:$0x3FAE]  }
0x2f: {  	lr =	sadd.s32 s0, s3;
	s0 =	sld [smem:$0x3FA5]  }
0x30: {  	s3 =	sld [smem:$0x3FA8]  }
0x31: {  	[smem:$0x3FB1] =	sst s10  }
0x32: {  	s10 =	sld [smem:$0x3FAF];
	_ =	sdelay $0x3  }
0x33: {  	p0 =	seq.s32 s10, $0x1;
	s10 =	sld [smem:$0x3FB1];
	_ =	sdelay $0x3  }
0x34: {  	[smem:$0x3FB1] =	sst s10  }
0x35: {  	s10 =	sld [smem:$0x3FB0];
	_ =	sdelay $0x3  }
0x36: {  	p1 =	seq.s32 s10, $0x1;
	s10 =	sld [smem:$0x3FB1];
	_ =	sdelay $0x3  }
0x37: {  	[smem:$0x3FB1] =	sst s10  }
0x38: {  	s10 =	sld [smem:$0x3FB2]  }
0x39: {  	_ = 	snop;
	(pc) =	sbr.ind lr, $3  }
0x3a: {  	_ = 	snop  }
0x3b: {  	_ = 	snop  }
0x3c: {  	p2 =	seq.s32 s10, $0x1;
	s10 =	sld [smem:$0x3FB1]  }
0x3d: {  	_ =	shalt  }
0x3e: {  	_ =	shalt  }
0x3f: {  	_ =	shalt  }
0x40: {  	_ =	shalt  }
0x41: {  	_ =	shalt  }
0x42: {  	_ =	shalt  }
0x43: {  	_ =	shalt  }
0x44: {  	_ =	shalt  }
0x45: {  	_ =	shalt  }
0x46: {  	_ =	shalt  }
0x47: {  	_ =	shalt  }
0x48: {  	_ =	shalt  }
0x49: {  	_ =	shalt  }
0x4a: {  	_ =	shalt  }
0x4b: {  	_ =	shalt  }
0x4c: {  	_ =	shalt  }
0x4d: {  	_ =	shalt  }
0x4e: {  	_ =	shalt  }
0x4f: {  	_ =	shalt  }
0x50: {  	_ =	shalt  }
0x51: {  	_ =	shalt  }
0x52: {  	_ =	shalt  }
0x53: {  	_ =	shalt  }
0x54: {  	_ =	shalt  }
0x55: {  	_ =	shalt  }
0x56: {  	_ =	shalt  }
0x57: {  	_ =	shalt  }
0x58: {  	_ =	shalt  }
0x59: {  	_ =	shalt  }
0x5a: {  	_ =	shalt  }
0x5b: {  	_ =	shalt  }
0x5c: {  	_ =	shalt  }
0x5d: {  	_ =	shalt  }
0x5e: {  	_ =	shalt  }
0x5f: {  	_ =	shalt  }
0x60: {  	_ =	shalt  }
0x61: {  	_ =	shalt  }
0x62: {  	_ =	shalt  }
0x63: {  	_ =	shalt  }
0x64: {  	_ =	shalt  }
0x65: {  	_ =	shalt  }
0x66: {  	_ =	shalt  }
0x67: {  	_ =	shalt  }
0x68: {  	_ =	shalt  }
0x69: {  	_ =	shalt  }
0x6a: {  	_ =	shalt  }
0x6b: {  	_ =	shalt  }
0x6c: {  	_ =	shalt  }
0x6d: {  	_ =	shalt  }
0x6e: {  	_ =	shalt  }
0x6f: {  	_ =	shalt  }
0x70: {  	_ =	shalt  }
0x71: {  	_ =	shalt  }
0x72: {  	_ =	shalt  }
0x73: {  	_ =	shalt  }
0x74: {  	_ =	shalt  }
0x75: {  	_ =	shalt  }
0x76: {  	_ =	shalt  }
0x77: {  	_ =	shalt  }
0x78: {  	_ =	shalt  }
0x79: {  	_ =	shalt  }
0x7a: {  	_ =	shalt  }
0x7b: {  	_ =	shalt  }
0x7c: {  	_ =	shalt  }
0x7d: {  	_ =	shalt  }
0x7e: {  	_ =	shalt  }
0x7f: {  	_ =	shalt  }
0x80: {  	_ =	shalt  }
0x81: {  	_ =	shalt  }
0x82: {  	_ =	shalt  }
0x83: {  	_ =	shalt  }
0x84: {  	_ =	shalt  }
0x85: {  	_ =	shalt  }
0x86: {  	_ =	shalt  }
0x87: {  	_ =	shalt  }
.Lfunc_end0:
.L_simem_size_0:
called_computation.5_lowered:
.L_overlay_start_0:
0x88: {  	s2 =	sld [smem:$0x3FD9]  }
0x89: {  	s3 =	sld [smem:$0x3FFE];
	_ =	sdelay $0x1  }
0x8a: {  	s1 =	srdreg.scid  }
0x8b: {  	s0 =	sand.u32 $0x1, s1  }
0x8c: {  	s16 =	sshll.u32 s0, $0xA;
	s2 =	sadd.s32 s3, s2  }
0x8d: {  	s2 =	sadd.s32 s2, s16  }
0x8e: {  	[smem:$0x3FBD] =	sst s2  }
0x8f: {  	_ = 	snop  }
0x90: {  	(tm) =	ssettm $0x1  }
0x91: {  	s17 =	sld [smem:$0x3FFB];
	_ =	sdelay $0x3  }
0x92: {  	_ =	strace s17  }
0x93: {  	s2 =	sld [smem:$0x3FFC];
	_ =	sdelay $0x3  }
0x94: {  	_ =	strace s2  }
0x95: {  	s2 =	sld [smem:$0x3FFD];
	_ =	sdelay $0x3  }
0x96: {  	_ =	strace s2  }
0x97: {  	_ =	strace $0x8FFFFFFF  }
0x98: {  	s18 =	sld [smem:$0x3FDB];
	_ =	sdelay $0x1  }
0x99: {  	s19 =	simm.s32 $_scs_section_size  }
0x9a: {  	s4 =	simm.s32 $_size__tile_overlayer_lowered;
	s5 =	simm.s32 $_tile_overlayer_lowered  }
0x9b: {  	s22 =	simm.s32 $0x1BFF;
	s21 =	sshll.u32 s5, $0x1;
	s2 =	sadd.s32 s19, s18  }
0x9c: {  	s6 =	simm.s32 $0x0;
	s20 =	sshll.u32 s4, $0x1;
	s4 =	sadd.s32 s21, s2  }
0x9d: {  	[timem:s6], [sflag:s22] =	dma.local [hbm:s4], s20  }
0x9e: {  	_ =	swait.ge [sflag:s22], s20  }
0x9f: {  	s3 =	ssub.s32 $0x0, s20;
	[sflag:s22] =	ssyncset.done $0x0  }
0xa0: {  	[sflag:s22] =	ssyncadd.s32 s3;
	_ =	sdelay $0x1  }
0xa1: {  	s23 =	simm.s32 $0x1B8B  }
0xa2: {  	_ =	swait.ge [sflag:s23], $0x1  }
0xa3: {  	[sflag:s23] =	ssyncset.done $0x0  }
0xa4: {  	s25 =	simm.s32 $0x1B8E;
	s24 =	sld [smem:$0x3FFE];
	[sflag:s23] =	ssyncadd.s32 $0xFFFFFFFF  }
0xa5: {  	s26 =	simm.s32 $execute0_lowered;
	[smem:$0x3FD2] =	sst s25  }
0xa6: {  	s4 =	sshll.u32 s26, $0x1;
	_ =	strace $0x80000055;
	[dreg:$0x1] =	wrdreg $0xFFFFFFFF  }
0xa7: {  	s28 =	simm.s32 $_size_execute0_lowered;
	s2 =	sadd.s32 s2, s4;
	[dreg:$0x0] =	wrdreg $0x0  }
0xa8: {  	s4 =	sshll.u32 s28, $0x1;
	[dreg:$0x2] =	wrdreg s2  }
0xa9: {  	[dreg:$0x3] =	wrdreg s4  }
0xaa: {  	[dreg:$0x4] =	wrdreg $0xC0  }
0xab: {  	_ =	task [dreg:s6], $0x5FFFF  }
0xac: {  	[dreg:$0x1] =	wrdreg $0xFFFFFFFF  }
0xad: {  	[dreg:$0x0] =	wrdreg $0x60  }
0xae: {  	[dreg:$0x2] =	wrdreg s24  }
0xaf: {  	[dreg:$0x3] =	wrdreg $0x90000  }
0xb0: {  	[dreg:$0x4] =	wrdreg $0x9  }
0xb1: {  	_ =	task.clear_ibuf [dreg:s6], $0x5FFFF;
	_ =	strace $0x90000055  }
0xb2: {  	s29 =	simm.s32 $0x9;
	_ =	strace $0x80000057  }
0xb3: {  	_ =	swait.ge [sflag:s29], $0x1  }
0xb4: {  	[sflag:s29] =	ssyncadd.s32 $0xFFFFFFFF  }
0xb5: {  	_ =	strace $0x90000057  }
0xb6: {  	_ =	sfence  }
0xb7: {  	s30 =	sld [smem:$0x0];
	_ =	sdelay $0x2  }
0xb8: {  	s31 =	sshll.u32 s1, $0xD;
	s1 =	sshrl.u32 s1, $0x2  }
0xb9: {  	s3 =	sand.u32 $0x4000, s31;
	s1 =	sadd.s32 s1, s30  }
0xba: {  	s0 =	sor.u32 s3, s0;
	s1 =	sshll.u32 s1, $0x11  }
0xbb: {  	s0 =	sor.u32 s1, s0  }
0xbc: {  	s0 =	sadd.s32 $0x8F2B, s0  }
0xbd: {  	[sflag:s0] =	ssyncadd.remote.s32 $0x1  }
0xbe: {  	_ =	sfence.sel $0xFFFF  }
0xbf: {  	[dreg:$0x0] =	wrdreg $0xFFFFFFFF;
	(pc) =	sbr.abs _section_cstart, $3  }
0xc0: {  	[dreg:$0x1] =	wrdreg $0xFFFFFFFF  }
0xc1: {  	_ =	task.clear_ibuf [dreg:s6], $0x2FFFF;
	_ =	strace $0x9FFFFFFF  }
0xc2: {  	(tm) =	ssettm $0x7FFFFFFF  }
0xc3: {  	_ =	shalt  }
tec
execute0_lowered:
.L_overlay_start_1:
0x0: {  	(tag) =	ssettag $0x1  }
0x1: {  	s5 =	rddreg [dreg:$0x0]  }
0x2: {  	s2 =	rddreg [dreg:$0x1];
	s3 =	srdreg.scid  }
0x3: {  	s0 =	rddreg [dreg:$0x2];
	s1 =	stileid.u32;
	s14 =	simm.s32 $0x2  }
0x4: {  	s15 =	simm.s32 $0x2800;
	s16 =	simm.s32 $0x5000;
	s17 =	simm.s32 $0x80  }
0x5: {  	s18 =	simm.s32 $0x1;
	s21 =	simm.s32 $0x0;
	s9 =	smul.u32 $0x14000, s1  }
0x6: {  	s6 =	sand.u32 $0x1, s3;
	s3 =	simm.s32 $0x0;
	s30 =	smul.u32 $0x50000, s1  }
0x7: {  	s4 =	sshll.u32 s1, $0x1;
	s19 =	sshll.u32 s1, $0x6;
	s7 =	smul.u32 $0x140000, s6  }
0x8: {  	[smem:$0x7FF] =	sst s3;
	s8 =	sor.u32 s6, s4;
	s4 =	sadd.s32 $0x18800, s5  }
0x9: {  	s6 =	ssub.s32 $0x2, s6;
	s19 =	sor.u32 $0x1C02, s19;
	_ =	strace $0x80000056  }
0xa: {  	s8 =	smul.u32 $0x500, s8;
	s10 =	sshrl.u32 s6, $0x1;
	s7 =	sadd.s32 s9, s7  }
0xb: {  	s31 =	sshrl.u32 s30, $0x2;
	s10 =	ssub.s32 s6, s10;
	s7 =	sshrl.u32 s7, $0x3  }
0xc: {  	s8 =	sadd.s32 s8, s5;
	s9 =	smax.u32 s10, $0x1;
	s11 =	sadd.s32 s7, s5  }
0xd: {  	s5 =	sadd.s32 $0x4800, s8;
	s6 =	sadd.s32 $0xE800, s8;
	s7 =	sadd.s32 s31, s2  }
0xe: {  	s8 =	sadd.s32 $0xB4C00, s11;
	s10 =	sadd.s32 $0x4000, s7;
	s11 =	sadd.s32 $0x8000, s7  }
0xf: {  	v0 =	vimm.f32 $0.0e+00;
	s12 =	sadd.s32 $0xC000, s7;
	s13 =	sadd.s32 $0x10000, s7;
	s20 =	sshrl.u32 s7, $0x3  }
.LBB2_1:
0x10: {  	[tilespmem:s3], [sflag:$0x2] =	stream.linear.gather [hbm4b:s5+s3], $0x2780, $0x38;
	[tilespmem:$0x1D000] =	vst v63  }
0x11: {  	_ =	swait.ge [sflag:s14], $0x2780  }
0x12: {  	[sflag:s14] =	ssyncset.done $0x0  }
0x13: {  	[sflag:s14] =	ssyncadd.s32 $0xFFFFD880  }
0x14: {  	[tilespmem:s15], [sflag:$0x2] =	stream.linear.gather [hbm4b:s6+s3], $0x2780, $0x38;
	[tilespmem:$0x1D000] =	vst v63  }
0x15: {  	s22 =	sand.u32 $0xFE00, s3;
	s23 =	sand.u32 $0x70, s3;
	_ =	swait.ge [sflag:s14], $0x2780  }
0x16: {  	s24 =	sshrl.u32 s22, $0x2;
	s22 =	simm.s32 $0x40;
	[sflag:s14] =	ssyncset.done $0x0  }
0x17: {  	s24 =	sor.u32 s23, s24;
	s23 =	simm.s32 $0x0;
	[sflag:s14] =	ssyncadd.s32 $0xFFFFD880  }
.LBB2_2:
0x18: {  	p0 =	sne.s32 s22, $0xFFC0  }
0x19: {  	[tilespmem:s24+$0x5000] =	vst v0;
	s23 =	sadd.s32 $0x10, s23;
	s24 =	smov.u32 s22;
	s22 =	sadd.s32 $0x40, s22  }
.Ltmp0:
0x1a: {  	(pc) =	sbr.rel @p0 .LBB2_2-.Ltmp0, $4  }
0x1b: {  	_ = 	snop  }
0x1c: {  	s24 =	sand.u32 $0xFE00, s24  }
0x1d: {  	s25 =	sand.u32 $0x70, s23;
	s24 =	sshrl.u32 s24, $0x2  }
0x1e: {  	s24 =	sor.u32 s25, s24  }
0x1f: {  	[tilespmem:s24+$0x5000] =	vst v0  }
0x20: {  	[spmem:s7] =	stream.linear.scatter [tilespmem:s16], [sflag:$0x2], $0x4000, $0x38;
	[tilespmem:$0x1D000] =	vst v63  }
0x21: {  	_ =	swait.ge [sflag:s14], $0x4000  }
0x22: {  	[sflag:s14] =	ssyncset.done $0x0  }
0x23: {  	[sflag:s14] =	ssyncadd.s32 $0xFFFFC000  }
0x24: {  	[spmem:s10] =	stream.linear.scatter [tilespmem:s16], [sflag:$0x2], $0x4000, $0x38;
	[tilespmem:$0x1D000] =	vst v63  }
0x25: {  	_ =	swait.ge [sflag:s14], $0x4000  }
0x26: {  	[sflag:s14] =	ssyncset.done $0x0  }
0x27: {  	[sflag:s14] =	ssyncadd.s32 $0xFFFFC000  }
0x28: {  	[spmem:s11] =	stream.linear.scatter [tilespmem:s16], [sflag:$0x2], $0x4000, $0x38;
	[tilespmem:$0x1D000] =	vst v63  }
0x29: {  	_ =	swait.ge [sflag:s14], $0x4000  }
0x2a: {  	[sflag:s14] =	ssyncset.done $0x0  }
0x2b: {  	[sflag:s14] =	ssyncadd.s32 $0xFFFFC000  }
0x2c: {  	[spmem:s12] =	stream.linear.scatter [tilespmem:s16], [sflag:$0x2], $0x4000, $0x38;
	[tilespmem:$0x1D000] =	vst v63  }
0x2d: {  	_ =	swait.ge [sflag:s14], $0x4000  }
0x2e: {  	[sflag:s14] =	ssyncset.done $0x0  }
0x2f: {  	[sflag:s14] =	ssyncadd.s32 $0xFFFFC000  }
0x30: {  	[spmem:s13] =	stream.linear.scatter [tilespmem:s16], [sflag:$0x2], $0x4000, $0x38;
	[tilespmem:$0x1D000] =	vst v63  }
0x31: {  	_ =	swait.ge [sflag:s14], $0x4000  }
0x32: {  	[sflag:s14] =	ssyncset.done $0x0  }
0x33: {  	[sflag:s14] =	ssyncadd.s32 $0xFFFFC000  }
0x34: {  	s22 =	simm.s32 $0x0;
	[bflag:$0x0] =	sbarrier.arrive $0xFFFF  }
0x35: {  	[tilespmem:s16], [sflag:$0x1] =	stream.indirect.gather [hbm4b:s4+s17], $0x80, s22, s17, $0xb8;
	[tilespmem:$0x1D000] =	vst v63  }
0x36: {  	_ =	swait.ge [sflag:s18], $0x4000  }
0x37: {  	[sflag:s18] =	ssyncset.done $0x0  }
0x38: {  	s31 =	simm.s32 $0x2800;
	[sflag:s18] =	ssyncadd.s32 $0xFFFFC000  }
0x39: {  	[spmem:s2] =	stream.indirect.scatter.add.f32 [tilespmem:s16], [sflag:$0x2], $0x80, s31, s17, $0xb8;
	[tilespmem:$0x1D000] =	vst v63  }
0x3a: {  	_ =	swait.ge [sflag:s14], $0x4000  }
0x3b: {  	s23 =	simm.s32 $0x400;
	s22 =	simm.s32 $0x200;
	[sflag:s14] =	ssyncset.done $0x0  }
.LBB2_4:
0x3c: {  	s24 =	sshra.s32 s22, $0x2  }
0x3d: {  	[sflag:s14] =	ssyncadd.s32 $0xFFFFC000;
	s22 =	smov.u32 s23;
	s25 =	sadd.s32 $0x200, s23  }
0x3e: {  	[tilespmem:s16], [sflag:$0x1] =	stream.indirect.gather [hbm4b:s4+s17], $0x80, s24, s17, $0xb8;
	[tilespmem:$0x1D000] =	vst v63  }
0x3f: {  	p0 =	sne.s32 s23, $0x9C00;
	_ =	swait.ge [sflag:s18], $0x4000  }
.Ltmp1:
0x40: {  	[sflag:s18] =	ssyncset.done $0x0;
	(pc) =	sbr.rel @p0 .LBB2_4-.Ltmp1, $4  }
0x41: {  	s23 =	sadd.s32 $0x2800, s24;
	[sflag:s18] =	ssyncadd.s32 $0xFFFFC000  }
0x42: {  	[spmem:s2] =	stream.indirect.scatter.add.f32 [tilespmem:s16], [sflag:$0x2], $0x80, s23, s17, $0xb8;
	[tilespmem:$0x1D000] =	vst v63  }
0x43: {  	_ =	swait.ge [sflag:s14], $0x4000  }
0x44: {  	s23 =	smov.u32 s25;
	[sflag:s14] =	ssyncset.done $0x0  }
0x45: {  	s22 =	sshra.s32 s22, $0x2;
	[sflag:s14] =	ssyncadd.s32 $0xFFFFC000  }
0x46: {  	[tilespmem:s16], [sflag:$0x1] =	stream.indirect.gather [hbm4b:s4+s17], $0x80, s22, s17, $0xb8;
	[tilespmem:$0x1D000] =	vst v63  }
0x47: {  	_ =	swait.ge [sflag:s18], $0x4000  }
0x48: {  	[sflag:s18] =	ssyncset.done $0x0  }
0x49: {  	s22 =	sadd.s32 $0x2800, s22;
	[sflag:s18] =	ssyncadd.s32 $0xFFFFC000  }
0x4a: {  	[spmem:s2] =	stream.indirect.scatter.add.f32 [tilespmem:s16], [sflag:$0x2], $0x80, s22, s17, $0xb8;
	[tilespmem:$0x1D000] =	vst v63  }
0x4b: {  	_ =	swait.ge [sflag:s14], $0x4000  }
0x4c: {  	s21 =	sadd.s32 $0x1, s21;
	[sflag:s14] =	ssyncset.done $0x0  }
0x4d: {  	p0 =	sne.s32 s21, s9;
	[sflag:s14] =	ssyncadd.s32 $0xFFFFC000  }
.Ltmp2:
0x4e: {  	[bflag:$0x0] =	sbarrier.arrive $0xFFFF;
	(pc) =	sbr.rel @p0 .LBB2_1-.Ltmp2, $4  }
0x4f: {  	[hbm:s8], [sflag:s19] =	dma.local [spmem:s20], $0x2800  }
0x50: {  	_ =	swait.ge [sflag:s14], $0x2800  }
0x51: {  	[sflag:s14] =	ssyncset.done $0x0  }
0x52: {  	[sflag:s14] =	ssyncadd.s32 $0xFFFFD800  }
0x53: {  	_ =	sfence.sel $0x180000  }
0x54: {  	[bflag:$0x0] =	sbarrier.arrive $0xFFFF  }
0x55: {  	p0 =	sne.s32 s1, $0x0;
	_ =	strace $0x90000056  }
0x56: {  	s0 =	sadd.s32 @!p0 $0x100000, s0;
	[bflag:$0x2] =	sbarrier.arrive $0xFFFF  }
0x57: {  	[sflag:s0] =	ssyncadd.tile.s32 @!p0 $0x1;
	_ =	shalt  }
.Lfunc_end2:
_tile_overlayer_lowered:
.L_overlay_start_2:
0x58: {  	(tag) =	ssettag $0x2  }
0x59: {  	s0 =	rddreg [dreg:$0x0];
	s2 =	stileid.u32  }
0x5a: {  	s1 =	rddreg [dreg:$0x1];
	p0 =	sne.s32 s2, $0x0  }
0x5b: {  	s3 =	rddreg [dreg:$0x2];
	[bflag:$0x3] =	sbarrier.arrive $0xFFFF;
	s2 =	simm.s32 @!p0 $0x1C02  }
0x5c: {  	[timem:s3], [sflag:s2] =	dma.local @!p0 [hbm:s0], s1  }
0x5d: {  	s0 =	simm.s32 @!p0 $0x2  }
0x5e: {  	_ =	swait.ge @!p0 [sflag:s0], s1  }
0x5f: {  	s1 =	ssub.s32 @!p0 $0x0, s1;
	[sflag:s0] =	ssyncset.done @!p0 $0x0  }
0x60: {  	[sflag:s0] =	ssyncadd.s32 @!p0 s1  }
0x61: {  	[bflag:$0x3] =	sbarrier.arrive $0xFFFF  }
0x62: {  	_ =	shalt  }

// kernel: kernel.37.cloned.1.call-start
scs
__scs_entry_jumppad:
0x0: {  	(pc) =	sbr.rel $0x88, $3  }
0x1: {  	(tag) =	ssettag $0x0;
	lr =	simm.s32 $0x1  }
0x2: {  	[smem:$0x3F96] =	sst lr;
	_ =	strace $0xD0000000  }
0x3: {  	_ = 	snop  }
0x4: {  	_ = 	snop  }
0x5: {  	_ = 	snop  }
0x6: {  	_ = 	snop  }
0x7: {  	_ = 	snop  }
__scs_overlays_trampoline_lowered:
0x8: {  	[smem:$0x3FA5] =	sst s0  }
0x9: {  	[smem:$0x3FA6] =	sst s1  }
0xa: {  	[smem:$0x3FA7] =	sst s2  }
0xb: {  	[smem:$0x3FA8] =	sst s3  }
0xc: {  	[smem:$0x3FA9] =	sst s4  }
0xd: {  	[smem:$0x3FAA] =	sst s5  }
0xe: {  	[smem:$0x3FAB] =	sst s6  }
0xf: {  	[smem:$0x3FAC] =	sst s7  }
0x10: {  	[smem:$0x3FAD] =	sst s8  }
0x11: {  	[smem:$0x3FAE] =	sst s9;
	s0 =	simm.s32 @!p0 $0x0  }
0x12: {  	s1 =	sld [smem:$0x3F94];
	s0 =	simm.s32 @p0 $0x1  }
0x13: {  	[smem:$0x3FAF] =	sst s0;
	s0 =	simm.s32 @!p1 $0x0  }
0x14: {  	s2 =	sld [smem:$0x3F93];
	s0 =	simm.s32 @p1 $0x1  }
0x15: {  	[smem:$0x3FB0] =	sst s0;
	s0 =	simm.s32 @!p2 $0x0  }
0x16: {  	s3 =	sld [smem:$0x3FDB];
	s0 =	simm.s32 @p2 $0x1  }
0x17: {  	s4 =	simm.s32 $0x1BF5;
	[smem:$0x3FB2] =	sst s0  }
0x18: {  	s0 =	sld [smem:$0x3F95];
	_ =	swait.ge [sflag:s4], $0x0  }
0x19: {  	s7 =	sld [smem:$0x3F96]  }
0x1a: {  	s8 =	sadd.s32 $0xFFFFE003, lr  }
0x1b: {  	s9 =	sadd.s32 $0xFFFFFEF7, lr;
	s5 =	simm.s32 $0xFFFFFFFF;
	p2 =	slt.u32 s8, $0xFFFFF086  }
0x1c: {  	p1 =	slt.u32 s9, $0xF7A;
	s5 =	simm.s32 @!p2 $0x0  }
0x1d: {  	s5 =	simm.s32 @p1 $0x1;
	p0 =	seq.s32 s7, s2  }
0x1e: {  	s7 =	smul.u32 @!p0 $0xF7A, s2;
	p2 =	seq.s32 @!p0 s5, $0x0  }
0x1f: {  	s9 =	smul.u32 $0xF7A, s1;
	s8 =	simm.s32 @!p0 $0x1BF5;
	p2 =	por !p2, p0  }
0x20: {  	[sflag:s8] =	ssyncset.s32 @!p0 $0xFFFFF086;
	s6 =	sadd.s32 @!p0 s3, s7;
	s7 =	simm.s32 @!p0 $0x108  }
0x21: {  	s3 =	sadd.s32 s3, s9;
	s6 =	sadd.s32 @!p0 $0x88, s6;
	s7 =	simm.s32 @p2 $0x1082  }
0x22: {  	[simem:s7], [sflag:s8] =	dma.local @!p0 [hbm:s6], $0xF7A  }
0x23: {  	s9 =	sor.u32 $0xD0000000, s2;
	s6 =	simm.s32 $0x108;
	_ =	swait.ge @!p0 [sflag:s8], $0x0  }
0x24: {  	s3 =	sadd.s32 $0x88, s3;
	s6 =	simm.s32 @!p1 $0x1082;
	[sflag:s4] =	ssyncset.s32 $0xFFFFF086  }
0x25: {  	[simem:s6], [sflag:s4] =	dma.local [hbm:s3], $0xF7A  }
0x26: {  	[smem:$0x3F96] =	sst s1;
	(tag) =	ssettag s2;
	_ =	strace s9  }
0x27: {  	s1 =	sld [smem:$0x3FA6]  }
0x28: {  	s2 =	sld [smem:$0x3FA7]  }
0x29: {  	s4 =	sld [smem:$0x3FA9]  }
0x2a: {  	p0 =	seq.s32 s5, $0x0;
	s5 =	sld [smem:$0x3FAA]  }
0x2b: {  	s6 =	sld [smem:$0x3FAB]  }
0x2c: {  	s7 =	sld [smem:$0x3FAC]  }
0x2d: {  	s3 =	simm.s32 $0x108;
	s8 =	sld [smem:$0x3FAD]  }
0x2e: {  	s3 =	simm.s32 @!p0 $0x1082;
	s9 =	sld [smem:$0x3FAE]  }
0x2f: {  	lr =	sadd.s32 s0, s3;
	s0 =	sld [smem:$0x3FA5]  }
0x30: {  	s3 =	sld [smem:$0x3FA8]  }
0x31: {  	[smem:$0x3FB1] =	sst s10  }
0x32: {  	s10 =	sld [smem:$0x3FAF];
	_ =	sdelay $0x3  }
0x33: {  	p0 =	seq.s32 s10, $0x1;
	s10 =	sld [smem:$0x3FB1];
	_ =	sdelay $0x3  }
0x34: {  	[smem:$0x3FB1] =	sst s10  }
0x35: {  	s10 =	sld [smem:$0x3FB0];
	_ =	sdelay $0x3  }
0x36: {  	p1 =	seq.s32 s10, $0x1;
	s10 =	sld [smem:$0x3FB1];
	_ =	sdelay $0x3  }
0x37: {  	[smem:$0x3FB1] =	sst s10  }
0x38: {  	s10 =	sld [smem:$0x3FB2]  }
0x39: {  	_ = 	snop;
	(pc) =	sbr.ind lr, $3  }
0x3a: {  	_ = 	snop  }
0x3b: {  	_ = 	snop  }
0x3c: {  	p2 =	seq.s32 s10, $0x1;
	s10 =	sld [smem:$0x3FB1]  }
0x3d: {  	_ =	shalt  }
0x3e: {  	_ =	shalt  }
0x3f: {  	_ =	shalt  }
0x40: {  	_ =	shalt  }
0x41: {  	_ =	shalt  }
0x42: {  	_ =	shalt  }
0x43: {  	_ =	shalt  }
0x44: {  	_ =	shalt  }
0x45: {  	_ =	shalt  }
0x46: {  	_ =	shalt  }
0x47: {  	_ =	shalt  }
0x48: {  	_ =	shalt  }
0x49: {  	_ =	shalt  }
0x4a: {  	_ =	shalt  }
0x4b: {  	_ =	shalt  }
0x4c: {  	_ =	shalt  }
0x4d: {  	_ =	shalt  }
0x4e: {  	_ =	shalt  }
0x4f: {  	_ =	shalt  }
0x50: {  	_ =	shalt  }
0x51: {  	_ =	shalt  }
0x52: {  	_ =	shalt  }
0x53: {  	_ =	shalt  }
0x54: {  	_ =	shalt  }
0x55: {  	_ =	shalt  }
0x56: {  	_ =	shalt  }
0x57: {  	_ =	shalt  }
0x58: {  	_ =	shalt  }
0x59: {  	_ =	shalt  }
0x5a: {  	_ =	shalt  }
0x5b: {  	_ =	shalt  }
0x5c: {  	_ =	shalt  }
0x5d: {  	_ =	shalt  }
0x5e: {  	_ =	shalt  }
0x5f: {  	_ =	shalt  }
0x60: {  	_ =	shalt  }
0x61: {  	_ =	shalt  }
0x62: {  	_ =	shalt  }
0x63: {  	_ =	shalt  }
0x64: {  	_ =	shalt  }
0x65: {  	_ =	shalt  }
0x66: {  	_ =	shalt  }
0x67: {  	_ =	shalt  }
0x68: {  	_ =	shalt  }
0x69: {  	_ =	shalt  }
0x6a: {  	_ =	shalt  }
0x6b: {  	_ =	shalt  }
0x6c: {  	_ =	shalt  }
0x6d: {  	_ =	shalt  }
0x6e: {  	_ =	shalt  }
0x6f: {  	_ =	shalt  }
0x70: {  	_ =	shalt  }
0x71: {  	_ =	shalt  }
0x72: {  	_ =	shalt  }
0x73: {  	_ =	shalt  }
0x74: {  	_ =	shalt  }
0x75: {  	_ =	shalt  }
0x76: {  	_ =	shalt  }
0x77: {  	_ =	shalt  }
0x78: {  	_ =	shalt  }
0x79: {  	_ =	shalt  }
0x7a: {  	_ =	shalt  }
0x7b: {  	_ =	shalt  }
0x7c: {  	_ =	shalt  }
0x7d: {  	_ =	shalt  }
0x7e: {  	_ =	shalt  }
0x7f: {  	_ =	shalt  }
0x80: {  	_ =	shalt  }
0x81: {  	_ =	shalt  }
0x82: {  	_ =	shalt  }
0x83: {  	_ =	shalt  }
0x84: {  	_ =	shalt  }
0x85: {  	_ =	shalt  }
0x86: {  	_ =	shalt  }
0x87: {  	_ =	shalt  }
.Lfunc_end0:
.L_simem_size_0:
called_computation.6_lowered:
.L_overlay_start_0:
0x88: {  	s2 =	sld [smem:$0x3FD9]  }
0x89: {  	s3 =	sld [smem:$0x3FFE];
	_ =	sdelay $0x1  }
0x8a: {  	s1 =	srdreg.scid  }
0x8b: {  	s0 =	sand.u32 $0x1, s1  }
0x8c: {  	s16 =	sshll.u32 s0, $0xA;
	s2 =	sadd.s32 s3, s2  }
0x8d: {  	s2 =	sadd.s32 s2, s16  }
0x8e: {  	[smem:$0x3FBD] =	sst s2  }
0x8f: {  	_ = 	snop  }
0x90: {  	(tm) =	ssettm $0x1  }
0x91: {  	s17 =	sld [smem:$0x3FFB];
	_ =	sdelay $0x3  }
0x92: {  	_ =	strace s17  }
0x93: {  	s2 =	sld [smem:$0x3FFC];
	_ =	sdelay $0x3  }
0x94: {  	_ =	strace s2  }
0x95: {  	s2 =	sld [smem:$0x3FFD];
	_ =	sdelay $0x3  }
0x96: {  	_ =	strace s2  }
0x97: {  	_ =	strace $0x8FFFFFFF  }
0x98: {  	s18 =	sld [smem:$0x3FDB];
	_ =	sdelay $0x1  }
0x99: {  	s19 =	simm.s32 $_scs_section_size  }
0x9a: {  	s4 =	simm.s32 $_size__tile_overlayer_lowered;
	s5 =	simm.s32 $_tile_overlayer_lowered  }
0x9b: {  	s22 =	simm.s32 $0x1BFF;
	s21 =	sshll.u32 s5, $0x1;
	s2 =	sadd.s32 s19, s18  }
0x9c: {  	s6 =	simm.s32 $0x0;
	s20 =	sshll.u32 s4, $0x1;
	s4 =	sadd.s32 s21, s2  }
0x9d: {  	[timem:s6], [sflag:s22] =	dma.local [hbm:s4], s20  }
0x9e: {  	_ =	swait.ge [sflag:s22], s20  }
0x9f: {  	s3 =	ssub.s32 $0x0, s20;
	[sflag:s22] =	ssyncset.done $0x0  }
0xa0: {  	[sflag:s22] =	ssyncadd.s32 s3;
	_ =	sdelay $0x1  }
0xa1: {  	s23 =	simm.s32 $0x1B8B  }
0xa2: {  	_ =	swait.ge [sflag:s23], $0x1  }
0xa3: {  	[sflag:s23] =	ssyncset.done $0x0  }
0xa4: {  	s25 =	simm.s32 $0x1B8E;
	s24 =	sld [smem:$0x3FFE];
	[sflag:s23] =	ssyncadd.s32 $0xFFFFFFFF  }
0xa5: {  	s26 =	simm.s32 $execute0_lowered;
	[smem:$0x3FD2] =	sst s25  }
0xa6: {  	s4 =	sshll.u32 s26, $0x1;
	_ =	strace $0x80000058;
	[dreg:$0x1] =	wrdreg $0xFFFFFFFF  }
0xa7: {  	s28 =	simm.s32 $_size_execute0_lowered;
	s2 =	sadd.s32 s2, s4;
	[dreg:$0x0] =	wrdreg $0x0  }
0xa8: {  	s4 =	sshll.u32 s28, $0x1;
	[dreg:$0x2] =	wrdreg s2  }
0xa9: {  	[dreg:$0x3] =	wrdreg s4  }
0xaa: {  	[dreg:$0x4] =	wrdreg $0xC0  }
0xab: {  	_ =	task [dreg:s6], $0x5FFFF  }
0xac: {  	[dreg:$0x1] =	wrdreg $0xFFFFFFFF  }
0xad: {  	[dreg:$0x0] =	wrdreg $0x60  }
0xae: {  	[dreg:$0x2] =	wrdreg s24  }
0xaf: {  	[dreg:$0x3] =	wrdreg $0x90000  }
0xb0: {  	[dreg:$0x4] =	wrdreg $0x9  }
0xb1: {  	_ =	task.clear_ibuf [dreg:s6], $0x5FFFF;
	_ =	strace $0x90000058  }
0xb2: {  	s29 =	simm.s32 $0x9;
	_ =	strace $0x8000005A  }
0xb3: {  	_ =	swait.ge [sflag:s29], $0x1  }
0xb4: {  	[sflag:s29] =	ssyncadd.s32 $0xFFFFFFFF  }
0xb5: {  	_ =	strace $0x9000005A  }
0xb6: {  	_ =	sfence  }
0xb7: {  	s30 =	sld [smem:$0x0];
	_ =	sdelay $0x2  }
0xb8: {  	s31 =	sshll.u32 s1, $0xD;
	s1 =	sshrl.u32 s1, $0x2  }
0xb9: {  	s3 =	sand.u32 $0x4000, s31;
	s1 =	sadd.s32 s1, s30  }
0xba: {  	s0 =	sor.u32 s3, s0;
	s1 =	sshll.u32 s1, $0x11  }
0xbb: {  	s0 =	sor.u32 s1, s0  }
0xbc: {  	s0 =	sadd.s32 $0x8F2B, s0  }
0xbd: {  	[sflag:s0] =	ssyncadd.remote.s32 $0x1  }
0xbe: {  	_ =	sfence.sel $0xFFFF  }
0xbf: {  	[dreg:$0x0] =	wrdreg $0xFFFFFFFF;
	(pc) =	sbr.abs _section_cstart, $3  }
0xc0: {  	[dreg:$0x1] =	wrdreg $0xFFFFFFFF  }
0xc1: {  	_ =	task.clear_ibuf [dreg:s6], $0x2FFFF;
	_ =	strace $0x9FFFFFFF  }
0xc2: {  	(tm) =	ssettm $0x7FFFFFFF  }
0xc3: {  	_ =	shalt  }
tec
execute0_lowered:
.L_overlay_start_1:
0x0: {  	(tag) =	ssettag $0x1  }
0x1: {  	s5 =	rddreg [dreg:$0x0]  }
0x2: {  	s2 =	rddreg [dreg:$0x1];
	s3 =	srdreg.scid  }
0x3: {  	s0 =	rddreg [dreg:$0x2];
	s1 =	stileid.u32;
	s14 =	simm.s32 $0x2  }
0x4: {  	s15 =	simm.s32 $0x2800;
	s16 =	simm.s32 $0x5000;
	s17 =	simm.s32 $0x80  }
0x5: {  	s18 =	simm.s32 $0x1;
	s21 =	simm.s32 $0x0;
	s9 =	smul.u32 $0x14000, s1  }
0x6: {  	s6 =	sand.u32 $0x1, s3;
	s3 =	simm.s32 $0x0;
	s30 =	smul.u32 $0x50000, s1  }
0x7: {  	s4 =	sshll.u32 s1, $0x1;
	s19 =	sshll.u32 s1, $0x6;
	s7 =	smul.u32 $0x140000, s6  }
0x8: {  	[smem:$0x7FF] =	sst s3;
	s8 =	sor.u32 s6, s4;
	s4 =	sadd.s32 $0x18800, s5  }
0x9: {  	s6 =	ssub.s32 $0x2, s6;
	s19 =	sor.u32 $0x1C02, s19;
	_ =	strace $0x80000059  }
0xa: {  	s8 =	smul.u32 $0x500, s8;
	s10 =	sshrl.u32 s6, $0x1;
	s7 =	sadd.s32 s9, s7  }
0xb: {  	s31 =	sshrl.u32 s30, $0x2;
	s10 =	ssub.s32 s6, s10;
	s7 =	sshrl.u32 s7, $0x3  }
0xc: {  	s8 =	sadd.s32 s8, s5;
	s9 =	smax.u32 s10, $0x1;
	s11 =	sadd.s32 s7, s5  }
0xd: {  	s5 =	sadd.s32 $0x4800, s8;
	s6 =	sadd.s32 $0xE800, s8;
	s7 =	sadd.s32 s31, s2  }
0xe: {  	s8 =	sadd.s32 $0xB4C00, s11;
	s10 =	sadd.s32 $0x4000, s7;
	s11 =	sadd.s32 $0x8000, s7  }
0xf: {  	v0 =	vimm.f32 $0.0e+00;
	s12 =	sadd.s32 $0xC000, s7;
	s13 =	sadd.s32 $0x10000, s7;
	s20 =	sshrl.u32 s7, $0x3  }
.LBB2_1:
0x10: {  	[tilespmem:s3], [sflag:$0x2] =	stream.linear.gather [hbm4b:s5+s3], $0x2780, $0x38;
	[tilespmem:$0x1D000] =	vst v63  }
0x11: {  	_ =	swait.ge [sflag:s14], $0x2780  }
0x12: {  	[sflag:s14] =	ssyncset.done $0x0  }
0x13: {  	[sflag:s14] =	ssyncadd.s32 $0xFFFFD880  }
0x14: {  	[tilespmem:s15], [sflag:$0x2] =	stream.linear.gather [hbm4b:s6+s3], $0x2780, $0x38;
	[tilespmem:$0x1D000] =	vst v63  }
0x15: {  	s22 =	sand.u32 $0xFE00, s3;
	s23 =	sand.u32 $0x70, s3;
	_ =	swait.ge [sflag:s14], $0x2780  }
0x16: {  	s24 =	sshrl.u32 s22, $0x2;
	s22 =	simm.s32 $0x40;
	[sflag:s14] =	ssyncset.done $0x0  }
0x17: {  	s24 =	sor.u32 s23, s24;
	s23 =	simm.s32 $0x0;
	[sflag:s14] =	ssyncadd.s32 $0xFFFFD880  }
.LBB2_2:
0x18: {  	p0 =	sne.s32 s22, $0xFFC0  }
0x19: {  	[tilespmem:s24+$0x5000] =	vst v0;
	s23 =	sadd.s32 $0x10, s23;
	s24 =	smov.u32 s22;
	s22 =	sadd.s32 $0x40, s22  }
.Ltmp0:
0x1a: {  	(pc) =	sbr.rel @p0 .LBB2_2-.Ltmp0, $4  }
0x1b: {  	_ = 	snop  }
0x1c: {  	s24 =	sand.u32 $0xFE00, s24  }
0x1d: {  	s25 =	sand.u32 $0x70, s23;
	s24 =	sshrl.u32 s24, $0x2  }
0x1e: {  	s24 =	sor.u32 s25, s24  }
0x1f: {  	[tilespmem:s24+$0x5000] =	vst v0  }
0x20: {  	[spmem:s7] =	stream.linear.scatter [tilespmem:s16], [sflag:$0x2], $0x4000, $0x38;
	[tilespmem:$0x1D000] =	vst v63  }
0x21: {  	_ =	swait.ge [sflag:s14], $0x4000  }
0x22: {  	[sflag:s14] =	ssyncset.done $0x0  }
0x23: {  	[sflag:s14] =	ssyncadd.s32 $0xFFFFC000  }
0x24: {  	[spmem:s10] =	stream.linear.scatter [tilespmem:s16], [sflag:$0x2], $0x4000, $0x38;
	[tilespmem:$0x1D000] =	vst v63  }
0x25: {  	_ =	swait.ge [sflag:s14], $0x4000  }
0x26: {  	[sflag:s14] =	ssyncset.done $0x0  }
0x27: {  	[sflag:s14] =	ssyncadd.s32 $0xFFFFC000  }
0x28: {  	[spmem:s11] =	stream.linear.scatter [tilespmem:s16], [sflag:$0x2], $0x4000, $0x38;
	[tilespmem:$0x1D000] =	vst v63  }
0x29: {  	_ =	swait.ge [sflag:s14], $0x4000  }
0x2a: {  	[sflag:s14] =	ssyncset.done $0x0  }
0x2b: {  	[sflag:s14] =	ssyncadd.s32 $0xFFFFC000  }
0x2c: {  	[spmem:s12] =	stream.linear.scatter [tilespmem:s16], [sflag:$0x2], $0x4000, $0x38;
	[tilespmem:$0x1D000] =	vst v63  }
0x2d: {  	_ =	swait.ge [sflag:s14], $0x4000  }
0x2e: {  	[sflag:s14] =	ssyncset.done $0x0  }
0x2f: {  	[sflag:s14] =	ssyncadd.s32 $0xFFFFC000  }
0x30: {  	[spmem:s13] =	stream.linear.scatter [tilespmem:s16], [sflag:$0x2], $0x4000, $0x38;
	[tilespmem:$0x1D000] =	vst v63  }
0x31: {  	_ =	swait.ge [sflag:s14], $0x4000  }
0x32: {  	[sflag:s14] =	ssyncset.done $0x0  }
0x33: {  	[sflag:s14] =	ssyncadd.s32 $0xFFFFC000  }
0x34: {  	s22 =	simm.s32 $0x0;
	[bflag:$0x0] =	sbarrier.arrive $0xFFFF  }
0x35: {  	[tilespmem:s16], [sflag:$0x1] =	stream.indirect.gather [hbm4b:s4+s17], $0x80, s22, s17, $0xb8;
	[tilespmem:$0x1D000] =	vst v63  }
0x36: {  	_ =	swait.ge [sflag:s18], $0x4000  }
0x37: {  	[sflag:s18] =	ssyncset.done $0x0  }
0x38: {  	s31 =	simm.s32 $0x2800;
	[sflag:s18] =	ssyncadd.s32 $0xFFFFC000  }
0x39: {  	[spmem:s2] =	stream.indirect.scatter.add.f32 [tilespmem:s16], [sflag:$0x2], $0x80, s31, s17, $0xb8;
	[tilespmem:$0x1D000] =	vst v63  }
0x3a: {  	_ =	swait.ge [sflag:s14], $0x4000  }
0x3b: {  	s23 =	simm.s32 $0x400;
	s22 =	simm.s32 $0x200;
	[sflag:s14] =	ssyncset.done $0x0  }
.LBB2_4:
0x3c: {  	s24 =	sshra.s32 s22, $0x2  }
0x3d: {  	[sflag:s14] =	ssyncadd.s32 $0xFFFFC000;
	s22 =	smov.u32 s23;
	s25 =	sadd.s32 $0x200, s23  }
0x3e: {  	[tilespmem:s16], [sflag:$0x1] =	stream.indirect.gather [hbm4b:s4+s17], $0x80, s24, s17, $0xb8;
	[tilespmem:$0x1D000] =	vst v63  }
0x3f: {  	p0 =	sne.s32 s23, $0x9C00;
	_ =	swait.ge [sflag:s18], $0x4000  }
.Ltmp1:
0x40: {  	[sflag:s18] =	ssyncset.done $0x0;
	(pc) =	sbr.rel @p0 .LBB2_4-.Ltmp1, $4  }
0x41: {  	s23 =	sadd.s32 $0x2800, s24;
	[sflag:s18] =	ssyncadd.s32 $0xFFFFC000  }
0x42: {  	[spmem:s2] =	stream.indirect.scatter.add.f32 [tilespmem:s16], [sflag:$0x2], $0x80, s23, s17, $0xb8;
	[tilespmem:$0x1D000] =	vst v63  }
0x43: {  	_ =	swait.ge [sflag:s14], $0x4000  }
0x44: {  	s23 =	smov.u32 s25;
	[sflag:s14] =	ssyncset.done $0x0  }
0x45: {  	s22 =	sshra.s32 s22, $0x2;
	[sflag:s14] =	ssyncadd.s32 $0xFFFFC000  }
0x46: {  	[tilespmem:s16], [sflag:$0x1] =	stream.indirect.gather [hbm4b:s4+s17], $0x80, s22, s17, $0xb8;
	[tilespmem:$0x1D000] =	vst v63  }
0x47: {  	_ =	swait.ge [sflag:s18], $0x4000  }
0x48: {  	[sflag:s18] =	ssyncset.done $0x0  }
0x49: {  	s22 =	sadd.s32 $0x2800, s22;
	[sflag:s18] =	ssyncadd.s32 $0xFFFFC000  }
0x4a: {  	[spmem:s2] =	stream.indirect.scatter.add.f32 [tilespmem:s16], [sflag:$0x2], $0x80, s22, s17, $0xb8;
	[tilespmem:$0x1D000] =	vst v63  }
0x4b: {  	_ =	swait.ge [sflag:s14], $0x4000  }
0x4c: {  	s21 =	sadd.s32 $0x1, s21;
	[sflag:s14] =	ssyncset.done $0x0  }
0x4d: {  	p0 =	sne.s32 s21, s9;
	[sflag:s14] =	ssyncadd.s32 $0xFFFFC000  }
.Ltmp2:
0x4e: {  	[bflag:$0x0] =	sbarrier.arrive $0xFFFF;
	(pc) =	sbr.rel @p0 .LBB2_1-.Ltmp2, $4  }
0x4f: {  	[hbm:s8], [sflag:s19] =	dma.local [spmem:s20], $0x2800  }
0x50: {  	_ =	swait.ge [sflag:s14], $0x2800  }
0x51: {  	[sflag:s14] =	ssyncset.done $0x0  }
0x52: {  	[sflag:s14] =	ssyncadd.s32 $0xFFFFD800  }
0x53: {  	_ =	sfence.sel $0x180000  }
0x54: {  	[bflag:$0x0] =	sbarrier.arrive $0xFFFF  }
0x55: {  	p0 =	sne.s32 s1, $0x0;
	_ =	strace $0x90000059  }
0x56: {  	s0 =	sadd.s32 @!p0 $0x100000, s0;
	[bflag:$0x2] =	sbarrier.arrive $0xFFFF  }
0x57: {  	[sflag:s0] =	ssyncadd.tile.s32 @!p0 $0x1;
	_ =	shalt  }
.Lfunc_end2:
_tile_overlayer_lowered:
.L_overlay_start_2:
0x58: {  	(tag) =	ssettag $0x2  }
0x59: {  	s0 =	rddreg [dreg:$0x0];
	s2 =	stileid.u32  }
0x5a: {  	s1 =	rddreg [dreg:$0x1];
	p0 =	sne.s32 s2, $0x0  }
0x5b: {  	s3 =	rddreg [dreg:$0x2];
	[bflag:$0x3] =	sbarrier.arrive $0xFFFF;
	s2 =	simm.s32 @!p0 $0x1C02  }
0x5c: {  	[timem:s3], [sflag:s2] =	dma.local @!p0 [hbm:s0], s1  }
0x5d: {  	s0 =	simm.s32 @!p0 $0x2  }
0x5e: {  	_ =	swait.ge @!p0 [sflag:s0], s1  }
0x5f: {  	s1 =	ssub.s32 @!p0 $0x0, s1;
	[sflag:s0] =	ssyncset.done @!p0 $0x0  }
0x60: {  	[sflag:s0] =	ssyncadd.s32 @!p0 s1  }
0x61: {  	[bflag:$0x3] =	sbarrier.arrive $0xFFFF  }
0x62: {  	_ =	shalt  }

// kernel: kernel.40.cloned.1.call-start
scs
__scs_entry_jumppad:
0x0: {  	(pc) =	sbr.rel $0x88, $3  }
0x1: {  	(tag) =	ssettag $0x0;
	lr =	simm.s32 $0x1  }
0x2: {  	[smem:$0x3F96] =	sst lr;
	_ =	strace $0xD0000000  }
0x3: {  	_ = 	snop  }
0x4: {  	_ = 	snop  }
0x5: {  	_ = 	snop  }
0x6: {  	_ = 	snop  }
0x7: {  	_ = 	snop  }
__scs_overlays_trampoline_lowered:
0x8: {  	[smem:$0x3FA5] =	sst s0  }
0x9: {  	[smem:$0x3FA6] =	sst s1  }
0xa: {  	[smem:$0x3FA7] =	sst s2  }
0xb: {  	[smem:$0x3FA8] =	sst s3  }
0xc: {  	[smem:$0x3FA9] =	sst s4  }
0xd: {  	[smem:$0x3FAA] =	sst s5  }
0xe: {  	[smem:$0x3FAB] =	sst s6  }
0xf: {  	[smem:$0x3FAC] =	sst s7  }
0x10: {  	[smem:$0x3FAD] =	sst s8  }
0x11: {  	[smem:$0x3FAE] =	sst s9;
	s0 =	simm.s32 @!p0 $0x0  }
0x12: {  	s1 =	sld [smem:$0x3F94];
	s0 =	simm.s32 @p0 $0x1  }
0x13: {  	[smem:$0x3FAF] =	sst s0;
	s0 =	simm.s32 @!p1 $0x0  }
0x14: {  	s2 =	sld [smem:$0x3F93];
	s0 =	simm.s32 @p1 $0x1  }
0x15: {  	[smem:$0x3FB0] =	sst s0;
	s0 =	simm.s32 @!p2 $0x0  }
0x16: {  	s3 =	sld [smem:$0x3FDB];
	s0 =	simm.s32 @p2 $0x1  }
0x17: {  	s4 =	simm.s32 $0x1BF5;
	[smem:$0x3FB2] =	sst s0  }
0x18: {  	s0 =	sld [smem:$0x3F95];
	_ =	swait.ge [sflag:s4], $0x0  }
0x19: {  	s7 =	sld [smem:$0x3F96]  }
0x1a: {  	s8 =	sadd.s32 $0xFFFFE003, lr  }
0x1b: {  	s9 =	sadd.s32 $0xFFFFFEF7, lr;
	s5 =	simm.s32 $0xFFFFFFFF;
	p2 =	slt.u32 s8, $0xFFFFF086  }
0x1c: {  	p1 =	slt.u32 s9, $0xF7A;
	s5 =	simm.s32 @!p2 $0x0  }
0x1d: {  	s5 =	simm.s32 @p1 $0x1;
	p0 =	seq.s32 s7, s2  }
0x1e: {  	s7 =	smul.u32 @!p0 $0xF7A, s2;
	p2 =	seq.s32 @!p0 s5, $0x0  }
0x1f: {  	s9 =	smul.u32 $0xF7A, s1;
	s8 =	simm.s32 @!p0 $0x1BF5;
	p2 =	por !p2, p0  }
0x20: {  	[sflag:s8] =	ssyncset.s32 @!p0 $0xFFFFF086;
	s6 =	sadd.s32 @!p0 s3, s7;
	s7 =	simm.s32 @!p0 $0x108  }
0x21: {  	s3 =	sadd.s32 s3, s9;
	s6 =	sadd.s32 @!p0 $0x88, s6;
	s7 =	simm.s32 @p2 $0x1082  }
0x22: {  	[simem:s7], [sflag:s8] =	dma.local @!p0 [hbm:s6], $0xF7A  }
0x23: {  	s9 =	sor.u32 $0xD0000000, s2;
	s6 =	simm.s32 $0x108;
	_ =	swait.ge @!p0 [sflag:s8], $0x0  }
0x24: {  	s3 =	sadd.s32 $0x88, s3;
	s6 =	simm.s32 @!p1 $0x1082;
	[sflag:s4] =	ssyncset.s32 $0xFFFFF086  }
0x25: {  	[simem:s6], [sflag:s4] =	dma.local [hbm:s3], $0xF7A  }
0x26: {  	[smem:$0x3F96] =	sst s1;
	(tag) =	ssettag s2;
	_ =	strace s9  }
0x27: {  	s1 =	sld [smem:$0x3FA6]  }
0x28: {  	s2 =	sld [smem:$0x3FA7]  }
0x29: {  	s4 =	sld [smem:$0x3FA9]  }
0x2a: {  	p0 =	seq.s32 s5, $0x0;
	s5 =	sld [smem:$0x3FAA]  }
0x2b: {  	s6 =	sld [smem:$0x3FAB]  }
0x2c: {  	s7 =	sld [smem:$0x3FAC]  }
0x2d: {  	s3 =	simm.s32 $0x108;
	s8 =	sld [smem:$0x3FAD]  }
0x2e: {  	s3 =	simm.s32 @!p0 $0x1082;
	s9 =	sld [smem:$0x3FAE]  }
0x2f: {  	lr =	sadd.s32 s0, s3;
	s0 =	sld [smem:$0x3FA5]  }
0x30: {  	s3 =	sld [smem:$0x3FA8]  }
0x31: {  	[smem:$0x3FB1] =	sst s10  }
0x32: {  	s10 =	sld [smem:$0x3FAF];
	_ =	sdelay $0x3  }
0x33: {  	p0 =	seq.s32 s10, $0x1;
	s10 =	sld [smem:$0x3FB1];
	_ =	sdelay $0x3  }
0x34: {  	[smem:$0x3FB1] =	sst s10  }
0x35: {  	s10 =	sld [smem:$0x3FB0];
	_ =	sdelay $0x3  }
0x36: {  	p1 =	seq.s32 s10, $0x1;
	s10 =	sld [smem:$0x3FB1];
	_ =	sdelay $0x3  }
0x37: {  	[smem:$0x3FB1] =	sst s10  }
0x38: {  	s10 =	sld [smem:$0x3FB2]  }
0x39: {  	_ = 	snop;
	(pc) =	sbr.ind lr, $3  }
0x3a: {  	_ = 	snop  }
0x3b: {  	_ = 	snop  }
0x3c: {  	p2 =	seq.s32 s10, $0x1;
	s10 =	sld [smem:$0x3FB1]  }
0x3d: {  	_ =	shalt  }
0x3e: {  	_ =	shalt  }
0x3f: {  	_ =	shalt  }
0x40: {  	_ =	shalt  }
0x41: {  	_ =	shalt  }
0x42: {  	_ =	shalt  }
0x43: {  	_ =	shalt  }
0x44: {  	_ =	shalt  }
0x45: {  	_ =	shalt  }
0x46: {  	_ =	shalt  }
0x47: {  	_ =	shalt  }
0x48: {  	_ =	shalt  }
0x49: {  	_ =	shalt  }
0x4a: {  	_ =	shalt  }
0x4b: {  	_ =	shalt  }
0x4c: {  	_ =	shalt  }
0x4d: {  	_ =	shalt  }
0x4e: {  	_ =	shalt  }
0x4f: {  	_ =	shalt  }
0x50: {  	_ =	shalt  }
0x51: {  	_ =	shalt  }
0x52: {  	_ =	shalt  }
0x53: {  	_ =	shalt  }
0x54: {  	_ =	shalt  }
0x55: {  	_ =	shalt  }
0x56: {  	_ =	shalt  }
0x57: {  	_ =	shalt  }
0x58: {  	_ =	shalt  }
0x59: {  	_ =	shalt  }
0x5a: {  	_ =	shalt  }
0x5b: {  	_ =	shalt  }
0x5c: {  	_ =	shalt  }
0x5d: {  	_ =	shalt  }
0x5e: {  	_ =	shalt  }
0x5f: {  	_ =	shalt  }
0x60: {  	_ =	shalt  }
0x61: {  	_ =	shalt  }
0x62: {  	_ =	shalt  }
0x63: {  	_ =	shalt  }
0x64: {  	_ =	shalt  }
0x65: {  	_ =	shalt  }
0x66: {  	_ =	shalt  }
0x67: {  	_ =	shalt  }
0x68: {  	_ =	shalt  }
0x69: {  	_ =	shalt  }
0x6a: {  	_ =	shalt  }
0x6b: {  	_ =	shalt  }
0x6c: {  	_ =	shalt  }
0x6d: {  	_ =	shalt  }
0x6e: {  	_ =	shalt  }
0x6f: {  	_ =	shalt  }
0x70: {  	_ =	shalt  }
0x71: {  	_ =	shalt  }
0x72: {  	_ =	shalt  }
0x73: {  	_ =	shalt  }
0x74: {  	_ =	shalt  }
0x75: {  	_ =	shalt  }
0x76: {  	_ =	shalt  }
0x77: {  	_ =	shalt  }
0x78: {  	_ =	shalt  }
0x79: {  	_ =	shalt  }
0x7a: {  	_ =	shalt  }
0x7b: {  	_ =	shalt  }
0x7c: {  	_ =	shalt  }
0x7d: {  	_ =	shalt  }
0x7e: {  	_ =	shalt  }
0x7f: {  	_ =	shalt  }
0x80: {  	_ =	shalt  }
0x81: {  	_ =	shalt  }
0x82: {  	_ =	shalt  }
0x83: {  	_ =	shalt  }
0x84: {  	_ =	shalt  }
0x85: {  	_ =	shalt  }
0x86: {  	_ =	shalt  }
0x87: {  	_ =	shalt  }
.Lfunc_end0:
.L_simem_size_0:
called_computation.7_lowered:
.L_overlay_start_0:
0x88: {  	s2 =	sld [smem:$0x3FD9]  }
0x89: {  	s3 =	sld [smem:$0x3FFE];
	_ =	sdelay $0x1  }
0x8a: {  	s1 =	srdreg.scid  }
0x8b: {  	s0 =	sand.u32 $0x1, s1  }
0x8c: {  	s16 =	sshll.u32 s0, $0xA;
	s2 =	sadd.s32 s3, s2  }
0x8d: {  	s2 =	sadd.s32 s2, s16  }
0x8e: {  	[smem:$0x3FBD] =	sst s2  }
0x8f: {  	_ = 	snop  }
0x90: {  	(tm) =	ssettm $0x1  }
0x91: {  	s17 =	sld [smem:$0x3FFB];
	_ =	sdelay $0x3  }
0x92: {  	_ =	strace s17  }
0x93: {  	s2 =	sld [smem:$0x3FFC];
	_ =	sdelay $0x3  }
0x94: {  	_ =	strace s2  }
0x95: {  	s2 =	sld [smem:$0x3FFD];
	_ =	sdelay $0x3  }
0x96: {  	_ =	strace s2  }
0x97: {  	_ =	strace $0x8FFFFFFF  }
0x98: {  	s18 =	sld [smem:$0x3FDB];
	_ =	sdelay $0x1  }
0x99: {  	s19 =	simm.s32 $_scs_section_size  }
0x9a: {  	s4 =	simm.s32 $_size__tile_overlayer_lowered;
	s5 =	simm.s32 $_tile_overlayer_lowered  }
0x9b: {  	s22 =	simm.s32 $0x1BFF;
	s21 =	sshll.u32 s5, $0x1;
	s2 =	sadd.s32 s19, s18  }
0x9c: {  	s6 =	simm.s32 $0x0;
	s20 =	sshll.u32 s4, $0x1;
	s4 =	sadd.s32 s21, s2  }
0x9d: {  	[timem:s6], [sflag:s22] =	dma.local [hbm:s4], s20  }
0x9e: {  	_ =	swait.ge [sflag:s22], s20  }
0x9f: {  	s3 =	ssub.s32 $0x0, s20;
	[sflag:s22] =	ssyncset.done $0x0  }
0xa0: {  	[sflag:s22] =	ssyncadd.s32 s3;
	_ =	sdelay $0x1  }
0xa1: {  	s23 =	simm.s32 $0x1B8B  }
0xa2: {  	_ =	swait.ge [sflag:s23], $0x1  }
0xa3: {  	[sflag:s23] =	ssyncset.done $0x0  }
0xa4: {  	s25 =	simm.s32 $0x1B8E;
	s24 =	sld [smem:$0x3FFE];
	[sflag:s23] =	ssyncadd.s32 $0xFFFFFFFF  }
0xa5: {  	s26 =	simm.s32 $execute0_lowered;
	[smem:$0x3FD2] =	sst s25  }
0xa6: {  	s4 =	sshll.u32 s26, $0x1;
	_ =	strace $0x8000005B;
	[dreg:$0x1] =	wrdreg $0xFFFFFFFF  }
0xa7: {  	s28 =	simm.s32 $_size_execute0_lowered;
	s2 =	sadd.s32 s2, s4;
	[dreg:$0x0] =	wrdreg $0x0  }
0xa8: {  	s4 =	sshll.u32 s28, $0x1;
	[dreg:$0x2] =	wrdreg s2  }
0xa9: {  	[dreg:$0x3] =	wrdreg s4  }
0xaa: {  	[dreg:$0x4] =	wrdreg $0xC0  }
0xab: {  	_ =	task [dreg:s6], $0x5FFFF  }
0xac: {  	[dreg:$0x1] =	wrdreg $0xFFFFFFFF  }
0xad: {  	[dreg:$0x0] =	wrdreg $0x60  }
0xae: {  	[dreg:$0x2] =	wrdreg s24  }
0xaf: {  	[dreg:$0x3] =	wrdreg $0x90000  }
0xb0: {  	[dreg:$0x4] =	wrdreg $0x9  }
0xb1: {  	_ =	task.clear_ibuf [dreg:s6], $0x5FFFF;
	_ =	strace $0x9000005B  }
0xb2: {  	s29 =	simm.s32 $0x9;
	_ =	strace $0x8000005D  }
0xb3: {  	_ =	swait.ge [sflag:s29], $0x1  }
0xb4: {  	[sflag:s29] =	ssyncadd.s32 $0xFFFFFFFF  }
0xb5: {  	_ =	strace $0x9000005D  }
0xb6: {  	_ =	sfence  }
0xb7: {  	s30 =	sld [smem:$0x0];
	_ =	sdelay $0x2  }
0xb8: {  	s31 =	sshll.u32 s1, $0xD;
	s1 =	sshrl.u32 s1, $0x2  }
0xb9: {  	s3 =	sand.u32 $0x4000, s31;
	s1 =	sadd.s32 s1, s30  }
0xba: {  	s0 =	sor.u32 s3, s0;
	s1 =	sshll.u32 s1, $0x11  }
0xbb: {  	s0 =	sor.u32 s1, s0  }
0xbc: {  	s0 =	sadd.s32 $0x8F2B, s0  }
0xbd: {  	[sflag:s0] =	ssyncadd.remote.s32 $0x1  }
0xbe: {  	_ =	sfence.sel $0xFFFF  }
0xbf: {  	[dreg:$0x0] =	wrdreg $0xFFFFFFFF;
	(pc) =	sbr.abs _section_cstart, $3  }
0xc0: {  	[dreg:$0x1] =	wrdreg $0xFFFFFFFF  }
0xc1: {  	_ =	task.clear_ibuf [dreg:s6], $0x2FFFF;
	_ =	strace $0x9FFFFFFF  }
0xc2: {  	(tm) =	ssettm $0x7FFFFFFF  }
0xc3: {  	_ =	shalt  }
tec
execute0_lowered:
.L_overlay_start_1:
0x0: {  	(tag) =	ssettag $0x1  }
0x1: {  	s5 =	rddreg [dreg:$0x0]  }
0x2: {  	s2 =	rddreg [dreg:$0x1];
	s3 =	srdreg.scid  }
0x3: {  	s0 =	rddreg [dreg:$0x2];
	s1 =	stileid.u32;
	s14 =	simm.s32 $0x2  }
0x4: {  	s15 =	simm.s32 $0x2800;
	s16 =	simm.s32 $0x5000;
	s17 =	simm.s32 $0x80  }
0x5: {  	s18 =	simm.s32 $0x1;
	s21 =	simm.s32 $0x0;
	s9 =	smul.u32 $0x14000, s1  }
0x6: {  	s6 =	sand.u32 $0x1, s3;
	s3 =	simm.s32 $0x0;
	s30 =	smul.u32 $0x50000, s1  }
0x7: {  	s4 =	sshll.u32 s1, $0x1;
	s19 =	sshll.u32 s1, $0x6;
	s7 =	smul.u32 $0x140000, s6  }
0x8: {  	[smem:$0x7FF] =	sst s3;
	s8 =	sor.u32 s6, s4;
	s4 =	sadd.s32 $0x18800, s5  }
0x9: {  	s6 =	ssub.s32 $0x2, s6;
	s19 =	sor.u32 $0x1C02, s19;
	_ =	strace $0x8000005C  }
0xa: {  	s8 =	smul.u32 $0x500, s8;
	s10 =	sshrl.u32 s6, $0x1;
	s7 =	sadd.s32 s9, s7  }
0xb: {  	s31 =	sshrl.u32 s30, $0x2;
	s10 =	ssub.s32 s6, s10;
	s7 =	sshrl.u32 s7, $0x3  }
0xc: {  	s8 =	sadd.s32 s8, s5;
	s9 =	smax.u32 s10, $0x1;
	s11 =	sadd.s32 s7, s5  }
0xd: {  	s5 =	sadd.s32 $0x4800, s8;
	s6 =	sadd.s32 $0xE800, s8;
	s7 =	sadd.s32 s31, s2  }
0xe: {  	s8 =	sadd.s32 $0xB4C00, s11;
	s10 =	sadd.s32 $0x4000, s7;
	s11 =	sadd.s32 $0x8000, s7  }
0xf: {  	v0 =	vimm.f32 $0.0e+00;
	s12 =	sadd.s32 $0xC000, s7;
	s13 =	sadd.s32 $0x10000, s7;
	s20 =	sshrl.u32 s7, $0x3  }
.LBB2_1:
0x10: {  	[tilespmem:s3], [sflag:$0x2] =	stream.linear.gather [hbm4b:s5+s3], $0x2780, $0x38;
	[tilespmem:$0x1D000] =	vst v63  }
0x11: {  	_ =	swait.ge [sflag:s14], $0x2780  }
0x12: {  	[sflag:s14] =	ssyncset.done $0x0  }
0x13: {  	[sflag:s14] =	ssyncadd.s32 $0xFFFFD880  }
0x14: {  	[tilespmem:s15], [sflag:$0x2] =	stream.linear.gather [hbm4b:s6+s3], $0x2780, $0x38;
	[tilespmem:$0x1D000] =	vst v63  }
0x15: {  	s22 =	sand.u32 $0xFE00, s3;
	s23 =	sand.u32 $0x70, s3;
	_ =	swait.ge [sflag:s14], $0x2780  }
0x16: {  	s24 =	sshrl.u32 s22, $0x2;
	s22 =	simm.s32 $0x40;
	[sflag:s14] =	ssyncset.done $0x0  }
0x17: {  	s24 =	sor.u32 s23, s24;
	s23 =	simm.s32 $0x0;
	[sflag:s14] =	ssyncadd.s32 $0xFFFFD880  }
.LBB2_2:
0x18: {  	p0 =	sne.s32 s22, $0xFFC0  }
0x19: {  	[tilespmem:s24+$0x5000] =	vst v0;
	s23 =	sadd.s32 $0x10, s23;
	s24 =	smov.u32 s22;
	s22 =	sadd.s32 $0x40, s22  }
.Ltmp0:
0x1a: {  	(pc) =	sbr.rel @p0 .LBB2_2-.Ltmp0, $4  }
0x1b: {  	_ = 	snop  }
0x1c: {  	s24 =	sand.u32 $0xFE00, s24  }
0x1d: {  	s25 =	sand.u32 $0x70, s23;
	s24 =	sshrl.u32 s24, $0x2  }
0x1e: {  	s24 =	sor.u32 s25, s24  }
0x1f: {  	[tilespmem:s24+$0x5000] =	vst v0  }
0x20: {  	[spmem:s7] =	stream.linear.scatter [tilespmem:s16], [sflag:$0x2], $0x4000, $0x38;
	[tilespmem:$0x1D000] =	vst v63  }
0x21: {  	_ =	swait.ge [sflag:s14], $0x4000  }
0x22: {  	[sflag:s14] =	ssyncset.done $0x0  }
0x23: {  	[sflag:s14] =	ssyncadd.s32 $0xFFFFC000  }
0x24: {  	[spmem:s10] =	stream.linear.scatter [tilespmem:s16], [sflag:$0x2], $0x4000, $0x38;
	[tilespmem:$0x1D000] =	vst v63  }
0x25: {  	_ =	swait.ge [sflag:s14], $0x4000  }
0x26: {  	[sflag:s14] =	ssyncset.done $0x0  }
0x27: {  	[sflag:s14] =	ssyncadd.s32 $0xFFFFC000  }
0x28: {  	[spmem:s11] =	stream.linear.scatter [tilespmem:s16], [sflag:$0x2], $0x4000, $0x38;
	[tilespmem:$0x1D000] =	vst v63  }
0x29: {  	_ =	swait.ge [sflag:s14], $0x4000  }
0x2a: {  	[sflag:s14] =	ssyncset.done $0x0  }
0x2b: {  	[sflag:s14] =	ssyncadd.s32 $0xFFFFC000  }
0x2c: {  	[spmem:s12] =	stream.linear.scatter [tilespmem:s16], [sflag:$0x2], $0x4000, $0x38;
	[tilespmem:$0x1D000] =	vst v63  }
0x2d: {  	_ =	swait.ge [sflag:s14], $0x4000  }
0x2e: {  	[sflag:s14] =	ssyncset.done $0x0  }
0x2f: {  	[sflag:s14] =	ssyncadd.s32 $0xFFFFC000  }
0x30: {  	[spmem:s13] =	stream.linear.scatter [tilespmem:s16], [sflag:$0x2], $0x4000, $0x38;
	[tilespmem:$0x1D000] =	vst v63  }
0x31: {  	_ =	swait.ge [sflag:s14], $0x4000  }
0x32: {  	[sflag:s14] =	ssyncset.done $0x0  }
0x33: {  	[sflag:s14] =	ssyncadd.s32 $0xFFFFC000  }
0x34: {  	s22 =	simm.s32 $0x0;
	[bflag:$0x0] =	sbarrier.arrive $0xFFFF  }
0x35: {  	[tilespmem:s16], [sflag:$0x1] =	stream.indirect.gather [hbm4b:s4+s17], $0x80, s22, s17, $0xb8;
	[tilespmem:$0x1D000] =	vst v63  }
0x36: {  	_ =	swait.ge [sflag:s18], $0x4000  }
0x37: {  	[sflag:s18] =	ssyncset.done $0x0  }
0x38: {  	s31 =	simm.s32 $0x2800;
	[sflag:s18] =	ssyncadd.s32 $0xFFFFC000  }
0x39: {  	[spmem:s2] =	stream.indirect.scatter.add.f32 [tilespmem:s16], [sflag:$0x2], $0x80, s31, s17, $0xb8;
	[tilespmem:$0x1D000] =	vst v63  }
0x3a: {  	_ =	swait.ge [sflag:s14], $0x4000  }
0x3b: {  	s23 =	simm.s32 $0x400;
	s22 =	simm.s32 $0x200;
	[sflag:s14] =	ssyncset.done $0x0  }
.LBB2_4:
0x3c: {  	s24 =	sshra.s32 s22, $0x2  }
0x3d: {  	[sflag:s14] =	ssyncadd.s32 $0xFFFFC000;
	s22 =	smov.u32 s23;
	s25 =	sadd.s32 $0x200, s23  }
0x3e: {  	[tilespmem:s16], [sflag:$0x1] =	stream.indirect.gather [hbm4b:s4+s17], $0x80, s24, s17, $0xb8;
	[tilespmem:$0x1D000] =	vst v63  }
0x3f: {  	p0 =	sne.s32 s23, $0x9C00;
	_ =	swait.ge [sflag:s18], $0x4000  }
.Ltmp1:
0x40: {  	[sflag:s18] =	ssyncset.done $0x0;
	(pc) =	sbr.rel @p0 .LBB2_4-.Ltmp1, $4  }
0x41: {  	s23 =	sadd.s32 $0x2800, s24;
	[sflag:s18] =	ssyncadd.s32 $0xFFFFC000  }
0x42: {  	[spmem:s2] =	stream.indirect.scatter.add.f32 [tilespmem:s16], [sflag:$0x2], $0x80, s23, s17, $0xb8;
	[tilespmem:$0x1D000] =	vst v63  }
0x43: {  	_ =	swait.ge [sflag:s14], $0x4000  }
0x44: {  	s23 =	smov.u32 s25;
	[sflag:s14] =	ssyncset.done $0x0  }
0x45: {  	s22 =	sshra.s32 s22, $0x2;
	[sflag:s14] =	ssyncadd.s32 $0xFFFFC000  }
0x46: {  	[tilespmem:s16], [sflag:$0x1] =	stream.indirect.gather [hbm4b:s4+s17], $0x80, s22, s17, $0xb8;
	[tilespmem:$0x1D000] =	vst v63  }
0x47: {  	_ =	swait.ge [sflag:s18], $0x4000  }
0x48: {  	[sflag:s18] =	ssyncset.done $0x0  }
0x49: {  	s22 =	sadd.s32 $0x2800, s22;
	[sflag:s18] =	ssyncadd.s32 $0xFFFFC000  }
0x4a: {  	[spmem:s2] =	stream.indirect.scatter.add.f32 [tilespmem:s16], [sflag:$0x2], $0x80, s22, s17, $0xb8;
	[tilespmem:$0x1D000] =	vst v63  }
0x4b: {  	_ =	swait.ge [sflag:s14], $0x4000  }
0x4c: {  	s21 =	sadd.s32 $0x1, s21;
	[sflag:s14] =	ssyncset.done $0x0  }
0x4d: {  	p0 =	sne.s32 s21, s9;
	[sflag:s14] =	ssyncadd.s32 $0xFFFFC000  }
.Ltmp2:
0x4e: {  	[bflag:$0x0] =	sbarrier.arrive $0xFFFF;
	(pc) =	sbr.rel @p0 .LBB2_1-.Ltmp2, $4  }
0x4f: {  	[hbm:s8], [sflag:s19] =	dma.local [spmem:s20], $0x2800  }
0x50: {  	_ =	swait.ge [sflag:s14], $0x2800  }
0x51: {  	[sflag:s14] =	ssyncset.done $0x0  }
0x52: {  	[sflag:s14] =	ssyncadd.s32 $0xFFFFD800  }
0x53: {  	_ =	sfence.sel $0x180000  }
0x54: {  	[bflag:$0x0] =	sbarrier.arrive $0xFFFF  }
0x55: {  	p0 =	sne.s32 s1, $0x0;
	_ =	strace $0x9000005C  }
0x56: {  	s0 =	sadd.s32 @!p0 $0x100000, s0;
	[bflag:$0x2] =	sbarrier.arrive $0xFFFF  }
0x57: {  	[sflag:s0] =	ssyncadd.tile.s32 @!p0 $0x1;
	_ =	shalt  }
.Lfunc_end2:
_tile_overlayer_lowered:
.L_overlay_start_2:
0x58: {  	(tag) =	ssettag $0x2  }
0x59: {  	s0 =	rddreg [dreg:$0x0];
	s2 =	stileid.u32  }
0x5a: {  	s1 =	rddreg [dreg:$0x1];
	p0 =	sne.s32 s2, $0x0  }
0x5b: {  	s3 =	rddreg [dreg:$0x2];
	[bflag:$0x3] =	sbarrier.arrive $0xFFFF;
	s2 =	simm.s32 @!p0 $0x1C02  }
0x5c: {  	[timem:s3], [sflag:s2] =	dma.local @!p0 [hbm:s0], s1  }
0x5d: {  	s0 =	simm.s32 @!p0 $0x2  }
0x5e: {  	_ =	swait.ge @!p0 [sflag:s0], s1  }
0x5f: {  	s1 =	ssub.s32 @!p0 $0x0, s1;
	[sflag:s0] =	ssyncset.done @!p0 $0x0  }
0x60: {  	[sflag:s0] =	ssyncadd.s32 @!p0 s1  }
0x61: {  	[bflag:$0x3] =	sbarrier.arrive $0xFFFF  }
0x62: {  	_ =	shalt  }

</sc_bundles>
